<compile_context>
chip_gen: v7x
topology: tpu7x:2x2x1
jax: 0.10.2.dev20260603
libtpu: 0.0.44.dev20260713+nightly
codegen_flags: <defaults>
</compile_context>

<pallas_src>
import functools

import jax
import jax.numpy as jnp
from jax import lax
from jax.experimental import pallas as pl
from jax.experimental.pallas import tpu as pltpu
from jax.experimental.pallas import tpu_sc as plsc

_NC = 2
_NS = 16
_NW = _NC * _NS
_L = 16

_NSUB = 4
_SUB = 8 * _L
_GROUP = _NSUB * _SUB


def _merge_top16(top, top_idx, cand, cand_idx):
  cd, cdi = plsc.sort_key_val(cand, cand_idx, descending=True)
  ge = top >= cd
  h = jnp.where(ge, top, cd)
  hi = jnp.where(ge, top_idx, cdi)
  nk, nv = plsc.sort_key_val(h, hi, descending=False)
  return nk, nv


def _build(B, K, V, T, vshift):
  rows_per_tile = B // _NW
  n_groups = V // _GROUP
  n_spans = n_groups // _L
  OT = T + 1

  mesh = plsc.VectorSubcoreMesh(core_axis_name="c", subcore_axis_name="s")

  @functools.partial(
      pl.kernel,
      mesh=mesh,
      compiler_params=pltpu.CompilerParams(needs_layout_passes=False),
      out_type=[
          jax.ShapeDtypeStruct((B, K), jnp.float32),
          jax.ShapeDtypeStruct((B, K * OT), jnp.int32),
          jax.ShapeDtypeStruct((B, K), jnp.float32),
      ],
      scratch_types=[
          pltpu.VMEM((2 * V,), jnp.float32),
          pltpu.VMEM((V // _GROUP,), jnp.float32),
          pltpu.VMEM((K,), jnp.float32),
          pltpu.VMEM((K * T,), jnp.int32),
          pltpu.VMEM((K,), jnp.float32),
          pltpu.VMEM((K,), jnp.float32),
          pltpu.VMEM((K * OT,), jnp.int32),
          pltpu.SemaphoreType.DMA((2,)),
      ],
  )
  def topk_kernel(lp_hbm, bsum_hbm, seq_hbm, ys_hbm, seqo_hbm, nbls_hbm,
                  buf, gmax_v, bsum_v, seq_v, ys_v, nbls_v, seqo_v, dsem):
    wid = lax.axis_index("s") * _NC + lax.axis_index("c")
    iota = lax.iota(jnp.int32, _L)
    zeros = jnp.zeros((_L,), jnp.int32)
    neg_inf = jnp.full((_L,), -jnp.inf, jnp.float32)

    for b_local in range(rows_per_tile):
      b = wid * rows_per_tile + b_local
      pltpu.sync_copy(bsum_hbm.at[b], bsum_v)
      pltpu.sync_copy(seq_hbm.at[b], seq_v)
      pltpu.async_copy(lp_hbm.at[b, 0], buf.at[pl.ds(0, V)], dsem.at[0])

      def row_body(k, carry):
        top, top_idx = carry
        par = lax.rem(k, 2)
        base = par * V
        pltpu.make_async_copy(
            lp_hbm.at[b, k], buf.at[pl.ds(base, V)], dsem.at[par]).wait()

        @pl.when(k + 1 < K)
        def _():
          npar = lax.rem(k + 1, 2)
          pltpu.async_copy(
              lp_hbm.at[b, k + 1], buf.at[pl.ds(npar * V, V)], dsem.at[npar])
        bsplat = plsc.load_gather(bsum_v, [jnp.full((_L,), k, jnp.int32)])
        row_base = k * V

        def new_thr(top_new):
          tv = jnp.full((_L,), top_new[0]) - bsplat
          return tv - (jnp.abs(tv) * 1e-6 + 1e-6)

        def sub_maxes(goff):
          ms = []
          for s in range(_NSUB):
            vs = [buf[pl.ds(base + goff + s * _SUB + j * _L, _L)]
                  for j in range(8)]
            m0 = jnp.maximum(jnp.maximum(vs[0], vs[1]),
                             jnp.maximum(vs[2], vs[3]))
            m1 = jnp.maximum(jnp.maximum(vs[4], vs[5]),
                             jnp.maximum(vs[6], vs[7]))
            ms.append(jnp.maximum(m0, m1))
          return ms

        for i in range(n_spans):

          @plsc.parallel_loop(i * _L, (i + 1) * _L, 1, unroll=2,
                              carry=neg_inf)
          def acc_out(g, acc):
            ms = sub_maxes(g * _GROUP)
            mall = jnp.maximum(jnp.maximum(ms[0], ms[1]),
                               jnp.maximum(ms[2], ms[3]))
            h = jnp.full((_L,), jnp.max(mall))
            return jnp.where(iota == lax.rem(g, _L), h, acc)

          gmax_v[pl.ds(i * _L, _L)] = acc_out

        def rescan(g, c):
          tp, ti, thr = c
          goff = g * _GROUP

          def cw_cond(st):
            return jnp.any(st[2] > 0)

          for h in range(_GROUP // _L // _L):
            hoff = goff + h * _L * _L
            acc = zeros
            for j in range(_L):
              v = buf[pl.ds(base + hoff + j * _L, _L)]
              acc = jnp.where(iota == j,
                              plsc.all_reduce_population_count(v > thr), acc)

            def cw_body(st, hoff=hoff):
              tp2, ti2, a = st
              lane = plsc.all_reduce_ffs(a > 0)
              off = hoff + lane[0] * _L
              a2 = jnp.where(iota == lane, 0, a)
              v = buf[pl.ds(base + off, _L)]
              tp3, ti3 = _merge_top16(tp2, ti2, v + bsplat,
                                      (row_base + off) + iota)
              return (tp3, ti3, a2)

            tp, ti, _ = lax.while_loop(cw_cond, cw_body, (tp, ti, acc))
          return tp, ti, new_thr(tp)

        def span_body(i, c):
          gv0 = gmax_v[pl.ds(i * _L, _L)]

          def w_cond(st):
            return jnp.any(st[3] > st[2])

          def w_body(st):
            tp, ti, thr, gv = st
            lane = plsc.all_reduce_ffs(gv > thr)
            g = i * _L + lane[0]
            gv2 = jnp.where(iota == lane, neg_inf, gv)
            tp2, ti2, thr2 = rescan(g, (tp, ti, thr))
            return (tp2, ti2, thr2, gv2)

          st = lax.while_loop(w_cond, w_body, c + (gv0,))
          return st[:3]

        c = lax.fori_loop(
            0, n_spans, span_body, (top, top_idx, new_thr(top)))
        top, top_idx, _ = c
        return top, top_idx

      init = (neg_inf, jnp.zeros((_L,), jnp.int32))
      top, top_idx = lax.fori_loop(0, K, row_body, init)

      ys = lax.rev(top, (0,))
      idx = lax.rev(top_idx, (0,))
      beam_ix = lax.shift_right_logical(idx, vshift)
      sel = jnp.bitwise_and(idx, V - 1)
      bsel = plsc.load_gather(bsum_v, [beam_ix])
      ys_v[...] = ys
      nbls_v[...] = ys + bsel
      for t in range(T):
        tok = plsc.load_gather(seq_v, [beam_ix * T + t])
        plsc.store_scatter(seqo_v, [iota * OT + t], tok)
      plsc.store_scatter(seqo_v, [iota * OT + T], sel)
      pltpu.sync_copy(ys_v, ys_hbm.at[b])
      pltpu.sync_copy(nbls_v, nbls_hbm.at[b])
      pltpu.sync_copy(seqo_v, seqo_hbm.at[b])

  return topk_kernel


@jax.jit
def _run(logprobs, beam_logprobs_sum, beam_seq):
  B, K, V = logprobs.shape
  T = beam_seq.shape[-1]
  vshift = V.bit_length() - 1
  assert (1 << vshift) == V and B % _NW == 0
  fn = _build(B, K, V, T, vshift)
  ys, seq_flat, nbls = fn(
      logprobs, beam_logprobs_sum, beam_seq.reshape(B, K * T))
  return ys, seq_flat.reshape(B, K, T + 1), nbls


def kernel(logprobs, beam_logprobs_sum, beam_seq, beam_size):
  return _run(logprobs, beam_logprobs_sum, beam_seq)

# --- scband reference (transcript-rebuilt; emitter-appended) ---
"""Pipeline reference for scband-tree-model-68805376082474 (READ-ONLY COPY).

The authoritative reference and input builder live on the scoring server;
editing this copy changes nothing except your own understanding.
"""

import jax, jax.numpy as jnp
import numpy as np


def setup_inputs(seed: int = 0) -> dict:
    key = jax.random.key(seed)
    k1, k2, k3 = jax.random.split(key, 3)
    B, K, V, T = 64, 16, 32768, 8
    logprobs = jax.nn.log_softmax(jax.random.normal(k1, (B, K, V), dtype=jnp.float32), axis=-1)
    beam_logprobs_sum = jax.random.normal(k2, (B, K), dtype=jnp.float32)
    beam_seq = jax.random.randint(k3, (B, K, T), 0, V, dtype=jnp.int32)
    return {"logprobs": logprobs, "beam_logprobs_sum": beam_logprobs_sum, "beam_seq": beam_seq, "beam_size": 16}


def reference(logprobs, beam_logprobs_sum, beam_seq, beam_size):
    # Core of TreeModel.beam_step (t > 0 branch): augment per-beam logprobs with
    # accumulated beam scores, full descending sort over the flattened
    # (beam * vocab) candidate space, select top beam_size, then decompose the
    # flat indices into (parent beam index, selected token index) and gather
    # the beam histories accordingly.
    B, K, V = logprobs.shape
    bs = K
    candidate_logprobs = beam_logprobs_sum[:, :, None] + logprobs
    flat = candidate_logprobs.reshape(B, K * V)
    # torch.sort(..., descending=True) followed by [:, :beam_size]
    order = jnp.argsort(-flat, axis=-1)
    ix = order[:, :bs] + (beam_size - bs)
    ys = jnp.take_along_axis(flat, ix, axis=-1)
    beam_ix = ix // V
    selected_ix = ix % V
    T = beam_seq.shape[-1]
    # beam_seq.gather(1, beam_ix.unsqueeze(-1).expand_as(beam_seq))
    gathered_seq = jnp.take_along_axis(
        beam_seq, jnp.broadcast_to(beam_ix[:, :, None], (B, bs, T)), axis=1
    )
    new_beam_seq = jnp.concatenate([gathered_seq, selected_ix[:, :, None].astype(beam_seq.dtype)], axis=-1)
    # beam_logprobs_sum.gather(1, beam_ix) + logprobs.reshape(B, -1).gather(1, ix)
    new_beam_logprobs_sum = (
        jnp.take_along_axis(beam_logprobs_sum, beam_ix, axis=1)
        + jnp.take_along_axis(flat, ix, axis=1)
    )
    return ys, new_beam_seq, new_beam_logprobs_sum

if __name__ == "__main__":
    import jax
    _d = setup_inputs()
    print(jax.jit(kernel)(*tuple(_d.values())))

</pallas_src>

<mosaic_0001>
#map = affine_map<(d0, d1) -> (0, 0, 0)>
#map1 = affine_map<(d0, d1) -> (0, 0)>
module attributes {stable_mosaic.version = 14 : i64} {
  func.func @topk_kernel(%arg0: i32, %arg1: i32, %arg2: memref<64x16x32768xf32, #tpu.memory_space<hbm>>, %arg3: memref<64x16xf32, #tpu.memory_space<hbm>>, %arg4: memref<64x128xi32, #tpu.memory_space<hbm>>, %arg5: memref<64x16xf32, #tpu.memory_space<hbm>>, %arg6: memref<64x144xi32, #tpu.memory_space<hbm>>, %arg7: memref<64x16xf32, #tpu.memory_space<hbm>>, %arg8: memref<65536xf32, #tpu.memory_space<vmem>>, %arg9: memref<64xf32, #tpu.memory_space<vmem>>, %arg10: memref<16xf32, #tpu.memory_space<vmem>>, %arg11: memref<128xi32, #tpu.memory_space<vmem>>, %arg12: memref<16xf32, #tpu.memory_space<vmem>>, %arg13: memref<16xf32, #tpu.memory_space<vmem>>, %arg14: memref<144xi32, #tpu.memory_space<vmem>>, %arg15: memref<2x!tpu.dma_semaphore, #tpu.memory_space<semaphore_mem>>) attributes {dimension_semantics = [#tpu.dimension_semantics<core_parallel>, #tpu.dimension_semantics<subcore_parallel>], iteration_bounds = array<i64: 2, 16>, scalar_prefetch = 0 : i64, scratch_operands = 8 : i64, tpu.core_type = #tpu.core_type<sc_vector_subcore>, window_params = [{transform_indices = #map}, {transform_indices = #map1}, {transform_indices = #map1}, {transform_indices = #map1}, {transform_indices = #map1}, {transform_indices = #map1}]} {
    %mul3A = arith.constant 2 : i32
    %mul3A_0 = arith.muli %arg1, %mul3A : i32
    %add3A = arith.addi %mul3A_0, %arg0 : i32
    %iota3A = tpu.iota {dimensions = array<i32: 0>} : vector<16xi32>
    %broadcast_in_dim3A = arith.constant 0 : i32
    %broadcast_in_dim3A_1 = vector.broadcast %broadcast_in_dim3A : i32 to vector<16xi32>
    %broadcast_in_dim3A_2 = arith.constant 0xFF800000 : f32
    %broadcast_in_dim3A_3 = vector.broadcast %broadcast_in_dim3A_2 : f32 to vector<16xf32>
    %mul3A_4 = arith.constant 2 : i32
    %mul3A_5 = arith.muli %add3A, %mul3A_4 : i32
    %add3A_6 = arith.constant 0 : i32
    %add3A_7 = arith.addi %mul3A_5, %add3A_6 : i32
    "tpu.region"() ({
      %run_scoped3A = tpu.sem_alloc : memref<!tpu.dma_semaphore, #tpu.memory_space<semaphore_mem>>
      %dma_start3A_313 = arith.constant 0 : i32
      %dma_start3A_314 = tpu.memref_slice %arg3[%add3A_7, %dma_start3A_313] : memref<64x16xf32, #tpu.memory_space<hbm>> -> memref<1x16xf32, #tpu.memory_space<hbm>>
      %dma_start3A_315 = tpu.memref_squeeze %dma_start3A_314 : memref<1x16xf32, #tpu.memory_space<hbm>> -> memref<16xf32, #tpu.memory_space<hbm>>
      %dma_start3A_316 = arith.constant 0 : i32
      %dma_start3A_317 = tpu.memref_slice %arg3[%add3A_7, %dma_start3A_316] : memref<64x16xf32, #tpu.memory_space<hbm>> -> memref<1x16xf32, #tpu.memory_space<hbm>>
      %dma_start3A_318 = tpu.memref_squeeze %dma_start3A_317 : memref<1x16xf32, #tpu.memory_space<hbm>> -> memref<16xf32, #tpu.memory_space<hbm>>
      tpu.enqueue_dma source(%dma_start3A_318 : memref<16xf32, #tpu.memory_space<hbm>>) target(%arg10 : memref<16xf32, #tpu.memory_space<vmem>>) target_semaphore(%run_scoped3A : memref<!tpu.dma_semaphore, #tpu.memory_space<semaphore_mem>>)
      %dma_wait3A = arith.constant 0 : i32
      %dma_wait3A_319 = tpu.memref_slice %arg3[%add3A_7, %dma_wait3A] : memref<64x16xf32, #tpu.memory_space<hbm>> -> memref<1x16xf32, #tpu.memory_space<hbm>>
      %dma_wait3A_320 = tpu.memref_squeeze %dma_wait3A_319 : memref<1x16xf32, #tpu.memory_space<hbm>> -> memref<16xf32, #tpu.memory_space<hbm>>
      %dma_wait3A_321 = arith.constant 0 : i32
      %dma_wait3A_322 = tpu.memref_slice %arg3[%add3A_7, %dma_wait3A_321] : memref<64x16xf32, #tpu.memory_space<hbm>> -> memref<1x16xf32, #tpu.memory_space<hbm>>
      %dma_wait3A_323 = tpu.memref_squeeze %dma_wait3A_322 : memref<1x16xf32, #tpu.memory_space<hbm>> -> memref<16xf32, #tpu.memory_space<hbm>>
      tpu.wait_dma2 semaphore(%run_scoped3A : memref<!tpu.dma_semaphore, #tpu.memory_space<semaphore_mem>>) src(%dma_wait3A_323 : memref<16xf32, #tpu.memory_space<hbm>>) dst(%arg10 : memref<16xf32, #tpu.memory_space<vmem>>)
      tpu.yield
    }) : () -> ()
    "tpu.region"() ({
      %run_scoped3A = tpu.sem_alloc : memref<!tpu.dma_semaphore, #tpu.memory_space<semaphore_mem>>
      %dma_start3A_313 = arith.constant 0 : i32
      %dma_start3A_314 = tpu.memref_slice %arg4[%add3A_7, %dma_start3A_313] : memref<64x128xi32, #tpu.memory_space<hbm>> -> memref<1x128xi32, #tpu.memory_space<hbm>>
      %dma_start3A_315 = tpu.memref_squeeze %dma_start3A_314 : memref<1x128xi32, #tpu.memory_space<hbm>> -> memref<128xi32, #tpu.memory_space<hbm>>
      %dma_start3A_316 = arith.constant 0 : i32
      %dma_start3A_317 = tpu.memref_slice %arg4[%add3A_7, %dma_start3A_316] : memref<64x128xi32, #tpu.memory_space<hbm>> -> memref<1x128xi32, #tpu.memory_space<hbm>>
      %dma_start3A_318 = tpu.memref_squeeze %dma_start3A_317 : memref<1x128xi32, #tpu.memory_space<hbm>> -> memref<128xi32, #tpu.memory_space<hbm>>
      tpu.enqueue_dma source(%dma_start3A_318 : memref<128xi32, #tpu.memory_space<hbm>>) target(%arg11 : memref<128xi32, #tpu.memory_space<vmem>>) target_semaphore(%run_scoped3A : memref<!tpu.dma_semaphore, #tpu.memory_space<semaphore_mem>>)
      %dma_wait3A = arith.constant 0 : i32
      %dma_wait3A_319 = tpu.memref_slice %arg4[%add3A_7, %dma_wait3A] : memref<64x128xi32, #tpu.memory_space<hbm>> -> memref<1x128xi32, #tpu.memory_space<hbm>>
      %dma_wait3A_320 = tpu.memref_squeeze %dma_wait3A_319 : memref<1x128xi32, #tpu.memory_space<hbm>> -> memref<128xi32, #tpu.memory_space<hbm>>
      %dma_wait3A_321 = arith.constant 0 : i32
      %dma_wait3A_322 = tpu.memref_slice %arg4[%add3A_7, %dma_wait3A_321] : memref<64x128xi32, #tpu.memory_space<hbm>> -> memref<1x128xi32, #tpu.memory_space<hbm>>
      %dma_wait3A_323 = tpu.memref_squeeze %dma_wait3A_322 : memref<1x128xi32, #tpu.memory_space<hbm>> -> memref<128xi32, #tpu.memory_space<hbm>>
      tpu.wait_dma2 semaphore(%run_scoped3A : memref<!tpu.dma_semaphore, #tpu.memory_space<semaphore_mem>>) src(%dma_wait3A_323 : memref<128xi32, #tpu.memory_space<hbm>>) dst(%arg11 : memref<128xi32, #tpu.memory_space<vmem>>)
      tpu.yield
    }) : () -> ()
    %dma_start3A = arith.constant 0 : i32
    %dma_start3A_8 = arith.constant 0 : i32
    %dma_start3A_9 = arith.constant 0 : i32
    %dma_start3A_10 = tpu.memref_slice %arg8[%dma_start3A_9] : memref<65536xf32, #tpu.memory_space<vmem>> -> memref<32768xf32, #tpu.memory_space<vmem>>
    %dma_start3A_11 = arith.constant 0 : i32
    %dma_start3A_12 = tpu.memref_slice %arg2[%add3A_7, %dma_start3A, %dma_start3A_11] : memref<64x16x32768xf32, #tpu.memory_space<hbm>> -> memref<1x1x32768xf32, #tpu.memory_space<hbm>>
    %dma_start3A_13 = tpu.memref_squeeze %dma_start3A_12 : memref<1x1x32768xf32, #tpu.memory_space<hbm>> -> memref<32768xf32, #tpu.memory_space<hbm>>
    %dma_start3A_14 = tpu.memref_slice %arg15[%dma_start3A_8] : memref<2x!tpu.dma_semaphore, #tpu.memory_space<semaphore_mem>> -> memref<1x!tpu.dma_semaphore, #tpu.memory_space<semaphore_mem>>
    %dma_start3A_15 = tpu.memref_squeeze %dma_start3A_14 : memref<1x!tpu.dma_semaphore, #tpu.memory_space<semaphore_mem>> -> memref<!tpu.dma_semaphore, #tpu.memory_space<semaphore_mem>>
    %dma_start3A_16 = arith.constant 0 : i32
    %dma_start3A_17 = tpu.memref_slice %arg8[%dma_start3A_16] : memref<65536xf32, #tpu.memory_space<vmem>> -> memref<32768xf32, #tpu.memory_space<vmem>>
    %dma_start3A_18 = arith.constant 0 : i32
    %dma_start3A_19 = tpu.memref_slice %arg2[%add3A_7, %dma_start3A, %dma_start3A_18] : memref<64x16x32768xf32, #tpu.memory_space<hbm>> -> memref<1x1x32768xf32, #tpu.memory_space<hbm>>
    %dma_start3A_20 = tpu.memref_squeeze %dma_start3A_19 : memref<1x1x32768xf32, #tpu.memory_space<hbm>> -> memref<32768xf32, #tpu.memory_space<hbm>>
    tpu.enqueue_dma source(%dma_start3A_20 : memref<32768xf32, #tpu.memory_space<hbm>>) target(%dma_start3A_17 : memref<32768xf32, #tpu.memory_space<vmem>>) target_semaphore(%dma_start3A_15 : memref<!tpu.dma_semaphore, #tpu.memory_space<semaphore_mem>>)
    %broadcast_in_dim3A_21 = arith.constant 0 : i32
    %broadcast_in_dim3A_22 = vector.broadcast %broadcast_in_dim3A_21 : i32 to vector<16xi32>
    %scan3A = arith.constant 0 : i32
    %scan3A_23 = arith.constant 16 : i32
    %scan3A_24 = arith.addi %scan3A, %scan3A_23 : i32
    %scan3A_25 = arith.constant 1 : i32
    %scan3A_26:2 = scf.for %scan3A_313 = %scan3A to %scan3A_24 step %scan3A_25 iter_args(%scan3A_314 = %broadcast_in_dim3A_3, %scan3A_315 = %broadcast_in_dim3A_22) -> (vector<16xf32>, vector<16xi32>)  : i32 {
      %rem3A = arith.constant 2 : i32
      %rem3A_316 = arith.remsi %scan3A_313, %rem3A : i32
      %mul3A_317 = arith.constant 32768 : i32
      %mul3A_318 = arith.muli %rem3A_316, %mul3A_317 : i32
      %dma_wait3A = tpu.memref_slice %arg8[%mul3A_318] : memref<65536xf32, #tpu.memory_space<vmem>> -> memref<32768xf32, #tpu.memory_space<vmem>>
      %dma_wait3A_319 = arith.constant 0 : i32
      %dma_wait3A_320 = tpu.memref_slice %arg2[%add3A_7, %scan3A_313, %dma_wait3A_319] : memref<64x16x32768xf32, #tpu.memory_space<hbm>> -> memref<1x1x32768xf32, #tpu.memory_space<hbm>>
      %dma_wait3A_321 = tpu.memref_squeeze %dma_wait3A_320 : memref<1x1x32768xf32, #tpu.memory_space<hbm>> -> memref<32768xf32, #tpu.memory_space<hbm>>
      %dma_wait3A_322 = tpu.memref_slice %arg15[%rem3A_316] : memref<2x!tpu.dma_semaphore, #tpu.memory_space<semaphore_mem>> -> memref<1x!tpu.dma_semaphore, #tpu.memory_space<semaphore_mem>>
      %dma_wait3A_323 = tpu.memref_squeeze %dma_wait3A_322 : memref<1x!tpu.dma_semaphore, #tpu.memory_space<semaphore_mem>> -> memref<!tpu.dma_semaphore, #tpu.memory_space<semaphore_mem>>
      %dma_wait3A_324 = tpu.memref_slice %arg8[%mul3A_318] : memref<65536xf32, #tpu.memory_space<vmem>> -> memref<32768xf32, #tpu.memory_space<vmem>>
      %dma_wait3A_325 = arith.constant 0 : i32
      %dma_wait3A_326 = tpu.memref_slice %arg2[%add3A_7, %scan3A_313, %dma_wait3A_325] : memref<64x16x32768xf32, #tpu.memory_space<hbm>> -> memref<1x1x32768xf32, #tpu.memory_space<hbm>>
      %dma_wait3A_327 = tpu.memref_squeeze %dma_wait3A_326 : memref<1x1x32768xf32, #tpu.memory_space<hbm>> -> memref<32768xf32, #tpu.memory_space<hbm>>
      tpu.wait_dma2 semaphore(%dma_wait3A_323 : memref<!tpu.dma_semaphore, #tpu.memory_space<semaphore_mem>>) src(%dma_wait3A_327 : memref<32768xf32, #tpu.memory_space<hbm>>) dst(%dma_wait3A_324 : memref<32768xf32, #tpu.memory_space<vmem>>)
      %add3A_328 = arith.constant 1 : i32
      %add3A_329 = arith.addi %scan3A_313, %add3A_328 : i32
      %lt3A = arith.constant 16 : i32
      %lt3A_330 = arith.cmpi slt, %add3A_329, %lt3A : i32
      %convert_element_type3A = arith.extui %lt3A_330 : i1 to i32
      %cond3A = arith.constant 0 : i32
      %cond3A_331 = arith.cmpi ne, %convert_element_type3A, %cond3A : i32
      scf.if %cond3A_331 {
        %add3A_373 = arith.constant 1 : i32
        %add3A_374 = arith.addi %scan3A_313, %add3A_373 : i32
        %rem3A_375 = arith.constant 2 : i32
        %rem3A_376 = arith.remsi %add3A_374, %rem3A_375 : i32
        %add3A_377 = arith.constant 1 : i32
        %add3A_378 = arith.addi %scan3A_313, %add3A_377 : i32
        %mul3A_379 = arith.constant 32768 : i32
        %mul3A_380 = arith.muli %rem3A_376, %mul3A_379 : i32
        %dma_start3A_381 = tpu.memref_slice %arg8[%mul3A_380] : memref<65536xf32, #tpu.memory_space<vmem>> -> memref<32768xf32, #tpu.memory_space<vmem>>
        %dma_start3A_382 = arith.constant 0 : i32
        %dma_start3A_383 = tpu.memref_slice %arg2[%add3A_7, %add3A_378, %dma_start3A_382] : memref<64x16x32768xf32, #tpu.memory_space<hbm>> -> memref<1x1x32768xf32, #tpu.memory_space<hbm>>
        %dma_start3A_384 = tpu.memref_squeeze %dma_start3A_383 : memref<1x1x32768xf32, #tpu.memory_space<hbm>> -> memref<32768xf32, #tpu.memory_space<hbm>>
        %dma_start3A_385 = tpu.memref_slice %arg15[%rem3A_376] : memref<2x!tpu.dma_semaphore, #tpu.memory_space<semaphore_mem>> -> memref<1x!tpu.dma_semaphore, #tpu.memory_space<semaphore_mem>>
        %dma_start3A_386 = tpu.memref_squeeze %dma_start3A_385 : memref<1x!tpu.dma_semaphore, #tpu.memory_space<semaphore_mem>> -> memref<!tpu.dma_semaphore, #tpu.memory_space<semaphore_mem>>
        %dma_start3A_387 = tpu.memref_slice %arg8[%mul3A_380] : memref<65536xf32, #tpu.memory_space<vmem>> -> memref<32768xf32, #tpu.memory_space<vmem>>
        %dma_start3A_388 = arith.constant 0 : i32
        %dma_start3A_389 = tpu.memref_slice %arg2[%add3A_7, %add3A_378, %dma_start3A_388] : memref<64x16x32768xf32, #tpu.memory_space<hbm>> -> memref<1x1x32768xf32, #tpu.memory_space<hbm>>
        %dma_start3A_390 = tpu.memref_squeeze %dma_start3A_389 : memref<1x1x32768xf32, #tpu.memory_space<hbm>> -> memref<32768xf32, #tpu.memory_space<hbm>>
        tpu.enqueue_dma source(%dma_start3A_390 : memref<32768xf32, #tpu.memory_space<hbm>>) target(%dma_start3A_387 : memref<32768xf32, #tpu.memory_space<vmem>>) target_semaphore(%dma_start3A_386 : memref<!tpu.dma_semaphore, #tpu.memory_space<semaphore_mem>>)
      } else {
      }
      %broadcast_in_dim3A_332 = vector.broadcast %scan3A_313 : i32 to vector<16xi32>
      %gather3A_333 = tpu.vector_load_idx %arg10[%broadcast_in_dim3A_332] : memref<16xf32, #tpu.memory_space<vmem>>[vector<16xi32>], vector<16xf32>,
      %mul3A_334 = arith.constant 32768 : i32
      %mul3A_335 = arith.muli %scan3A_313, %mul3A_334 : i32
      %parallel_loop3A = arith.constant 0 : i32
      %parallel_loop3A_336 = arith.constant 16 : i32
      %parallel_loop3A_337 = arith.constant 1 : i32
      %parallel_loop3A_338 = scf.for %parallel_loop3A_373 = %parallel_loop3A to %parallel_loop3A_336 step %parallel_loop3A_337 iter_args(%parallel_loop3A_374 = %broadcast_in_dim3A_3) -> (vector<16xf32>)  : i32 {
        %parallel_loop3A_375 = arith.constant 512 : i32
        %parallel_loop3A_376 = arith.muli %parallel_loop3A_373, %parallel_loop3A_375 : i32
        %parallel_loop3A_377 = arith.addi %mul3A_318, %parallel_loop3A_376 : i32
        %parallel_loop3A_378 = arith.constant 0 : i32
        %parallel_loop3A_379 = arith.addi %parallel_loop3A_377, %parallel_loop3A_378 : i32
        %parallel_loop3A_380 = arith.constant 0 : i32
        %parallel_loop3A_381 = arith.addi %parallel_loop3A_379, %parallel_loop3A_380 : i32
        %parallel_loop3A_382 = arith.index_cast %parallel_loop3A_381 : i32 to index
        %parallel_loop3A_383 = tpu.vector_load %arg8[%parallel_loop3A_382] {strides = array<i32>} : memref<65536xf32, #tpu.memory_space<vmem>>, vector<16xf32>,
        %parallel_loop3A_384 = arith.addi %mul3A_318, %parallel_loop3A_376 : i32
        %parallel_loop3A_385 = arith.constant 0 : i32
        %parallel_loop3A_386 = arith.addi %parallel_loop3A_384, %parallel_loop3A_385 : i32
        %parallel_loop3A_387 = arith.constant 16 : i32
        %parallel_loop3A_388 = arith.addi %parallel_loop3A_386, %parallel_loop3A_387 : i32
        %parallel_loop3A_389 = arith.index_cast %parallel_loop3A_388 : i32 to index
        %parallel_loop3A_390 = tpu.vector_load %arg8[%parallel_loop3A_389] {strides = array<i32>} : memref<65536xf32, #tpu.memory_space<vmem>>, vector<16xf32>,
        %parallel_loop3A_391 = arith.addi %mul3A_318, %parallel_loop3A_376 : i32
        %parallel_loop3A_392 = arith.constant 0 : i32
        %parallel_loop3A_393 = arith.addi %parallel_loop3A_391, %parallel_loop3A_392 : i32
        %parallel_loop3A_394 = arith.constant 32 : i32
        %parallel_loop3A_395 = arith.addi %parallel_loop3A_393, %parallel_loop3A_394 : i32
        %parallel_loop3A_396 = arith.index_cast %parallel_loop3A_395 : i32 to index
        %parallel_loop3A_397 = tpu.vector_load %arg8[%parallel_loop3A_396] {strides = array<i32>} : memref<65536xf32, #tpu.memory_space<vmem>>, vector<16xf32>,
        %parallel_loop3A_398 = arith.addi %mul3A_318, %parallel_loop3A_376 : i32
        %parallel_loop3A_399 = arith.constant 0 : i32
        %parallel_loop3A_400 = arith.addi %parallel_loop3A_398, %parallel_loop3A_399 : i32
        %parallel_loop3A_401 = arith.constant 48 : i32
        %parallel_loop3A_402 = arith.addi %parallel_loop3A_400, %parallel_loop3A_401 : i32
        %parallel_loop3A_403 = arith.index_cast %parallel_loop3A_402 : i32 to index
        %parallel_loop3A_404 = tpu.vector_load %arg8[%parallel_loop3A_403] {strides = array<i32>} : memref<65536xf32, #tpu.memory_space<vmem>>, vector<16xf32>,
        %parallel_loop3A_405 = arith.addi %mul3A_318, %parallel_loop3A_376 : i32
        %parallel_loop3A_406 = arith.constant 0 : i32
        %parallel_loop3A_407 = arith.addi %parallel_loop3A_405, %parallel_loop3A_406 : i32
        %parallel_loop3A_408 = arith.constant 64 : i32
        %parallel_loop3A_409 = arith.addi %parallel_loop3A_407, %parallel_loop3A_408 : i32
        %parallel_loop3A_410 = arith.index_cast %parallel_loop3A_409 : i32 to index
        %parallel_loop3A_411 = tpu.vector_load %arg8[%parallel_loop3A_410] {strides = array<i32>} : memref<65536xf32, #tpu.memory_space<vmem>>, vector<16xf32>,
        %parallel_loop3A_412 = arith.addi %mul3A_318, %parallel_loop3A_376 : i32
        %parallel_loop3A_413 = arith.constant 0 : i32
        %parallel_loop3A_414 = arith.addi %parallel_loop3A_412, %parallel_loop3A_413 : i32
        %parallel_loop3A_415 = arith.constant 80 : i32
        %parallel_loop3A_416 = arith.addi %parallel_loop3A_414, %parallel_loop3A_415 : i32
        %parallel_loop3A_417 = arith.index_cast %parallel_loop3A_416 : i32 to index
        %parallel_loop3A_418 = tpu.vector_load %arg8[%parallel_loop3A_417] {strides = array<i32>} : memref<65536xf32, #tpu.memory_space<vmem>>, vector<16xf32>,
        %parallel_loop3A_419 = arith.addi %mul3A_318, %parallel_loop3A_376 : i32
        %parallel_loop3A_420 = arith.constant 0 : i32
        %parallel_loop3A_421 = arith.addi %parallel_loop3A_419, %parallel_loop3A_420 : i32
        %parallel_loop3A_422 = arith.constant 96 : i32
        %parallel_loop3A_423 = arith.addi %parallel_loop3A_421, %parallel_loop3A_422 : i32
        %parallel_loop3A_424 = arith.index_cast %parallel_loop3A_423 : i32 to index
        %parallel_loop3A_425 = tpu.vector_load %arg8[%parallel_loop3A_424] {strides = array<i32>} : memref<65536xf32, #tpu.memory_space<vmem>>, vector<16xf32>,
        %parallel_loop3A_426 = arith.addi %mul3A_318, %parallel_loop3A_376 : i32
        %parallel_loop3A_427 = arith.constant 0 : i32
        %parallel_loop3A_428 = arith.addi %parallel_loop3A_426, %parallel_loop3A_427 : i32
        %parallel_loop3A_429 = arith.constant 112 : i32
        %parallel_loop3A_430 = arith.addi %parallel_loop3A_428, %parallel_loop3A_429 : i32
        %parallel_loop3A_431 = arith.index_cast %parallel_loop3A_430 : i32 to index
        %parallel_loop3A_432 = tpu.vector_load %arg8[%parallel_loop3A_431] {strides = array<i32>} : memref<65536xf32, #tpu.memory_space<vmem>>, vector<16xf32>,
        %parallel_loop3A_433 = arith.maximumf %parallel_loop3A_383, %parallel_loop3A_390 : vector<16xf32>
        %parallel_loop3A_434 = arith.maximumf %parallel_loop3A_397, %parallel_loop3A_404 : vector<16xf32>
        %parallel_loop3A_435 = arith.maximumf %parallel_loop3A_433, %parallel_loop3A_434 : vector<16xf32>
        %parallel_loop3A_436 = arith.maximumf %parallel_loop3A_411, %parallel_loop3A_418 : vector<16xf32>
        %parallel_loop3A_437 = arith.maximumf %parallel_loop3A_425, %parallel_loop3A_432 : vector<16xf32>
        %parallel_loop3A_438 = arith.maximumf %parallel_loop3A_436, %parallel_loop3A_437 : vector<16xf32>
        %parallel_loop3A_439 = arith.maximumf %parallel_loop3A_435, %parallel_loop3A_438 : vector<16xf32>
        %parallel_loop3A_440 = arith.addi %mul3A_318, %parallel_loop3A_376 : i32
        %parallel_loop3A_441 = arith.constant 128 : i32
        %parallel_loop3A_442 = arith.addi %parallel_loop3A_440, %parallel_loop3A_441 : i32
        %parallel_loop3A_443 = arith.constant 0 : i32
        %parallel_loop3A_444 = arith.addi %parallel_loop3A_442, %parallel_loop3A_443 : i32
        %parallel_loop3A_445 = arith.index_cast %parallel_loop3A_444 : i32 to index
        %parallel_loop3A_446 = tpu.vector_load %arg8[%parallel_loop3A_445] {strides = array<i32>} : memref<65536xf32, #tpu.memory_space<vmem>>, vector<16xf32>,
        %parallel_loop3A_447 = arith.addi %mul3A_318, %parallel_loop3A_376 : i32
        %parallel_loop3A_448 = arith.constant 128 : i32
        %parallel_loop3A_449 = arith.addi %parallel_loop3A_447, %parallel_loop3A_448 : i32
        %parallel_loop3A_450 = arith.constant 16 : i32
        %parallel_loop3A_451 = arith.addi %parallel_loop3A_449, %parallel_loop3A_450 : i32
        %parallel_loop3A_452 = arith.index_cast %parallel_loop3A_451 : i32 to index
        %parallel_loop3A_453 = tpu.vector_load %arg8[%parallel_loop3A_452] {strides = array<i32>} : memref<65536xf32, #tpu.memory_space<vmem>>, vector<16xf32>,
        %parallel_loop3A_454 = arith.addi %mul3A_318, %parallel_loop3A_376 : i32
        %parallel_loop3A_455 = arith.constant 128 : i32
        %parallel_loop3A_456 = arith.addi %parallel_loop3A_454, %parallel_loop3A_455 : i32
        %parallel_loop3A_457 = arith.constant 32 : i32
        %parallel_loop3A_458 = arith.addi %parallel_loop3A_456, %parallel_loop3A_457 : i32
        %parallel_loop3A_459 = arith.index_cast %parallel_loop3A_458 : i32 to index
        %parallel_loop3A_460 = tpu.vector_load %arg8[%parallel_loop3A_459] {strides = array<i32>} : memref<65536xf32, #tpu.memory_space<vmem>>, vector<16xf32>,
        %parallel_loop3A_461 = arith.addi %mul3A_318, %parallel_loop3A_376 : i32
        %parallel_loop3A_462 = arith.constant 128 : i32
        %parallel_loop3A_463 = arith.addi %parallel_loop3A_461, %parallel_loop3A_462 : i32
        %parallel_loop3A_464 = arith.constant 48 : i32
        %parallel_loop3A_465 = arith.addi %parallel_loop3A_463, %parallel_loop3A_464 : i32
        %parallel_loop3A_466 = arith.index_cast %parallel_loop3A_465 : i32 to index
        %parallel_loop3A_467 = tpu.vector_load %arg8[%parallel_loop3A_466] {strides = array<i32>} : memref<65536xf32, #tpu.memory_space<vmem>>, vector<16xf32>,
        %parallel_loop3A_468 = arith.addi %mul3A_318, %parallel_loop3A_376 : i32
        %parallel_loop3A_469 = arith.constant 128 : i32
        %parallel_loop3A_470 = arith.addi %parallel_loop3A_468, %parallel_loop3A_469 : i32
        %parallel_loop3A_471 = arith.constant 64 : i32
        %parallel_loop3A_472 = arith.addi %parallel_loop3A_470, %parallel_loop3A_471 : i32
        %parallel_loop3A_473 = arith.index_cast %parallel_loop3A_472 : i32 to index
        %parallel_loop3A_474 = tpu.vector_load %arg8[%parallel_loop3A_473] {strides = array<i32>} : memref<65536xf32, #tpu.memory_space<vmem>>, vector<16xf32>,
        %parallel_loop3A_475 = arith.addi %mul3A_318, %parallel_loop3A_376 : i32
        %parallel_loop3A_476 = arith.constant 128 : i32
        %parallel_loop3A_477 = arith.addi %parallel_loop3A_475, %parallel_loop3A_476 : i32
        %parallel_loop3A_478 = arith.constant 80 : i32
        %parallel_loop3A_479 = arith.addi %parallel_loop3A_477, %parallel_loop3A_478 : i32
        %parallel_loop3A_480 = arith.index_cast %parallel_loop3A_479 : i32 to index
        %parallel_loop3A_481 = tpu.vector_load %arg8[%parallel_loop3A_480] {strides = array<i32>} : memref<65536xf32, #tpu.memory_space<vmem>>, vector<16xf32>,
        %parallel_loop3A_482 = arith.addi %mul3A_318, %parallel_loop3A_376 : i32
        %parallel_loop3A_483 = arith.constant 128 : i32
        %parallel_loop3A_484 = arith.addi %parallel_loop3A_482, %parallel_loop3A_483 : i32
        %parallel_loop3A_485 = arith.constant 96 : i32
        %parallel_loop3A_486 = arith.addi %parallel_loop3A_484, %parallel_loop3A_485 : i32
        %parallel_loop3A_487 = arith.index_cast %parallel_loop3A_486 : i32 to index
        %parallel_loop3A_488 = tpu.vector_load %arg8[%parallel_loop3A_487] {strides = array<i32>} : memref<65536xf32, #tpu.memory_space<vmem>>, vector<16xf32>,
        %parallel_loop3A_489 = arith.addi %mul3A_318, %parallel_loop3A_376 : i32
        %parallel_loop3A_490 = arith.constant 128 : i32
        %parallel_loop3A_491 = arith.addi %parallel_loop3A_489, %parallel_loop3A_490 : i32
        %parallel_loop3A_492 = arith.constant 112 : i32
        %parallel_loop3A_493 = arith.addi %parallel_loop3A_491, %parallel_loop3A_492 : i32
        %parallel_loop3A_494 = arith.index_cast %parallel_loop3A_493 : i32 to index
        %parallel_loop3A_495 = tpu.vector_load %arg8[%parallel_loop3A_494] {strides = array<i32>} : memref<65536xf32, #tpu.memory_space<vmem>>, vector<16xf32>,
        %parallel_loop3A_496 = arith.maximumf %parallel_loop3A_446, %parallel_loop3A_453 : vector<16xf32>
        %parallel_loop3A_497 = arith.maximumf %parallel_loop3A_460, %parallel_loop3A_467 : vector<16xf32>
        %parallel_loop3A_498 = arith.maximumf %parallel_loop3A_496, %parallel_loop3A_497 : vector<16xf32>
        %parallel_loop3A_499 = arith.maximumf %parallel_loop3A_474, %parallel_loop3A_481 : vector<16xf32>
        %parallel_loop3A_500 = arith.maximumf %parallel_loop3A_488, %parallel_loop3A_495 : vector<16xf32>
        %parallel_loop3A_501 = arith.maximumf %parallel_loop3A_499, %parallel_loop3A_500 : vector<16xf32>
        %parallel_loop3A_502 = arith.maximumf %parallel_loop3A_498, %parallel_loop3A_501 : vector<16xf32>
        %parallel_loop3A_503 = arith.addi %mul3A_318, %parallel_loop3A_376 : i32
        %parallel_loop3A_504 = arith.constant 256 : i32
        %parallel_loop3A_505 = arith.addi %parallel_loop3A_503, %parallel_loop3A_504 : i32
        %parallel_loop3A_506 = arith.constant 0 : i32
        %parallel_loop3A_507 = arith.addi %parallel_loop3A_505, %parallel_loop3A_506 : i32
        %parallel_loop3A_508 = arith.index_cast %parallel_loop3A_507 : i32 to index
        %parallel_loop3A_509 = tpu.vector_load %arg8[%parallel_loop3A_508] {strides = array<i32>} : memref<65536xf32, #tpu.memory_space<vmem>>, vector<16xf32>,
        %parallel_loop3A_510 = arith.addi %mul3A_318, %parallel_loop3A_376 : i32
        %parallel_loop3A_511 = arith.constant 256 : i32
        %parallel_loop3A_512 = arith.addi %parallel_loop3A_510, %parallel_loop3A_511 : i32
        %parallel_loop3A_513 = arith.constant 16 : i32
        %parallel_loop3A_514 = arith.addi %parallel_loop3A_512, %parallel_loop3A_513 : i32
        %parallel_loop3A_515 = arith.index_cast %parallel_loop3A_514 : i32 to index
        %parallel_loop3A_516 = tpu.vector_load %arg8[%parallel_loop3A_515] {strides = array<i32>} : memref<65536xf32, #tpu.memory_space<vmem>>, vector<16xf32>,
        %parallel_loop3A_517 = arith.addi %mul3A_318, %parallel_loop3A_376 : i32
        %parallel_loop3A_518 = arith.constant 256 : i32
        %parallel_loop3A_519 = arith.addi %parallel_loop3A_517, %parallel_loop3A_518 : i32
        %parallel_loop3A_520 = arith.constant 32 : i32
        %parallel_loop3A_521 = arith.addi %parallel_loop3A_519, %parallel_loop3A_520 : i32
        %parallel_loop3A_522 = arith.index_cast %parallel_loop3A_521 : i32 to index
        %parallel_loop3A_523 = tpu.vector_load %arg8[%parallel_loop3A_522] {strides = array<i32>} : memref<65536xf32, #tpu.memory_space<vmem>>, vector<16xf32>,
        %parallel_loop3A_524 = arith.addi %mul3A_318, %parallel_loop3A_376 : i32
        %parallel_loop3A_525 = arith.constant 256 : i32
        %parallel_loop3A_526 = arith.addi %parallel_loop3A_524, %parallel_loop3A_525 : i32
        %parallel_loop3A_527 = arith.constant 48 : i32
        %parallel_loop3A_528 = arith.addi %parallel_loop3A_526, %parallel_loop3A_527 : i32
        %parallel_loop3A_529 = arith.index_cast %parallel_loop3A_528 : i32 to index
        %parallel_loop3A_530 = tpu.vector_load %arg8[%parallel_loop3A_529] {strides = array<i32>} : memref<65536xf32, #tpu.memory_space<vmem>>, vector<16xf32>,
        %parallel_loop3A_531 = arith.addi %mul3A_318, %parallel_loop3A_376 : i32
        %parallel_loop3A_532 = arith.constant 256 : i32
        %parallel_loop3A_533 = arith.addi %parallel_loop3A_531, %parallel_loop3A_532 : i32
        %parallel_loop3A_534 = arith.constant 64 : i32
        %parallel_loop3A_535 = arith.addi %parallel_loop3A_533, %parallel_loop3A_534 : i32
        %parallel_loop3A_536 = arith.index_cast %parallel_loop3A_535 : i32 to index
        %parallel_loop3A_537 = tpu.vector_load %arg8[%parallel_loop3A_536] {strides = array<i32>} : memref<65536xf32, #tpu.memory_space<vmem>>, vector<16xf32>,
        %parallel_loop3A_538 = arith.addi %mul3A_318, %parallel_loop3A_376 : i32
        %parallel_loop3A_539 = arith.constant 256 : i32
        %parallel_loop3A_540 = arith.addi %parallel_loop3A_538, %parallel_loop3A_539 : i32
        %parallel_loop3A_541 = arith.constant 80 : i32
        %parallel_loop3A_542 = arith.addi %parallel_loop3A_540, %parallel_loop3A_541 : i32
        %parallel_loop3A_543 = arith.index_cast %parallel_loop3A_542 : i32 to index
        %parallel_loop3A_544 = tpu.vector_load %arg8[%parallel_loop3A_543] {strides = array<i32>} : memref<65536xf32, #tpu.memory_space<vmem>>, vector<16xf32>,
        %parallel_loop3A_545 = arith.addi %mul3A_318, %parallel_loop3A_376 : i32
        %parallel_loop3A_546 = arith.constant 256 : i32
        %parallel_loop3A_547 = arith.addi %parallel_loop3A_545, %parallel_loop3A_546 : i32
        %parallel_loop3A_548 = arith.constant 96 : i32
        %parallel_loop3A_549 = arith.addi %parallel_loop3A_547, %parallel_loop3A_548 : i32
        %parallel_loop3A_550 = arith.index_cast %parallel_loop3A_549 : i32 to index
        %parallel_loop3A_551 = tpu.vector_load %arg8[%parallel_loop3A_550] {strides = array<i32>} : memref<65536xf32, #tpu.memory_space<vmem>>, vector<16xf32>,
        %parallel_loop3A_552 = arith.addi %mul3A_318, %parallel_loop3A_376 : i32
        %parallel_loop3A_553 = arith.constant 256 : i32
        %parallel_loop3A_554 = arith.addi %parallel_loop3A_552, %parallel_loop3A_553 : i32
        %parallel_loop3A_555 = arith.constant 112 : i32
        %parallel_loop3A_556 = arith.addi %parallel_loop3A_554, %parallel_loop3A_555 : i32
        %parallel_loop3A_557 = arith.index_cast %parallel_loop3A_556 : i32 to index
        %parallel_loop3A_558 = tpu.vector_load %arg8[%parallel_loop3A_557] {strides = array<i32>} : memref<65536xf32, #tpu.memory_space<vmem>>, vector<16xf32>,
        %parallel_loop3A_559 = arith.maximumf %parallel_loop3A_509, %parallel_loop3A_516 : vector<16xf32>
        %parallel_loop3A_560 = arith.maximumf %parallel_loop3A_523, %parallel_loop3A_530 : vector<16xf32>
        %parallel_loop3A_561 = arith.maximumf %parallel_loop3A_559, %parallel_loop3A_560 : vector<16xf32>
        %parallel_loop3A_562 = arith.maximumf %parallel_loop3A_537, %parallel_loop3A_544 : vector<16xf32>
        %parallel_loop3A_563 = arith.maximumf %parallel_loop3A_551, %parallel_loop3A_558 : vector<16xf32>
        %parallel_loop3A_564 = arith.maximumf %parallel_loop3A_562, %parallel_loop3A_563 : vector<16xf32>
        %parallel_loop3A_565 = arith.maximumf %parallel_loop3A_561, %parallel_loop3A_564 : vector<16xf32>
        %parallel_loop3A_566 = arith.addi %mul3A_318, %parallel_loop3A_376 : i32
        %parallel_loop3A_567 = arith.constant 384 : i32
        %parallel_loop3A_568 = arith.addi %parallel_loop3A_566, %parallel_loop3A_567 : i32
        %parallel_loop3A_569 = arith.constant 0 : i32
        %parallel_loop3A_570 = arith.addi %parallel_loop3A_568, %parallel_loop3A_569 : i32
        %parallel_loop3A_571 = arith.index_cast %parallel_loop3A_570 : i32 to index
        %parallel_loop3A_572 = tpu.vector_load %arg8[%parallel_loop3A_571] {strides = array<i32>} : memref<65536xf32, #tpu.memory_space<vmem>>, vector<16xf32>,
        %parallel_loop3A_573 = arith.addi %mul3A_318, %parallel_loop3A_376 : i32
        %parallel_loop3A_574 = arith.constant 384 : i32
        %parallel_loop3A_575 = arith.addi %parallel_loop3A_573, %parallel_loop3A_574 : i32
        %parallel_loop3A_576 = arith.constant 16 : i32
        %parallel_loop3A_577 = arith.addi %parallel_loop3A_575, %parallel_loop3A_576 : i32
        %parallel_loop3A_578 = arith.index_cast %parallel_loop3A_577 : i32 to index
        %parallel_loop3A_579 = tpu.vector_load %arg8[%parallel_loop3A_578] {strides = array<i32>} : memref<65536xf32, #tpu.memory_space<vmem>>, vector<16xf32>,
        %parallel_loop3A_580 = arith.addi %mul3A_318, %parallel_loop3A_376 : i32
        %parallel_loop3A_581 = arith.constant 384 : i32
        %parallel_loop3A_582 = arith.addi %parallel_loop3A_580, %parallel_loop3A_581 : i32
        %parallel_loop3A_583 = arith.constant 32 : i32
        %parallel_loop3A_584 = arith.addi %parallel_loop3A_582, %parallel_loop3A_583 : i32
        %parallel_loop3A_585 = arith.index_cast %parallel_loop3A_584 : i32 to index
        %parallel_loop3A_586 = tpu.vector_load %arg8[%parallel_loop3A_585] {strides = array<i32>} : memref<65536xf32, #tpu.memory_space<vmem>>, vector<16xf32>,
        %parallel_loop3A_587 = arith.addi %mul3A_318, %parallel_loop3A_376 : i32
        %parallel_loop3A_588 = arith.constant 384 : i32
        %parallel_loop3A_589 = arith.addi %parallel_loop3A_587, %parallel_loop3A_588 : i32
        %parallel_loop3A_590 = arith.constant 48 : i32
        %parallel_loop3A_591 = arith.addi %parallel_loop3A_589, %parallel_loop3A_590 : i32
        %parallel_loop3A_592 = arith.index_cast %parallel_loop3A_591 : i32 to index
        %parallel_loop3A_593 = tpu.vector_load %arg8[%parallel_loop3A_592] {strides = array<i32>} : memref<65536xf32, #tpu.memory_space<vmem>>, vector<16xf32>,
        %parallel_loop3A_594 = arith.addi %mul3A_318, %parallel_loop3A_376 : i32
        %parallel_loop3A_595 = arith.constant 384 : i32
        %parallel_loop3A_596 = arith.addi %parallel_loop3A_594, %parallel_loop3A_595 : i32
        %parallel_loop3A_597 = arith.constant 64 : i32
        %parallel_loop3A_598 = arith.addi %parallel_loop3A_596, %parallel_loop3A_597 : i32
        %parallel_loop3A_599 = arith.index_cast %parallel_loop3A_598 : i32 to index
        %parallel_loop3A_600 = tpu.vector_load %arg8[%parallel_loop3A_599] {strides = array<i32>} : memref<65536xf32, #tpu.memory_space<vmem>>, vector<16xf32>,
        %parallel_loop3A_601 = arith.addi %mul3A_318, %parallel_loop3A_376 : i32
        %parallel_loop3A_602 = arith.constant 384 : i32
        %parallel_loop3A_603 = arith.addi %parallel_loop3A_601, %parallel_loop3A_602 : i32
        %parallel_loop3A_604 = arith.constant 80 : i32
        %parallel_loop3A_605 = arith.addi %parallel_loop3A_603, %parallel_loop3A_604 : i32
        %parallel_loop3A_606 = arith.index_cast %parallel_loop3A_605 : i32 to index
        %parallel_loop3A_607 = tpu.vector_load %arg8[%parallel_loop3A_606] {strides = array<i32>} : memref<65536xf32, #tpu.memory_space<vmem>>, vector<16xf32>,
        %parallel_loop3A_608 = arith.addi %mul3A_318, %parallel_loop3A_376 : i32
        %parallel_loop3A_609 = arith.constant 384 : i32
        %parallel_loop3A_610 = arith.addi %parallel_loop3A_608, %parallel_loop3A_609 : i32
        %parallel_loop3A_611 = arith.constant 96 : i32
        %parallel_loop3A_612 = arith.addi %parallel_loop3A_610, %parallel_loop3A_611 : i32
        %parallel_loop3A_613 = arith.index_cast %parallel_loop3A_612 : i32 to index
        %parallel_loop3A_614 = tpu.vector_load %arg8[%parallel_loop3A_613] {strides = array<i32>} : memref<65536xf32, #tpu.memory_space<vmem>>, vector<16xf32>,
        %parallel_loop3A_615 = arith.addi %mul3A_318, %parallel_loop3A_376 : i32
        %parallel_loop3A_616 = arith.constant 384 : i32
        %parallel_loop3A_617 = arith.addi %parallel_loop3A_615, %parallel_loop3A_616 : i32
        %parallel_loop3A_618 = arith.constant 112 : i32
        %parallel_loop3A_619 = arith.addi %parallel_loop3A_617, %parallel_loop3A_618 : i32
        %parallel_loop3A_620 = arith.index_cast %parallel_loop3A_619 : i32 to index
        %parallel_loop3A_621 = tpu.vector_load %arg8[%parallel_loop3A_620] {strides = array<i32>} : memref<65536xf32, #tpu.memory_space<vmem>>, vector<16xf32>,
        %parallel_loop3A_622 = arith.maximumf %parallel_loop3A_572, %parallel_loop3A_579 : vector<16xf32>
        %parallel_loop3A_623 = arith.maximumf %parallel_loop3A_586, %parallel_loop3A_593 : vector<16xf32>
        %parallel_loop3A_624 = arith.maximumf %parallel_loop3A_622, %parallel_loop3A_623 : vector<16xf32>
        %parallel_loop3A_625 = arith.maximumf %parallel_loop3A_600, %parallel_loop3A_607 : vector<16xf32>
        %parallel_loop3A_626 = arith.maximumf %parallel_loop3A_614, %parallel_loop3A_621 : vector<16xf32>
        %parallel_loop3A_627 = arith.maximumf %parallel_loop3A_625, %parallel_loop3A_626 : vector<16xf32>
        %parallel_loop3A_628 = arith.maximumf %parallel_loop3A_624, %parallel_loop3A_627 : vector<16xf32>
        %parallel_loop3A_629 = arith.maximumf %parallel_loop3A_439, %parallel_loop3A_502 : vector<16xf32>
        %parallel_loop3A_630 = arith.maximumf %parallel_loop3A_565, %parallel_loop3A_628 : vector<16xf32>
        %parallel_loop3A_631 = arith.maximumf %parallel_loop3A_629, %parallel_loop3A_630 : vector<16xf32>
        %parallel_loop3A_632 = arith.constant true
        %parallel_loop3A_633 = vector.broadcast %parallel_loop3A_632 : i1 to vector<16xi1>
        %parallel_loop3A_634 = tpu.scan <max>, %parallel_loop3A_631 masked %parallel_loop3A_633 : vector<16xf32>, vector<16xi1> -> vector<16xf32>
        %parallel_loop3A_635 = vector.extract %parallel_loop3A_634[15] : f32 from vector<16xf32>
        %parallel_loop3A_636 = vector.broadcast %parallel_loop3A_635 : f32 to vector<16xf32>
        %parallel_loop3A_637 = arith.constant 16 : i32
        %parallel_loop3A_638 = arith.remsi %parallel_loop3A_373, %parallel_loop3A_637 : i32
        %parallel_loop3A_639 = vector.broadcast %parallel_loop3A_638 : i32 to vector<16xi32>
        %parallel_loop3A_640 = arith.cmpi eq, %iota3A, %parallel_loop3A_639 : vector<16xi32>
        %parallel_loop3A_641 = arith.select %parallel_loop3A_640, %parallel_loop3A_636, %parallel_loop3A_374 : vector<16xi1>, vector<16xf32>
        scf.yield %parallel_loop3A_641 : vector<16xf32>
      } {sc.loop_unroll_factor = 2 : i64, sc.parallel_access}
      %swap3A_339 = arith.constant 0 : index
      %swap3A_340 = tpu.vector_load %arg9[%swap3A_339] {strides = array<i32>} : memref<64xf32, #tpu.memory_space<vmem>>, vector<16xf32>,
      tpu.vector_store %arg9[%swap3A_339], %parallel_loop3A_338 {strides = array<i32>} : memref<64xf32, #tpu.memory_space<vmem>>, vector<16xf32>,
      %parallel_loop3A_341 = arith.constant 16 : i32
      %parallel_loop3A_342 = arith.constant 32 : i32
      %parallel_loop3A_343 = arith.constant 1 : i32
      %parallel_loop3A_344 = scf.for %parallel_loop3A_373 = %parallel_loop3A_341 to %parallel_loop3A_342 step %parallel_loop3A_343 iter_args(%parallel_loop3A_374 = %broadcast_in_dim3A_3) -> (vector<16xf32>)  : i32 {
        %parallel_loop3A_375 = arith.constant 512 : i32
        %parallel_loop3A_376 = arith.muli %parallel_loop3A_373, %parallel_loop3A_375 : i32
        %parallel_loop3A_377 = arith.addi %mul3A_318, %parallel_loop3A_376 : i32
        %parallel_loop3A_378 = arith.constant 0 : i32
        %parallel_loop3A_379 = arith.addi %parallel_loop3A_377, %parallel_loop3A_378 : i32
        %parallel_loop3A_380 = arith.constant 0 : i32
        %parallel_loop3A_381 = arith.addi %parallel_loop3A_379, %parallel_loop3A_380 : i32
        %parallel_loop3A_382 = arith.index_cast %parallel_loop3A_381 : i32 to index
        %parallel_loop3A_383 = tpu.vector_load %arg8[%parallel_loop3A_382] {strides = array<i32>} : memref<65536xf32, #tpu.memory_space<vmem>>, vector<16xf32>,
        %parallel_loop3A_384 = arith.addi %mul3A_318, %parallel_loop3A_376 : i32
        %parallel_loop3A_385 = arith.constant 0 : i32
        %parallel_loop3A_386 = arith.addi %parallel_loop3A_384, %parallel_loop3A_385 : i32
        %parallel_loop3A_387 = arith.constant 16 : i32
        %parallel_loop3A_388 = arith.addi %parallel_loop3A_386, %parallel_loop3A_387 : i32
        %parallel_loop3A_389 = arith.index_cast %parallel_loop3A_388 : i32 to index
        %parallel_loop3A_390 = tpu.vector_load %arg8[%parallel_loop3A_389] {strides = array<i32>} : memref<65536xf32, #tpu.memory_space<vmem>>, vector<16xf32>,
        %parallel_loop3A_391 = arith.addi %mul3A_318, %parallel_loop3A_376 : i32
        %parallel_loop3A_392 = arith.constant 0 : i32
        %parallel_loop3A_393 = arith.addi %parallel_loop3A_391, %parallel_loop3A_392 : i32
        %parallel_loop3A_394 = arith.constant 32 : i32
        %parallel_loop3A_395 = arith.addi %parallel_loop3A_393, %parallel_loop3A_394 : i32
        %parallel_loop3A_396 = arith.index_cast %parallel_loop3A_395 : i32 to index
        %parallel_loop3A_397 = tpu.vector_load %arg8[%parallel_loop3A_396] {strides = array<i32>} : memref<65536xf32, #tpu.memory_space<vmem>>, vector<16xf32>,
        %parallel_loop3A_398 = arith.addi %mul3A_318, %parallel_loop3A_376 : i32
        %parallel_loop3A_399 = arith.constant 0 : i32
        %parallel_loop3A_400 = arith.addi %parallel_loop3A_398, %parallel_loop3A_399 : i32
        %parallel_loop3A_401 = arith.constant 48 : i32
        %parallel_loop3A_402 = arith.addi %parallel_loop3A_400, %parallel_loop3A_401 : i32
        %parallel_loop3A_403 = arith.index_cast %parallel_loop3A_402 : i32 to index
        %parallel_loop3A_404 = tpu.vector_load %arg8[%parallel_loop3A_403] {strides = array<i32>} : memref<65536xf32, #tpu.memory_space<vmem>>, vector<16xf32>,
        %parallel_loop3A_405 = arith.addi %mul3A_318, %parallel_loop3A_376 : i32
        %parallel_loop3A_406 = arith.constant 0 : i32
        %parallel_loop3A_407 = arith.addi %parallel_loop3A_405, %parallel_loop3A_406 : i32
        %parallel_loop3A_408 = arith.constant 64 : i32
        %parallel_loop3A_409 = arith.addi %parallel_loop3A_407, %parallel_loop3A_408 : i32
        %parallel_loop3A_410 = arith.index_cast %parallel_loop3A_409 : i32 to index
        %parallel_loop3A_411 = tpu.vector_load %arg8[%parallel_loop3A_410] {strides = array<i32>} : memref<65536xf32, #tpu.memory_space<vmem>>, vector<16xf32>,
        %parallel_loop3A_412 = arith.addi %mul3A_318, %parallel_loop3A_376 : i32
        %parallel_loop3A_413 = arith.constant 0 : i32
        %parallel_loop3A_414 = arith.addi %parallel_loop3A_412, %parallel_loop3A_413 : i32
        %parallel_loop3A_415 = arith.constant 80 : i32
        %parallel_loop3A_416 = arith.addi %parallel_loop3A_414, %parallel_loop3A_415 : i32
        %parallel_loop3A_417 = arith.index_cast %parallel_loop3A_416 : i32 to index
        %parallel_loop3A_418 = tpu.vector_load %arg8[%parallel_loop3A_417] {strides = array<i32>} : memref<65536xf32, #tpu.memory_space<vmem>>, vector<16xf32>,
        %parallel_loop3A_419 = arith.addi %mul3A_318, %parallel_loop3A_376 : i32
        %parallel_loop3A_420 = arith.constant 0 : i32
        %parallel_loop3A_421 = arith.addi %parallel_loop3A_419, %parallel_loop3A_420 : i32
        %parallel_loop3A_422 = arith.constant 96 : i32
        %parallel_loop3A_423 = arith.addi %parallel_loop3A_421, %parallel_loop3A_422 : i32
        %parallel_loop3A_424 = arith.index_cast %parallel_loop3A_423 : i32 to index
        %parallel_loop3A_425 = tpu.vector_load %arg8[%parallel_loop3A_424] {strides = array<i32>} : memref<65536xf32, #tpu.memory_space<vmem>>, vector<16xf32>,
        %parallel_loop3A_426 = arith.addi %mul3A_318, %parallel_loop3A_376 : i32
        %parallel_loop3A_427 = arith.constant 0 : i32
        %parallel_loop3A_428 = arith.addi %parallel_loop3A_426, %parallel_loop3A_427 : i32
        %parallel_loop3A_429 = arith.constant 112 : i32
        %parallel_loop3A_430 = arith.addi %parallel_loop3A_428, %parallel_loop3A_429 : i32
        %parallel_loop3A_431 = arith.index_cast %parallel_loop3A_430 : i32 to index
        %parallel_loop3A_432 = tpu.vector_load %arg8[%parallel_loop3A_431] {strides = array<i32>} : memref<65536xf32, #tpu.memory_space<vmem>>, vector<16xf32>,
        %parallel_loop3A_433 = arith.maximumf %parallel_loop3A_383, %parallel_loop3A_390 : vector<16xf32>
        %parallel_loop3A_434 = arith.maximumf %parallel_loop3A_397, %parallel_loop3A_404 : vector<16xf32>
        %parallel_loop3A_435 = arith.maximumf %parallel_loop3A_433, %parallel_loop3A_434 : vector<16xf32>
        %parallel_loop3A_436 = arith.maximumf %parallel_loop3A_411, %parallel_loop3A_418 : vector<16xf32>
        %parallel_loop3A_437 = arith.maximumf %parallel_loop3A_425, %parallel_loop3A_432 : vector<16xf32>
        %parallel_loop3A_438 = arith.maximumf %parallel_loop3A_436, %parallel_loop3A_437 : vector<16xf32>
        %parallel_loop3A_439 = arith.maximumf %parallel_loop3A_435, %parallel_loop3A_438 : vector<16xf32>
        %parallel_loop3A_440 = arith.addi %mul3A_318, %parallel_loop3A_376 : i32
        %parallel_loop3A_441 = arith.constant 128 : i32
        %parallel_loop3A_442 = arith.addi %parallel_loop3A_440, %parallel_loop3A_441 : i32
        %parallel_loop3A_443 = arith.constant 0 : i32
        %parallel_loop3A_444 = arith.addi %parallel_loop3A_442, %parallel_loop3A_443 : i32
        %parallel_loop3A_445 = arith.index_cast %parallel_loop3A_444 : i32 to index
        %parallel_loop3A_446 = tpu.vector_load %arg8[%parallel_loop3A_445] {strides = array<i32>} : memref<65536xf32, #tpu.memory_space<vmem>>, vector<16xf32>,
        %parallel_loop3A_447 = arith.addi %mul3A_318, %parallel_loop3A_376 : i32
        %parallel_loop3A_448 = arith.constant 128 : i32
        %parallel_loop3A_449 = arith.addi %parallel_loop3A_447, %parallel_loop3A_448 : i32
        %parallel_loop3A_450 = arith.constant 16 : i32
        %parallel_loop3A_451 = arith.addi %parallel_loop3A_449, %parallel_loop3A_450 : i32
        %parallel_loop3A_452 = arith.index_cast %parallel_loop3A_451 : i32 to index
        %parallel_loop3A_453 = tpu.vector_load %arg8[%parallel_loop3A_452] {strides = array<i32>} : memref<65536xf32, #tpu.memory_space<vmem>>, vector<16xf32>,
        %parallel_loop3A_454 = arith.addi %mul3A_318, %parallel_loop3A_376 : i32
        %parallel_loop3A_455 = arith.constant 128 : i32
        %parallel_loop3A_456 = arith.addi %parallel_loop3A_454, %parallel_loop3A_455 : i32
        %parallel_loop3A_457 = arith.constant 32 : i32
        %parallel_loop3A_458 = arith.addi %parallel_loop3A_456, %parallel_loop3A_457 : i32
        %parallel_loop3A_459 = arith.index_cast %parallel_loop3A_458 : i32 to index
        %parallel_loop3A_460 = tpu.vector_load %arg8[%parallel_loop3A_459] {strides = array<i32>} : memref<65536xf32, #tpu.memory_space<vmem>>, vector<16xf32>,
        %parallel_loop3A_461 = arith.addi %mul3A_318, %parallel_loop3A_376 : i32
        %parallel_loop3A_462 = arith.constant 128 : i32
        %parallel_loop3A_463 = arith.addi %parallel_loop3A_461, %parallel_loop3A_462 : i32
        %parallel_loop3A_464 = arith.constant 48 : i32
        %parallel_loop3A_465 = arith.addi %parallel_loop3A_463, %parallel_loop3A_464 : i32
        %parallel_loop3A_466 = arith.index_cast %parallel_loop3A_465 : i32 to index
        %parallel_loop3A_467 = tpu.vector_load %arg8[%parallel_loop3A_466] {strides = array<i32>} : memref<65536xf32, #tpu.memory_space<vmem>>, vector<16xf32>,
        %parallel_loop3A_468 = arith.addi %mul3A_318, %parallel_loop3A_376 : i32
        %parallel_loop3A_469 = arith.constant 128 : i32
        %parallel_loop3A_470 = arith.addi %parallel_loop3A_468, %parallel_loop3A_469 : i32
        %parallel_loop3A_471 = arith.constant 64 : i32
        %parallel_loop3A_472 = arith.addi %parallel_loop3A_470, %parallel_loop3A_471 : i32
        %parallel_loop3A_473 = arith.index_cast %parallel_loop3A_472 : i32 to index
        %parallel_loop3A_474 = tpu.vector_load %arg8[%parallel_loop3A_473] {strides = array<i32>} : memref<65536xf32, #tpu.memory_space<vmem>>, vector<16xf32>,
        %parallel_loop3A_475 = arith.addi %mul3A_318, %parallel_loop3A_376 : i32
        %parallel_loop3A_476 = arith.constant 128 : i32
        %parallel_loop3A_477 = arith.addi %parallel_loop3A_475, %parallel_loop3A_476 : i32
        %parallel_loop3A_478 = arith.constant 80 : i32
        %parallel_loop3A_479 = arith.addi %parallel_loop3A_477, %parallel_loop3A_478 : i32
        %parallel_loop3A_480 = arith.index_cast %parallel_loop3A_479 : i32 to index
        %parallel_loop3A_481 = tpu.vector_load %arg8[%parallel_loop3A_480] {strides = array<i32>} : memref<65536xf32, #tpu.memory_space<vmem>>, vector<16xf32>,
        %parallel_loop3A_482 = arith.addi %mul3A_318, %parallel_loop3A_376 : i32
        %parallel_loop3A_483 = arith.constant 128 : i32
        %parallel_loop3A_484 = arith.addi %parallel_loop3A_482, %parallel_loop3A_483 : i32
        %parallel_loop3A_485 = arith.constant 96 : i32
        %parallel_loop3A_486 = arith.addi %parallel_loop3A_484, %parallel_loop3A_485 : i32
        %parallel_loop3A_487 = arith.index_cast %parallel_loop3A_486 : i32 to index
        %parallel_loop3A_488 = tpu.vector_load %arg8[%parallel_loop3A_487] {strides = array<i32>} : memref<65536xf32, #tpu.memory_space<vmem>>, vector<16xf32>,
        %parallel_loop3A_489 = arith.addi %mul3A_318, %parallel_loop3A_376 : i32
        %parallel_loop3A_490 = arith.constant 128 : i32
        %parallel_loop3A_491 = arith.addi %parallel_loop3A_489, %parallel_loop3A_490 : i32
        %parallel_loop3A_492 = arith.constant 112 : i32
        %parallel_loop3A_493 = arith.addi %parallel_loop3A_491, %parallel_loop3A_492 : i32
        %parallel_loop3A_494 = arith.index_cast %parallel_loop3A_493 : i32 to index
        %parallel_loop3A_495 = tpu.vector_load %arg8[%parallel_loop3A_494] {strides = array<i32>} : memref<65536xf32, #tpu.memory_space<vmem>>, vector<16xf32>,
        %parallel_loop3A_496 = arith.maximumf %parallel_loop3A_446, %parallel_loop3A_453 : vector<16xf32>
        %parallel_loop3A_497 = arith.maximumf %parallel_loop3A_460, %parallel_loop3A_467 : vector<16xf32>
        %parallel_loop3A_498 = arith.maximumf %parallel_loop3A_496, %parallel_loop3A_497 : vector<16xf32>
        %parallel_loop3A_499 = arith.maximumf %parallel_loop3A_474, %parallel_loop3A_481 : vector<16xf32>
        %parallel_loop3A_500 = arith.maximumf %parallel_loop3A_488, %parallel_loop3A_495 : vector<16xf32>
        %parallel_loop3A_501 = arith.maximumf %parallel_loop3A_499, %parallel_loop3A_500 : vector<16xf32>
        %parallel_loop3A_502 = arith.maximumf %parallel_loop3A_498, %parallel_loop3A_501 : vector<16xf32>
        %parallel_loop3A_503 = arith.addi %mul3A_318, %parallel_loop3A_376 : i32
        %parallel_loop3A_504 = arith.constant 256 : i32
        %parallel_loop3A_505 = arith.addi %parallel_loop3A_503, %parallel_loop3A_504 : i32
        %parallel_loop3A_506 = arith.constant 0 : i32
        %parallel_loop3A_507 = arith.addi %parallel_loop3A_505, %parallel_loop3A_506 : i32
        %parallel_loop3A_508 = arith.index_cast %parallel_loop3A_507 : i32 to index
        %parallel_loop3A_509 = tpu.vector_load %arg8[%parallel_loop3A_508] {strides = array<i32>} : memref<65536xf32, #tpu.memory_space<vmem>>, vector<16xf32>,
        %parallel_loop3A_510 = arith.addi %mul3A_318, %parallel_loop3A_376 : i32
        %parallel_loop3A_511 = arith.constant 256 : i32
        %parallel_loop3A_512 = arith.addi %parallel_loop3A_510, %parallel_loop3A_511 : i32
        %parallel_loop3A_513 = arith.constant 16 : i32
        %parallel_loop3A_514 = arith.addi %parallel_loop3A_512, %parallel_loop3A_513 : i32
        %parallel_loop3A_515 = arith.index_cast %parallel_loop3A_514 : i32 to index
        %parallel_loop3A_516 = tpu.vector_load %arg8[%parallel_loop3A_515] {strides = array<i32>} : memref<65536xf32, #tpu.memory_space<vmem>>, vector<16xf32>,
        %parallel_loop3A_517 = arith.addi %mul3A_318, %parallel_loop3A_376 : i32
        %parallel_loop3A_518 = arith.constant 256 : i32
        %parallel_loop3A_519 = arith.addi %parallel_loop3A_517, %parallel_loop3A_518 : i32
        %parallel_loop3A_520 = arith.constant 32 : i32
        %parallel_loop3A_521 = arith.addi %parallel_loop3A_519, %parallel_loop3A_520 : i32
        %parallel_loop3A_522 = arith.index_cast %parallel_loop3A_521 : i32 to index
        %parallel_loop3A_523 = tpu.vector_load %arg8[%parallel_loop3A_522] {strides = array<i32>} : memref<65536xf32, #tpu.memory_space<vmem>>, vector<16xf32>,
        %parallel_loop3A_524 = arith.addi %mul3A_318, %parallel_loop3A_376 : i32
        %parallel_loop3A_525 = arith.constant 256 : i32
        %parallel_loop3A_526 = arith.addi %parallel_loop3A_524, %parallel_loop3A_525 : i32
        %parallel_loop3A_527 = arith.constant 48 : i32
        %parallel_loop3A_528 = arith.addi %parallel_loop3A_526, %parallel_loop3A_527 : i32
        %parallel_loop3A_529 = arith.index_cast %parallel_loop3A_528 : i32 to index
        %parallel_loop3A_530 = tpu.vector_load %arg8[%parallel_loop3A_529] {strides = array<i32>} : memref<65536xf32, #tpu.memory_space<vmem>>, vector<16xf32>,
        %parallel_loop3A_531 = arith.addi %mul3A_318, %parallel_loop3A_376 : i32
        %parallel_loop3A_532 = arith.constant 256 : i32
        %parallel_loop3A_533 = arith.addi %parallel_loop3A_531, %parallel_loop3A_532 : i32
        %parallel_loop3A_534 = arith.constant 64 : i32
        %parallel_loop3A_535 = arith.addi %parallel_loop3A_533, %parallel_loop3A_534 : i32
        %parallel_loop3A_536 = arith.index_cast %parallel_loop3A_535 : i32 to index
        %parallel_loop3A_537 = tpu.vector_load %arg8[%parallel_loop3A_536] {strides = array<i32>} : memref<65536xf32, #tpu.memory_space<vmem>>, vector<16xf32>,
        %parallel_loop3A_538 = arith.addi %mul3A_318, %parallel_loop3A_376 : i32
        %parallel_loop3A_539 = arith.constant 256 : i32
        %parallel_loop3A_540 = arith.addi %parallel_loop3A_538, %parallel_loop3A_539 : i32
        %parallel_loop3A_541 = arith.constant 80 : i32
        %parallel_loop3A_542 = arith.addi %parallel_loop3A_540, %parallel_loop3A_541 : i32
        %parallel_loop3A_543 = arith.index_cast %parallel_loop3A_542 : i32 to index
        %parallel_loop3A_544 = tpu.vector_load %arg8[%parallel_loop3A_543] {strides = array<i32>} : memref<65536xf32, #tpu.memory_space<vmem>>, vector<16xf32>,
        %parallel_loop3A_545 = arith.addi %mul3A_318, %parallel_loop3A_376 : i32
        %parallel_loop3A_546 = arith.constant 256 : i32
        %parallel_loop3A_547 = arith.addi %parallel_loop3A_545, %parallel_loop3A_546 : i32
        %parallel_loop3A_548 = arith.constant 96 : i32
        %parallel_loop3A_549 = arith.addi %parallel_loop3A_547, %parallel_loop3A_548 : i32
        %parallel_loop3A_550 = arith.index_cast %parallel_loop3A_549 : i32 to index
        %parallel_loop3A_551 = tpu.vector_load %arg8[%parallel_loop3A_550] {strides = array<i32>} : memref<65536xf32, #tpu.memory_space<vmem>>, vector<16xf32>,
        %parallel_loop3A_552 = arith.addi %mul3A_318, %parallel_loop3A_376 : i32
        %parallel_loop3A_553 = arith.constant 256 : i32
        %parallel_loop3A_554 = arith.addi %parallel_loop3A_552, %parallel_loop3A_553 : i32
        %parallel_loop3A_555 = arith.constant 112 : i32
        %parallel_loop3A_556 = arith.addi %parallel_loop3A_554, %parallel_loop3A_555 : i32
        %parallel_loop3A_557 = arith.index_cast %parallel_loop3A_556 : i32 to index
        %parallel_loop3A_558 = tpu.vector_load %arg8[%parallel_loop3A_557] {strides = array<i32>} : memref<65536xf32, #tpu.memory_space<vmem>>, vector<16xf32>,
        %parallel_loop3A_559 = arith.maximumf %parallel_loop3A_509, %parallel_loop3A_516 : vector<16xf32>
        %parallel_loop3A_560 = arith.maximumf %parallel_loop3A_523, %parallel_loop3A_530 : vector<16xf32>
        %parallel_loop3A_561 = arith.maximumf %parallel_loop3A_559, %parallel_loop3A_560 : vector<16xf32>
        %parallel_loop3A_562 = arith.maximumf %parallel_loop3A_537, %parallel_loop3A_544 : vector<16xf32>
        %parallel_loop3A_563 = arith.maximumf %parallel_loop3A_551, %parallel_loop3A_558 : vector<16xf32>
        %parallel_loop3A_564 = arith.maximumf %parallel_loop3A_562, %parallel_loop3A_563 : vector<16xf32>
        %parallel_loop3A_565 = arith.maximumf %parallel_loop3A_561, %parallel_loop3A_564 : vector<16xf32>
        %parallel_loop3A_566 = arith.addi %mul3A_318, %parallel_loop3A_376 : i32
        %parallel_loop3A_567 = arith.constant 384 : i32
        %parallel_loop3A_568 = arith.addi %parallel_loop3A_566, %parallel_loop3A_567 : i32
        %parallel_loop3A_569 = arith.constant 0 : i32
        %parallel_loop3A_570 = arith.addi %parallel_loop3A_568, %parallel_loop3A_569 : i32
        %parallel_loop3A_571 = arith.index_cast %parallel_loop3A_570 : i32 to index
        %parallel_loop3A_572 = tpu.vector_load %arg8[%parallel_loop3A_571] {strides = array<i32>} : memref<65536xf32, #tpu.memory_space<vmem>>, vector<16xf32>,
        %parallel_loop3A_573 = arith.addi %mul3A_318, %parallel_loop3A_376 : i32
        %parallel_loop3A_574 = arith.constant 384 : i32
        %parallel_loop3A_575 = arith.addi %parallel_loop3A_573, %parallel_loop3A_574 : i32
        %parallel_loop3A_576 = arith.constant 16 : i32
        %parallel_loop3A_577 = arith.addi %parallel_loop3A_575, %parallel_loop3A_576 : i32
        %parallel_loop3A_578 = arith.index_cast %parallel_loop3A_577 : i32 to index
        %parallel_loop3A_579 = tpu.vector_load %arg8[%parallel_loop3A_578] {strides = array<i32>} : memref<65536xf32, #tpu.memory_space<vmem>>, vector<16xf32>,
        %parallel_loop3A_580 = arith.addi %mul3A_318, %parallel_loop3A_376 : i32
        %parallel_loop3A_581 = arith.constant 384 : i32
        %parallel_loop3A_582 = arith.addi %parallel_loop3A_580, %parallel_loop3A_581 : i32
        %parallel_loop3A_583 = arith.constant 32 : i32
        %parallel_loop3A_584 = arith.addi %parallel_loop3A_582, %parallel_loop3A_583 : i32
        %parallel_loop3A_585 = arith.index_cast %parallel_loop3A_584 : i32 to index
        %parallel_loop3A_586 = tpu.vector_load %arg8[%parallel_loop3A_585] {strides = array<i32>} : memref<65536xf32, #tpu.memory_space<vmem>>, vector<16xf32>,
        %parallel_loop3A_587 = arith.addi %mul3A_318, %parallel_loop3A_376 : i32
        %parallel_loop3A_588 = arith.constant 384 : i32
        %parallel_loop3A_589 = arith.addi %parallel_loop3A_587, %parallel_loop3A_588 : i32
        %parallel_loop3A_590 = arith.constant 48 : i32
        %parallel_loop3A_591 = arith.addi %parallel_loop3A_589, %parallel_loop3A_590 : i32
        %parallel_loop3A_592 = arith.index_cast %parallel_loop3A_591 : i32 to index
        %parallel_loop3A_593 = tpu.vector_load %arg8[%parallel_loop3A_592] {strides = array<i32>} : memref<65536xf32, #tpu.memory_space<vmem>>, vector<16xf32>,
        %parallel_loop3A_594 = arith.addi %mul3A_318, %parallel_loop3A_376 : i32
        %parallel_loop3A_595 = arith.constant 384 : i32
        %parallel_loop3A_596 = arith.addi %parallel_loop3A_594, %parallel_loop3A_595 : i32
        %parallel_loop3A_597 = arith.constant 64 : i32
        %parallel_loop3A_598 = arith.addi %parallel_loop3A_596, %parallel_loop3A_597 : i32
        %parallel_loop3A_599 = arith.index_cast %parallel_loop3A_598 : i32 to index
        %parallel_loop3A_600 = tpu.vector_load %arg8[%parallel_loop3A_599] {strides = array<i32>} : memref<65536xf32, #tpu.memory_space<vmem>>, vector<16xf32>,
        %parallel_loop3A_601 = arith.addi %mul3A_318, %parallel_loop3A_376 : i32
        %parallel_loop3A_602 = arith.constant 384 : i32
        %parallel_loop3A_603 = arith.addi %parallel_loop3A_601, %parallel_loop3A_602 : i32
        %parallel_loop3A_604 = arith.constant 80 : i32
        %parallel_loop3A_605 = arith.addi %parallel_loop3A_603, %parallel_loop3A_604 : i32
        %parallel_loop3A_606 = arith.index_cast %parallel_loop3A_605 : i32 to index
        %parallel_loop3A_607 = tpu.vector_load %arg8[%parallel_loop3A_606] {strides = array<i32>} : memref<65536xf32, #tpu.memory_space<vmem>>, vector<16xf32>,
        %parallel_loop3A_608 = arith.addi %mul3A_318, %parallel_loop3A_376 : i32
        %parallel_loop3A_609 = arith.constant 384 : i32
        %parallel_loop3A_610 = arith.addi %parallel_loop3A_608, %parallel_loop3A_609 : i32
        %parallel_loop3A_611 = arith.constant 96 : i32
        %parallel_loop3A_612 = arith.addi %parallel_loop3A_610, %parallel_loop3A_611 : i32
        %parallel_loop3A_613 = arith.index_cast %parallel_loop3A_612 : i32 to index
        %parallel_loop3A_614 = tpu.vector_load %arg8[%parallel_loop3A_613] {strides = array<i32>} : memref<65536xf32, #tpu.memory_space<vmem>>, vector<16xf32>,
        %parallel_loop3A_615 = arith.addi %mul3A_318, %parallel_loop3A_376 : i32
        %parallel_loop3A_616 = arith.constant 384 : i32
        %parallel_loop3A_617 = arith.addi %parallel_loop3A_615, %parallel_loop3A_616 : i32
        %parallel_loop3A_618 = arith.constant 112 : i32
        %parallel_loop3A_619 = arith.addi %parallel_loop3A_617, %parallel_loop3A_618 : i32
        %parallel_loop3A_620 = arith.index_cast %parallel_loop3A_619 : i32 to index
        %parallel_loop3A_621 = tpu.vector_load %arg8[%parallel_loop3A_620] {strides = array<i32>} : memref<65536xf32, #tpu.memory_space<vmem>>, vector<16xf32>,
        %parallel_loop3A_622 = arith.maximumf %parallel_loop3A_572, %parallel_loop3A_579 : vector<16xf32>
        %parallel_loop3A_623 = arith.maximumf %parallel_loop3A_586, %parallel_loop3A_593 : vector<16xf32>
        %parallel_loop3A_624 = arith.maximumf %parallel_loop3A_622, %parallel_loop3A_623 : vector<16xf32>
        %parallel_loop3A_625 = arith.maximumf %parallel_loop3A_600, %parallel_loop3A_607 : vector<16xf32>
        %parallel_loop3A_626 = arith.maximumf %parallel_loop3A_614, %parallel_loop3A_621 : vector<16xf32>
        %parallel_loop3A_627 = arith.maximumf %parallel_loop3A_625, %parallel_loop3A_626 : vector<16xf32>
        %parallel_loop3A_628 = arith.maximumf %parallel_loop3A_624, %parallel_loop3A_627 : vector<16xf32>
        %parallel_loop3A_629 = arith.maximumf %parallel_loop3A_439, %parallel_loop3A_502 : vector<16xf32>
        %parallel_loop3A_630 = arith.maximumf %parallel_loop3A_565, %parallel_loop3A_628 : vector<16xf32>
        %parallel_loop3A_631 = arith.maximumf %parallel_loop3A_629, %parallel_loop3A_630 : vector<16xf32>
        %parallel_loop3A_632 = arith.constant true
        %parallel_loop3A_633 = vector.broadcast %parallel_loop3A_632 : i1 to vector<16xi1>
        %parallel_loop3A_634 = tpu.scan <max>, %parallel_loop3A_631 masked %parallel_loop3A_633 : vector<16xf32>, vector<16xi1> -> vector<16xf32>
        %parallel_loop3A_635 = vector.extract %parallel_loop3A_634[15] : f32 from vector<16xf32>
        %parallel_loop3A_636 = vector.broadcast %parallel_loop3A_635 : f32 to vector<16xf32>
        %parallel_loop3A_637 = arith.constant 16 : i32
        %parallel_loop3A_638 = arith.remsi %parallel_loop3A_373, %parallel_loop3A_637 : i32
        %parallel_loop3A_639 = vector.broadcast %parallel_loop3A_638 : i32 to vector<16xi32>
        %parallel_loop3A_640 = arith.cmpi eq, %iota3A, %parallel_loop3A_639 : vector<16xi32>
        %parallel_loop3A_641 = arith.select %parallel_loop3A_640, %parallel_loop3A_636, %parallel_loop3A_374 : vector<16xi1>, vector<16xf32>
        scf.yield %parallel_loop3A_641 : vector<16xf32>
      } {sc.loop_unroll_factor = 2 : i64, sc.parallel_access}
      %swap3A_345 = arith.constant 16 : index
      %swap3A_346 = tpu.vector_load %arg9[%swap3A_345] {strides = array<i32>} : memref<64xf32, #tpu.memory_space<vmem>>, vector<16xf32>,
      tpu.vector_store %arg9[%swap3A_345], %parallel_loop3A_344 {strides = array<i32>} : memref<64xf32, #tpu.memory_space<vmem>>, vector<16xf32>,
      %parallel_loop3A_347 = arith.constant 32 : i32
      %parallel_loop3A_348 = arith.constant 48 : i32
      %parallel_loop3A_349 = arith.constant 1 : i32
      %parallel_loop3A_350 = scf.for %parallel_loop3A_373 = %parallel_loop3A_347 to %parallel_loop3A_348 step %parallel_loop3A_349 iter_args(%parallel_loop3A_374 = %broadcast_in_dim3A_3) -> (vector<16xf32>)  : i32 {
        %parallel_loop3A_375 = arith.constant 512 : i32
        %parallel_loop3A_376 = arith.muli %parallel_loop3A_373, %parallel_loop3A_375 : i32
        %parallel_loop3A_377 = arith.addi %mul3A_318, %parallel_loop3A_376 : i32
        %parallel_loop3A_378 = arith.constant 0 : i32
        %parallel_loop3A_379 = arith.addi %parallel_loop3A_377, %parallel_loop3A_378 : i32
        %parallel_loop3A_380 = arith.constant 0 : i32
        %parallel_loop3A_381 = arith.addi %parallel_loop3A_379, %parallel_loop3A_380 : i32
        %parallel_loop3A_382 = arith.index_cast %parallel_loop3A_381 : i32 to index
        %parallel_loop3A_383 = tpu.vector_load %arg8[%parallel_loop3A_382] {strides = array<i32>} : memref<65536xf32, #tpu.memory_space<vmem>>, vector<16xf32>,
        %parallel_loop3A_384 = arith.addi %mul3A_318, %parallel_loop3A_376 : i32
        %parallel_loop3A_385 = arith.constant 0 : i32
        %parallel_loop3A_386 = arith.addi %parallel_loop3A_384, %parallel_loop3A_385 : i32
        %parallel_loop3A_387 = arith.constant 16 : i32
        %parallel_loop3A_388 = arith.addi %parallel_loop3A_386, %parallel_loop3A_387 : i32
        %parallel_loop3A_389 = arith.index_cast %parallel_loop3A_388 : i32 to index
        %parallel_loop3A_390 = tpu.vector_load %arg8[%parallel_loop3A_389] {strides = array<i32>} : memref<65536xf32, #tpu.memory_space<vmem>>, vector<16xf32>,
        %parallel_loop3A_391 = arith.addi %mul3A_318, %parallel_loop3A_376 : i32
        %parallel_loop3A_392 = arith.constant 0 : i32
        %parallel_loop3A_393 = arith.addi %parallel_loop3A_391, %parallel_loop3A_392 : i32
        %parallel_loop3A_394 = arith.constant 32 : i32
        %parallel_loop3A_395 = arith.addi %parallel_loop3A_393, %parallel_loop3A_394 : i32
        %parallel_loop3A_396 = arith.index_cast %parallel_loop3A_395 : i32 to index
        %parallel_loop3A_397 = tpu.vector_load %arg8[%parallel_loop3A_396] {strides = array<i32>} : memref<65536xf32, #tpu.memory_space<vmem>>, vector<16xf32>,
        %parallel_loop3A_398 = arith.addi %mul3A_318, %parallel_loop3A_376 : i32
        %parallel_loop3A_399 = arith.constant 0 : i32
        %parallel_loop3A_400 = arith.addi %parallel_loop3A_398, %parallel_loop3A_399 : i32
        %parallel_loop3A_401 = arith.constant 48 : i32
        %parallel_loop3A_402 = arith.addi %parallel_loop3A_400, %parallel_loop3A_401 : i32
        %parallel_loop3A_403 = arith.index_cast %parallel_loop3A_402 : i32 to index
        %parallel_loop3A_404 = tpu.vector_load %arg8[%parallel_loop3A_403] {strides = array<i32>} : memref<65536xf32, #tpu.memory_space<vmem>>, vector<16xf32>,
        %parallel_loop3A_405 = arith.addi %mul3A_318, %parallel_loop3A_376 : i32
        %parallel_loop3A_406 = arith.constant 0 : i32
        %parallel_loop3A_407 = arith.addi %parallel_loop3A_405, %parallel_loop3A_406 : i32
        %parallel_loop3A_408 = arith.constant 64 : i32
        %parallel_loop3A_409 = arith.addi %parallel_loop3A_407, %parallel_loop3A_408 : i32
        %parallel_loop3A_410 = arith.index_cast %parallel_loop3A_409 : i32 to index
        %parallel_loop3A_411 = tpu.vector_load %arg8[%parallel_loop3A_410] {strides = array<i32>} : memref<65536xf32, #tpu.memory_space<vmem>>, vector<16xf32>,
        %parallel_loop3A_412 = arith.addi %mul3A_318, %parallel_loop3A_376 : i32
        %parallel_loop3A_413 = arith.constant 0 : i32
        %parallel_loop3A_414 = arith.addi %parallel_loop3A_412, %parallel_loop3A_413 : i32
        %parallel_loop3A_415 = arith.constant 80 : i32
        %parallel_loop3A_416 = arith.addi %parallel_loop3A_414, %parallel_loop3A_415 : i32
        %parallel_loop3A_417 = arith.index_cast %parallel_loop3A_416 : i32 to index
        %parallel_loop3A_418 = tpu.vector_load %arg8[%parallel_loop3A_417] {strides = array<i32>} : memref<65536xf32, #tpu.memory_space<vmem>>, vector<16xf32>,
        %parallel_loop3A_419 = arith.addi %mul3A_318, %parallel_loop3A_376 : i32
        %parallel_loop3A_420 = arith.constant 0 : i32
        %parallel_loop3A_421 = arith.addi %parallel_loop3A_419, %parallel_loop3A_420 : i32
        %parallel_loop3A_422 = arith.constant 96 : i32
        %parallel_loop3A_423 = arith.addi %parallel_loop3A_421, %parallel_loop3A_422 : i32
        %parallel_loop3A_424 = arith.index_cast %parallel_loop3A_423 : i32 to index
        %parallel_loop3A_425 = tpu.vector_load %arg8[%parallel_loop3A_424] {strides = array<i32>} : memref<65536xf32, #tpu.memory_space<vmem>>, vector<16xf32>,
        %parallel_loop3A_426 = arith.addi %mul3A_318, %parallel_loop3A_376 : i32
        %parallel_loop3A_427 = arith.constant 0 : i32
        %parallel_loop3A_428 = arith.addi %parallel_loop3A_426, %parallel_loop3A_427 : i32
        %parallel_loop3A_429 = arith.constant 112 : i32
        %parallel_loop3A_430 = arith.addi %parallel_loop3A_428, %parallel_loop3A_429 : i32
        %parallel_loop3A_431 = arith.index_cast %parallel_loop3A_430 : i32 to index
        %parallel_loop3A_432 = tpu.vector_load %arg8[%parallel_loop3A_431] {strides = array<i32>} : memref<65536xf32, #tpu.memory_space<vmem>>, vector<16xf32>,
        %parallel_loop3A_433 = arith.maximumf %parallel_loop3A_383, %parallel_loop3A_390 : vector<16xf32>
        %parallel_loop3A_434 = arith.maximumf %parallel_loop3A_397, %parallel_loop3A_404 : vector<16xf32>
        %parallel_loop3A_435 = arith.maximumf %parallel_loop3A_433, %parallel_loop3A_434 : vector<16xf32>
        %parallel_loop3A_436 = arith.maximumf %parallel_loop3A_411, %parallel_loop3A_418 : vector<16xf32>
        %parallel_loop3A_437 = arith.maximumf %parallel_loop3A_425, %parallel_loop3A_432 : vector<16xf32>
        %parallel_loop3A_438 = arith.maximumf %parallel_loop3A_436, %parallel_loop3A_437 : vector<16xf32>
        %parallel_loop3A_439 = arith.maximumf %parallel_loop3A_435, %parallel_loop3A_438 : vector<16xf32>
        %parallel_loop3A_440 = arith.addi %mul3A_318, %parallel_loop3A_376 : i32
        %parallel_loop3A_441 = arith.constant 128 : i32
        %parallel_loop3A_442 = arith.addi %parallel_loop3A_440, %parallel_loop3A_441 : i32
        %parallel_loop3A_443 = arith.constant 0 : i32
        %parallel_loop3A_444 = arith.addi %parallel_loop3A_442, %parallel_loop3A_443 : i32
        %parallel_loop3A_445 = arith.index_cast %parallel_loop3A_444 : i32 to index
        %parallel_loop3A_446 = tpu.vector_load %arg8[%parallel_loop3A_445] {strides = array<i32>} : memref<65536xf32, #tpu.memory_space<vmem>>, vector<16xf32>,
        %parallel_loop3A_447 = arith.addi %mul3A_318, %parallel_loop3A_376 : i32
        %parallel_loop3A_448 = arith.constant 128 : i32
        %parallel_loop3A_449 = arith.addi %parallel_loop3A_447, %parallel_loop3A_448 : i32
        %parallel_loop3A_450 = arith.constant 16 : i32
        %parallel_loop3A_451 = arith.addi %parallel_loop3A_449, %parallel_loop3A_450 : i32
        %parallel_loop3A_452 = arith.index_cast %parallel_loop3A_451 : i32 to index
        %parallel_loop3A_453 = tpu.vector_load %arg8[%parallel_loop3A_452] {strides = array<i32>} : memref<65536xf32, #tpu.memory_space<vmem>>, vector<16xf32>,
        %parallel_loop3A_454 = arith.addi %mul3A_318, %parallel_loop3A_376 : i32
        %parallel_loop3A_455 = arith.constant 128 : i32
        %parallel_loop3A_456 = arith.addi %parallel_loop3A_454, %parallel_loop3A_455 : i32
        %parallel_loop3A_457 = arith.constant 32 : i32
        %parallel_loop3A_458 = arith.addi %parallel_loop3A_456, %parallel_loop3A_457 : i32
        %parallel_loop3A_459 = arith.index_cast %parallel_loop3A_458 : i32 to index
        %parallel_loop3A_460 = tpu.vector_load %arg8[%parallel_loop3A_459] {strides = array<i32>} : memref<65536xf32, #tpu.memory_space<vmem>>, vector<16xf32>,
        %parallel_loop3A_461 = arith.addi %mul3A_318, %parallel_loop3A_376 : i32
        %parallel_loop3A_462 = arith.constant 128 : i32
        %parallel_loop3A_463 = arith.addi %parallel_loop3A_461, %parallel_loop3A_462 : i32
        %parallel_loop3A_464 = arith.constant 48 : i32
        %parallel_loop3A_465 = arith.addi %parallel_loop3A_463, %parallel_loop3A_464 : i32
        %parallel_loop3A_466 = arith.index_cast %parallel_loop3A_465 : i32 to index
        %parallel_loop3A_467 = tpu.vector_load %arg8[%parallel_loop3A_466] {strides = array<i32>} : memref<65536xf32, #tpu.memory_space<vmem>>, vector<16xf32>,
        %parallel_loop3A_468 = arith.addi %mul3A_318, %parallel_loop3A_376 : i32
        %parallel_loop3A_469 = arith.constant 128 : i32
        %parallel_loop3A_470 = arith.addi %parallel_loop3A_468, %parallel_loop3A_469 : i32
        %parallel_loop3A_471 = arith.constant 64 : i32
        %parallel_loop3A_472 = arith.addi %parallel_loop3A_470, %parallel_loop3A_471 : i32
        %parallel_loop3A_473 = arith.index_cast %parallel_loop3A_472 : i32 to index
        %parallel_loop3A_474 = tpu.vector_load %arg8[%parallel_loop3A_473] {strides = array<i32>} : memref<65536xf32, #tpu.memory_space<vmem>>, vector<16xf32>,
        %parallel_loop3A_475 = arith.addi %mul3A_318, %parallel_loop3A_376 : i32
        %parallel_loop3A_476 = arith.constant 128 : i32
        %parallel_loop3A_477 = arith.addi %parallel_loop3A_475, %parallel_loop3A_476 : i32
        %parallel_loop3A_478 = arith.constant 80 : i32
        %parallel_loop3A_479 = arith.addi %parallel_loop3A_477, %parallel_loop3A_478 : i32
        %parallel_loop3A_480 = arith.index_cast %parallel_loop3A_479 : i32 to index
        %parallel_loop3A_481 = tpu.vector_load %arg8[%parallel_loop3A_480] {strides = array<i32>} : memref<65536xf32, #tpu.memory_space<vmem>>, vector<16xf32>,
        %parallel_loop3A_482 = arith.addi %mul3A_318, %parallel_loop3A_376 : i32
        %parallel_loop3A_483 = arith.constant 128 : i32
        %parallel_loop3A_484 = arith.addi %parallel_loop3A_482, %parallel_loop3A_483 : i32
        %parallel_loop3A_485 = arith.constant 96 : i32
        %parallel_loop3A_486 = arith.addi %parallel_loop3A_484, %parallel_loop3A_485 : i32
        %parallel_loop3A_487 = arith.index_cast %parallel_loop3A_486 : i32 to index
        %parallel_loop3A_488 = tpu.vector_load %arg8[%parallel_loop3A_487] {strides = array<i32>} : memref<65536xf32, #tpu.memory_space<vmem>>, vector<16xf32>,
        %parallel_loop3A_489 = arith.addi %mul3A_318, %parallel_loop3A_376 : i32
        %parallel_loop3A_490 = arith.constant 128 : i32
        %parallel_loop3A_491 = arith.addi %parallel_loop3A_489, %parallel_loop3A_490 : i32
        %parallel_loop3A_492 = arith.constant 112 : i32
        %parallel_loop3A_493 = arith.addi %parallel_loop3A_491, %parallel_loop3A_492 : i32
        %parallel_loop3A_494 = arith.index_cast %parallel_loop3A_493 : i32 to index
        %parallel_loop3A_495 = tpu.vector_load %arg8[%parallel_loop3A_494] {strides = array<i32>} : memref<65536xf32, #tpu.memory_space<vmem>>, vector<16xf32>,
        %parallel_loop3A_496 = arith.maximumf %parallel_loop3A_446, %parallel_loop3A_453 : vector<16xf32>
        %parallel_loop3A_497 = arith.maximumf %parallel_loop3A_460, %parallel_loop3A_467 : vector<16xf32>
        %parallel_loop3A_498 = arith.maximumf %parallel_loop3A_496, %parallel_loop3A_497 : vector<16xf32>
        %parallel_loop3A_499 = arith.maximumf %parallel_loop3A_474, %parallel_loop3A_481 : vector<16xf32>
        %parallel_loop3A_500 = arith.maximumf %parallel_loop3A_488, %parallel_loop3A_495 : vector<16xf32>
        %parallel_loop3A_501 = arith.maximumf %parallel_loop3A_499, %parallel_loop3A_500 : vector<16xf32>
        %parallel_loop3A_502 = arith.maximumf %parallel_loop3A_498, %parallel_loop3A_501 : vector<16xf32>
        %parallel_loop3A_503 = arith.addi %mul3A_318, %parallel_loop3A_376 : i32
        %parallel_loop3A_504 = arith.constant 256 : i32
        %parallel_loop3A_505 = arith.addi %parallel_loop3A_503, %parallel_loop3A_504 : i32
        %parallel_loop3A_506 = arith.constant 0 : i32
        %parallel_loop3A_507 = arith.addi %parallel_loop3A_505, %parallel_loop3A_506 : i32
        %parallel_loop3A_508 = arith.index_cast %parallel_loop3A_507 : i32 to index
        %parallel_loop3A_509 = tpu.vector_load %arg8[%parallel_loop3A_508] {strides = array<i32>} : memref<65536xf32, #tpu.memory_space<vmem>>, vector<16xf32>,
        %parallel_loop3A_510 = arith.addi %mul3A_318, %parallel_loop3A_376 : i32
        %parallel_loop3A_511 = arith.constant 256 : i32
        %parallel_loop3A_512 = arith.addi %parallel_loop3A_510, %parallel_loop3A_511 : i32
        %parallel_loop3A_513 = arith.constant 16 : i32
        %parallel_loop3A_514 = arith.addi %parallel_loop3A_512, %parallel_loop3A_513 : i32
        %parallel_loop3A_515 = arith.index_cast %parallel_loop3A_514 : i32 to index
        %parallel_loop3A_516 = tpu.vector_load %arg8[%parallel_loop3A_515] {strides = array<i32>} : memref<65536xf32, #tpu.memory_space<vmem>>, vector<16xf32>,
        %parallel_loop3A_517 = arith.addi %mul3A_318, %parallel_loop3A_376 : i32
        %parallel_loop3A_518 = arith.constant 256 : i32
        %parallel_loop3A_519 = arith.addi %parallel_loop3A_517, %parallel_loop3A_518 : i32
        %parallel_loop3A_520 = arith.constant 32 : i32
        %parallel_loop3A_521 = arith.addi %parallel_loop3A_519, %parallel_loop3A_520 : i32
        %parallel_loop3A_522 = arith.index_cast %parallel_loop3A_521 : i32 to index
        %parallel_loop3A_523 = tpu.vector_load %arg8[%parallel_loop3A_522] {strides = array<i32>} : memref<65536xf32, #tpu.memory_space<vmem>>, vector<16xf32>,
        %parallel_loop3A_524 = arith.addi %mul3A_318, %parallel_loop3A_376 : i32
        %parallel_loop3A_525 = arith.constant 256 : i32
        %parallel_loop3A_526 = arith.addi %parallel_loop3A_524, %parallel_loop3A_525 : i32
        %parallel_loop3A_527 = arith.constant 48 : i32
        %parallel_loop3A_528 = arith.addi %parallel_loop3A_526, %parallel_loop3A_527 : i32
        %parallel_loop3A_529 = arith.index_cast %parallel_loop3A_528 : i32 to index
        %parallel_loop3A_530 = tpu.vector_load %arg8[%parallel_loop3A_529] {strides = array<i32>} : memref<65536xf32, #tpu.memory_space<vmem>>, vector<16xf32>,
        %parallel_loop3A_531 = arith.addi %mul3A_318, %parallel_loop3A_376 : i32
        %parallel_loop3A_532 = arith.constant 256 : i32
        %parallel_loop3A_533 = arith.addi %parallel_loop3A_531, %parallel_loop3A_532 : i32
        %parallel_loop3A_534 = arith.constant 64 : i32
        %parallel_loop3A_535 = arith.addi %parallel_loop3A_533, %parallel_loop3A_534 : i32
        %parallel_loop3A_536 = arith.index_cast %parallel_loop3A_535 : i32 to index
        %parallel_loop3A_537 = tpu.vector_load %arg8[%parallel_loop3A_536] {strides = array<i32>} : memref<65536xf32, #tpu.memory_space<vmem>>, vector<16xf32>,
        %parallel_loop3A_538 = arith.addi %mul3A_318, %parallel_loop3A_376 : i32
        %parallel_loop3A_539 = arith.constant 256 : i32
        %parallel_loop3A_540 = arith.addi %parallel_loop3A_538, %parallel_loop3A_539 : i32
        %parallel_loop3A_541 = arith.constant 80 : i32
        %parallel_loop3A_542 = arith.addi %parallel_loop3A_540, %parallel_loop3A_541 : i32
        %parallel_loop3A_543 = arith.index_cast %parallel_loop3A_542 : i32 to index
        %parallel_loop3A_544 = tpu.vector_load %arg8[%parallel_loop3A_543] {strides = array<i32>} : memref<65536xf32, #tpu.memory_space<vmem>>, vector<16xf32>,
        %parallel_loop3A_545 = arith.addi %mul3A_318, %parallel_loop3A_376 : i32
        %parallel_loop3A_546 = arith.constant 256 : i32
        %parallel_loop3A_547 = arith.addi %parallel_loop3A_545, %parallel_loop3A_546 : i32
        %parallel_loop3A_548 = arith.constant 96 : i32
        %parallel_loop3A_549 = arith.addi %parallel_loop3A_547, %parallel_loop3A_548 : i32
        %parallel_loop3A_550 = arith.index_cast %parallel_loop3A_549 : i32 to index
        %parallel_loop3A_551 = tpu.vector_load %arg8[%parallel_loop3A_550] {strides = array<i32>} : memref<65536xf32, #tpu.memory_space<vmem>>, vector<16xf32>,
        %parallel_loop3A_552 = arith.addi %mul3A_318, %parallel_loop3A_376 : i32
        %parallel_loop3A_553 = arith.constant 256 : i32
        %parallel_loop3A_554 = arith.addi %parallel_loop3A_552, %parallel_loop3A_553 : i32
        %parallel_loop3A_555 = arith.constant 112 : i32
        %parallel_loop3A_556 = arith.addi %parallel_loop3A_554, %parallel_loop3A_555 : i32
        %parallel_loop3A_557 = arith.index_cast %parallel_loop3A_556 : i32 to index
        %parallel_loop3A_558 = tpu.vector_load %arg8[%parallel_loop3A_557] {strides = array<i32>} : memref<65536xf32, #tpu.memory_space<vmem>>, vector<16xf32>,
        %parallel_loop3A_559 = arith.maximumf %parallel_loop3A_509, %parallel_loop3A_516 : vector<16xf32>
        %parallel_loop3A_560 = arith.maximumf %parallel_loop3A_523, %parallel_loop3A_530 : vector<16xf32>
        %parallel_loop3A_561 = arith.maximumf %parallel_loop3A_559, %parallel_loop3A_560 : vector<16xf32>
        %parallel_loop3A_562 = arith.maximumf %parallel_loop3A_537, %parallel_loop3A_544 : vector<16xf32>
        %parallel_loop3A_563 = arith.maximumf %parallel_loop3A_551, %parallel_loop3A_558 : vector<16xf32>
        %parallel_loop3A_564 = arith.maximumf %parallel_loop3A_562, %parallel_loop3A_563 : vector<16xf32>
        %parallel_loop3A_565 = arith.maximumf %parallel_loop3A_561, %parallel_loop3A_564 : vector<16xf32>
        %parallel_loop3A_566 = arith.addi %mul3A_318, %parallel_loop3A_376 : i32
        %parallel_loop3A_567 = arith.constant 384 : i32
        %parallel_loop3A_568 = arith.addi %parallel_loop3A_566, %parallel_loop3A_567 : i32
        %parallel_loop3A_569 = arith.constant 0 : i32
        %parallel_loop3A_570 = arith.addi %parallel_loop3A_568, %parallel_loop3A_569 : i32
        %parallel_loop3A_571 = arith.index_cast %parallel_loop3A_570 : i32 to index
        %parallel_loop3A_572 = tpu.vector_load %arg8[%parallel_loop3A_571] {strides = array<i32>} : memref<65536xf32, #tpu.memory_space<vmem>>, vector<16xf32>,
        %parallel_loop3A_573 = arith.addi %mul3A_318, %parallel_loop3A_376 : i32
        %parallel_loop3A_574 = arith.constant 384 : i32
        %parallel_loop3A_575 = arith.addi %parallel_loop3A_573, %parallel_loop3A_574 : i32
        %parallel_loop3A_576 = arith.constant 16 : i32
        %parallel_loop3A_577 = arith.addi %parallel_loop3A_575, %parallel_loop3A_576 : i32
        %parallel_loop3A_578 = arith.index_cast %parallel_loop3A_577 : i32 to index
        %parallel_loop3A_579 = tpu.vector_load %arg8[%parallel_loop3A_578] {strides = array<i32>} : memref<65536xf32, #tpu.memory_space<vmem>>, vector<16xf32>,
        %parallel_loop3A_580 = arith.addi %mul3A_318, %parallel_loop3A_376 : i32
        %parallel_loop3A_581 = arith.constant 384 : i32
        %parallel_loop3A_582 = arith.addi %parallel_loop3A_580, %parallel_loop3A_581 : i32
        %parallel_loop3A_583 = arith.constant 32 : i32
        %parallel_loop3A_584 = arith.addi %parallel_loop3A_582, %parallel_loop3A_583 : i32
        %parallel_loop3A_585 = arith.index_cast %parallel_loop3A_584 : i32 to index
        %parallel_loop3A_586 = tpu.vector_load %arg8[%parallel_loop3A_585] {strides = array<i32>} : memref<65536xf32, #tpu.memory_space<vmem>>, vector<16xf32>,
        %parallel_loop3A_587 = arith.addi %mul3A_318, %parallel_loop3A_376 : i32
        %parallel_loop3A_588 = arith.constant 384 : i32
        %parallel_loop3A_589 = arith.addi %parallel_loop3A_587, %parallel_loop3A_588 : i32
        %parallel_loop3A_590 = arith.constant 48 : i32
        %parallel_loop3A_591 = arith.addi %parallel_loop3A_589, %parallel_loop3A_590 : i32
        %parallel_loop3A_592 = arith.index_cast %parallel_loop3A_591 : i32 to index
        %parallel_loop3A_593 = tpu.vector_load %arg8[%parallel_loop3A_592] {strides = array<i32>} : memref<65536xf32, #tpu.memory_space<vmem>>, vector<16xf32>,
        %parallel_loop3A_594 = arith.addi %mul3A_318, %parallel_loop3A_376 : i32
        %parallel_loop3A_595 = arith.constant 384 : i32
        %parallel_loop3A_596 = arith.addi %parallel_loop3A_594, %parallel_loop3A_595 : i32
        %parallel_loop3A_597 = arith.constant 64 : i32
        %parallel_loop3A_598 = arith.addi %parallel_loop3A_596, %parallel_loop3A_597 : i32
        %parallel_loop3A_599 = arith.index_cast %parallel_loop3A_598 : i32 to index
        %parallel_loop3A_600 = tpu.vector_load %arg8[%parallel_loop3A_599] {strides = array<i32>} : memref<65536xf32, #tpu.memory_space<vmem>>, vector<16xf32>,
        %parallel_loop3A_601 = arith.addi %mul3A_318, %parallel_loop3A_376 : i32
        %parallel_loop3A_602 = arith.constant 384 : i32
        %parallel_loop3A_603 = arith.addi %parallel_loop3A_601, %parallel_loop3A_602 : i32
        %parallel_loop3A_604 = arith.constant 80 : i32
        %parallel_loop3A_605 = arith.addi %parallel_loop3A_603, %parallel_loop3A_604 : i32
        %parallel_loop3A_606 = arith.index_cast %parallel_loop3A_605 : i32 to index
        %parallel_loop3A_607 = tpu.vector_load %arg8[%parallel_loop3A_606] {strides = array<i32>} : memref<65536xf32, #tpu.memory_space<vmem>>, vector<16xf32>,
        %parallel_loop3A_608 = arith.addi %mul3A_318, %parallel_loop3A_376 : i32
        %parallel_loop3A_609 = arith.constant 384 : i32
        %parallel_loop3A_610 = arith.addi %parallel_loop3A_608, %parallel_loop3A_609 : i32
        %parallel_loop3A_611 = arith.constant 96 : i32
        %parallel_loop3A_612 = arith.addi %parallel_loop3A_610, %parallel_loop3A_611 : i32
        %parallel_loop3A_613 = arith.index_cast %parallel_loop3A_612 : i32 to index
        %parallel_loop3A_614 = tpu.vector_load %arg8[%parallel_loop3A_613] {strides = array<i32>} : memref<65536xf32, #tpu.memory_space<vmem>>, vector<16xf32>,
        %parallel_loop3A_615 = arith.addi %mul3A_318, %parallel_loop3A_376 : i32
        %parallel_loop3A_616 = arith.constant 384 : i32
        %parallel_loop3A_617 = arith.addi %parallel_loop3A_615, %parallel_loop3A_616 : i32
        %parallel_loop3A_618 = arith.constant 112 : i32
        %parallel_loop3A_619 = arith.addi %parallel_loop3A_617, %parallel_loop3A_618 : i32
        %parallel_loop3A_620 = arith.index_cast %parallel_loop3A_619 : i32 to index
        %parallel_loop3A_621 = tpu.vector_load %arg8[%parallel_loop3A_620] {strides = array<i32>} : memref<65536xf32, #tpu.memory_space<vmem>>, vector<16xf32>,
        %parallel_loop3A_622 = arith.maximumf %parallel_loop3A_572, %parallel_loop3A_579 : vector<16xf32>
        %parallel_loop3A_623 = arith.maximumf %parallel_loop3A_586, %parallel_loop3A_593 : vector<16xf32>
        %parallel_loop3A_624 = arith.maximumf %parallel_loop3A_622, %parallel_loop3A_623 : vector<16xf32>
        %parallel_loop3A_625 = arith.maximumf %parallel_loop3A_600, %parallel_loop3A_607 : vector<16xf32>
        %parallel_loop3A_626 = arith.maximumf %parallel_loop3A_614, %parallel_loop3A_621 : vector<16xf32>
        %parallel_loop3A_627 = arith.maximumf %parallel_loop3A_625, %parallel_loop3A_626 : vector<16xf32>
        %parallel_loop3A_628 = arith.maximumf %parallel_loop3A_624, %parallel_loop3A_627 : vector<16xf32>
        %parallel_loop3A_629 = arith.maximumf %parallel_loop3A_439, %parallel_loop3A_502 : vector<16xf32>
        %parallel_loop3A_630 = arith.maximumf %parallel_loop3A_565, %parallel_loop3A_628 : vector<16xf32>
        %parallel_loop3A_631 = arith.maximumf %parallel_loop3A_629, %parallel_loop3A_630 : vector<16xf32>
        %parallel_loop3A_632 = arith.constant true
        %parallel_loop3A_633 = vector.broadcast %parallel_loop3A_632 : i1 to vector<16xi1>
        %parallel_loop3A_634 = tpu.scan <max>, %parallel_loop3A_631 masked %parallel_loop3A_633 : vector<16xf32>, vector<16xi1> -> vector<16xf32>
        %parallel_loop3A_635 = vector.extract %parallel_loop3A_634[15] : f32 from vector<16xf32>
        %parallel_loop3A_636 = vector.broadcast %parallel_loop3A_635 : f32 to vector<16xf32>
        %parallel_loop3A_637 = arith.constant 16 : i32
        %parallel_loop3A_638 = arith.remsi %parallel_loop3A_373, %parallel_loop3A_637 : i32
        %parallel_loop3A_639 = vector.broadcast %parallel_loop3A_638 : i32 to vector<16xi32>
        %parallel_loop3A_640 = arith.cmpi eq, %iota3A, %parallel_loop3A_639 : vector<16xi32>
        %parallel_loop3A_641 = arith.select %parallel_loop3A_640, %parallel_loop3A_636, %parallel_loop3A_374 : vector<16xi1>, vector<16xf32>
        scf.yield %parallel_loop3A_641 : vector<16xf32>
      } {sc.loop_unroll_factor = 2 : i64, sc.parallel_access}
      %swap3A_351 = arith.constant 32 : index
      %swap3A_352 = tpu.vector_load %arg9[%swap3A_351] {strides = array<i32>} : memref<64xf32, #tpu.memory_space<vmem>>, vector<16xf32>,
      tpu.vector_store %arg9[%swap3A_351], %parallel_loop3A_350 {strides = array<i32>} : memref<64xf32, #tpu.memory_space<vmem>>, vector<16xf32>,
      %parallel_loop3A_353 = arith.constant 48 : i32
      %parallel_loop3A_354 = arith.constant 64 : i32
      %parallel_loop3A_355 = arith.constant 1 : i32
      %parallel_loop3A_356 = scf.for %parallel_loop3A_373 = %parallel_loop3A_353 to %parallel_loop3A_354 step %parallel_loop3A_355 iter_args(%parallel_loop3A_374 = %broadcast_in_dim3A_3) -> (vector<16xf32>)  : i32 {
        %parallel_loop3A_375 = arith.constant 512 : i32
        %parallel_loop3A_376 = arith.muli %parallel_loop3A_373, %parallel_loop3A_375 : i32
        %parallel_loop3A_377 = arith.addi %mul3A_318, %parallel_loop3A_376 : i32
        %parallel_loop3A_378 = arith.constant 0 : i32
        %parallel_loop3A_379 = arith.addi %parallel_loop3A_377, %parallel_loop3A_378 : i32
        %parallel_loop3A_380 = arith.constant 0 : i32
        %parallel_loop3A_381 = arith.addi %parallel_loop3A_379, %parallel_loop3A_380 : i32
        %parallel_loop3A_382 = arith.index_cast %parallel_loop3A_381 : i32 to index
        %parallel_loop3A_383 = tpu.vector_load %arg8[%parallel_loop3A_382] {strides = array<i32>} : memref<65536xf32, #tpu.memory_space<vmem>>, vector<16xf32>,
        %parallel_loop3A_384 = arith.addi %mul3A_318, %parallel_loop3A_376 : i32
        %parallel_loop3A_385 = arith.constant 0 : i32
        %parallel_loop3A_386 = arith.addi %parallel_loop3A_384, %parallel_loop3A_385 : i32
        %parallel_loop3A_387 = arith.constant 16 : i32
        %parallel_loop3A_388 = arith.addi %parallel_loop3A_386, %parallel_loop3A_387 : i32
        %parallel_loop3A_389 = arith.index_cast %parallel_loop3A_388 : i32 to index
        %parallel_loop3A_390 = tpu.vector_load %arg8[%parallel_loop3A_389] {strides = array<i32>} : memref<65536xf32, #tpu.memory_space<vmem>>, vector<16xf32>,
        %parallel_loop3A_391 = arith.addi %mul3A_318, %parallel_loop3A_376 : i32
        %parallel_loop3A_392 = arith.constant 0 : i32
        %parallel_loop3A_393 = arith.addi %parallel_loop3A_391, %parallel_loop3A_392 : i32
        %parallel_loop3A_394 = arith.constant 32 : i32
        %parallel_loop3A_395 = arith.addi %parallel_loop3A_393, %parallel_loop3A_394 : i32
        %parallel_loop3A_396 = arith.index_cast %parallel_loop3A_395 : i32 to index
        %parallel_loop3A_397 = tpu.vector_load %arg8[%parallel_loop3A_396] {strides = array<i32>} : memref<65536xf32, #tpu.memory_space<vmem>>, vector<16xf32>,
        %parallel_loop3A_398 = arith.addi %mul3A_318, %parallel_loop3A_376 : i32
        %parallel_loop3A_399 = arith.constant 0 : i32
        %parallel_loop3A_400 = arith.addi %parallel_loop3A_398, %parallel_loop3A_399 : i32
        %parallel_loop3A_401 = arith.constant 48 : i32
        %parallel_loop3A_402 = arith.addi %parallel_loop3A_400, %parallel_loop3A_401 : i32
        %parallel_loop3A_403 = arith.index_cast %parallel_loop3A_402 : i32 to index
        %parallel_loop3A_404 = tpu.vector_load %arg8[%parallel_loop3A_403] {strides = array<i32>} : memref<65536xf32, #tpu.memory_space<vmem>>, vector<16xf32>,
        %parallel_loop3A_405 = arith.addi %mul3A_318, %parallel_loop3A_376 : i32
        %parallel_loop3A_406 = arith.constant 0 : i32
        %parallel_loop3A_407 = arith.addi %parallel_loop3A_405, %parallel_loop3A_406 : i32
        %parallel_loop3A_408 = arith.constant 64 : i32
        %parallel_loop3A_409 = arith.addi %parallel_loop3A_407, %parallel_loop3A_408 : i32
        %parallel_loop3A_410 = arith.index_cast %parallel_loop3A_409 : i32 to index
        %parallel_loop3A_411 = tpu.vector_load %arg8[%parallel_loop3A_410] {strides = array<i32>} : memref<65536xf32, #tpu.memory_space<vmem>>, vector<16xf32>,
        %parallel_loop3A_412 = arith.addi %mul3A_318, %parallel_loop3A_376 : i32
        %parallel_loop3A_413 = arith.constant 0 : i32
        %parallel_loop3A_414 = arith.addi %parallel_loop3A_412, %parallel_loop3A_413 : i32
        %parallel_loop3A_415 = arith.constant 80 : i32
        %parallel_loop3A_416 = arith.addi %parallel_loop3A_414, %parallel_loop3A_415 : i32
        %parallel_loop3A_417 = arith.index_cast %parallel_loop3A_416 : i32 to index
        %parallel_loop3A_418 = tpu.vector_load %arg8[%parallel_loop3A_417] {strides = array<i32>} : memref<65536xf32, #tpu.memory_space<vmem>>, vector<16xf32>,
        %parallel_loop3A_419 = arith.addi %mul3A_318, %parallel_loop3A_376 : i32
        %parallel_loop3A_420 = arith.constant 0 : i32
        %parallel_loop3A_421 = arith.addi %parallel_loop3A_419, %parallel_loop3A_420 : i32
        %parallel_loop3A_422 = arith.constant 96 : i32
        %parallel_loop3A_423 = arith.addi %parallel_loop3A_421, %parallel_loop3A_422 : i32
        %parallel_loop3A_424 = arith.index_cast %parallel_loop3A_423 : i32 to index
        %parallel_loop3A_425 = tpu.vector_load %arg8[%parallel_loop3A_424] {strides = array<i32>} : memref<65536xf32, #tpu.memory_space<vmem>>, vector<16xf32>,
        %parallel_loop3A_426 = arith.addi %mul3A_318, %parallel_loop3A_376 : i32
        %parallel_loop3A_427 = arith.constant 0 : i32
        %parallel_loop3A_428 = arith.addi %parallel_loop3A_426, %parallel_loop3A_427 : i32
        %parallel_loop3A_429 = arith.constant 112 : i32
        %parallel_loop3A_430 = arith.addi %parallel_loop3A_428, %parallel_loop3A_429 : i32
        %parallel_loop3A_431 = arith.index_cast %parallel_loop3A_430 : i32 to index
        %parallel_loop3A_432 = tpu.vector_load %arg8[%parallel_loop3A_431] {strides = array<i32>} : memref<65536xf32, #tpu.memory_space<vmem>>, vector<16xf32>,
        %parallel_loop3A_433 = arith.maximumf %parallel_loop3A_383, %parallel_loop3A_390 : vector<16xf32>
        %parallel_loop3A_434 = arith.maximumf %parallel_loop3A_397, %parallel_loop3A_404 : vector<16xf32>
        %parallel_loop3A_435 = arith.maximumf %parallel_loop3A_433, %parallel_loop3A_434 : vector<16xf32>
        %parallel_loop3A_436 = arith.maximumf %parallel_loop3A_411, %parallel_loop3A_418 : vector<16xf32>
        %parallel_loop3A_437 = arith.maximumf %parallel_loop3A_425, %parallel_loop3A_432 : vector<16xf32>
        %parallel_loop3A_438 = arith.maximumf %parallel_loop3A_436, %parallel_loop3A_437 : vector<16xf32>
        %parallel_loop3A_439 = arith.maximumf %parallel_loop3A_435, %parallel_loop3A_438 : vector<16xf32>
        %parallel_loop3A_440 = arith.addi %mul3A_318, %parallel_loop3A_376 : i32
        %parallel_loop3A_441 = arith.constant 128 : i32
        %parallel_loop3A_442 = arith.addi %parallel_loop3A_440, %parallel_loop3A_441 : i32
        %parallel_loop3A_443 = arith.constant 0 : i32
        %parallel_loop3A_444 = arith.addi %parallel_loop3A_442, %parallel_loop3A_443 : i32
        %parallel_loop3A_445 = arith.index_cast %parallel_loop3A_444 : i32 to index
        %parallel_loop3A_446 = tpu.vector_load %arg8[%parallel_loop3A_445] {strides = array<i32>} : memref<65536xf32, #tpu.memory_space<vmem>>, vector<16xf32>,
        %parallel_loop3A_447 = arith.addi %mul3A_318, %parallel_loop3A_376 : i32
        %parallel_loop3A_448 = arith.constant 128 : i32
        %parallel_loop3A_449 = arith.addi %parallel_loop3A_447, %parallel_loop3A_448 : i32
        %parallel_loop3A_450 = arith.constant 16 : i32
        %parallel_loop3A_451 = arith.addi %parallel_loop3A_449, %parallel_loop3A_450 : i32
        %parallel_loop3A_452 = arith.index_cast %parallel_loop3A_451 : i32 to index
        %parallel_loop3A_453 = tpu.vector_load %arg8[%parallel_loop3A_452] {strides = array<i32>} : memref<65536xf32, #tpu.memory_space<vmem>>, vector<16xf32>,
        %parallel_loop3A_454 = arith.addi %mul3A_318, %parallel_loop3A_376 : i32
        %parallel_loop3A_455 = arith.constant 128 : i32
        %parallel_loop3A_456 = arith.addi %parallel_loop3A_454, %parallel_loop3A_455 : i32
        %parallel_loop3A_457 = arith.constant 32 : i32
        %parallel_loop3A_458 = arith.addi %parallel_loop3A_456, %parallel_loop3A_457 : i32
        %parallel_loop3A_459 = arith.index_cast %parallel_loop3A_458 : i32 to index
        %parallel_loop3A_460 = tpu.vector_load %arg8[%parallel_loop3A_459] {strides = array<i32>} : memref<65536xf32, #tpu.memory_space<vmem>>, vector<16xf32>,
        %parallel_loop3A_461 = arith.addi %mul3A_318, %parallel_loop3A_376 : i32
        %parallel_loop3A_462 = arith.constant 128 : i32
        %parallel_loop3A_463 = arith.addi %parallel_loop3A_461, %parallel_loop3A_462 : i32
        %parallel_loop3A_464 = arith.constant 48 : i32
        %parallel_loop3A_465 = arith.addi %parallel_loop3A_463, %parallel_loop3A_464 : i32
        %parallel_loop3A_466 = arith.index_cast %parallel_loop3A_465 : i32 to index
        %parallel_loop3A_467 = tpu.vector_load %arg8[%parallel_loop3A_466] {strides = array<i32>} : memref<65536xf32, #tpu.memory_space<vmem>>, vector<16xf32>,
        %parallel_loop3A_468 = arith.addi %mul3A_318, %parallel_loop3A_376 : i32
        %parallel_loop3A_469 = arith.constant 128 : i32
        %parallel_loop3A_470 = arith.addi %parallel_loop3A_468, %parallel_loop3A_469 : i32
        %parallel_loop3A_471 = arith.constant 64 : i32
        %parallel_loop3A_472 = arith.addi %parallel_loop3A_470, %parallel_loop3A_471 : i32
        %parallel_loop3A_473 = arith.index_cast %parallel_loop3A_472 : i32 to index
        %parallel_loop3A_474 = tpu.vector_load %arg8[%parallel_loop3A_473] {strides = array<i32>} : memref<65536xf32, #tpu.memory_space<vmem>>, vector<16xf32>,
        %parallel_loop3A_475 = arith.addi %mul3A_318, %parallel_loop3A_376 : i32
        %parallel_loop3A_476 = arith.constant 128 : i32
        %parallel_loop3A_477 = arith.addi %parallel_loop3A_475, %parallel_loop3A_476 : i32
        %parallel_loop3A_478 = arith.constant 80 : i32
        %parallel_loop3A_479 = arith.addi %parallel_loop3A_477, %parallel_loop3A_478 : i32
        %parallel_loop3A_480 = arith.index_cast %parallel_loop3A_479 : i32 to index
        %parallel_loop3A_481 = tpu.vector_load %arg8[%parallel_loop3A_480] {strides = array<i32>} : memref<65536xf32, #tpu.memory_space<vmem>>, vector<16xf32>,
        %parallel_loop3A_482 = arith.addi %mul3A_318, %parallel_loop3A_376 : i32
        %parallel_loop3A_483 = arith.constant 128 : i32
        %parallel_loop3A_484 = arith.addi %parallel_loop3A_482, %parallel_loop3A_483 : i32
        %parallel_loop3A_485 = arith.constant 96 : i32
        %parallel_loop3A_486 = arith.addi %parallel_loop3A_484, %parallel_loop3A_485 : i32
        %parallel_loop3A_487 = arith.index_cast %parallel_loop3A_486 : i32 to index
        %parallel_loop3A_488 = tpu.vector_load %arg8[%parallel_loop3A_487] {strides = array<i32>} : memref<65536xf32, #tpu.memory_space<vmem>>, vector<16xf32>,
        %parallel_loop3A_489 = arith.addi %mul3A_318, %parallel_loop3A_376 : i32
        %parallel_loop3A_490 = arith.constant 128 : i32
        %parallel_loop3A_491 = arith.addi %parallel_loop3A_489, %parallel_loop3A_490 : i32
        %parallel_loop3A_492 = arith.constant 112 : i32
        %parallel_loop3A_493 = arith.addi %parallel_loop3A_491, %parallel_loop3A_492 : i32
        %parallel_loop3A_494 = arith.index_cast %parallel_loop3A_493 : i32 to index
        %parallel_loop3A_495 = tpu.vector_load %arg8[%parallel_loop3A_494] {strides = array<i32>} : memref<65536xf32, #tpu.memory_space<vmem>>, vector<16xf32>,
        %parallel_loop3A_496 = arith.maximumf %parallel_loop3A_446, %parallel_loop3A_453 : vector<16xf32>
        %parallel_loop3A_497 = arith.maximumf %parallel_loop3A_460, %parallel_loop3A_467 : vector<16xf32>
        %parallel_loop3A_498 = arith.maximumf %parallel_loop3A_496, %parallel_loop3A_497 : vector<16xf32>
        %parallel_loop3A_499 = arith.maximumf %parallel_loop3A_474, %parallel_loop3A_481 : vector<16xf32>
        %parallel_loop3A_500 = arith.maximumf %parallel_loop3A_488, %parallel_loop3A_495 : vector<16xf32>
        %parallel_loop3A_501 = arith.maximumf %parallel_loop3A_499, %parallel_loop3A_500 : vector<16xf32>
        %parallel_loop3A_502 = arith.maximumf %parallel_loop3A_498, %parallel_loop3A_501 : vector<16xf32>
        %parallel_loop3A_503 = arith.addi %mul3A_318, %parallel_loop3A_376 : i32
        %parallel_loop3A_504 = arith.constant 256 : i32
        %parallel_loop3A_505 = arith.addi %parallel_loop3A_503, %parallel_loop3A_504 : i32
        %parallel_loop3A_506 = arith.constant 0 : i32
        %parallel_loop3A_507 = arith.addi %parallel_loop3A_505, %parallel_loop3A_506 : i32
        %parallel_loop3A_508 = arith.index_cast %parallel_loop3A_507 : i32 to index
        %parallel_loop3A_509 = tpu.vector_load %arg8[%parallel_loop3A_508] {strides = array<i32>} : memref<65536xf32, #tpu.memory_space<vmem>>, vector<16xf32>,
        %parallel_loop3A_510 = arith.addi %mul3A_318, %parallel_loop3A_376 : i32
        %parallel_loop3A_511 = arith.constant 256 : i32
        %parallel_loop3A_512 = arith.addi %parallel_loop3A_510, %parallel_loop3A_511 : i32
        %parallel_loop3A_513 = arith.constant 16 : i32
        %parallel_loop3A_514 = arith.addi %parallel_loop3A_512, %parallel_loop3A_513 : i32
        %parallel_loop3A_515 = arith.index_cast %parallel_loop3A_514 : i32 to index
        %parallel_loop3A_516 = tpu.vector_load %arg8[%parallel_loop3A_515] {strides = array<i32>} : memref<65536xf32, #tpu.memory_space<vmem>>, vector<16xf32>,
        %parallel_loop3A_517 = arith.addi %mul3A_318, %parallel_loop3A_376 : i32
        %parallel_loop3A_518 = arith.constant 256 : i32
        %parallel_loop3A_519 = arith.addi %parallel_loop3A_517, %parallel_loop3A_518 : i32
        %parallel_loop3A_520 = arith.constant 32 : i32
        %parallel_loop3A_521 = arith.addi %parallel_loop3A_519, %parallel_loop3A_520 : i32
        %parallel_loop3A_522 = arith.index_cast %parallel_loop3A_521 : i32 to index
        %parallel_loop3A_523 = tpu.vector_load %arg8[%parallel_loop3A_522] {strides = array<i32>} : memref<65536xf32, #tpu.memory_space<vmem>>, vector<16xf32>,
        %parallel_loop3A_524 = arith.addi %mul3A_318, %parallel_loop3A_376 : i32
        %parallel_loop3A_525 = arith.constant 256 : i32
        %parallel_loop3A_526 = arith.addi %parallel_loop3A_524, %parallel_loop3A_525 : i32
        %parallel_loop3A_527 = arith.constant 48 : i32
        %parallel_loop3A_528 = arith.addi %parallel_loop3A_526, %parallel_loop3A_527 : i32
        %parallel_loop3A_529 = arith.index_cast %parallel_loop3A_528 : i32 to index
        %parallel_loop3A_530 = tpu.vector_load %arg8[%parallel_loop3A_529] {strides = array<i32>} : memref<65536xf32, #tpu.memory_space<vmem>>, vector<16xf32>,
        %parallel_loop3A_531 = arith.addi %mul3A_318, %parallel_loop3A_376 : i32
        %parallel_loop3A_532 = arith.constant 256 : i32
        %parallel_loop3A_533 = arith.addi %parallel_loop3A_531, %parallel_loop3A_532 : i32
        %parallel_loop3A_534 = arith.constant 64 : i32
        %parallel_loop3A_535 = arith.addi %parallel_loop3A_533, %parallel_loop3A_534 : i32
        %parallel_loop3A_536 = arith.index_cast %parallel_loop3A_535 : i32 to index
        %parallel_loop3A_537 = tpu.vector_load %arg8[%parallel_loop3A_536] {strides = array<i32>} : memref<65536xf32, #tpu.memory_space<vmem>>, vector<16xf32>,
        %parallel_loop3A_538 = arith.addi %mul3A_318, %parallel_loop3A_376 : i32
        %parallel_loop3A_539 = arith.constant 256 : i32
        %parallel_loop3A_540 = arith.addi %parallel_loop3A_538, %parallel_loop3A_539 : i32
        %parallel_loop3A_541 = arith.constant 80 : i32
        %parallel_loop3A_542 = arith.addi %parallel_loop3A_540, %parallel_loop3A_541 : i32
        %parallel_loop3A_543 = arith.index_cast %parallel_loop3A_542 : i32 to index
        %parallel_loop3A_544 = tpu.vector_load %arg8[%parallel_loop3A_543] {strides = array<i32>} : memref<65536xf32, #tpu.memory_space<vmem>>, vector<16xf32>,
        %parallel_loop3A_545 = arith.addi %mul3A_318, %parallel_loop3A_376 : i32
        %parallel_loop3A_546 = arith.constant 256 : i32
        %parallel_loop3A_547 = arith.addi %parallel_loop3A_545, %parallel_loop3A_546 : i32
        %parallel_loop3A_548 = arith.constant 96 : i32
        %parallel_loop3A_549 = arith.addi %parallel_loop3A_547, %parallel_loop3A_548 : i32
        %parallel_loop3A_550 = arith.index_cast %parallel_loop3A_549 : i32 to index
        %parallel_loop3A_551 = tpu.vector_load %arg8[%parallel_loop3A_550] {strides = array<i32>} : memref<65536xf32, #tpu.memory_space<vmem>>, vector<16xf32>,
        %parallel_loop3A_552 = arith.addi %mul3A_318, %parallel_loop3A_376 : i32
        %parallel_loop3A_553 = arith.constant 256 : i32
        %parallel_loop3A_554 = arith.addi %parallel_loop3A_552, %parallel_loop3A_553 : i32
        %parallel_loop3A_555 = arith.constant 112 : i32
        %parallel_loop3A_556 = arith.addi %parallel_loop3A_554, %parallel_loop3A_555 : i32
        %parallel_loop3A_557 = arith.index_cast %parallel_loop3A_556 : i32 to index
        %parallel_loop3A_558 = tpu.vector_load %arg8[%parallel_loop3A_557] {strides = array<i32>} : memref<65536xf32, #tpu.memory_space<vmem>>, vector<16xf32>,
        %parallel_loop3A_559 = arith.maximumf %parallel_loop3A_509, %parallel_loop3A_516 : vector<16xf32>
        %parallel_loop3A_560 = arith.maximumf %parallel_loop3A_523, %parallel_loop3A_530 : vector<16xf32>
        %parallel_loop3A_561 = arith.maximumf %parallel_loop3A_559, %parallel_loop3A_560 : vector<16xf32>
        %parallel_loop3A_562 = arith.maximumf %parallel_loop3A_537, %parallel_loop3A_544 : vector<16xf32>
        %parallel_loop3A_563 = arith.maximumf %parallel_loop3A_551, %parallel_loop3A_558 : vector<16xf32>
        %parallel_loop3A_564 = arith.maximumf %parallel_loop3A_562, %parallel_loop3A_563 : vector<16xf32>
        %parallel_loop3A_565 = arith.maximumf %parallel_loop3A_561, %parallel_loop3A_564 : vector<16xf32>
        %parallel_loop3A_566 = arith.addi %mul3A_318, %parallel_loop3A_376 : i32
        %parallel_loop3A_567 = arith.constant 384 : i32
        %parallel_loop3A_568 = arith.addi %parallel_loop3A_566, %parallel_loop3A_567 : i32
        %parallel_loop3A_569 = arith.constant 0 : i32
        %parallel_loop3A_570 = arith.addi %parallel_loop3A_568, %parallel_loop3A_569 : i32
        %parallel_loop3A_571 = arith.index_cast %parallel_loop3A_570 : i32 to index
        %parallel_loop3A_572 = tpu.vector_load %arg8[%parallel_loop3A_571] {strides = array<i32>} : memref<65536xf32, #tpu.memory_space<vmem>>, vector<16xf32>,
        %parallel_loop3A_573 = arith.addi %mul3A_318, %parallel_loop3A_376 : i32
        %parallel_loop3A_574 = arith.constant 384 : i32
        %parallel_loop3A_575 = arith.addi %parallel_loop3A_573, %parallel_loop3A_574 : i32
        %parallel_loop3A_576 = arith.constant 16 : i32
        %parallel_loop3A_577 = arith.addi %parallel_loop3A_575, %parallel_loop3A_576 : i32
        %parallel_loop3A_578 = arith.index_cast %parallel_loop3A_577 : i32 to index
        %parallel_loop3A_579 = tpu.vector_load %arg8[%parallel_loop3A_578] {strides = array<i32>} : memref<65536xf32, #tpu.memory_space<vmem>>, vector<16xf32>,
        %parallel_loop3A_580 = arith.addi %mul3A_318, %parallel_loop3A_376 : i32
        %parallel_loop3A_581 = arith.constant 384 : i32
        %parallel_loop3A_582 = arith.addi %parallel_loop3A_580, %parallel_loop3A_581 : i32
        %parallel_loop3A_583 = arith.constant 32 : i32
        %parallel_loop3A_584 = arith.addi %parallel_loop3A_582, %parallel_loop3A_583 : i32
        %parallel_loop3A_585 = arith.index_cast %parallel_loop3A_584 : i32 to index
        %parallel_loop3A_586 = tpu.vector_load %arg8[%parallel_loop3A_585] {strides = array<i32>} : memref<65536xf32, #tpu.memory_space<vmem>>, vector<16xf32>,
        %parallel_loop3A_587 = arith.addi %mul3A_318, %parallel_loop3A_376 : i32
        %parallel_loop3A_588 = arith.constant 384 : i32
        %parallel_loop3A_589 = arith.addi %parallel_loop3A_587, %parallel_loop3A_588 : i32
        %parallel_loop3A_590 = arith.constant 48 : i32
        %parallel_loop3A_591 = arith.addi %parallel_loop3A_589, %parallel_loop3A_590 : i32
        %parallel_loop3A_592 = arith.index_cast %parallel_loop3A_591 : i32 to index
        %parallel_loop3A_593 = tpu.vector_load %arg8[%parallel_loop3A_592] {strides = array<i32>} : memref<65536xf32, #tpu.memory_space<vmem>>, vector<16xf32>,
        %parallel_loop3A_594 = arith.addi %mul3A_318, %parallel_loop3A_376 : i32
        %parallel_loop3A_595 = arith.constant 384 : i32
        %parallel_loop3A_596 = arith.addi %parallel_loop3A_594, %parallel_loop3A_595 : i32
        %parallel_loop3A_597 = arith.constant 64 : i32
        %parallel_loop3A_598 = arith.addi %parallel_loop3A_596, %parallel_loop3A_597 : i32
        %parallel_loop3A_599 = arith.index_cast %parallel_loop3A_598 : i32 to index
        %parallel_loop3A_600 = tpu.vector_load %arg8[%parallel_loop3A_599] {strides = array<i32>} : memref<65536xf32, #tpu.memory_space<vmem>>, vector<16xf32>,
        %parallel_loop3A_601 = arith.addi %mul3A_318, %parallel_loop3A_376 : i32
        %parallel_loop3A_602 = arith.constant 384 : i32
        %parallel_loop3A_603 = arith.addi %parallel_loop3A_601, %parallel_loop3A_602 : i32
        %parallel_loop3A_604 = arith.constant 80 : i32
        %parallel_loop3A_605 = arith.addi %parallel_loop3A_603, %parallel_loop3A_604 : i32
        %parallel_loop3A_606 = arith.index_cast %parallel_loop3A_605 : i32 to index
        %parallel_loop3A_607 = tpu.vector_load %arg8[%parallel_loop3A_606] {strides = array<i32>} : memref<65536xf32, #tpu.memory_space<vmem>>, vector<16xf32>,
        %parallel_loop3A_608 = arith.addi %mul3A_318, %parallel_loop3A_376 : i32
        %parallel_loop3A_609 = arith.constant 384 : i32
        %parallel_loop3A_610 = arith.addi %parallel_loop3A_608, %parallel_loop3A_609 : i32
        %parallel_loop3A_611 = arith.constant 96 : i32
        %parallel_loop3A_612 = arith.addi %parallel_loop3A_610, %parallel_loop3A_611 : i32
        %parallel_loop3A_613 = arith.index_cast %parallel_loop3A_612 : i32 to index
        %parallel_loop3A_614 = tpu.vector_load %arg8[%parallel_loop3A_613] {strides = array<i32>} : memref<65536xf32, #tpu.memory_space<vmem>>, vector<16xf32>,
        %parallel_loop3A_615 = arith.addi %mul3A_318, %parallel_loop3A_376 : i32
        %parallel_loop3A_616 = arith.constant 384 : i32
        %parallel_loop3A_617 = arith.addi %parallel_loop3A_615, %parallel_loop3A_616 : i32
        %parallel_loop3A_618 = arith.constant 112 : i32
        %parallel_loop3A_619 = arith.addi %parallel_loop3A_617, %parallel_loop3A_618 : i32
        %parallel_loop3A_620 = arith.index_cast %parallel_loop3A_619 : i32 to index
        %parallel_loop3A_621 = tpu.vector_load %arg8[%parallel_loop3A_620] {strides = array<i32>} : memref<65536xf32, #tpu.memory_space<vmem>>, vector<16xf32>,
        %parallel_loop3A_622 = arith.maximumf %parallel_loop3A_572, %parallel_loop3A_579 : vector<16xf32>
        %parallel_loop3A_623 = arith.maximumf %parallel_loop3A_586, %parallel_loop3A_593 : vector<16xf32>
        %parallel_loop3A_624 = arith.maximumf %parallel_loop3A_622, %parallel_loop3A_623 : vector<16xf32>
        %parallel_loop3A_625 = arith.maximumf %parallel_loop3A_600, %parallel_loop3A_607 : vector<16xf32>
        %parallel_loop3A_626 = arith.maximumf %parallel_loop3A_614, %parallel_loop3A_621 : vector<16xf32>
        %parallel_loop3A_627 = arith.maximumf %parallel_loop3A_625, %parallel_loop3A_626 : vector<16xf32>
        %parallel_loop3A_628 = arith.maximumf %parallel_loop3A_624, %parallel_loop3A_627 : vector<16xf32>
        %parallel_loop3A_629 = arith.maximumf %parallel_loop3A_439, %parallel_loop3A_502 : vector<16xf32>
        %parallel_loop3A_630 = arith.maximumf %parallel_loop3A_565, %parallel_loop3A_628 : vector<16xf32>
        %parallel_loop3A_631 = arith.maximumf %parallel_loop3A_629, %parallel_loop3A_630 : vector<16xf32>
        %parallel_loop3A_632 = arith.constant true
        %parallel_loop3A_633 = vector.broadcast %parallel_loop3A_632 : i1 to vector<16xi1>
        %parallel_loop3A_634 = tpu.scan <max>, %parallel_loop3A_631 masked %parallel_loop3A_633 : vector<16xf32>, vector<16xi1> -> vector<16xf32>
        %parallel_loop3A_635 = vector.extract %parallel_loop3A_634[15] : f32 from vector<16xf32>
        %parallel_loop3A_636 = vector.broadcast %parallel_loop3A_635 : f32 to vector<16xf32>
        %parallel_loop3A_637 = arith.constant 16 : i32
        %parallel_loop3A_638 = arith.remsi %parallel_loop3A_373, %parallel_loop3A_637 : i32
        %parallel_loop3A_639 = vector.broadcast %parallel_loop3A_638 : i32 to vector<16xi32>
        %parallel_loop3A_640 = arith.cmpi eq, %iota3A, %parallel_loop3A_639 : vector<16xi32>
        %parallel_loop3A_641 = arith.select %parallel_loop3A_640, %parallel_loop3A_636, %parallel_loop3A_374 : vector<16xi1>, vector<16xf32>
        scf.yield %parallel_loop3A_641 : vector<16xf32>
      } {sc.loop_unroll_factor = 2 : i64, sc.parallel_access}
      %swap3A_357 = arith.constant 48 : index
      %swap3A_358 = tpu.vector_load %arg9[%swap3A_357] {strides = array<i32>} : memref<64xf32, #tpu.memory_space<vmem>>, vector<16xf32>,
      tpu.vector_store %arg9[%swap3A_357], %parallel_loop3A_356 {strides = array<i32>} : memref<64xf32, #tpu.memory_space<vmem>>, vector<16xf32>,
      %slice3A = vector.extract_strided_slice %scan3A_314 {offsets = [0], sizes = [1], strides = [1]} : vector<16xf32> to vector<1xf32>
      %squeeze3A = vector.extract %slice3A[0] : f32 from vector<1xf32>
      %broadcast_in_dim3A_359 = vector.broadcast %squeeze3A : f32 to vector<16xf32>
      %sub3A = arith.subf %broadcast_in_dim3A_359, %gather3A_333 : vector<16xf32>
      %abs3A = math.absf %sub3A : vector<16xf32>
      %mul3A_360 = arith.constant 9.99999997E-7 : f32
      %mul3A_361 = vector.broadcast %mul3A_360 : f32 to vector<16xf32>
      %mul3A_362 = arith.mulf %abs3A, %mul3A_361 : vector<16xf32>
      %add3A_363 = arith.constant 9.99999997E-7 : f32
      %add3A_364 = vector.broadcast %add3A_363 : f32 to vector<16xf32>
      %add3A_365 = arith.addf %mul3A_362, %add3A_364 : vector<16xf32>
      %sub3A_366 = arith.subf %sub3A, %add3A_365 : vector<16xf32>
      %scan3A_367 = arith.constant 0 : i32
      %scan3A_368 = arith.constant 4 : i32
      %scan3A_369 = arith.addi %scan3A_367, %scan3A_368 : i32
      %scan3A_370 = arith.constant 1 : i32
      %scan3A_371:3 = scf.for %scan3A_373 = %scan3A_367 to %scan3A_369 step %scan3A_370 iter_args(%scan3A_374 = %scan3A_314, %scan3A_375 = %scan3A_315, %scan3A_376 = %sub3A_366) -> (vector<16xf32>, vector<16xi32>, vector<16xf32>)  : i32 {
        %mul3A_377 = arith.constant 16 : i32
        %mul3A_378 = arith.muli %scan3A_373, %mul3A_377 : i32
        %get3A = arith.index_cast %mul3A_378 : i32 to index
        %get3A_379 = tpu.vector_load %arg9[%get3A] {strides = array<i32>} : memref<64xf32, #tpu.memory_space<vmem>>, vector<16xf32>,
        %while3A:4 = scf.while (%while3A_380 = %scan3A_374, %while3A_381 = %scan3A_375, %while3A_382 = %scan3A_376, %while3A_383 = %get3A_379) : (vector<16xf32>, vector<16xi32>, vector<16xf32>, vector<16xf32>) -> (vector<16xf32>, vector<16xi32>, vector<16xf32>, vector<16xf32>) {
          %gt3A = arith.cmpf ogt, %while3A_383, %while3A_382 : vector<16xf32>
          %reduce_or3A = arith.constant 1.000000e+00 : f32
          %reduce_or3A_384 = arith.constant 0.000000e+00 : f32
          %reduce_or3A_385 = vector.broadcast %reduce_or3A : f32 to vector<16xf32>
          %reduce_or3A_386 = vector.broadcast %reduce_or3A_384 : f32 to vector<16xf32>
          %reduce_or3A_387 = arith.select %gt3A, %reduce_or3A_385, %reduce_or3A_386 : vector<16xi1>, vector<16xf32>
          %reduce_or3A_388 = arith.constant true
          %reduce_or3A_389 = vector.broadcast %reduce_or3A_388 : i1 to vector<16xi1>
          %reduce_or3A_390 = tpu.scan <max>, %reduce_or3A_387 masked %reduce_or3A_389 : vector<16xf32>, vector<16xi1> -> vector<16xf32>
          %reduce_or3A_391 = vector.extract %reduce_or3A_390[15] : f32 from vector<16xf32>
          %reduce_or3A_392 = arith.constant 0.000000e+00 : f32
          %reduce_or3A_393 = arith.cmpf ogt, %reduce_or3A_391, %reduce_or3A_392 : f32
          scf.condition(%reduce_or3A_393) %while3A_380, %while3A_381, %while3A_382, %while3A_383 : vector<16xf32>, vector<16xi32>, vector<16xf32>, vector<16xf32>
        } do {
        ^bb0(%while3A_380: vector<16xf32>, %while3A_381: vector<16xi32>, %while3A_382: vector<16xf32>, %while3A_383: vector<16xf32>):
          %gt3A = arith.cmpf ogt, %while3A_383, %while3A_382 : vector<16xf32>
          %all_reduce_ffs3A = tpu.all_reduce %gt3A {dim = 0 : i64, kind = #tpu.reduction_kind<find_first_set>} : vector<16xi1> -> vector<16xi32>
          %mul3A_384 = arith.constant 16 : i32
          %mul3A_385 = arith.muli %scan3A_373, %mul3A_384 : i32
          %slice3A_386 = vector.extract_strided_slice %all_reduce_ffs3A {offsets = [0], sizes = [1], strides = [1]} : vector<16xi32> to vector<1xi32>
          %squeeze3A_387 = vector.extract %slice3A_386[0] : i32 from vector<1xi32>
          %add3A_388 = arith.addi %mul3A_385, %squeeze3A_387 : i32
          %eq3A = arith.cmpi eq, %iota3A, %all_reduce_ffs3A : vector<16xi32>
          %select_n3A = arith.select %eq3A, %broadcast_in_dim3A_3, %while3A_383 : vector<16xi1>, vector<16xf32>
          %mul3A_389 = arith.constant 512 : i32
          %mul3A_390 = arith.muli %add3A_388, %mul3A_389 : i32
          %add3A_391 = arith.constant 0 : i32
          %add3A_392 = arith.addi %mul3A_390, %add3A_391 : i32
          %add3A_393 = arith.addi %mul3A_318, %add3A_392 : i32
          %add3A_394 = arith.constant 0 : i32
          %add3A_395 = arith.addi %add3A_393, %add3A_394 : i32
          %get3A_396 = arith.index_cast %add3A_395 : i32 to index
          %get3A_397 = tpu.vector_load %arg8[%get3A_396] {strides = array<i32>} : memref<65536xf32, #tpu.memory_space<vmem>>, vector<16xf32>,
          %eq3A_398 = arith.constant 0 : i32
          %eq3A_399 = vector.broadcast %eq3A_398 : i32 to vector<16xi32>
          %eq3A_400 = arith.cmpi eq, %iota3A, %eq3A_399 : vector<16xi32>
          %gt3A_401 = arith.cmpf ogt, %get3A_397, %while3A_382 : vector<16xf32>
          %all_reduce_population_count3A = tpu.all_reduce %gt3A_401 {dim = 0 : i64, kind = #tpu.reduction_kind<sum>} : vector<16xi1> -> vector<16xi32>
          %select_n3A_402 = arith.select %eq3A_400, %all_reduce_population_count3A, %broadcast_in_dim3A_1 : vector<16xi1>, vector<16xi32>
          %add3A_403 = arith.addi %mul3A_318, %add3A_392 : i32
          %add3A_404 = arith.constant 16 : i32
          %add3A_405 = arith.addi %add3A_403, %add3A_404 : i32
          %get3A_406 = arith.index_cast %add3A_405 : i32 to index
          %get3A_407 = tpu.vector_load %arg8[%get3A_406] {strides = array<i32>} : memref<65536xf32, #tpu.memory_space<vmem>>, vector<16xf32>,
          %eq3A_408 = arith.constant 1 : i32
          %eq3A_409 = vector.broadcast %eq3A_408 : i32 to vector<16xi32>
          %eq3A_410 = arith.cmpi eq, %iota3A, %eq3A_409 : vector<16xi32>
          %gt3A_411 = arith.cmpf ogt, %get3A_407, %while3A_382 : vector<16xf32>
          %all_reduce_population_count3A_412 = tpu.all_reduce %gt3A_411 {dim = 0 : i64, kind = #tpu.reduction_kind<sum>} : vector<16xi1> -> vector<16xi32>
          %select_n3A_413 = arith.select %eq3A_410, %all_reduce_population_count3A_412, %select_n3A_402 : vector<16xi1>, vector<16xi32>
          %add3A_414 = arith.addi %mul3A_318, %add3A_392 : i32
          %add3A_415 = arith.constant 32 : i32
          %add3A_416 = arith.addi %add3A_414, %add3A_415 : i32
          %get3A_417 = arith.index_cast %add3A_416 : i32 to index
          %get3A_418 = tpu.vector_load %arg8[%get3A_417] {strides = array<i32>} : memref<65536xf32, #tpu.memory_space<vmem>>, vector<16xf32>,
          %eq3A_419 = arith.constant 2 : i32
          %eq3A_420 = vector.broadcast %eq3A_419 : i32 to vector<16xi32>
          %eq3A_421 = arith.cmpi eq, %iota3A, %eq3A_420 : vector<16xi32>
          %gt3A_422 = arith.cmpf ogt, %get3A_418, %while3A_382 : vector<16xf32>
          %all_reduce_population_count3A_423 = tpu.all_reduce %gt3A_422 {dim = 0 : i64, kind = #tpu.reduction_kind<sum>} : vector<16xi1> -> vector<16xi32>
          %select_n3A_424 = arith.select %eq3A_421, %all_reduce_population_count3A_423, %select_n3A_413 : vector<16xi1>, vector<16xi32>
          %add3A_425 = arith.addi %mul3A_318, %add3A_392 : i32
          %add3A_426 = arith.constant 48 : i32
          %add3A_427 = arith.addi %add3A_425, %add3A_426 : i32
          %get3A_428 = arith.index_cast %add3A_427 : i32 to index
          %get3A_429 = tpu.vector_load %arg8[%get3A_428] {strides = array<i32>} : memref<65536xf32, #tpu.memory_space<vmem>>, vector<16xf32>,
          %eq3A_430 = arith.constant 3 : i32
          %eq3A_431 = vector.broadcast %eq3A_430 : i32 to vector<16xi32>
          %eq3A_432 = arith.cmpi eq, %iota3A, %eq3A_431 : vector<16xi32>
          %gt3A_433 = arith.cmpf ogt, %get3A_429, %while3A_382 : vector<16xf32>
          %all_reduce_population_count3A_434 = tpu.all_reduce %gt3A_433 {dim = 0 : i64, kind = #tpu.reduction_kind<sum>} : vector<16xi1> -> vector<16xi32>
          %select_n3A_435 = arith.select %eq3A_432, %all_reduce_population_count3A_434, %select_n3A_424 : vector<16xi1>, vector<16xi32>
          %add3A_436 = arith.addi %mul3A_318, %add3A_392 : i32
          %add3A_437 = arith.constant 64 : i32
          %add3A_438 = arith.addi %add3A_436, %add3A_437 : i32
          %get3A_439 = arith.index_cast %add3A_438 : i32 to index
          %get3A_440 = tpu.vector_load %arg8[%get3A_439] {strides = array<i32>} : memref<65536xf32, #tpu.memory_space<vmem>>, vector<16xf32>,
          %eq3A_441 = arith.constant 4 : i32
          %eq3A_442 = vector.broadcast %eq3A_441 : i32 to vector<16xi32>
          %eq3A_443 = arith.cmpi eq, %iota3A, %eq3A_442 : vector<16xi32>
          %gt3A_444 = arith.cmpf ogt, %get3A_440, %while3A_382 : vector<16xf32>
          %all_reduce_population_count3A_445 = tpu.all_reduce %gt3A_444 {dim = 0 : i64, kind = #tpu.reduction_kind<sum>} : vector<16xi1> -> vector<16xi32>
          %select_n3A_446 = arith.select %eq3A_443, %all_reduce_population_count3A_445, %select_n3A_435 : vector<16xi1>, vector<16xi32>
          %add3A_447 = arith.addi %mul3A_318, %add3A_392 : i32
          %add3A_448 = arith.constant 80 : i32
          %add3A_449 = arith.addi %add3A_447, %add3A_448 : i32
          %get3A_450 = arith.index_cast %add3A_449 : i32 to index
          %get3A_451 = tpu.vector_load %arg8[%get3A_450] {strides = array<i32>} : memref<65536xf32, #tpu.memory_space<vmem>>, vector<16xf32>,
          %eq3A_452 = arith.constant 5 : i32
          %eq3A_453 = vector.broadcast %eq3A_452 : i32 to vector<16xi32>
          %eq3A_454 = arith.cmpi eq, %iota3A, %eq3A_453 : vector<16xi32>
          %gt3A_455 = arith.cmpf ogt, %get3A_451, %while3A_382 : vector<16xf32>
          %all_reduce_population_count3A_456 = tpu.all_reduce %gt3A_455 {dim = 0 : i64, kind = #tpu.reduction_kind<sum>} : vector<16xi1> -> vector<16xi32>
          %select_n3A_457 = arith.select %eq3A_454, %all_reduce_population_count3A_456, %select_n3A_446 : vector<16xi1>, vector<16xi32>
          %add3A_458 = arith.addi %mul3A_318, %add3A_392 : i32
          %add3A_459 = arith.constant 96 : i32
          %add3A_460 = arith.addi %add3A_458, %add3A_459 : i32
          %get3A_461 = arith.index_cast %add3A_460 : i32 to index
          %get3A_462 = tpu.vector_load %arg8[%get3A_461] {strides = array<i32>} : memref<65536xf32, #tpu.memory_space<vmem>>, vector<16xf32>,
          %eq3A_463 = arith.constant 6 : i32
          %eq3A_464 = vector.broadcast %eq3A_463 : i32 to vector<16xi32>
          %eq3A_465 = arith.cmpi eq, %iota3A, %eq3A_464 : vector<16xi32>
          %gt3A_466 = arith.cmpf ogt, %get3A_462, %while3A_382 : vector<16xf32>
          %all_reduce_population_count3A_467 = tpu.all_reduce %gt3A_466 {dim = 0 : i64, kind = #tpu.reduction_kind<sum>} : vector<16xi1> -> vector<16xi32>
          %select_n3A_468 = arith.select %eq3A_465, %all_reduce_population_count3A_467, %select_n3A_457 : vector<16xi1>, vector<16xi32>
          %add3A_469 = arith.addi %mul3A_318, %add3A_392 : i32
          %add3A_470 = arith.constant 112 : i32
          %add3A_471 = arith.addi %add3A_469, %add3A_470 : i32
          %get3A_472 = arith.index_cast %add3A_471 : i32 to index
          %get3A_473 = tpu.vector_load %arg8[%get3A_472] {strides = array<i32>} : memref<65536xf32, #tpu.memory_space<vmem>>, vector<16xf32>,
          %eq3A_474 = arith.constant 7 : i32
          %eq3A_475 = vector.broadcast %eq3A_474 : i32 to vector<16xi32>
          %eq3A_476 = arith.cmpi eq, %iota3A, %eq3A_475 : vector<16xi32>
          %gt3A_477 = arith.cmpf ogt, %get3A_473, %while3A_382 : vector<16xf32>
          %all_reduce_population_count3A_478 = tpu.all_reduce %gt3A_477 {dim = 0 : i64, kind = #tpu.reduction_kind<sum>} : vector<16xi1> -> vector<16xi32>
          %select_n3A_479 = arith.select %eq3A_476, %all_reduce_population_count3A_478, %select_n3A_468 : vector<16xi1>, vector<16xi32>
          %add3A_480 = arith.addi %mul3A_318, %add3A_392 : i32
          %add3A_481 = arith.constant 128 : i32
          %add3A_482 = arith.addi %add3A_480, %add3A_481 : i32
          %get3A_483 = arith.index_cast %add3A_482 : i32 to index
          %get3A_484 = tpu.vector_load %arg8[%get3A_483] {strides = array<i32>} : memref<65536xf32, #tpu.memory_space<vmem>>, vector<16xf32>,
          %eq3A_485 = arith.constant 8 : i32
          %eq3A_486 = vector.broadcast %eq3A_485 : i32 to vector<16xi32>
          %eq3A_487 = arith.cmpi eq, %iota3A, %eq3A_486 : vector<16xi32>
          %gt3A_488 = arith.cmpf ogt, %get3A_484, %while3A_382 : vector<16xf32>
          %all_reduce_population_count3A_489 = tpu.all_reduce %gt3A_488 {dim = 0 : i64, kind = #tpu.reduction_kind<sum>} : vector<16xi1> -> vector<16xi32>
          %select_n3A_490 = arith.select %eq3A_487, %all_reduce_population_count3A_489, %select_n3A_479 : vector<16xi1>, vector<16xi32>
          %add3A_491 = arith.addi %mul3A_318, %add3A_392 : i32
          %add3A_492 = arith.constant 144 : i32
          %add3A_493 = arith.addi %add3A_491, %add3A_492 : i32
          %get3A_494 = arith.index_cast %add3A_493 : i32 to index
          %get3A_495 = tpu.vector_load %arg8[%get3A_494] {strides = array<i32>} : memref<65536xf32, #tpu.memory_space<vmem>>, vector<16xf32>,
          %eq3A_496 = arith.constant 9 : i32
          %eq3A_497 = vector.broadcast %eq3A_496 : i32 to vector<16xi32>
          %eq3A_498 = arith.cmpi eq, %iota3A, %eq3A_497 : vector<16xi32>
          %gt3A_499 = arith.cmpf ogt, %get3A_495, %while3A_382 : vector<16xf32>
          %all_reduce_population_count3A_500 = tpu.all_reduce %gt3A_499 {dim = 0 : i64, kind = #tpu.reduction_kind<sum>} : vector<16xi1> -> vector<16xi32>
          %select_n3A_501 = arith.select %eq3A_498, %all_reduce_population_count3A_500, %select_n3A_490 : vector<16xi1>, vector<16xi32>
          %add3A_502 = arith.addi %mul3A_318, %add3A_392 : i32
          %add3A_503 = arith.constant 160 : i32
          %add3A_504 = arith.addi %add3A_502, %add3A_503 : i32
          %get3A_505 = arith.index_cast %add3A_504 : i32 to index
          %get3A_506 = tpu.vector_load %arg8[%get3A_505] {strides = array<i32>} : memref<65536xf32, #tpu.memory_space<vmem>>, vector<16xf32>,
          %eq3A_507 = arith.constant 10 : i32
          %eq3A_508 = vector.broadcast %eq3A_507 : i32 to vector<16xi32>
          %eq3A_509 = arith.cmpi eq, %iota3A, %eq3A_508 : vector<16xi32>
          %gt3A_510 = arith.cmpf ogt, %get3A_506, %while3A_382 : vector<16xf32>
          %all_reduce_population_count3A_511 = tpu.all_reduce %gt3A_510 {dim = 0 : i64, kind = #tpu.reduction_kind<sum>} : vector<16xi1> -> vector<16xi32>
          %select_n3A_512 = arith.select %eq3A_509, %all_reduce_population_count3A_511, %select_n3A_501 : vector<16xi1>, vector<16xi32>
          %add3A_513 = arith.addi %mul3A_318, %add3A_392 : i32
          %add3A_514 = arith.constant 176 : i32
          %add3A_515 = arith.addi %add3A_513, %add3A_514 : i32
          %get3A_516 = arith.index_cast %add3A_515 : i32 to index
          %get3A_517 = tpu.vector_load %arg8[%get3A_516] {strides = array<i32>} : memref<65536xf32, #tpu.memory_space<vmem>>, vector<16xf32>,
          %eq3A_518 = arith.constant 11 : i32
          %eq3A_519 = vector.broadcast %eq3A_518 : i32 to vector<16xi32>
          %eq3A_520 = arith.cmpi eq, %iota3A, %eq3A_519 : vector<16xi32>
          %gt3A_521 = arith.cmpf ogt, %get3A_517, %while3A_382 : vector<16xf32>
          %all_reduce_population_count3A_522 = tpu.all_reduce %gt3A_521 {dim = 0 : i64, kind = #tpu.reduction_kind<sum>} : vector<16xi1> -> vector<16xi32>
          %select_n3A_523 = arith.select %eq3A_520, %all_reduce_population_count3A_522, %select_n3A_512 : vector<16xi1>, vector<16xi32>
          %add3A_524 = arith.addi %mul3A_318, %add3A_392 : i32
          %add3A_525 = arith.constant 192 : i32
          %add3A_526 = arith.addi %add3A_524, %add3A_525 : i32
          %get3A_527 = arith.index_cast %add3A_526 : i32 to index
          %get3A_528 = tpu.vector_load %arg8[%get3A_527] {strides = array<i32>} : memref<65536xf32, #tpu.memory_space<vmem>>, vector<16xf32>,
          %eq3A_529 = arith.constant 12 : i32
          %eq3A_530 = vector.broadcast %eq3A_529 : i32 to vector<16xi32>
          %eq3A_531 = arith.cmpi eq, %iota3A, %eq3A_530 : vector<16xi32>
          %gt3A_532 = arith.cmpf ogt, %get3A_528, %while3A_382 : vector<16xf32>
          %all_reduce_population_count3A_533 = tpu.all_reduce %gt3A_532 {dim = 0 : i64, kind = #tpu.reduction_kind<sum>} : vector<16xi1> -> vector<16xi32>
          %select_n3A_534 = arith.select %eq3A_531, %all_reduce_population_count3A_533, %select_n3A_523 : vector<16xi1>, vector<16xi32>
          %add3A_535 = arith.addi %mul3A_318, %add3A_392 : i32
          %add3A_536 = arith.constant 208 : i32
          %add3A_537 = arith.addi %add3A_535, %add3A_536 : i32
          %get3A_538 = arith.index_cast %add3A_537 : i32 to index
          %get3A_539 = tpu.vector_load %arg8[%get3A_538] {strides = array<i32>} : memref<65536xf32, #tpu.memory_space<vmem>>, vector<16xf32>,
          %eq3A_540 = arith.constant 13 : i32
          %eq3A_541 = vector.broadcast %eq3A_540 : i32 to vector<16xi32>
          %eq3A_542 = arith.cmpi eq, %iota3A, %eq3A_541 : vector<16xi32>
          %gt3A_543 = arith.cmpf ogt, %get3A_539, %while3A_382 : vector<16xf32>
          %all_reduce_population_count3A_544 = tpu.all_reduce %gt3A_543 {dim = 0 : i64, kind = #tpu.reduction_kind<sum>} : vector<16xi1> -> vector<16xi32>
          %select_n3A_545 = arith.select %eq3A_542, %all_reduce_population_count3A_544, %select_n3A_534 : vector<16xi1>, vector<16xi32>
          %add3A_546 = arith.addi %mul3A_318, %add3A_392 : i32
          %add3A_547 = arith.constant 224 : i32
          %add3A_548 = arith.addi %add3A_546, %add3A_547 : i32
          %get3A_549 = arith.index_cast %add3A_548 : i32 to index
          %get3A_550 = tpu.vector_load %arg8[%get3A_549] {strides = array<i32>} : memref<65536xf32, #tpu.memory_space<vmem>>, vector<16xf32>,
          %eq3A_551 = arith.constant 14 : i32
          %eq3A_552 = vector.broadcast %eq3A_551 : i32 to vector<16xi32>
          %eq3A_553 = arith.cmpi eq, %iota3A, %eq3A_552 : vector<16xi32>
          %gt3A_554 = arith.cmpf ogt, %get3A_550, %while3A_382 : vector<16xf32>
          %all_reduce_population_count3A_555 = tpu.all_reduce %gt3A_554 {dim = 0 : i64, kind = #tpu.reduction_kind<sum>} : vector<16xi1> -> vector<16xi32>
          %select_n3A_556 = arith.select %eq3A_553, %all_reduce_population_count3A_555, %select_n3A_545 : vector<16xi1>, vector<16xi32>
          %add3A_557 = arith.addi %mul3A_318, %add3A_392 : i32
          %add3A_558 = arith.constant 240 : i32
          %add3A_559 = arith.addi %add3A_557, %add3A_558 : i32
          %get3A_560 = arith.index_cast %add3A_559 : i32 to index
          %get3A_561 = tpu.vector_load %arg8[%get3A_560] {strides = array<i32>} : memref<65536xf32, #tpu.memory_space<vmem>>, vector<16xf32>,
          %eq3A_562 = arith.constant 15 : i32
          %eq3A_563 = vector.broadcast %eq3A_562 : i32 to vector<16xi32>
          %eq3A_564 = arith.cmpi eq, %iota3A, %eq3A_563 : vector<16xi32>
          %gt3A_565 = arith.cmpf ogt, %get3A_561, %while3A_382 : vector<16xf32>
          %all_reduce_population_count3A_566 = tpu.all_reduce %gt3A_565 {dim = 0 : i64, kind = #tpu.reduction_kind<sum>} : vector<16xi1> -> vector<16xi32>
          %select_n3A_567 = arith.select %eq3A_564, %all_reduce_population_count3A_566, %select_n3A_556 : vector<16xi1>, vector<16xi32>
          %while3A_568:3 = scf.while (%while3A_760 = %while3A_380, %while3A_761 = %while3A_381, %while3A_762 = %select_n3A_567) : (vector<16xf32>, vector<16xi32>, vector<16xi32>) -> (vector<16xf32>, vector<16xi32>, vector<16xi32>) {
            %gt3A_763 = arith.constant 0 : i32
            %gt3A_764 = vector.broadcast %gt3A_763 : i32 to vector<16xi32>
            %gt3A_765 = arith.cmpi sgt, %while3A_762, %gt3A_764 : vector<16xi32>
            %reduce_or3A = arith.constant 1.000000e+00 : f32
            %reduce_or3A_766 = arith.constant 0.000000e+00 : f32
            %reduce_or3A_767 = vector.broadcast %reduce_or3A : f32 to vector<16xf32>
            %reduce_or3A_768 = vector.broadcast %reduce_or3A_766 : f32 to vector<16xf32>
            %reduce_or3A_769 = arith.select %gt3A_765, %reduce_or3A_767, %reduce_or3A_768 : vector<16xi1>, vector<16xf32>
            %reduce_or3A_770 = arith.constant true
            %reduce_or3A_771 = vector.broadcast %reduce_or3A_770 : i1 to vector<16xi1>
            %reduce_or3A_772 = tpu.scan <max>, %reduce_or3A_769 masked %reduce_or3A_771 : vector<16xf32>, vector<16xi1> -> vector<16xf32>
            %reduce_or3A_773 = vector.extract %reduce_or3A_772[15] : f32 from vector<16xf32>
            %reduce_or3A_774 = arith.constant 0.000000e+00 : f32
            %reduce_or3A_775 = arith.cmpf ogt, %reduce_or3A_773, %reduce_or3A_774 : f32
            scf.condition(%reduce_or3A_775) %while3A_760, %while3A_761, %while3A_762 : vector<16xf32>, vector<16xi32>, vector<16xi32>
          } do {
          ^bb0(%while3A_760: vector<16xf32>, %while3A_761: vector<16xi32>, %while3A_762: vector<16xi32>):
            %gt3A_763 = arith.constant 0 : i32
            %gt3A_764 = vector.broadcast %gt3A_763 : i32 to vector<16xi32>
            %gt3A_765 = arith.cmpi sgt, %while3A_762, %gt3A_764 : vector<16xi32>
            %all_reduce_ffs3A_766 = tpu.all_reduce %gt3A_765 {dim = 0 : i64, kind = #tpu.reduction_kind<find_first_set>} : vector<16xi1> -> vector<16xi32>
            %slice3A_767 = vector.extract_strided_slice %all_reduce_ffs3A_766 {offsets = [0], sizes = [1], strides = [1]} : vector<16xi32> to vector<1xi32>
            %squeeze3A_768 = vector.extract %slice3A_767[0] : i32 from vector<1xi32>
            %mul3A_769 = arith.constant 16 : i32
            %mul3A_770 = arith.muli %squeeze3A_768, %mul3A_769 : i32
            %add3A_771 = arith.addi %add3A_392, %mul3A_770 : i32
            %eq3A_772 = arith.cmpi eq, %iota3A, %all_reduce_ffs3A_766 : vector<16xi32>
            %jit3A = arith.constant 0 : i32
            %broadcast_in_dim3A_773 = vector.broadcast %jit3A : i32 to vector<16xi32>
            %select_n3A_774 = arith.select %eq3A_772, %broadcast_in_dim3A_773, %while3A_762 : vector<16xi1>, vector<16xi32>
            %add3A_775 = arith.addi %mul3A_318, %add3A_771 : i32
            %get3A_776 = arith.index_cast %add3A_775 : i32 to index
            %get3A_777 = tpu.vector_load %arg8[%get3A_776] {strides = array<i32>} : memref<65536xf32, #tpu.memory_space<vmem>>, vector<16xf32>,
            %add3A_778 = arith.addf %get3A_777, %gather3A_333 : vector<16xf32>
            %add3A_779 = arith.addi %mul3A_335, %add3A_771 : i32
            %add3A_780 = vector.broadcast %add3A_779 : i32 to vector<16xi32>
            %add3A_781 = arith.addi %add3A_780, %iota3A : vector<16xi32>
            %masked_sort3A = arith.constant dense<true> : vector<16xi1>
            %masked_sort3A_782, %masked_sort3A_783, %masked_sort3A_784 = tpu.sort %add3A_778, %add3A_781 masked %masked_sort3A {descending = true} : (vector<16xf32>, vector<16xi32>, vector<16xi1>) -> (vector<16xi1>, vector<16xf32>, vector<16xi32>)
            %ge3A = arith.cmpf oge, %while3A_760, %masked_sort3A_783 : vector<16xf32>
            %select_n3A_785 = arith.select %ge3A, %while3A_760, %masked_sort3A_783 : vector<16xi1>, vector<16xf32>
            %select_n3A_786 = arith.select %ge3A, %while3A_761, %masked_sort3A_784 : vector<16xi1>, vector<16xi32>
            %masked_sort3A_787 = arith.constant dense<true> : vector<16xi1>
            %masked_sort3A_788, %masked_sort3A_789, %masked_sort3A_790 = tpu.sort %select_n3A_785, %select_n3A_786 masked %masked_sort3A_787 : (vector<16xf32>, vector<16xi32>, vector<16xi1>) -> (vector<16xi1>, vector<16xf32>, vector<16xi32>)
            scf.yield %masked_sort3A_789, %masked_sort3A_790, %select_n3A_774 : vector<16xf32>, vector<16xi32>, vector<16xi32>
          }
          %add3A_569 = arith.constant 256 : i32
          %add3A_570 = arith.addi %mul3A_390, %add3A_569 : i32
          %add3A_571 = arith.addi %mul3A_318, %add3A_570 : i32
          %add3A_572 = arith.constant 0 : i32
          %add3A_573 = arith.addi %add3A_571, %add3A_572 : i32
          %get3A_574 = arith.index_cast %add3A_573 : i32 to index
          %get3A_575 = tpu.vector_load %arg8[%get3A_574] {strides = array<i32>} : memref<65536xf32, #tpu.memory_space<vmem>>, vector<16xf32>,
          %eq3A_576 = arith.constant 0 : i32
          %eq3A_577 = vector.broadcast %eq3A_576 : i32 to vector<16xi32>
          %eq3A_578 = arith.cmpi eq, %iota3A, %eq3A_577 : vector<16xi32>
          %gt3A_579 = arith.cmpf ogt, %get3A_575, %while3A_382 : vector<16xf32>
          %all_reduce_population_count3A_580 = tpu.all_reduce %gt3A_579 {dim = 0 : i64, kind = #tpu.reduction_kind<sum>} : vector<16xi1> -> vector<16xi32>
          %select_n3A_581 = arith.select %eq3A_578, %all_reduce_population_count3A_580, %broadcast_in_dim3A_1 : vector<16xi1>, vector<16xi32>
          %add3A_582 = arith.addi %mul3A_318, %add3A_570 : i32
          %add3A_583 = arith.constant 16 : i32
          %add3A_584 = arith.addi %add3A_582, %add3A_583 : i32
          %get3A_585 = arith.index_cast %add3A_584 : i32 to index
          %get3A_586 = tpu.vector_load %arg8[%get3A_585] {strides = array<i32>} : memref<65536xf32, #tpu.memory_space<vmem>>, vector<16xf32>,
          %eq3A_587 = arith.constant 1 : i32
          %eq3A_588 = vector.broadcast %eq3A_587 : i32 to vector<16xi32>
          %eq3A_589 = arith.cmpi eq, %iota3A, %eq3A_588 : vector<16xi32>
          %gt3A_590 = arith.cmpf ogt, %get3A_586, %while3A_382 : vector<16xf32>
          %all_reduce_population_count3A_591 = tpu.all_reduce %gt3A_590 {dim = 0 : i64, kind = #tpu.reduction_kind<sum>} : vector<16xi1> -> vector<16xi32>
          %select_n3A_592 = arith.select %eq3A_589, %all_reduce_population_count3A_591, %select_n3A_581 : vector<16xi1>, vector<16xi32>
          %add3A_593 = arith.addi %mul3A_318, %add3A_570 : i32
          %add3A_594 = arith.constant 32 : i32
          %add3A_595 = arith.addi %add3A_593, %add3A_594 : i32
          %get3A_596 = arith.index_cast %add3A_595 : i32 to index
          %get3A_597 = tpu.vector_load %arg8[%get3A_596] {strides = array<i32>} : memref<65536xf32, #tpu.memory_space<vmem>>, vector<16xf32>,
          %eq3A_598 = arith.constant 2 : i32
          %eq3A_599 = vector.broadcast %eq3A_598 : i32 to vector<16xi32>
          %eq3A_600 = arith.cmpi eq, %iota3A, %eq3A_599 : vector<16xi32>
          %gt3A_601 = arith.cmpf ogt, %get3A_597, %while3A_382 : vector<16xf32>
          %all_reduce_population_count3A_602 = tpu.all_reduce %gt3A_601 {dim = 0 : i64, kind = #tpu.reduction_kind<sum>} : vector<16xi1> -> vector<16xi32>
          %select_n3A_603 = arith.select %eq3A_600, %all_reduce_population_count3A_602, %select_n3A_592 : vector<16xi1>, vector<16xi32>
          %add3A_604 = arith.addi %mul3A_318, %add3A_570 : i32
          %add3A_605 = arith.constant 48 : i32
          %add3A_606 = arith.addi %add3A_604, %add3A_605 : i32
          %get3A_607 = arith.index_cast %add3A_606 : i32 to index
          %get3A_608 = tpu.vector_load %arg8[%get3A_607] {strides = array<i32>} : memref<65536xf32, #tpu.memory_space<vmem>>, vector<16xf32>,
          %eq3A_609 = arith.constant 3 : i32
          %eq3A_610 = vector.broadcast %eq3A_609 : i32 to vector<16xi32>
          %eq3A_611 = arith.cmpi eq, %iota3A, %eq3A_610 : vector<16xi32>
          %gt3A_612 = arith.cmpf ogt, %get3A_608, %while3A_382 : vector<16xf32>
          %all_reduce_population_count3A_613 = tpu.all_reduce %gt3A_612 {dim = 0 : i64, kind = #tpu.reduction_kind<sum>} : vector<16xi1> -> vector<16xi32>
          %select_n3A_614 = arith.select %eq3A_611, %all_reduce_population_count3A_613, %select_n3A_603 : vector<16xi1>, vector<16xi32>
          %add3A_615 = arith.addi %mul3A_318, %add3A_570 : i32
          %add3A_616 = arith.constant 64 : i32
          %add3A_617 = arith.addi %add3A_615, %add3A_616 : i32
          %get3A_618 = arith.index_cast %add3A_617 : i32 to index
          %get3A_619 = tpu.vector_load %arg8[%get3A_618] {strides = array<i32>} : memref<65536xf32, #tpu.memory_space<vmem>>, vector<16xf32>,
          %eq3A_620 = arith.constant 4 : i32
          %eq3A_621 = vector.broadcast %eq3A_620 : i32 to vector<16xi32>
          %eq3A_622 = arith.cmpi eq, %iota3A, %eq3A_621 : vector<16xi32>
          %gt3A_623 = arith.cmpf ogt, %get3A_619, %while3A_382 : vector<16xf32>
          %all_reduce_population_count3A_624 = tpu.all_reduce %gt3A_623 {dim = 0 : i64, kind = #tpu.reduction_kind<sum>} : vector<16xi1> -> vector<16xi32>
          %select_n3A_625 = arith.select %eq3A_622, %all_reduce_population_count3A_624, %select_n3A_614 : vector<16xi1>, vector<16xi32>
          %add3A_626 = arith.addi %mul3A_318, %add3A_570 : i32
          %add3A_627 = arith.constant 80 : i32
          %add3A_628 = arith.addi %add3A_626, %add3A_627 : i32
          %get3A_629 = arith.index_cast %add3A_628 : i32 to index
          %get3A_630 = tpu.vector_load %arg8[%get3A_629] {strides = array<i32>} : memref<65536xf32, #tpu.memory_space<vmem>>, vector<16xf32>,
          %eq3A_631 = arith.constant 5 : i32
          %eq3A_632 = vector.broadcast %eq3A_631 : i32 to vector<16xi32>
          %eq3A_633 = arith.cmpi eq, %iota3A, %eq3A_632 : vector<16xi32>
          %gt3A_634 = arith.cmpf ogt, %get3A_630, %while3A_382 : vector<16xf32>
          %all_reduce_population_count3A_635 = tpu.all_reduce %gt3A_634 {dim = 0 : i64, kind = #tpu.reduction_kind<sum>} : vector<16xi1> -> vector<16xi32>
          %select_n3A_636 = arith.select %eq3A_633, %all_reduce_population_count3A_635, %select_n3A_625 : vector<16xi1>, vector<16xi32>
          %add3A_637 = arith.addi %mul3A_318, %add3A_570 : i32
          %add3A_638 = arith.constant 96 : i32
          %add3A_639 = arith.addi %add3A_637, %add3A_638 : i32
          %get3A_640 = arith.index_cast %add3A_639 : i32 to index
          %get3A_641 = tpu.vector_load %arg8[%get3A_640] {strides = array<i32>} : memref<65536xf32, #tpu.memory_space<vmem>>, vector<16xf32>,
          %eq3A_642 = arith.constant 6 : i32
          %eq3A_643 = vector.broadcast %eq3A_642 : i32 to vector<16xi32>
          %eq3A_644 = arith.cmpi eq, %iota3A, %eq3A_643 : vector<16xi32>
          %gt3A_645 = arith.cmpf ogt, %get3A_641, %while3A_382 : vector<16xf32>
          %all_reduce_population_count3A_646 = tpu.all_reduce %gt3A_645 {dim = 0 : i64, kind = #tpu.reduction_kind<sum>} : vector<16xi1> -> vector<16xi32>
          %select_n3A_647 = arith.select %eq3A_644, %all_reduce_population_count3A_646, %select_n3A_636 : vector<16xi1>, vector<16xi32>
          %add3A_648 = arith.addi %mul3A_318, %add3A_570 : i32
          %add3A_649 = arith.constant 112 : i32
          %add3A_650 = arith.addi %add3A_648, %add3A_649 : i32
          %get3A_651 = arith.index_cast %add3A_650 : i32 to index
          %get3A_652 = tpu.vector_load %arg8[%get3A_651] {strides = array<i32>} : memref<65536xf32, #tpu.memory_space<vmem>>, vector<16xf32>,
          %eq3A_653 = arith.constant 7 : i32
          %eq3A_654 = vector.broadcast %eq3A_653 : i32 to vector<16xi32>
          %eq3A_655 = arith.cmpi eq, %iota3A, %eq3A_654 : vector<16xi32>
          %gt3A_656 = arith.cmpf ogt, %get3A_652, %while3A_382 : vector<16xf32>
          %all_reduce_population_count3A_657 = tpu.all_reduce %gt3A_656 {dim = 0 : i64, kind = #tpu.reduction_kind<sum>} : vector<16xi1> -> vector<16xi32>
          %select_n3A_658 = arith.select %eq3A_655, %all_reduce_population_count3A_657, %select_n3A_647 : vector<16xi1>, vector<16xi32>
          %add3A_659 = arith.addi %mul3A_318, %add3A_570 : i32
          %add3A_660 = arith.constant 128 : i32
          %add3A_661 = arith.addi %add3A_659, %add3A_660 : i32
          %get3A_662 = arith.index_cast %add3A_661 : i32 to index
          %get3A_663 = tpu.vector_load %arg8[%get3A_662] {strides = array<i32>} : memref<65536xf32, #tpu.memory_space<vmem>>, vector<16xf32>,
          %eq3A_664 = arith.constant 8 : i32
          %eq3A_665 = vector.broadcast %eq3A_664 : i32 to vector<16xi32>
          %eq3A_666 = arith.cmpi eq, %iota3A, %eq3A_665 : vector<16xi32>
          %gt3A_667 = arith.cmpf ogt, %get3A_663, %while3A_382 : vector<16xf32>
          %all_reduce_population_count3A_668 = tpu.all_reduce %gt3A_667 {dim = 0 : i64, kind = #tpu.reduction_kind<sum>} : vector<16xi1> -> vector<16xi32>
          %select_n3A_669 = arith.select %eq3A_666, %all_reduce_population_count3A_668, %select_n3A_658 : vector<16xi1>, vector<16xi32>
          %add3A_670 = arith.addi %mul3A_318, %add3A_570 : i32
          %add3A_671 = arith.constant 144 : i32
          %add3A_672 = arith.addi %add3A_670, %add3A_671 : i32
          %get3A_673 = arith.index_cast %add3A_672 : i32 to index
          %get3A_674 = tpu.vector_load %arg8[%get3A_673] {strides = array<i32>} : memref<65536xf32, #tpu.memory_space<vmem>>, vector<16xf32>,
          %eq3A_675 = arith.constant 9 : i32
          %eq3A_676 = vector.broadcast %eq3A_675 : i32 to vector<16xi32>
          %eq3A_677 = arith.cmpi eq, %iota3A, %eq3A_676 : vector<16xi32>
          %gt3A_678 = arith.cmpf ogt, %get3A_674, %while3A_382 : vector<16xf32>
          %all_reduce_population_count3A_679 = tpu.all_reduce %gt3A_678 {dim = 0 : i64, kind = #tpu.reduction_kind<sum>} : vector<16xi1> -> vector<16xi32>
          %select_n3A_680 = arith.select %eq3A_677, %all_reduce_population_count3A_679, %select_n3A_669 : vector<16xi1>, vector<16xi32>
          %add3A_681 = arith.addi %mul3A_318, %add3A_570 : i32
          %add3A_682 = arith.constant 160 : i32
          %add3A_683 = arith.addi %add3A_681, %add3A_682 : i32
          %get3A_684 = arith.index_cast %add3A_683 : i32 to index
          %get3A_685 = tpu.vector_load %arg8[%get3A_684] {strides = array<i32>} : memref<65536xf32, #tpu.memory_space<vmem>>, vector<16xf32>,
          %eq3A_686 = arith.constant 10 : i32
          %eq3A_687 = vector.broadcast %eq3A_686 : i32 to vector<16xi32>
          %eq3A_688 = arith.cmpi eq, %iota3A, %eq3A_687 : vector<16xi32>
          %gt3A_689 = arith.cmpf ogt, %get3A_685, %while3A_382 : vector<16xf32>
          %all_reduce_population_count3A_690 = tpu.all_reduce %gt3A_689 {dim = 0 : i64, kind = #tpu.reduction_kind<sum>} : vector<16xi1> -> vector<16xi32>
          %select_n3A_691 = arith.select %eq3A_688, %all_reduce_population_count3A_690, %select_n3A_680 : vector<16xi1>, vector<16xi32>
          %add3A_692 = arith.addi %mul3A_318, %add3A_570 : i32
          %add3A_693 = arith.constant 176 : i32
          %add3A_694 = arith.addi %add3A_692, %add3A_693 : i32
          %get3A_695 = arith.index_cast %add3A_694 : i32 to index
          %get3A_696 = tpu.vector_load %arg8[%get3A_695] {strides = array<i32>} : memref<65536xf32, #tpu.memory_space<vmem>>, vector<16xf32>,
          %eq3A_697 = arith.constant 11 : i32
          %eq3A_698 = vector.broadcast %eq3A_697 : i32 to vector<16xi32>
          %eq3A_699 = arith.cmpi eq, %iota3A, %eq3A_698 : vector<16xi32>
          %gt3A_700 = arith.cmpf ogt, %get3A_696, %while3A_382 : vector<16xf32>
          %all_reduce_population_count3A_701 = tpu.all_reduce %gt3A_700 {dim = 0 : i64, kind = #tpu.reduction_kind<sum>} : vector<16xi1> -> vector<16xi32>
          %select_n3A_702 = arith.select %eq3A_699, %all_reduce_population_count3A_701, %select_n3A_691 : vector<16xi1>, vector<16xi32>
          %add3A_703 = arith.addi %mul3A_318, %add3A_570 : i32
          %add3A_704 = arith.constant 192 : i32
          %add3A_705 = arith.addi %add3A_703, %add3A_704 : i32
          %get3A_706 = arith.index_cast %add3A_705 : i32 to index
          %get3A_707 = tpu.vector_load %arg8[%get3A_706] {strides = array<i32>} : memref<65536xf32, #tpu.memory_space<vmem>>, vector<16xf32>,
          %eq3A_708 = arith.constant 12 : i32
          %eq3A_709 = vector.broadcast %eq3A_708 : i32 to vector<16xi32>
          %eq3A_710 = arith.cmpi eq, %iota3A, %eq3A_709 : vector<16xi32>
          %gt3A_711 = arith.cmpf ogt, %get3A_707, %while3A_382 : vector<16xf32>
          %all_reduce_population_count3A_712 = tpu.all_reduce %gt3A_711 {dim = 0 : i64, kind = #tpu.reduction_kind<sum>} : vector<16xi1> -> vector<16xi32>
          %select_n3A_713 = arith.select %eq3A_710, %all_reduce_population_count3A_712, %select_n3A_702 : vector<16xi1>, vector<16xi32>
          %add3A_714 = arith.addi %mul3A_318, %add3A_570 : i32
          %add3A_715 = arith.constant 208 : i32
          %add3A_716 = arith.addi %add3A_714, %add3A_715 : i32
          %get3A_717 = arith.index_cast %add3A_716 : i32 to index
          %get3A_718 = tpu.vector_load %arg8[%get3A_717] {strides = array<i32>} : memref<65536xf32, #tpu.memory_space<vmem>>, vector<16xf32>,
          %eq3A_719 = arith.constant 13 : i32
          %eq3A_720 = vector.broadcast %eq3A_719 : i32 to vector<16xi32>
          %eq3A_721 = arith.cmpi eq, %iota3A, %eq3A_720 : vector<16xi32>
          %gt3A_722 = arith.cmpf ogt, %get3A_718, %while3A_382 : vector<16xf32>
          %all_reduce_population_count3A_723 = tpu.all_reduce %gt3A_722 {dim = 0 : i64, kind = #tpu.reduction_kind<sum>} : vector<16xi1> -> vector<16xi32>
          %select_n3A_724 = arith.select %eq3A_721, %all_reduce_population_count3A_723, %select_n3A_713 : vector<16xi1>, vector<16xi32>
          %add3A_725 = arith.addi %mul3A_318, %add3A_570 : i32
          %add3A_726 = arith.constant 224 : i32
          %add3A_727 = arith.addi %add3A_725, %add3A_726 : i32
          %get3A_728 = arith.index_cast %add3A_727 : i32 to index
          %get3A_729 = tpu.vector_load %arg8[%get3A_728] {strides = array<i32>} : memref<65536xf32, #tpu.memory_space<vmem>>, vector<16xf32>,
          %eq3A_730 = arith.constant 14 : i32
          %eq3A_731 = vector.broadcast %eq3A_730 : i32 to vector<16xi32>
          %eq3A_732 = arith.cmpi eq, %iota3A, %eq3A_731 : vector<16xi32>
          %gt3A_733 = arith.cmpf ogt, %get3A_729, %while3A_382 : vector<16xf32>
          %all_reduce_population_count3A_734 = tpu.all_reduce %gt3A_733 {dim = 0 : i64, kind = #tpu.reduction_kind<sum>} : vector<16xi1> -> vector<16xi32>
          %select_n3A_735 = arith.select %eq3A_732, %all_reduce_population_count3A_734, %select_n3A_724 : vector<16xi1>, vector<16xi32>
          %add3A_736 = arith.addi %mul3A_318, %add3A_570 : i32
          %add3A_737 = arith.constant 240 : i32
          %add3A_738 = arith.addi %add3A_736, %add3A_737 : i32
          %get3A_739 = arith.index_cast %add3A_738 : i32 to index
          %get3A_740 = tpu.vector_load %arg8[%get3A_739] {strides = array<i32>} : memref<65536xf32, #tpu.memory_space<vmem>>, vector<16xf32>,
          %eq3A_741 = arith.constant 15 : i32
          %eq3A_742 = vector.broadcast %eq3A_741 : i32 to vector<16xi32>
          %eq3A_743 = arith.cmpi eq, %iota3A, %eq3A_742 : vector<16xi32>
          %gt3A_744 = arith.cmpf ogt, %get3A_740, %while3A_382 : vector<16xf32>
          %all_reduce_population_count3A_745 = tpu.all_reduce %gt3A_744 {dim = 0 : i64, kind = #tpu.reduction_kind<sum>} : vector<16xi1> -> vector<16xi32>
          %select_n3A_746 = arith.select %eq3A_743, %all_reduce_population_count3A_745, %select_n3A_735 : vector<16xi1>, vector<16xi32>
          %while3A_747:3 = scf.while (%while3A_760 = %while3A_568#0, %while3A_761 = %while3A_568#1, %while3A_762 = %select_n3A_746) : (vector<16xf32>, vector<16xi32>, vector<16xi32>) -> (vector<16xf32>, vector<16xi32>, vector<16xi32>) {
            %gt3A_763 = arith.constant 0 : i32
            %gt3A_764 = vector.broadcast %gt3A_763 : i32 to vector<16xi32>
            %gt3A_765 = arith.cmpi sgt, %while3A_762, %gt3A_764 : vector<16xi32>
            %reduce_or3A = arith.constant 1.000000e+00 : f32
            %reduce_or3A_766 = arith.constant 0.000000e+00 : f32
            %reduce_or3A_767 = vector.broadcast %reduce_or3A : f32 to vector<16xf32>
            %reduce_or3A_768 = vector.broadcast %reduce_or3A_766 : f32 to vector<16xf32>
            %reduce_or3A_769 = arith.select %gt3A_765, %reduce_or3A_767, %reduce_or3A_768 : vector<16xi1>, vector<16xf32>
            %reduce_or3A_770 = arith.constant true
            %reduce_or3A_771 = vector.broadcast %reduce_or3A_770 : i1 to vector<16xi1>
            %reduce_or3A_772 = tpu.scan <max>, %reduce_or3A_769 masked %reduce_or3A_771 : vector<16xf32>, vector<16xi1> -> vector<16xf32>
            %reduce_or3A_773 = vector.extract %reduce_or3A_772[15] : f32 from vector<16xf32>
            %reduce_or3A_774 = arith.constant 0.000000e+00 : f32
            %reduce_or3A_775 = arith.cmpf ogt, %reduce_or3A_773, %reduce_or3A_774 : f32
            scf.condition(%reduce_or3A_775) %while3A_760, %while3A_761, %while3A_762 : vector<16xf32>, vector<16xi32>, vector<16xi32>
          } do {
          ^bb0(%while3A_760: vector<16xf32>, %while3A_761: vector<16xi32>, %while3A_762: vector<16xi32>):
            %gt3A_763 = arith.constant 0 : i32
            %gt3A_764 = vector.broadcast %gt3A_763 : i32 to vector<16xi32>
            %gt3A_765 = arith.cmpi sgt, %while3A_762, %gt3A_764 : vector<16xi32>
            %all_reduce_ffs3A_766 = tpu.all_reduce %gt3A_765 {dim = 0 : i64, kind = #tpu.reduction_kind<find_first_set>} : vector<16xi1> -> vector<16xi32>
            %slice3A_767 = vector.extract_strided_slice %all_reduce_ffs3A_766 {offsets = [0], sizes = [1], strides = [1]} : vector<16xi32> to vector<1xi32>
            %squeeze3A_768 = vector.extract %slice3A_767[0] : i32 from vector<1xi32>
            %mul3A_769 = arith.constant 16 : i32
            %mul3A_770 = arith.muli %squeeze3A_768, %mul3A_769 : i32
            %add3A_771 = arith.addi %add3A_570, %mul3A_770 : i32
            %eq3A_772 = arith.cmpi eq, %iota3A, %all_reduce_ffs3A_766 : vector<16xi32>
            %jit3A = arith.constant 0 : i32
            %broadcast_in_dim3A_773 = vector.broadcast %jit3A : i32 to vector<16xi32>
            %select_n3A_774 = arith.select %eq3A_772, %broadcast_in_dim3A_773, %while3A_762 : vector<16xi1>, vector<16xi32>
            %add3A_775 = arith.addi %mul3A_318, %add3A_771 : i32
            %get3A_776 = arith.index_cast %add3A_775 : i32 to index
            %get3A_777 = tpu.vector_load %arg8[%get3A_776] {strides = array<i32>} : memref<65536xf32, #tpu.memory_space<vmem>>, vector<16xf32>,
            %add3A_778 = arith.addf %get3A_777, %gather3A_333 : vector<16xf32>
            %add3A_779 = arith.addi %mul3A_335, %add3A_771 : i32
            %add3A_780 = vector.broadcast %add3A_779 : i32 to vector<16xi32>
            %add3A_781 = arith.addi %add3A_780, %iota3A : vector<16xi32>
            %masked_sort3A = arith.constant dense<true> : vector<16xi1>
            %masked_sort3A_782, %masked_sort3A_783, %masked_sort3A_784 = tpu.sort %add3A_778, %add3A_781 masked %masked_sort3A {descending = true} : (vector<16xf32>, vector<16xi32>, vector<16xi1>) -> (vector<16xi1>, vector<16xf32>, vector<16xi32>)
            %ge3A = arith.cmpf oge, %while3A_760, %masked_sort3A_783 : vector<16xf32>
            %select_n3A_785 = arith.select %ge3A, %while3A_760, %masked_sort3A_783 : vector<16xi1>, vector<16xf32>
            %select_n3A_786 = arith.select %ge3A, %while3A_761, %masked_sort3A_784 : vector<16xi1>, vector<16xi32>
            %masked_sort3A_787 = arith.constant dense<true> : vector<16xi1>
            %masked_sort3A_788, %masked_sort3A_789, %masked_sort3A_790 = tpu.sort %select_n3A_785, %select_n3A_786 masked %masked_sort3A_787 : (vector<16xf32>, vector<16xi32>, vector<16xi1>) -> (vector<16xi1>, vector<16xf32>, vector<16xi32>)
            scf.yield %masked_sort3A_789, %masked_sort3A_790, %select_n3A_774 : vector<16xf32>, vector<16xi32>, vector<16xi32>
          }
          %slice3A_748 = vector.extract_strided_slice %while3A_747#0 {offsets = [0], sizes = [1], strides = [1]} : vector<16xf32> to vector<1xf32>
          %squeeze3A_749 = vector.extract %slice3A_748[0] : f32 from vector<1xf32>
          %broadcast_in_dim3A_750 = vector.broadcast %squeeze3A_749 : f32 to vector<16xf32>
          %sub3A_751 = arith.subf %broadcast_in_dim3A_750, %gather3A_333 : vector<16xf32>
          %abs3A_752 = math.absf %sub3A_751 : vector<16xf32>
          %mul3A_753 = arith.constant 9.99999997E-7 : f32
          %mul3A_754 = vector.broadcast %mul3A_753 : f32 to vector<16xf32>
          %mul3A_755 = arith.mulf %abs3A_752, %mul3A_754 : vector<16xf32>
          %add3A_756 = arith.constant 9.99999997E-7 : f32
          %add3A_757 = vector.broadcast %add3A_756 : f32 to vector<16xf32>
          %add3A_758 = arith.addf %mul3A_755, %add3A_757 : vector<16xf32>
          %sub3A_759 = arith.subf %sub3A_751, %add3A_758 : vector<16xf32>
          scf.yield %while3A_747#0, %while3A_747#1, %sub3A_759, %select_n3A : vector<16xf32>, vector<16xi32>, vector<16xf32>, vector<16xf32>
        }
        scf.yield %while3A#0, %while3A#1, %while3A#2 : vector<16xf32>, vector<16xi32>, vector<16xf32>
      }
      %scan3A_372 = arith.constant 4 : i32
      scf.yield %scan3A_371#0, %scan3A_371#1 : vector<16xf32>, vector<16xi32>
    }
    %scan3A_27 = arith.constant 16 : i32
    %rev3A = arith.constant 15 : i32
    %rev3A_28 = vector.broadcast %rev3A : i32 to vector<16xi32>
    %rev3A_29 = tpu.iota {dimensions = array<i32: 0>} : vector<16xi32>
    %rev3A_30 = arith.subi %rev3A_28, %rev3A_29 : vector<16xi32>
    %rev3A_31 = tpu.dynamic_gather %scan3A_26#0[%rev3A_30] in [0] : vector<16xf32>, vector<16xi32> -> vector<16xf32>
    %rev3A_32 = arith.constant 15 : i32
    %rev3A_33 = vector.broadcast %rev3A_32 : i32 to vector<16xi32>
    %rev3A_34 = tpu.iota {dimensions = array<i32: 0>} : vector<16xi32>
    %rev3A_35 = arith.subi %rev3A_33, %rev3A_34 : vector<16xi32>
    %rev3A_36 = tpu.dynamic_gather %scan3A_26#1[%rev3A_35] in [0] : vector<16xi32>, vector<16xi32> -> vector<16xi32>
    %shift_right_logical3A = arith.constant 15 : i32
    %shift_right_logical3A_37 = vector.broadcast %shift_right_logical3A : i32 to vector<16xi32>
    %shift_right_logical3A_38 = arith.shrui %rev3A_36, %shift_right_logical3A_37 : vector<16xi32>
    %and3A = arith.constant 32767 : i32
    %and3A_39 = vector.broadcast %and3A : i32 to vector<16xi32>
    %and3A_40 = arith.andi %rev3A_36, %and3A_39 : vector<16xi32>
    %gather3A = tpu.vector_load_idx %arg10[%shift_right_logical3A_38] : memref<16xf32, #tpu.memory_space<vmem>>[vector<16xi32>], vector<16xf32>,
    %swap3A = arith.constant 0 : index
    %swap3A_41 = tpu.vector_load %arg12[%swap3A] {strides = array<i32>} : memref<16xf32, #tpu.memory_space<vmem>>, vector<16xf32>,
    tpu.vector_store %arg12[%swap3A], %rev3A_31 {strides = array<i32>} : memref<16xf32, #tpu.memory_space<vmem>>, vector<16xf32>,
    %add3A_42 = arith.addf %rev3A_31, %gather3A : vector<16xf32>
    %swap3A_43 = arith.constant 0 : index
    %swap3A_44 = tpu.vector_load %arg13[%swap3A_43] {strides = array<i32>} : memref<16xf32, #tpu.memory_space<vmem>>, vector<16xf32>,
    tpu.vector_store %arg13[%swap3A_43], %add3A_42 {strides = array<i32>} : memref<16xf32, #tpu.memory_space<vmem>>, vector<16xf32>,
    %mul3A_45 = arith.constant 8 : i32
    %mul3A_46 = vector.broadcast %mul3A_45 : i32 to vector<16xi32>
    %mul3A_47 = arith.muli %shift_right_logical3A_38, %mul3A_46 : vector<16xi32>
    %add3A_48 = arith.constant 0 : i32
    %add3A_49 = vector.broadcast %add3A_48 : i32 to vector<16xi32>
    %add3A_50 = arith.addi %mul3A_47, %add3A_49 : vector<16xi32>
    %gather3A_51 = tpu.vector_load_idx %arg11[%add3A_50] : memref<128xi32, #tpu.memory_space<vmem>>[vector<16xi32>], vector<16xi32>,
    %mul3A_52 = arith.constant 9 : i32
    %mul3A_53 = vector.broadcast %mul3A_52 : i32 to vector<16xi32>
    %mul3A_54 = arith.muli %iota3A, %mul3A_53 : vector<16xi32>
    %add3A_55 = arith.constant 0 : i32
    %add3A_56 = vector.broadcast %add3A_55 : i32 to vector<16xi32>
    %add3A_57 = arith.addi %mul3A_54, %add3A_56 : vector<16xi32>
    tpu.vector_store_idx %arg14[%add3A_57], %gather3A_51 : memref<144xi32, #tpu.memory_space<vmem>>[vector<16xi32>], vector<16xi32>,
    %mul3A_58 = arith.constant 8 : i32
    %mul3A_59 = vector.broadcast %mul3A_58 : i32 to vector<16xi32>
    %mul3A_60 = arith.muli %shift_right_logical3A_38, %mul3A_59 : vector<16xi32>
    %add3A_61 = arith.constant 1 : i32
    %add3A_62 = vector.broadcast %add3A_61 : i32 to vector<16xi32>
    %add3A_63 = arith.addi %mul3A_60, %add3A_62 : vector<16xi32>
    %gather3A_64 = tpu.vector_load_idx %arg11[%add3A_63] : memref<128xi32, #tpu.memory_space<vmem>>[vector<16xi32>], vector<16xi32>,
    %mul3A_65 = arith.constant 9 : i32
    %mul3A_66 = vector.broadcast %mul3A_65 : i32 to vector<16xi32>
    %mul3A_67 = arith.muli %iota3A, %mul3A_66 : vector<16xi32>
    %add3A_68 = arith.constant 1 : i32
    %add3A_69 = vector.broadcast %add3A_68 : i32 to vector<16xi32>
    %add3A_70 = arith.addi %mul3A_67, %add3A_69 : vector<16xi32>
    tpu.vector_store_idx %arg14[%add3A_70], %gather3A_64 : memref<144xi32, #tpu.memory_space<vmem>>[vector<16xi32>], vector<16xi32>,
    %mul3A_71 = arith.constant 8 : i32
    %mul3A_72 = vector.broadcast %mul3A_71 : i32 to vector<16xi32>
    %mul3A_73 = arith.muli %shift_right_logical3A_38, %mul3A_72 : vector<16xi32>
    %add3A_74 = arith.constant 2 : i32
    %add3A_75 = vector.broadcast %add3A_74 : i32 to vector<16xi32>
    %add3A_76 = arith.addi %mul3A_73, %add3A_75 : vector<16xi32>
    %gather3A_77 = tpu.vector_load_idx %arg11[%add3A_76] : memref<128xi32, #tpu.memory_space<vmem>>[vector<16xi32>], vector<16xi32>,
    %mul3A_78 = arith.constant 9 : i32
    %mul3A_79 = vector.broadcast %mul3A_78 : i32 to vector<16xi32>
    %mul3A_80 = arith.muli %iota3A, %mul3A_79 : vector<16xi32>
    %add3A_81 = arith.constant 2 : i32
    %add3A_82 = vector.broadcast %add3A_81 : i32 to vector<16xi32>
    %add3A_83 = arith.addi %mul3A_80, %add3A_82 : vector<16xi32>
    tpu.vector_store_idx %arg14[%add3A_83], %gather3A_77 : memref<144xi32, #tpu.memory_space<vmem>>[vector<16xi32>], vector<16xi32>,
    %mul3A_84 = arith.constant 8 : i32
    %mul3A_85 = vector.broadcast %mul3A_84 : i32 to vector<16xi32>
    %mul3A_86 = arith.muli %shift_right_logical3A_38, %mul3A_85 : vector<16xi32>
    %add3A_87 = arith.constant 3 : i32
    %add3A_88 = vector.broadcast %add3A_87 : i32 to vector<16xi32>
    %add3A_89 = arith.addi %mul3A_86, %add3A_88 : vector<16xi32>
    %gather3A_90 = tpu.vector_load_idx %arg11[%add3A_89] : memref<128xi32, #tpu.memory_space<vmem>>[vector<16xi32>], vector<16xi32>,
    %mul3A_91 = arith.constant 9 : i32
    %mul3A_92 = vector.broadcast %mul3A_91 : i32 to vector<16xi32>
    %mul3A_93 = arith.muli %iota3A, %mul3A_92 : vector<16xi32>
    %add3A_94 = arith.constant 3 : i32
    %add3A_95 = vector.broadcast %add3A_94 : i32 to vector<16xi32>
    %add3A_96 = arith.addi %mul3A_93, %add3A_95 : vector<16xi32>
    tpu.vector_store_idx %arg14[%add3A_96], %gather3A_90 : memref<144xi32, #tpu.memory_space<vmem>>[vector<16xi32>], vector<16xi32>,
    %mul3A_97 = arith.constant 8 : i32
    %mul3A_98 = vector.broadcast %mul3A_97 : i32 to vector<16xi32>
    %mul3A_99 = arith.muli %shift_right_logical3A_38, %mul3A_98 : vector<16xi32>
    %add3A_100 = arith.constant 4 : i32
    %add3A_101 = vector.broadcast %add3A_100 : i32 to vector<16xi32>
    %add3A_102 = arith.addi %mul3A_99, %add3A_101 : vector<16xi32>
    %gather3A_103 = tpu.vector_load_idx %arg11[%add3A_102] : memref<128xi32, #tpu.memory_space<vmem>>[vector<16xi32>], vector<16xi32>,
    %mul3A_104 = arith.constant 9 : i32
    %mul3A_105 = vector.broadcast %mul3A_104 : i32 to vector<16xi32>
    %mul3A_106 = arith.muli %iota3A, %mul3A_105 : vector<16xi32>
    %add3A_107 = arith.constant 4 : i32
    %add3A_108 = vector.broadcast %add3A_107 : i32 to vector<16xi32>
    %add3A_109 = arith.addi %mul3A_106, %add3A_108 : vector<16xi32>
    tpu.vector_store_idx %arg14[%add3A_109], %gather3A_103 : memref<144xi32, #tpu.memory_space<vmem>>[vector<16xi32>], vector<16xi32>,
    %mul3A_110 = arith.constant 8 : i32
    %mul3A_111 = vector.broadcast %mul3A_110 : i32 to vector<16xi32>
    %mul3A_112 = arith.muli %shift_right_logical3A_38, %mul3A_111 : vector<16xi32>
    %add3A_113 = arith.constant 5 : i32
    %add3A_114 = vector.broadcast %add3A_113 : i32 to vector<16xi32>
    %add3A_115 = arith.addi %mul3A_112, %add3A_114 : vector<16xi32>
    %gather3A_116 = tpu.vector_load_idx %arg11[%add3A_115] : memref<128xi32, #tpu.memory_space<vmem>>[vector<16xi32>], vector<16xi32>,
    %mul3A_117 = arith.constant 9 : i32
    %mul3A_118 = vector.broadcast %mul3A_117 : i32 to vector<16xi32>
    %mul3A_119 = arith.muli %iota3A, %mul3A_118 : vector<16xi32>
    %add3A_120 = arith.constant 5 : i32
    %add3A_121 = vector.broadcast %add3A_120 : i32 to vector<16xi32>
    %add3A_122 = arith.addi %mul3A_119, %add3A_121 : vector<16xi32>
    tpu.vector_store_idx %arg14[%add3A_122], %gather3A_116 : memref<144xi32, #tpu.memory_space<vmem>>[vector<16xi32>], vector<16xi32>,
    %mul3A_123 = arith.constant 8 : i32
    %mul3A_124 = vector.broadcast %mul3A_123 : i32 to vector<16xi32>
    %mul3A_125 = arith.muli %shift_right_logical3A_38, %mul3A_124 : vector<16xi32>
    %add3A_126 = arith.constant 6 : i32
    %add3A_127 = vector.broadcast %add3A_126 : i32 to vector<16xi32>
    %add3A_128 = arith.addi %mul3A_125, %add3A_127 : vector<16xi32>
    %gather3A_129 = tpu.vector_load_idx %arg11[%add3A_128] : memref<128xi32, #tpu.memory_space<vmem>>[vector<16xi32>], vector<16xi32>,
    %mul3A_130 = arith.constant 9 : i32
    %mul3A_131 = vector.broadcast %mul3A_130 : i32 to vector<16xi32>
    %mul3A_132 = arith.muli %iota3A, %mul3A_131 : vector<16xi32>
    %add3A_133 = arith.constant 6 : i32
    %add3A_134 = vector.broadcast %add3A_133 : i32 to vector<16xi32>
    %add3A_135 = arith.addi %mul3A_132, %add3A_134 : vector<16xi32>
    tpu.vector_store_idx %arg14[%add3A_135], %gather3A_129 : memref<144xi32, #tpu.memory_space<vmem>>[vector<16xi32>], vector<16xi32>,
    %mul3A_136 = arith.constant 8 : i32
    %mul3A_137 = vector.broadcast %mul3A_136 : i32 to vector<16xi32>
    %mul3A_138 = arith.muli %shift_right_logical3A_38, %mul3A_137 : vector<16xi32>
    %add3A_139 = arith.constant 7 : i32
    %add3A_140 = vector.broadcast %add3A_139 : i32 to vector<16xi32>
    %add3A_141 = arith.addi %mul3A_138, %add3A_140 : vector<16xi32>
    %gather3A_142 = tpu.vector_load_idx %arg11[%add3A_141] : memref<128xi32, #tpu.memory_space<vmem>>[vector<16xi32>], vector<16xi32>,
    %mul3A_143 = arith.constant 9 : i32
    %mul3A_144 = vector.broadcast %mul3A_143 : i32 to vector<16xi32>
    %mul3A_145 = arith.muli %iota3A, %mul3A_144 : vector<16xi32>
    %add3A_146 = arith.constant 7 : i32
    %add3A_147 = vector.broadcast %add3A_146 : i32 to vector<16xi32>
    %add3A_148 = arith.addi %mul3A_145, %add3A_147 : vector<16xi32>
    tpu.vector_store_idx %arg14[%add3A_148], %gather3A_142 : memref<144xi32, #tpu.memory_space<vmem>>[vector<16xi32>], vector<16xi32>,
    %mul3A_149 = arith.constant 9 : i32
    %mul3A_150 = vector.broadcast %mul3A_149 : i32 to vector<16xi32>
    %mul3A_151 = arith.muli %iota3A, %mul3A_150 : vector<16xi32>
    %add3A_152 = arith.constant 8 : i32
    %add3A_153 = vector.broadcast %add3A_152 : i32 to vector<16xi32>
    %add3A_154 = arith.addi %mul3A_151, %add3A_153 : vector<16xi32>
    tpu.vector_store_idx %arg14[%add3A_154], %and3A_40 : memref<144xi32, #tpu.memory_space<vmem>>[vector<16xi32>], vector<16xi32>,
    "tpu.region"() ({
      %run_scoped3A = tpu.sem_alloc : memref<!tpu.dma_semaphore, #tpu.memory_space<semaphore_mem>>
      %dma_start3A_313 = arith.constant 0 : i32
      %dma_start3A_314 = tpu.memref_slice %arg5[%add3A_7, %dma_start3A_313] : memref<64x16xf32, #tpu.memory_space<hbm>> -> memref<1x16xf32, #tpu.memory_space<hbm>>
      %dma_start3A_315 = tpu.memref_squeeze %dma_start3A_314 : memref<1x16xf32, #tpu.memory_space<hbm>> -> memref<16xf32, #tpu.memory_space<hbm>>
      %dma_start3A_316 = arith.constant 0 : i32
      %dma_start3A_317 = tpu.memref_slice %arg5[%add3A_7, %dma_start3A_316] : memref<64x16xf32, #tpu.memory_space<hbm>> -> memref<1x16xf32, #tpu.memory_space<hbm>>
      %dma_start3A_318 = tpu.memref_squeeze %dma_start3A_317 : memref<1x16xf32, #tpu.memory_space<hbm>> -> memref<16xf32, #tpu.memory_space<hbm>>
      tpu.enqueue_dma source(%arg12 : memref<16xf32, #tpu.memory_space<vmem>>) target(%dma_start3A_318 : memref<16xf32, #tpu.memory_space<hbm>>) target_semaphore(%run_scoped3A : memref<!tpu.dma_semaphore, #tpu.memory_space<semaphore_mem>>)
      %dma_wait3A = arith.constant 0 : i32
      %dma_wait3A_319 = tpu.memref_slice %arg5[%add3A_7, %dma_wait3A] : memref<64x16xf32, #tpu.memory_space<hbm>> -> memref<1x16xf32, #tpu.memory_space<hbm>>
      %dma_wait3A_320 = tpu.memref_squeeze %dma_wait3A_319 : memref<1x16xf32, #tpu.memory_space<hbm>> -> memref<16xf32, #tpu.memory_space<hbm>>
      %dma_wait3A_321 = arith.constant 0 : i32
      %dma_wait3A_322 = tpu.memref_slice %arg5[%add3A_7, %dma_wait3A_321] : memref<64x16xf32, #tpu.memory_space<hbm>> -> memref<1x16xf32, #tpu.memory_space<hbm>>
      %dma_wait3A_323 = tpu.memref_squeeze %dma_wait3A_322 : memref<1x16xf32, #tpu.memory_space<hbm>> -> memref<16xf32, #tpu.memory_space<hbm>>
      tpu.wait_dma2 semaphore(%run_scoped3A : memref<!tpu.dma_semaphore, #tpu.memory_space<semaphore_mem>>) src(%arg12 : memref<16xf32, #tpu.memory_space<vmem>>) dst(%dma_wait3A_323 : memref<16xf32, #tpu.memory_space<hbm>>)
      tpu.yield
    }) : () -> ()
    "tpu.region"() ({
      %run_scoped3A = tpu.sem_alloc : memref<!tpu.dma_semaphore, #tpu.memory_space<semaphore_mem>>
      %dma_start3A_313 = arith.constant 0 : i32
      %dma_start3A_314 = tpu.memref_slice %arg7[%add3A_7, %dma_start3A_313] : memref<64x16xf32, #tpu.memory_space<hbm>> -> memref<1x16xf32, #tpu.memory_space<hbm>>
      %dma_start3A_315 = tpu.memref_squeeze %dma_start3A_314 : memref<1x16xf32, #tpu.memory_space<hbm>> -> memref<16xf32, #tpu.memory_space<hbm>>
      %dma_start3A_316 = arith.constant 0 : i32
      %dma_start3A_317 = tpu.memref_slice %arg7[%add3A_7, %dma_start3A_316] : memref<64x16xf32, #tpu.memory_space<hbm>> -> memref<1x16xf32, #tpu.memory_space<hbm>>
      %dma_start3A_318 = tpu.memref_squeeze %dma_start3A_317 : memref<1x16xf32, #tpu.memory_space<hbm>> -> memref<16xf32, #tpu.memory_space<hbm>>
      tpu.enqueue_dma source(%arg13 : memref<16xf32, #tpu.memory_space<vmem>>) target(%dma_start3A_318 : memref<16xf32, #tpu.memory_space<hbm>>) target_semaphore(%run_scoped3A : memref<!tpu.dma_semaphore, #tpu.memory_space<semaphore_mem>>)
      %dma_wait3A = arith.constant 0 : i32
      %dma_wait3A_319 = tpu.memref_slice %arg7[%add3A_7, %dma_wait3A] : memref<64x16xf32, #tpu.memory_space<hbm>> -> memref<1x16xf32, #tpu.memory_space<hbm>>
      %dma_wait3A_320 = tpu.memref_squeeze %dma_wait3A_319 : memref<1x16xf32, #tpu.memory_space<hbm>> -> memref<16xf32, #tpu.memory_space<hbm>>
      %dma_wait3A_321 = arith.constant 0 : i32
      %dma_wait3A_322 = tpu.memref_slice %arg7[%add3A_7, %dma_wait3A_321] : memref<64x16xf32, #tpu.memory_space<hbm>> -> memref<1x16xf32, #tpu.memory_space<hbm>>
      %dma_wait3A_323 = tpu.memref_squeeze %dma_wait3A_322 : memref<1x16xf32, #tpu.memory_space<hbm>> -> memref<16xf32, #tpu.memory_space<hbm>>
      tpu.wait_dma2 semaphore(%run_scoped3A : memref<!tpu.dma_semaphore, #tpu.memory_space<semaphore_mem>>) src(%arg13 : memref<16xf32, #tpu.memory_space<vmem>>) dst(%dma_wait3A_323 : memref<16xf32, #tpu.memory_space<hbm>>)
      tpu.yield
    }) : () -> ()
    "tpu.region"() ({
      %run_scoped3A = tpu.sem_alloc : memref<!tpu.dma_semaphore, #tpu.memory_space<semaphore_mem>>
      %dma_start3A_313 = arith.constant 0 : i32
      %dma_start3A_314 = tpu.memref_slice %arg6[%add3A_7, %dma_start3A_313] : memref<64x144xi32, #tpu.memory_space<hbm>> -> memref<1x144xi32, #tpu.memory_space<hbm>>
      %dma_start3A_315 = tpu.memref_squeeze %dma_start3A_314 : memref<1x144xi32, #tpu.memory_space<hbm>> -> memref<144xi32, #tpu.memory_space<hbm>>
      %dma_start3A_316 = arith.constant 0 : i32
      %dma_start3A_317 = tpu.memref_slice %arg6[%add3A_7, %dma_start3A_316] : memref<64x144xi32, #tpu.memory_space<hbm>> -> memref<1x144xi32, #tpu.memory_space<hbm>>
      %dma_start3A_318 = tpu.memref_squeeze %dma_start3A_317 : memref<1x144xi32, #tpu.memory_space<hbm>> -> memref<144xi32, #tpu.memory_space<hbm>>
      tpu.enqueue_dma source(%arg14 : memref<144xi32, #tpu.memory_space<vmem>>) target(%dma_start3A_318 : memref<144xi32, #tpu.memory_space<hbm>>) target_semaphore(%run_scoped3A : memref<!tpu.dma_semaphore, #tpu.memory_space<semaphore_mem>>)
      %dma_wait3A = arith.constant 0 : i32
      %dma_wait3A_319 = tpu.memref_slice %arg6[%add3A_7, %dma_wait3A] : memref<64x144xi32, #tpu.memory_space<hbm>> -> memref<1x144xi32, #tpu.memory_space<hbm>>
      %dma_wait3A_320 = tpu.memref_squeeze %dma_wait3A_319 : memref<1x144xi32, #tpu.memory_space<hbm>> -> memref<144xi32, #tpu.memory_space<hbm>>
      %dma_wait3A_321 = arith.constant 0 : i32
      %dma_wait3A_322 = tpu.memref_slice %arg6[%add3A_7, %dma_wait3A_321] : memref<64x144xi32, #tpu.memory_space<hbm>> -> memref<1x144xi32, #tpu.memory_space<hbm>>
      %dma_wait3A_323 = tpu.memref_squeeze %dma_wait3A_322 : memref<1x144xi32, #tpu.memory_space<hbm>> -> memref<144xi32, #tpu.memory_space<hbm>>
      tpu.wait_dma2 semaphore(%run_scoped3A : memref<!tpu.dma_semaphore, #tpu.memory_space<semaphore_mem>>) src(%arg14 : memref<144xi32, #tpu.memory_space<vmem>>) dst(%dma_wait3A_323 : memref<144xi32, #tpu.memory_space<hbm>>)
      tpu.yield
    }) : () -> ()
    %mul3A_155 = arith.constant 2 : i32
    %mul3A_156 = arith.muli %add3A, %mul3A_155 : i32
    %add3A_157 = arith.constant 1 : i32
    %add3A_158 = arith.addi %mul3A_156, %add3A_157 : i32
    "tpu.region"() ({
      %run_scoped3A = tpu.sem_alloc : memref<!tpu.dma_semaphore, #tpu.memory_space<semaphore_mem>>
      %dma_start3A_313 = arith.constant 0 : i32
      %dma_start3A_314 = tpu.memref_slice %arg3[%add3A_158, %dma_start3A_313] : memref<64x16xf32, #tpu.memory_space<hbm>> -> memref<1x16xf32, #tpu.memory_space<hbm>>
      %dma_start3A_315 = tpu.memref_squeeze %dma_start3A_314 : memref<1x16xf32, #tpu.memory_space<hbm>> -> memref<16xf32, #tpu.memory_space<hbm>>
      %dma_start3A_316 = arith.constant 0 : i32
      %dma_start3A_317 = tpu.memref_slice %arg3[%add3A_158, %dma_start3A_316] : memref<64x16xf32, #tpu.memory_space<hbm>> -> memref<1x16xf32, #tpu.memory_space<hbm>>
      %dma_start3A_318 = tpu.memref_squeeze %dma_start3A_317 : memref<1x16xf32, #tpu.memory_space<hbm>> -> memref<16xf32, #tpu.memory_space<hbm>>
      tpu.enqueue_dma source(%dma_start3A_318 : memref<16xf32, #tpu.memory_space<hbm>>) target(%arg10 : memref<16xf32, #tpu.memory_space<vmem>>) target_semaphore(%run_scoped3A : memref<!tpu.dma_semaphore, #tpu.memory_space<semaphore_mem>>)
      %dma_wait3A = arith.constant 0 : i32
      %dma_wait3A_319 = tpu.memref_slice %arg3[%add3A_158, %dma_wait3A] : memref<64x16xf32, #tpu.memory_space<hbm>> -> memref<1x16xf32, #tpu.memory_space<hbm>>
      %dma_wait3A_320 = tpu.memref_squeeze %dma_wait3A_319 : memref<1x16xf32, #tpu.memory_space<hbm>> -> memref<16xf32, #tpu.memory_space<hbm>>
      %dma_wait3A_321 = arith.constant 0 : i32
      %dma_wait3A_322 = tpu.memref_slice %arg3[%add3A_158, %dma_wait3A_321] : memref<64x16xf32, #tpu.memory_space<hbm>> -> memref<1x16xf32, #tpu.memory_space<hbm>>
      %dma_wait3A_323 = tpu.memref_squeeze %dma_wait3A_322 : memref<1x16xf32, #tpu.memory_space<hbm>> -> memref<16xf32, #tpu.memory_space<hbm>>
      tpu.wait_dma2 semaphore(%run_scoped3A : memref<!tpu.dma_semaphore, #tpu.memory_space<semaphore_mem>>) src(%dma_wait3A_323 : memref<16xf32, #tpu.memory_space<hbm>>) dst(%arg10 : memref<16xf32, #tpu.memory_space<vmem>>)
      tpu.yield
    }) : () -> ()
    "tpu.region"() ({
      %run_scoped3A = tpu.sem_alloc : memref<!tpu.dma_semaphore, #tpu.memory_space<semaphore_mem>>
      %dma_start3A_313 = arith.constant 0 : i32
      %dma_start3A_314 = tpu.memref_slice %arg4[%add3A_158, %dma_start3A_313] : memref<64x128xi32, #tpu.memory_space<hbm>> -> memref<1x128xi32, #tpu.memory_space<hbm>>
      %dma_start3A_315 = tpu.memref_squeeze %dma_start3A_314 : memref<1x128xi32, #tpu.memory_space<hbm>> -> memref<128xi32, #tpu.memory_space<hbm>>
      %dma_start3A_316 = arith.constant 0 : i32
      %dma_start3A_317 = tpu.memref_slice %arg4[%add3A_158, %dma_start3A_316] : memref<64x128xi32, #tpu.memory_space<hbm>> -> memref<1x128xi32, #tpu.memory_space<hbm>>
      %dma_start3A_318 = tpu.memref_squeeze %dma_start3A_317 : memref<1x128xi32, #tpu.memory_space<hbm>> -> memref<128xi32, #tpu.memory_space<hbm>>
      tpu.enqueue_dma source(%dma_start3A_318 : memref<128xi32, #tpu.memory_space<hbm>>) target(%arg11 : memref<128xi32, #tpu.memory_space<vmem>>) target_semaphore(%run_scoped3A : memref<!tpu.dma_semaphore, #tpu.memory_space<semaphore_mem>>)
      %dma_wait3A = arith.constant 0 : i32
      %dma_wait3A_319 = tpu.memref_slice %arg4[%add3A_158, %dma_wait3A] : memref<64x128xi32, #tpu.memory_space<hbm>> -> memref<1x128xi32, #tpu.memory_space<hbm>>
      %dma_wait3A_320 = tpu.memref_squeeze %dma_wait3A_319 : memref<1x128xi32, #tpu.memory_space<hbm>> -> memref<128xi32, #tpu.memory_space<hbm>>
      %dma_wait3A_321 = arith.constant 0 : i32
      %dma_wait3A_322 = tpu.memref_slice %arg4[%add3A_158, %dma_wait3A_321] : memref<64x128xi32, #tpu.memory_space<hbm>> -> memref<1x128xi32, #tpu.memory_space<hbm>>
      %dma_wait3A_323 = tpu.memref_squeeze %dma_wait3A_322 : memref<1x128xi32, #tpu.memory_space<hbm>> -> memref<128xi32, #tpu.memory_space<hbm>>
      tpu.wait_dma2 semaphore(%run_scoped3A : memref<!tpu.dma_semaphore, #tpu.memory_space<semaphore_mem>>) src(%dma_wait3A_323 : memref<128xi32, #tpu.memory_space<hbm>>) dst(%arg11 : memref<128xi32, #tpu.memory_space<vmem>>)
      tpu.yield
    }) : () -> ()
    %dma_start3A_159 = arith.constant 0 : i32
    %dma_start3A_160 = arith.constant 0 : i32
    %dma_start3A_161 = arith.constant 0 : i32
    %dma_start3A_162 = tpu.memref_slice %arg8[%dma_start3A_161] : memref<65536xf32, #tpu.memory_space<vmem>> -> memref<32768xf32, #tpu.memory_space<vmem>>
    %dma_start3A_163 = arith.constant 0 : i32
    %dma_start3A_164 = tpu.memref_slice %arg2[%add3A_158, %dma_start3A_159, %dma_start3A_163] : memref<64x16x32768xf32, #tpu.memory_space<hbm>> -> memref<1x1x32768xf32, #tpu.memory_space<hbm>>
    %dma_start3A_165 = tpu.memref_squeeze %dma_start3A_164 : memref<1x1x32768xf32, #tpu.memory_space<hbm>> -> memref<32768xf32, #tpu.memory_space<hbm>>
    %dma_start3A_166 = tpu.memref_slice %arg15[%dma_start3A_160] : memref<2x!tpu.dma_semaphore, #tpu.memory_space<semaphore_mem>> -> memref<1x!tpu.dma_semaphore, #tpu.memory_space<semaphore_mem>>
    %dma_start3A_167 = tpu.memref_squeeze %dma_start3A_166 : memref<1x!tpu.dma_semaphore, #tpu.memory_space<semaphore_mem>> -> memref<!tpu.dma_semaphore, #tpu.memory_space<semaphore_mem>>
    %dma_start3A_168 = arith.constant 0 : i32
    %dma_start3A_169 = tpu.memref_slice %arg8[%dma_start3A_168] : memref<65536xf32, #tpu.memory_space<vmem>> -> memref<32768xf32, #tpu.memory_space<vmem>>
    %dma_start3A_170 = arith.constant 0 : i32
    %dma_start3A_171 = tpu.memref_slice %arg2[%add3A_158, %dma_start3A_159, %dma_start3A_170] : memref<64x16x32768xf32, #tpu.memory_space<hbm>> -> memref<1x1x32768xf32, #tpu.memory_space<hbm>>
    %dma_start3A_172 = tpu.memref_squeeze %dma_start3A_171 : memref<1x1x32768xf32, #tpu.memory_space<hbm>> -> memref<32768xf32, #tpu.memory_space<hbm>>
    tpu.enqueue_dma source(%dma_start3A_172 : memref<32768xf32, #tpu.memory_space<hbm>>) target(%dma_start3A_169 : memref<32768xf32, #tpu.memory_space<vmem>>) target_semaphore(%dma_start3A_167 : memref<!tpu.dma_semaphore, #tpu.memory_space<semaphore_mem>>)
    %broadcast_in_dim3A_173 = arith.constant 0 : i32
    %broadcast_in_dim3A_174 = vector.broadcast %broadcast_in_dim3A_173 : i32 to vector<16xi32>
    %scan3A_175 = arith.constant 0 : i32
    %scan3A_176 = arith.constant 16 : i32
    %scan3A_177 = arith.addi %scan3A_175, %scan3A_176 : i32
    %scan3A_178 = arith.constant 1 : i32
    %scan3A_179:2 = scf.for %scan3A_313 = %scan3A_175 to %scan3A_177 step %scan3A_178 iter_args(%scan3A_314 = %broadcast_in_dim3A_3, %scan3A_315 = %broadcast_in_dim3A_174) -> (vector<16xf32>, vector<16xi32>)  : i32 {
      %rem3A = arith.constant 2 : i32
      %rem3A_316 = arith.remsi %scan3A_313, %rem3A : i32
      %mul3A_317 = arith.constant 32768 : i32
      %mul3A_318 = arith.muli %rem3A_316, %mul3A_317 : i32
      %dma_wait3A = tpu.memref_slice %arg8[%mul3A_318] : memref<65536xf32, #tpu.memory_space<vmem>> -> memref<32768xf32, #tpu.memory_space<vmem>>
      %dma_wait3A_319 = arith.constant 0 : i32
      %dma_wait3A_320 = tpu.memref_slice %arg2[%add3A_158, %scan3A_313, %dma_wait3A_319] : memref<64x16x32768xf32, #tpu.memory_space<hbm>> -> memref<1x1x32768xf32, #tpu.memory_space<hbm>>
      %dma_wait3A_321 = tpu.memref_squeeze %dma_wait3A_320 : memref<1x1x32768xf32, #tpu.memory_space<hbm>> -> memref<32768xf32, #tpu.memory_space<hbm>>
      %dma_wait3A_322 = tpu.memref_slice %arg15[%rem3A_316] : memref<2x!tpu.dma_semaphore, #tpu.memory_space<semaphore_mem>> -> memref<1x!tpu.dma_semaphore, #tpu.memory_space<semaphore_mem>>
      %dma_wait3A_323 = tpu.memref_squeeze %dma_wait3A_322 : memref<1x!tpu.dma_semaphore, #tpu.memory_space<semaphore_mem>> -> memref<!tpu.dma_semaphore, #tpu.memory_space<semaphore_mem>>
      %dma_wait3A_324 = tpu.memref_slice %arg8[%mul3A_318] : memref<65536xf32, #tpu.memory_space<vmem>> -> memref<32768xf32, #tpu.memory_space<vmem>>
      %dma_wait3A_325 = arith.constant 0 : i32
      %dma_wait3A_326 = tpu.memref_slice %arg2[%add3A_158, %scan3A_313, %dma_wait3A_325] : memref<64x16x32768xf32, #tpu.memory_space<hbm>> -> memref<1x1x32768xf32, #tpu.memory_space<hbm>>
      %dma_wait3A_327 = tpu.memref_squeeze %dma_wait3A_326 : memref<1x1x32768xf32, #tpu.memory_space<hbm>> -> memref<32768xf32, #tpu.memory_space<hbm>>
      tpu.wait_dma2 semaphore(%dma_wait3A_323 : memref<!tpu.dma_semaphore, #tpu.memory_space<semaphore_mem>>) src(%dma_wait3A_327 : memref<32768xf32, #tpu.memory_space<hbm>>) dst(%dma_wait3A_324 : memref<32768xf32, #tpu.memory_space<vmem>>)
      %add3A_328 = arith.constant 1 : i32
      %add3A_329 = arith.addi %scan3A_313, %add3A_328 : i32
      %lt3A = arith.constant 16 : i32
      %lt3A_330 = arith.cmpi slt, %add3A_329, %lt3A : i32
      %convert_element_type3A = arith.extui %lt3A_330 : i1 to i32
      %cond3A = arith.constant 0 : i32
      %cond3A_331 = arith.cmpi ne, %convert_element_type3A, %cond3A : i32
      scf.if %cond3A_331 {
        %add3A_373 = arith.constant 1 : i32
        %add3A_374 = arith.addi %scan3A_313, %add3A_373 : i32
        %rem3A_375 = arith.constant 2 : i32
        %rem3A_376 = arith.remsi %add3A_374, %rem3A_375 : i32
        %add3A_377 = arith.constant 1 : i32
        %add3A_378 = arith.addi %scan3A_313, %add3A_377 : i32
        %mul3A_379 = arith.constant 32768 : i32
        %mul3A_380 = arith.muli %rem3A_376, %mul3A_379 : i32
        %dma_start3A_381 = tpu.memref_slice %arg8[%mul3A_380] : memref<65536xf32, #tpu.memory_space<vmem>> -> memref<32768xf32, #tpu.memory_space<vmem>>
        %dma_start3A_382 = arith.constant 0 : i32
        %dma_start3A_383 = tpu.memref_slice %arg2[%add3A_158, %add3A_378, %dma_start3A_382] : memref<64x16x32768xf32, #tpu.memory_space<hbm>> -> memref<1x1x32768xf32, #tpu.memory_space<hbm>>
        %dma_start3A_384 = tpu.memref_squeeze %dma_start3A_383 : memref<1x1x32768xf32, #tpu.memory_space<hbm>> -> memref<32768xf32, #tpu.memory_space<hbm>>
        %dma_start3A_385 = tpu.memref_slice %arg15[%rem3A_376] : memref<2x!tpu.dma_semaphore, #tpu.memory_space<semaphore_mem>> -> memref<1x!tpu.dma_semaphore, #tpu.memory_space<semaphore_mem>>
        %dma_start3A_386 = tpu.memref_squeeze %dma_start3A_385 : memref<1x!tpu.dma_semaphore, #tpu.memory_space<semaphore_mem>> -> memref<!tpu.dma_semaphore, #tpu.memory_space<semaphore_mem>>
        %dma_start3A_387 = tpu.memref_slice %arg8[%mul3A_380] : memref<65536xf32, #tpu.memory_space<vmem>> -> memref<32768xf32, #tpu.memory_space<vmem>>
        %dma_start3A_388 = arith.constant 0 : i32
        %dma_start3A_389 = tpu.memref_slice %arg2[%add3A_158, %add3A_378, %dma_start3A_388] : memref<64x16x32768xf32, #tpu.memory_space<hbm>> -> memref<1x1x32768xf32, #tpu.memory_space<hbm>>
        %dma_start3A_390 = tpu.memref_squeeze %dma_start3A_389 : memref<1x1x32768xf32, #tpu.memory_space<hbm>> -> memref<32768xf32, #tpu.memory_space<hbm>>
        tpu.enqueue_dma source(%dma_start3A_390 : memref<32768xf32, #tpu.memory_space<hbm>>) target(%dma_start3A_387 : memref<32768xf32, #tpu.memory_space<vmem>>) target_semaphore(%dma_start3A_386 : memref<!tpu.dma_semaphore, #tpu.memory_space<semaphore_mem>>)
      } else {
      }
      %broadcast_in_dim3A_332 = vector.broadcast %scan3A_313 : i32 to vector<16xi32>
      %gather3A_333 = tpu.vector_load_idx %arg10[%broadcast_in_dim3A_332] : memref<16xf32, #tpu.memory_space<vmem>>[vector<16xi32>], vector<16xf32>,
      %mul3A_334 = arith.constant 32768 : i32
      %mul3A_335 = arith.muli %scan3A_313, %mul3A_334 : i32
      %parallel_loop3A = arith.constant 0 : i32
      %parallel_loop3A_336 = arith.constant 16 : i32
      %parallel_loop3A_337 = arith.constant 1 : i32
      %parallel_loop3A_338 = scf.for %parallel_loop3A_373 = %parallel_loop3A to %parallel_loop3A_336 step %parallel_loop3A_337 iter_args(%parallel_loop3A_374 = %broadcast_in_dim3A_3) -> (vector<16xf32>)  : i32 {
        %parallel_loop3A_375 = arith.constant 512 : i32
        %parallel_loop3A_376 = arith.muli %parallel_loop3A_373, %parallel_loop3A_375 : i32
        %parallel_loop3A_377 = arith.addi %mul3A_318, %parallel_loop3A_376 : i32
        %parallel_loop3A_378 = arith.constant 0 : i32
        %parallel_loop3A_379 = arith.addi %parallel_loop3A_377, %parallel_loop3A_378 : i32
        %parallel_loop3A_380 = arith.constant 0 : i32
        %parallel_loop3A_381 = arith.addi %parallel_loop3A_379, %parallel_loop3A_380 : i32
        %parallel_loop3A_382 = arith.index_cast %parallel_loop3A_381 : i32 to index
        %parallel_loop3A_383 = tpu.vector_load %arg8[%parallel_loop3A_382] {strides = array<i32>} : memref<65536xf32, #tpu.memory_space<vmem>>, vector<16xf32>,
        %parallel_loop3A_384 = arith.addi %mul3A_318, %parallel_loop3A_376 : i32
        %parallel_loop3A_385 = arith.constant 0 : i32
        %parallel_loop3A_386 = arith.addi %parallel_loop3A_384, %parallel_loop3A_385 : i32
        %parallel_loop3A_387 = arith.constant 16 : i32
        %parallel_loop3A_388 = arith.addi %parallel_loop3A_386, %parallel_loop3A_387 : i32
        %parallel_loop3A_389 = arith.index_cast %parallel_loop3A_388 : i32 to index
        %parallel_loop3A_390 = tpu.vector_load %arg8[%parallel_loop3A_389] {strides = array<i32>} : memref<65536xf32, #tpu.memory_space<vmem>>, vector<16xf32>,
        %parallel_loop3A_391 = arith.addi %mul3A_318, %parallel_loop3A_376 : i32
        %parallel_loop3A_392 = arith.constant 0 : i32
        %parallel_loop3A_393 = arith.addi %parallel_loop3A_391, %parallel_loop3A_392 : i32
        %parallel_loop3A_394 = arith.constant 32 : i32
        %parallel_loop3A_395 = arith.addi %parallel_loop3A_393, %parallel_loop3A_394 : i32
        %parallel_loop3A_396 = arith.index_cast %parallel_loop3A_395 : i32 to index
        %parallel_loop3A_397 = tpu.vector_load %arg8[%parallel_loop3A_396] {strides = array<i32>} : memref<65536xf32, #tpu.memory_space<vmem>>, vector<16xf32>,
        %parallel_loop3A_398 = arith.addi %mul3A_318, %parallel_loop3A_376 : i32
        %parallel_loop3A_399 = arith.constant 0 : i32
        %parallel_loop3A_400 = arith.addi %parallel_loop3A_398, %parallel_loop3A_399 : i32
        %parallel_loop3A_401 = arith.constant 48 : i32
        %parallel_loop3A_402 = arith.addi %parallel_loop3A_400, %parallel_loop3A_401 : i32
        %parallel_loop3A_403 = arith.index_cast %parallel_loop3A_402 : i32 to index
        %parallel_loop3A_404 = tpu.vector_load %arg8[%parallel_loop3A_403] {strides = array<i32>} : memref<65536xf32, #tpu.memory_space<vmem>>, vector<16xf32>,
        %parallel_loop3A_405 = arith.addi %mul3A_318, %parallel_loop3A_376 : i32
        %parallel_loop3A_406 = arith.constant 0 : i32
        %parallel_loop3A_407 = arith.addi %parallel_loop3A_405, %parallel_loop3A_406 : i32
        %parallel_loop3A_408 = arith.constant 64 : i32
        %parallel_loop3A_409 = arith.addi %parallel_loop3A_407, %parallel_loop3A_408 : i32
        %parallel_loop3A_410 = arith.index_cast %parallel_loop3A_409 : i32 to index
        %parallel_loop3A_411 = tpu.vector_load %arg8[%parallel_loop3A_410] {strides = array<i32>} : memref<65536xf32, #tpu.memory_space<vmem>>, vector<16xf32>,
        %parallel_loop3A_412 = arith.addi %mul3A_318, %parallel_loop3A_376 : i32
        %parallel_loop3A_413 = arith.constant 0 : i32
        %parallel_loop3A_414 = arith.addi %parallel_loop3A_412, %parallel_loop3A_413 : i32
        %parallel_loop3A_415 = arith.constant 80 : i32
        %parallel_loop3A_416 = arith.addi %parallel_loop3A_414, %parallel_loop3A_415 : i32
        %parallel_loop3A_417 = arith.index_cast %parallel_loop3A_416 : i32 to index
        %parallel_loop3A_418 = tpu.vector_load %arg8[%parallel_loop3A_417] {strides = array<i32>} : memref<65536xf32, #tpu.memory_space<vmem>>, vector<16xf32>,
        %parallel_loop3A_419 = arith.addi %mul3A_318, %parallel_loop3A_376 : i32
        %parallel_loop3A_420 = arith.constant 0 : i32
        %parallel_loop3A_421 = arith.addi %parallel_loop3A_419, %parallel_loop3A_420 : i32
        %parallel_loop3A_422 = arith.constant 96 : i32
        %parallel_loop3A_423 = arith.addi %parallel_loop3A_421, %parallel_loop3A_422 : i32
        %parallel_loop3A_424 = arith.index_cast %parallel_loop3A_423 : i32 to index
        %parallel_loop3A_425 = tpu.vector_load %arg8[%parallel_loop3A_424] {strides = array<i32>} : memref<65536xf32, #tpu.memory_space<vmem>>, vector<16xf32>,
        %parallel_loop3A_426 = arith.addi %mul3A_318, %parallel_loop3A_376 : i32
        %parallel_loop3A_427 = arith.constant 0 : i32
        %parallel_loop3A_428 = arith.addi %parallel_loop3A_426, %parallel_loop3A_427 : i32
        %parallel_loop3A_429 = arith.constant 112 : i32
        %parallel_loop3A_430 = arith.addi %parallel_loop3A_428, %parallel_loop3A_429 : i32
        %parallel_loop3A_431 = arith.index_cast %parallel_loop3A_430 : i32 to index
        %parallel_loop3A_432 = tpu.vector_load %arg8[%parallel_loop3A_431] {strides = array<i32>} : memref<65536xf32, #tpu.memory_space<vmem>>, vector<16xf32>,
        %parallel_loop3A_433 = arith.maximumf %parallel_loop3A_383, %parallel_loop3A_390 : vector<16xf32>
        %parallel_loop3A_434 = arith.maximumf %parallel_loop3A_397, %parallel_loop3A_404 : vector<16xf32>
        %parallel_loop3A_435 = arith.maximumf %parallel_loop3A_433, %parallel_loop3A_434 : vector<16xf32>
        %parallel_loop3A_436 = arith.maximumf %parallel_loop3A_411, %parallel_loop3A_418 : vector<16xf32>
        %parallel_loop3A_437 = arith.maximumf %parallel_loop3A_425, %parallel_loop3A_432 : vector<16xf32>
        %parallel_loop3A_438 = arith.maximumf %parallel_loop3A_436, %parallel_loop3A_437 : vector<16xf32>
        %parallel_loop3A_439 = arith.maximumf %parallel_loop3A_435, %parallel_loop3A_438 : vector<16xf32>
        %parallel_loop3A_440 = arith.addi %mul3A_318, %parallel_loop3A_376 : i32
        %parallel_loop3A_441 = arith.constant 128 : i32
        %parallel_loop3A_442 = arith.addi %parallel_loop3A_440, %parallel_loop3A_441 : i32
        %parallel_loop3A_443 = arith.constant 0 : i32
        %parallel_loop3A_444 = arith.addi %parallel_loop3A_442, %parallel_loop3A_443 : i32
        %parallel_loop3A_445 = arith.index_cast %parallel_loop3A_444 : i32 to index
        %parallel_loop3A_446 = tpu.vector_load %arg8[%parallel_loop3A_445] {strides = array<i32>} : memref<65536xf32, #tpu.memory_space<vmem>>, vector<16xf32>,
        %parallel_loop3A_447 = arith.addi %mul3A_318, %parallel_loop3A_376 : i32
        %parallel_loop3A_448 = arith.constant 128 : i32
        %parallel_loop3A_449 = arith.addi %parallel_loop3A_447, %parallel_loop3A_448 : i32
        %parallel_loop3A_450 = arith.constant 16 : i32
        %parallel_loop3A_451 = arith.addi %parallel_loop3A_449, %parallel_loop3A_450 : i32
        %parallel_loop3A_452 = arith.index_cast %parallel_loop3A_451 : i32 to index
        %parallel_loop3A_453 = tpu.vector_load %arg8[%parallel_loop3A_452] {strides = array<i32>} : memref<65536xf32, #tpu.memory_space<vmem>>, vector<16xf32>,
        %parallel_loop3A_454 = arith.addi %mul3A_318, %parallel_loop3A_376 : i32
        %parallel_loop3A_455 = arith.constant 128 : i32
        %parallel_loop3A_456 = arith.addi %parallel_loop3A_454, %parallel_loop3A_455 : i32
        %parallel_loop3A_457 = arith.constant 32 : i32
        %parallel_loop3A_458 = arith.addi %parallel_loop3A_456, %parallel_loop3A_457 : i32
        %parallel_loop3A_459 = arith.index_cast %parallel_loop3A_458 : i32 to index
        %parallel_loop3A_460 = tpu.vector_load %arg8[%parallel_loop3A_459] {strides = array<i32>} : memref<65536xf32, #tpu.memory_space<vmem>>, vector<16xf32>,
        %parallel_loop3A_461 = arith.addi %mul3A_318, %parallel_loop3A_376 : i32
        %parallel_loop3A_462 = arith.constant 128 : i32
        %parallel_loop3A_463 = arith.addi %parallel_loop3A_461, %parallel_loop3A_462 : i32
        %parallel_loop3A_464 = arith.constant 48 : i32
        %parallel_loop3A_465 = arith.addi %parallel_loop3A_463, %parallel_loop3A_464 : i32
        %parallel_loop3A_466 = arith.index_cast %parallel_loop3A_465 : i32 to index
        %parallel_loop3A_467 = tpu.vector_load %arg8[%parallel_loop3A_466] {strides = array<i32>} : memref<65536xf32, #tpu.memory_space<vmem>>, vector<16xf32>,
        %parallel_loop3A_468 = arith.addi %mul3A_318, %parallel_loop3A_376 : i32
        %parallel_loop3A_469 = arith.constant 128 : i32
        %parallel_loop3A_470 = arith.addi %parallel_loop3A_468, %parallel_loop3A_469 : i32
        %parallel_loop3A_471 = arith.constant 64 : i32
        %parallel_loop3A_472 = arith.addi %parallel_loop3A_470, %parallel_loop3A_471 : i32
        %parallel_loop3A_473 = arith.index_cast %parallel_loop3A_472 : i32 to index
        %parallel_loop3A_474 = tpu.vector_load %arg8[%parallel_loop3A_473] {strides = array<i32>} : memref<65536xf32, #tpu.memory_space<vmem>>, vector<16xf32>,
        %parallel_loop3A_475 = arith.addi %mul3A_318, %parallel_loop3A_376 : i32
        %parallel_loop3A_476 = arith.constant 128 : i32
        %parallel_loop3A_477 = arith.addi %parallel_loop3A_475, %parallel_loop3A_476 : i32
        %parallel_loop3A_478 = arith.constant 80 : i32
        %parallel_loop3A_479 = arith.addi %parallel_loop3A_477, %parallel_loop3A_478 : i32
        %parallel_loop3A_480 = arith.index_cast %parallel_loop3A_479 : i32 to index
        %parallel_loop3A_481 = tpu.vector_load %arg8[%parallel_loop3A_480] {strides = array<i32>} : memref<65536xf32, #tpu.memory_space<vmem>>, vector<16xf32>,
        %parallel_loop3A_482 = arith.addi %mul3A_318, %parallel_loop3A_376 : i32
        %parallel_loop3A_483 = arith.constant 128 : i32
        %parallel_loop3A_484 = arith.addi %parallel_loop3A_482, %parallel_loop3A_483 : i32
        %parallel_loop3A_485 = arith.constant 96 : i32
        %parallel_loop3A_486 = arith.addi %parallel_loop3A_484, %parallel_loop3A_485 : i32
        %parallel_loop3A_487 = arith.index_cast %parallel_loop3A_486 : i32 to index
        %parallel_loop3A_488 = tpu.vector_load %arg8[%parallel_loop3A_487] {strides = array<i32>} : memref<65536xf32, #tpu.memory_space<vmem>>, vector<16xf32>,
        %parallel_loop3A_489 = arith.addi %mul3A_318, %parallel_loop3A_376 : i32
        %parallel_loop3A_490 = arith.constant 128 : i32
        %parallel_loop3A_491 = arith.addi %parallel_loop3A_489, %parallel_loop3A_490 : i32
        %parallel_loop3A_492 = arith.constant 112 : i32
        %parallel_loop3A_493 = arith.addi %parallel_loop3A_491, %parallel_loop3A_492 : i32
        %parallel_loop3A_494 = arith.index_cast %parallel_loop3A_493 : i32 to index
        %parallel_loop3A_495 = tpu.vector_load %arg8[%parallel_loop3A_494] {strides = array<i32>} : memref<65536xf32, #tpu.memory_space<vmem>>, vector<16xf32>,
        %parallel_loop3A_496 = arith.maximumf %parallel_loop3A_446, %parallel_loop3A_453 : vector<16xf32>
        %parallel_loop3A_497 = arith.maximumf %parallel_loop3A_460, %parallel_loop3A_467 : vector<16xf32>
        %parallel_loop3A_498 = arith.maximumf %parallel_loop3A_496, %parallel_loop3A_497 : vector<16xf32>
        %parallel_loop3A_499 = arith.maximumf %parallel_loop3A_474, %parallel_loop3A_481 : vector<16xf32>
        %parallel_loop3A_500 = arith.maximumf %parallel_loop3A_488, %parallel_loop3A_495 : vector<16xf32>
        %parallel_loop3A_501 = arith.maximumf %parallel_loop3A_499, %parallel_loop3A_500 : vector<16xf32>
        %parallel_loop3A_502 = arith.maximumf %parallel_loop3A_498, %parallel_loop3A_501 : vector<16xf32>
        %parallel_loop3A_503 = arith.addi %mul3A_318, %parallel_loop3A_376 : i32
        %parallel_loop3A_504 = arith.constant 256 : i32
        %parallel_loop3A_505 = arith.addi %parallel_loop3A_503, %parallel_loop3A_504 : i32
        %parallel_loop3A_506 = arith.constant 0 : i32
        %parallel_loop3A_507 = arith.addi %parallel_loop3A_505, %parallel_loop3A_506 : i32
        %parallel_loop3A_508 = arith.index_cast %parallel_loop3A_507 : i32 to index
        %parallel_loop3A_509 = tpu.vector_load %arg8[%parallel_loop3A_508] {strides = array<i32>} : memref<65536xf32, #tpu.memory_space<vmem>>, vector<16xf32>,
        %parallel_loop3A_510 = arith.addi %mul3A_318, %parallel_loop3A_376 : i32
        %parallel_loop3A_511 = arith.constant 256 : i32
        %parallel_loop3A_512 = arith.addi %parallel_loop3A_510, %parallel_loop3A_511 : i32
        %parallel_loop3A_513 = arith.constant 16 : i32
        %parallel_loop3A_514 = arith.addi %parallel_loop3A_512, %parallel_loop3A_513 : i32
        %parallel_loop3A_515 = arith.index_cast %parallel_loop3A_514 : i32 to index
        %parallel_loop3A_516 = tpu.vector_load %arg8[%parallel_loop3A_515] {strides = array<i32>} : memref<65536xf32, #tpu.memory_space<vmem>>, vector<16xf32>,
        %parallel_loop3A_517 = arith.addi %mul3A_318, %parallel_loop3A_376 : i32
        %parallel_loop3A_518 = arith.constant 256 : i32
        %parallel_loop3A_519 = arith.addi %parallel_loop3A_517, %parallel_loop3A_518 : i32
        %parallel_loop3A_520 = arith.constant 32 : i32
        %parallel_loop3A_521 = arith.addi %parallel_loop3A_519, %parallel_loop3A_520 : i32
        %parallel_loop3A_522 = arith.index_cast %parallel_loop3A_521 : i32 to index
        %parallel_loop3A_523 = tpu.vector_load %arg8[%parallel_loop3A_522] {strides = array<i32>} : memref<65536xf32, #tpu.memory_space<vmem>>, vector<16xf32>,
        %parallel_loop3A_524 = arith.addi %mul3A_318, %parallel_loop3A_376 : i32
        %parallel_loop3A_525 = arith.constant 256 : i32
        %parallel_loop3A_526 = arith.addi %parallel_loop3A_524, %parallel_loop3A_525 : i32
        %parallel_loop3A_527 = arith.constant 48 : i32
        %parallel_loop3A_528 = arith.addi %parallel_loop3A_526, %parallel_loop3A_527 : i32
        %parallel_loop3A_529 = arith.index_cast %parallel_loop3A_528 : i32 to index
        %parallel_loop3A_530 = tpu.vector_load %arg8[%parallel_loop3A_529] {strides = array<i32>} : memref<65536xf32, #tpu.memory_space<vmem>>, vector<16xf32>,
        %parallel_loop3A_531 = arith.addi %mul3A_318, %parallel_loop3A_376 : i32
        %parallel_loop3A_532 = arith.constant 256 : i32
        %parallel_loop3A_533 = arith.addi %parallel_loop3A_531, %parallel_loop3A_532 : i32
        %parallel_loop3A_534 = arith.constant 64 : i32
        %parallel_loop3A_535 = arith.addi %parallel_loop3A_533, %parallel_loop3A_534 : i32
        %parallel_loop3A_536 = arith.index_cast %parallel_loop3A_535 : i32 to index
        %parallel_loop3A_537 = tpu.vector_load %arg8[%parallel_loop3A_536] {strides = array<i32>} : memref<65536xf32, #tpu.memory_space<vmem>>, vector<16xf32>,
        %parallel_loop3A_538 = arith.addi %mul3A_318, %parallel_loop3A_376 : i32
        %parallel_loop3A_539 = arith.constant 256 : i32
        %parallel_loop3A_540 = arith.addi %parallel_loop3A_538, %parallel_loop3A_539 : i32
        %parallel_loop3A_541 = arith.constant 80 : i32
        %parallel_loop3A_542 = arith.addi %parallel_loop3A_540, %parallel_loop3A_541 : i32
        %parallel_loop3A_543 = arith.index_cast %parallel_loop3A_542 : i32 to index
        %parallel_loop3A_544 = tpu.vector_load %arg8[%parallel_loop3A_543] {strides = array<i32>} : memref<65536xf32, #tpu.memory_space<vmem>>, vector<16xf32>,
        %parallel_loop3A_545 = arith.addi %mul3A_318, %parallel_loop3A_376 : i32
        %parallel_loop3A_546 = arith.constant 256 : i32
        %parallel_loop3A_547 = arith.addi %parallel_loop3A_545, %parallel_loop3A_546 : i32
        %parallel_loop3A_548 = arith.constant 96 : i32
        %parallel_loop3A_549 = arith.addi %parallel_loop3A_547, %parallel_loop3A_548 : i32
        %parallel_loop3A_550 = arith.index_cast %parallel_loop3A_549 : i32 to index
        %parallel_loop3A_551 = tpu.vector_load %arg8[%parallel_loop3A_550] {strides = array<i32>} : memref<65536xf32, #tpu.memory_space<vmem>>, vector<16xf32>,
        %parallel_loop3A_552 = arith.addi %mul3A_318, %parallel_loop3A_376 : i32
        %parallel_loop3A_553 = arith.constant 256 : i32
        %parallel_loop3A_554 = arith.addi %parallel_loop3A_552, %parallel_loop3A_553 : i32
        %parallel_loop3A_555 = arith.constant 112 : i32
        %parallel_loop3A_556 = arith.addi %parallel_loop3A_554, %parallel_loop3A_555 : i32
        %parallel_loop3A_557 = arith.index_cast %parallel_loop3A_556 : i32 to index
        %parallel_loop3A_558 = tpu.vector_load %arg8[%parallel_loop3A_557] {strides = array<i32>} : memref<65536xf32, #tpu.memory_space<vmem>>, vector<16xf32>,
        %parallel_loop3A_559 = arith.maximumf %parallel_loop3A_509, %parallel_loop3A_516 : vector<16xf32>
        %parallel_loop3A_560 = arith.maximumf %parallel_loop3A_523, %parallel_loop3A_530 : vector<16xf32>
        %parallel_loop3A_561 = arith.maximumf %parallel_loop3A_559, %parallel_loop3A_560 : vector<16xf32>
        %parallel_loop3A_562 = arith.maximumf %parallel_loop3A_537, %parallel_loop3A_544 : vector<16xf32>
        %parallel_loop3A_563 = arith.maximumf %parallel_loop3A_551, %parallel_loop3A_558 : vector<16xf32>
        %parallel_loop3A_564 = arith.maximumf %parallel_loop3A_562, %parallel_loop3A_563 : vector<16xf32>
        %parallel_loop3A_565 = arith.maximumf %parallel_loop3A_561, %parallel_loop3A_564 : vector<16xf32>
        %parallel_loop3A_566 = arith.addi %mul3A_318, %parallel_loop3A_376 : i32
        %parallel_loop3A_567 = arith.constant 384 : i32
        %parallel_loop3A_568 = arith.addi %parallel_loop3A_566, %parallel_loop3A_567 : i32
        %parallel_loop3A_569 = arith.constant 0 : i32
        %parallel_loop3A_570 = arith.addi %parallel_loop3A_568, %parallel_loop3A_569 : i32
        %parallel_loop3A_571 = arith.index_cast %parallel_loop3A_570 : i32 to index
        %parallel_loop3A_572 = tpu.vector_load %arg8[%parallel_loop3A_571] {strides = array<i32>} : memref<65536xf32, #tpu.memory_space<vmem>>, vector<16xf32>,
        %parallel_loop3A_573 = arith.addi %mul3A_318, %parallel_loop3A_376 : i32
        %parallel_loop3A_574 = arith.constant 384 : i32
        %parallel_loop3A_575 = arith.addi %parallel_loop3A_573, %parallel_loop3A_574 : i32
        %parallel_loop3A_576 = arith.constant 16 : i32
        %parallel_loop3A_577 = arith.addi %parallel_loop3A_575, %parallel_loop3A_576 : i32
        %parallel_loop3A_578 = arith.index_cast %parallel_loop3A_577 : i32 to index
        %parallel_loop3A_579 = tpu.vector_load %arg8[%parallel_loop3A_578] {strides = array<i32>} : memref<65536xf32, #tpu.memory_space<vmem>>, vector<16xf32>,
        %parallel_loop3A_580 = arith.addi %mul3A_318, %parallel_loop3A_376 : i32
        %parallel_loop3A_581 = arith.constant 384 : i32
        %parallel_loop3A_582 = arith.addi %parallel_loop3A_580, %parallel_loop3A_581 : i32
        %parallel_loop3A_583 = arith.constant 32 : i32
        %parallel_loop3A_584 = arith.addi %parallel_loop3A_582, %parallel_loop3A_583 : i32
        %parallel_loop3A_585 = arith.index_cast %parallel_loop3A_584 : i32 to index
        %parallel_loop3A_586 = tpu.vector_load %arg8[%parallel_loop3A_585] {strides = array<i32>} : memref<65536xf32, #tpu.memory_space<vmem>>, vector<16xf32>,
        %parallel_loop3A_587 = arith.addi %mul3A_318, %parallel_loop3A_376 : i32
        %parallel_loop3A_588 = arith.constant 384 : i32
        %parallel_loop3A_589 = arith.addi %parallel_loop3A_587, %parallel_loop3A_588 : i32
        %parallel_loop3A_590 = arith.constant 48 : i32
        %parallel_loop3A_591 = arith.addi %parallel_loop3A_589, %parallel_loop3A_590 : i32
        %parallel_loop3A_592 = arith.index_cast %parallel_loop3A_591 : i32 to index
        %parallel_loop3A_593 = tpu.vector_load %arg8[%parallel_loop3A_592] {strides = array<i32>} : memref<65536xf32, #tpu.memory_space<vmem>>, vector<16xf32>,
        %parallel_loop3A_594 = arith.addi %mul3A_318, %parallel_loop3A_376 : i32
        %parallel_loop3A_595 = arith.constant 384 : i32
        %parallel_loop3A_596 = arith.addi %parallel_loop3A_594, %parallel_loop3A_595 : i32
        %parallel_loop3A_597 = arith.constant 64 : i32
        %parallel_loop3A_598 = arith.addi %parallel_loop3A_596, %parallel_loop3A_597 : i32
        %parallel_loop3A_599 = arith.index_cast %parallel_loop3A_598 : i32 to index
        %parallel_loop3A_600 = tpu.vector_load %arg8[%parallel_loop3A_599] {strides = array<i32>} : memref<65536xf32, #tpu.memory_space<vmem>>, vector<16xf32>,
        %parallel_loop3A_601 = arith.addi %mul3A_318, %parallel_loop3A_376 : i32
        %parallel_loop3A_602 = arith.constant 384 : i32
        %parallel_loop3A_603 = arith.addi %parallel_loop3A_601, %parallel_loop3A_602 : i32
        %parallel_loop3A_604 = arith.constant 80 : i32
        %parallel_loop3A_605 = arith.addi %parallel_loop3A_603, %parallel_loop3A_604 : i32
        %parallel_loop3A_606 = arith.index_cast %parallel_loop3A_605 : i32 to index
        %parallel_loop3A_607 = tpu.vector_load %arg8[%parallel_loop3A_606] {strides = array<i32>} : memref<65536xf32, #tpu.memory_space<vmem>>, vector<16xf32>,
        %parallel_loop3A_608 = arith.addi %mul3A_318, %parallel_loop3A_376 : i32
        %parallel_loop3A_609 = arith.constant 384 : i32
        %parallel_loop3A_610 = arith.addi %parallel_loop3A_608, %parallel_loop3A_609 : i32
        %parallel_loop3A_611 = arith.constant 96 : i32
        %parallel_loop3A_612 = arith.addi %parallel_loop3A_610, %parallel_loop3A_611 : i32
        %parallel_loop3A_613 = arith.index_cast %parallel_loop3A_612 : i32 to index
        %parallel_loop3A_614 = tpu.vector_load %arg8[%parallel_loop3A_613] {strides = array<i32>} : memref<65536xf32, #tpu.memory_space<vmem>>, vector<16xf32>,
        %parallel_loop3A_615 = arith.addi %mul3A_318, %parallel_loop3A_376 : i32
        %parallel_loop3A_616 = arith.constant 384 : i32
        %parallel_loop3A_617 = arith.addi %parallel_loop3A_615, %parallel_loop3A_616 : i32
        %parallel_loop3A_618 = arith.constant 112 : i32
        %parallel_loop3A_619 = arith.addi %parallel_loop3A_617, %parallel_loop3A_618 : i32
        %parallel_loop3A_620 = arith.index_cast %parallel_loop3A_619 : i32 to index
        %parallel_loop3A_621 = tpu.vector_load %arg8[%parallel_loop3A_620] {strides = array<i32>} : memref<65536xf32, #tpu.memory_space<vmem>>, vector<16xf32>,
        %parallel_loop3A_622 = arith.maximumf %parallel_loop3A_572, %parallel_loop3A_579 : vector<16xf32>
        %parallel_loop3A_623 = arith.maximumf %parallel_loop3A_586, %parallel_loop3A_593 : vector<16xf32>
        %parallel_loop3A_624 = arith.maximumf %parallel_loop3A_622, %parallel_loop3A_623 : vector<16xf32>
        %parallel_loop3A_625 = arith.maximumf %parallel_loop3A_600, %parallel_loop3A_607 : vector<16xf32>
        %parallel_loop3A_626 = arith.maximumf %parallel_loop3A_614, %parallel_loop3A_621 : vector<16xf32>
        %parallel_loop3A_627 = arith.maximumf %parallel_loop3A_625, %parallel_loop3A_626 : vector<16xf32>
        %parallel_loop3A_628 = arith.maximumf %parallel_loop3A_624, %parallel_loop3A_627 : vector<16xf32>
        %parallel_loop3A_629 = arith.maximumf %parallel_loop3A_439, %parallel_loop3A_502 : vector<16xf32>
        %parallel_loop3A_630 = arith.maximumf %parallel_loop3A_565, %parallel_loop3A_628 : vector<16xf32>
        %parallel_loop3A_631 = arith.maximumf %parallel_loop3A_629, %parallel_loop3A_630 : vector<16xf32>
        %parallel_loop3A_632 = arith.constant true
        %parallel_loop3A_633 = vector.broadcast %parallel_loop3A_632 : i1 to vector<16xi1>
        %parallel_loop3A_634 = tpu.scan <max>, %parallel_loop3A_631 masked %parallel_loop3A_633 : vector<16xf32>, vector<16xi1> -> vector<16xf32>
        %parallel_loop3A_635 = vector.extract %parallel_loop3A_634[15] : f32 from vector<16xf32>
        %parallel_loop3A_636 = vector.broadcast %parallel_loop3A_635 : f32 to vector<16xf32>
        %parallel_loop3A_637 = arith.constant 16 : i32
        %parallel_loop3A_638 = arith.remsi %parallel_loop3A_373, %parallel_loop3A_637 : i32
        %parallel_loop3A_639 = vector.broadcast %parallel_loop3A_638 : i32 to vector<16xi32>
        %parallel_loop3A_640 = arith.cmpi eq, %iota3A, %parallel_loop3A_639 : vector<16xi32>
        %parallel_loop3A_641 = arith.select %parallel_loop3A_640, %parallel_loop3A_636, %parallel_loop3A_374 : vector<16xi1>, vector<16xf32>
        scf.yield %parallel_loop3A_641 : vector<16xf32>
      } {sc.loop_unroll_factor = 2 : i64, sc.parallel_access}
      %swap3A_339 = arith.constant 0 : index
      %swap3A_340 = tpu.vector_load %arg9[%swap3A_339] {strides = array<i32>} : memref<64xf32, #tpu.memory_space<vmem>>, vector<16xf32>,
      tpu.vector_store %arg9[%swap3A_339], %parallel_loop3A_338 {strides = array<i32>} : memref<64xf32, #tpu.memory_space<vmem>>, vector<16xf32>,
      %parallel_loop3A_341 = arith.constant 16 : i32
      %parallel_loop3A_342 = arith.constant 32 : i32
      %parallel_loop3A_343 = arith.constant 1 : i32
      %parallel_loop3A_344 = scf.for %parallel_loop3A_373 = %parallel_loop3A_341 to %parallel_loop3A_342 step %parallel_loop3A_343 iter_args(%parallel_loop3A_374 = %broadcast_in_dim3A_3) -> (vector<16xf32>)  : i32 {
        %parallel_loop3A_375 = arith.constant 512 : i32
        %parallel_loop3A_376 = arith.muli %parallel_loop3A_373, %parallel_loop3A_375 : i32
        %parallel_loop3A_377 = arith.addi %mul3A_318, %parallel_loop3A_376 : i32
        %parallel_loop3A_378 = arith.constant 0 : i32
        %parallel_loop3A_379 = arith.addi %parallel_loop3A_377, %parallel_loop3A_378 : i32
        %parallel_loop3A_380 = arith.constant 0 : i32
        %parallel_loop3A_381 = arith.addi %parallel_loop3A_379, %parallel_loop3A_380 : i32
        %parallel_loop3A_382 = arith.index_cast %parallel_loop3A_381 : i32 to index
        %parallel_loop3A_383 = tpu.vector_load %arg8[%parallel_loop3A_382] {strides = array<i32>} : memref<65536xf32, #tpu.memory_space<vmem>>, vector<16xf32>,
        %parallel_loop3A_384 = arith.addi %mul3A_318, %parallel_loop3A_376 : i32
        %parallel_loop3A_385 = arith.constant 0 : i32
        %parallel_loop3A_386 = arith.addi %parallel_loop3A_384, %parallel_loop3A_385 : i32
        %parallel_loop3A_387 = arith.constant 16 : i32
        %parallel_loop3A_388 = arith.addi %parallel_loop3A_386, %parallel_loop3A_387 : i32
        %parallel_loop3A_389 = arith.index_cast %parallel_loop3A_388 : i32 to index
        %parallel_loop3A_390 = tpu.vector_load %arg8[%parallel_loop3A_389] {strides = array<i32>} : memref<65536xf32, #tpu.memory_space<vmem>>, vector<16xf32>,
        %parallel_loop3A_391 = arith.addi %mul3A_318, %parallel_loop3A_376 : i32
        %parallel_loop3A_392 = arith.constant 0 : i32
        %parallel_loop3A_393 = arith.addi %parallel_loop3A_391, %parallel_loop3A_392 : i32
        %parallel_loop3A_394 = arith.constant 32 : i32
        %parallel_loop3A_395 = arith.addi %parallel_loop3A_393, %parallel_loop3A_394 : i32
        %parallel_loop3A_396 = arith.index_cast %parallel_loop3A_395 : i32 to index
        %parallel_loop3A_397 = tpu.vector_load %arg8[%parallel_loop3A_396] {strides = array<i32>} : memref<65536xf32, #tpu.memory_space<vmem>>, vector<16xf32>,
        %parallel_loop3A_398 = arith.addi %mul3A_318, %parallel_loop3A_376 : i32
        %parallel_loop3A_399 = arith.constant 0 : i32
        %parallel_loop3A_400 = arith.addi %parallel_loop3A_398, %parallel_loop3A_399 : i32
        %parallel_loop3A_401 = arith.constant 48 : i32
        %parallel_loop3A_402 = arith.addi %parallel_loop3A_400, %parallel_loop3A_401 : i32
        %parallel_loop3A_403 = arith.index_cast %parallel_loop3A_402 : i32 to index
        %parallel_loop3A_404 = tpu.vector_load %arg8[%parallel_loop3A_403] {strides = array<i32>} : memref<65536xf32, #tpu.memory_space<vmem>>, vector<16xf32>,
        %parallel_loop3A_405 = arith.addi %mul3A_318, %parallel_loop3A_376 : i32
        %parallel_loop3A_406 = arith.constant 0 : i32
        %parallel_loop3A_407 = arith.addi %parallel_loop3A_405, %parallel_loop3A_406 : i32
        %parallel_loop3A_408 = arith.constant 64 : i32
        %parallel_loop3A_409 = arith.addi %parallel_loop3A_407, %parallel_loop3A_408 : i32
        %parallel_loop3A_410 = arith.index_cast %parallel_loop3A_409 : i32 to index
        %parallel_loop3A_411 = tpu.vector_load %arg8[%parallel_loop3A_410] {strides = array<i32>} : memref<65536xf32, #tpu.memory_space<vmem>>, vector<16xf32>,
        %parallel_loop3A_412 = arith.addi %mul3A_318, %parallel_loop3A_376 : i32
        %parallel_loop3A_413 = arith.constant 0 : i32
        %parallel_loop3A_414 = arith.addi %parallel_loop3A_412, %parallel_loop3A_413 : i32
        %parallel_loop3A_415 = arith.constant 80 : i32
        %parallel_loop3A_416 = arith.addi %parallel_loop3A_414, %parallel_loop3A_415 : i32
        %parallel_loop3A_417 = arith.index_cast %parallel_loop3A_416 : i32 to index
        %parallel_loop3A_418 = tpu.vector_load %arg8[%parallel_loop3A_417] {strides = array<i32>} : memref<65536xf32, #tpu.memory_space<vmem>>, vector<16xf32>,
        %parallel_loop3A_419 = arith.addi %mul3A_318, %parallel_loop3A_376 : i32
        %parallel_loop3A_420 = arith.constant 0 : i32
        %parallel_loop3A_421 = arith.addi %parallel_loop3A_419, %parallel_loop3A_420 : i32
        %parallel_loop3A_422 = arith.constant 96 : i32
        %parallel_loop3A_423 = arith.addi %parallel_loop3A_421, %parallel_loop3A_422 : i32
        %parallel_loop3A_424 = arith.index_cast %parallel_loop3A_423 : i32 to index
        %parallel_loop3A_425 = tpu.vector_load %arg8[%parallel_loop3A_424] {strides = array<i32>} : memref<65536xf32, #tpu.memory_space<vmem>>, vector<16xf32>,
        %parallel_loop3A_426 = arith.addi %mul3A_318, %parallel_loop3A_376 : i32
        %parallel_loop3A_427 = arith.constant 0 : i32
        %parallel_loop3A_428 = arith.addi %parallel_loop3A_426, %parallel_loop3A_427 : i32
        %parallel_loop3A_429 = arith.constant 112 : i32
        %parallel_loop3A_430 = arith.addi %parallel_loop3A_428, %parallel_loop3A_429 : i32
        %parallel_loop3A_431 = arith.index_cast %parallel_loop3A_430 : i32 to index
        %parallel_loop3A_432 = tpu.vector_load %arg8[%parallel_loop3A_431] {strides = array<i32>} : memref<65536xf32, #tpu.memory_space<vmem>>, vector<16xf32>,
        %parallel_loop3A_433 = arith.maximumf %parallel_loop3A_383, %parallel_loop3A_390 : vector<16xf32>
        %parallel_loop3A_434 = arith.maximumf %parallel_loop3A_397, %parallel_loop3A_404 : vector<16xf32>
        %parallel_loop3A_435 = arith.maximumf %parallel_loop3A_433, %parallel_loop3A_434 : vector<16xf32>
        %parallel_loop3A_436 = arith.maximumf %parallel_loop3A_411, %parallel_loop3A_418 : vector<16xf32>
        %parallel_loop3A_437 = arith.maximumf %parallel_loop3A_425, %parallel_loop3A_432 : vector<16xf32>
        %parallel_loop3A_438 = arith.maximumf %parallel_loop3A_436, %parallel_loop3A_437 : vector<16xf32>
        %parallel_loop3A_439 = arith.maximumf %parallel_loop3A_435, %parallel_loop3A_438 : vector<16xf32>
        %parallel_loop3A_440 = arith.addi %mul3A_318, %parallel_loop3A_376 : i32
        %parallel_loop3A_441 = arith.constant 128 : i32
        %parallel_loop3A_442 = arith.addi %parallel_loop3A_440, %parallel_loop3A_441 : i32
        %parallel_loop3A_443 = arith.constant 0 : i32
        %parallel_loop3A_444 = arith.addi %parallel_loop3A_442, %parallel_loop3A_443 : i32
        %parallel_loop3A_445 = arith.index_cast %parallel_loop3A_444 : i32 to index
        %parallel_loop3A_446 = tpu.vector_load %arg8[%parallel_loop3A_445] {strides = array<i32>} : memref<65536xf32, #tpu.memory_space<vmem>>, vector<16xf32>,
        %parallel_loop3A_447 = arith.addi %mul3A_318, %parallel_loop3A_376 : i32
        %parallel_loop3A_448 = arith.constant 128 : i32
        %parallel_loop3A_449 = arith.addi %parallel_loop3A_447, %parallel_loop3A_448 : i32
        %parallel_loop3A_450 = arith.constant 16 : i32
        %parallel_loop3A_451 = arith.addi %parallel_loop3A_449, %parallel_loop3A_450 : i32
        %parallel_loop3A_452 = arith.index_cast %parallel_loop3A_451 : i32 to index
        %parallel_loop3A_453 = tpu.vector_load %arg8[%parallel_loop3A_452] {strides = array<i32>} : memref<65536xf32, #tpu.memory_space<vmem>>, vector<16xf32>,
        %parallel_loop3A_454 = arith.addi %mul3A_318, %parallel_loop3A_376 : i32
        %parallel_loop3A_455 = arith.constant 128 : i32
        %parallel_loop3A_456 = arith.addi %parallel_loop3A_454, %parallel_loop3A_455 : i32
        %parallel_loop3A_457 = arith.constant 32 : i32
        %parallel_loop3A_458 = arith.addi %parallel_loop3A_456, %parallel_loop3A_457 : i32
        %parallel_loop3A_459 = arith.index_cast %parallel_loop3A_458 : i32 to index
        %parallel_loop3A_460 = tpu.vector_load %arg8[%parallel_loop3A_459] {strides = array<i32>} : memref<65536xf32, #tpu.memory_space<vmem>>, vector<16xf32>,
        %parallel_loop3A_461 = arith.addi %mul3A_318, %parallel_loop3A_376 : i32
        %parallel_loop3A_462 = arith.constant 128 : i32
        %parallel_loop3A_463 = arith.addi %parallel_loop3A_461, %parallel_loop3A_462 : i32
        %parallel_loop3A_464 = arith.constant 48 : i32
        %parallel_loop3A_465 = arith.addi %parallel_loop3A_463, %parallel_loop3A_464 : i32
        %parallel_loop3A_466 = arith.index_cast %parallel_loop3A_465 : i32 to index
        %parallel_loop3A_467 = tpu.vector_load %arg8[%parallel_loop3A_466] {strides = array<i32>} : memref<65536xf32, #tpu.memory_space<vmem>>, vector<16xf32>,
        %parallel_loop3A_468 = arith.addi %mul3A_318, %parallel_loop3A_376 : i32
        %parallel_loop3A_469 = arith.constant 128 : i32
        %parallel_loop3A_470 = arith.addi %parallel_loop3A_468, %parallel_loop3A_469 : i32
        %parallel_loop3A_471 = arith.constant 64 : i32
        %parallel_loop3A_472 = arith.addi %parallel_loop3A_470, %parallel_loop3A_471 : i32
        %parallel_loop3A_473 = arith.index_cast %parallel_loop3A_472 : i32 to index
        %parallel_loop3A_474 = tpu.vector_load %arg8[%parallel_loop3A_473] {strides = array<i32>} : memref<65536xf32, #tpu.memory_space<vmem>>, vector<16xf32>,
        %parallel_loop3A_475 = arith.addi %mul3A_318, %parallel_loop3A_376 : i32
        %parallel_loop3A_476 = arith.constant 128 : i32
        %parallel_loop3A_477 = arith.addi %parallel_loop3A_475, %parallel_loop3A_476 : i32
        %parallel_loop3A_478 = arith.constant 80 : i32
        %parallel_loop3A_479 = arith.addi %parallel_loop3A_477, %parallel_loop3A_478 : i32
        %parallel_loop3A_480 = arith.index_cast %parallel_loop3A_479 : i32 to index
        %parallel_loop3A_481 = tpu.vector_load %arg8[%parallel_loop3A_480] {strides = array<i32>} : memref<65536xf32, #tpu.memory_space<vmem>>, vector<16xf32>,
        %parallel_loop3A_482 = arith.addi %mul3A_318, %parallel_loop3A_376 : i32
        %parallel_loop3A_483 = arith.constant 128 : i32
        %parallel_loop3A_484 = arith.addi %parallel_loop3A_482, %parallel_loop3A_483 : i32
        %parallel_loop3A_485 = arith.constant 96 : i32
        %parallel_loop3A_486 = arith.addi %parallel_loop3A_484, %parallel_loop3A_485 : i32
        %parallel_loop3A_487 = arith.index_cast %parallel_loop3A_486 : i32 to index
        %parallel_loop3A_488 = tpu.vector_load %arg8[%parallel_loop3A_487] {strides = array<i32>} : memref<65536xf32, #tpu.memory_space<vmem>>, vector<16xf32>,
        %parallel_loop3A_489 = arith.addi %mul3A_318, %parallel_loop3A_376 : i32
        %parallel_loop3A_490 = arith.constant 128 : i32
        %parallel_loop3A_491 = arith.addi %parallel_loop3A_489, %parallel_loop3A_490 : i32
        %parallel_loop3A_492 = arith.constant 112 : i32
        %parallel_loop3A_493 = arith.addi %parallel_loop3A_491, %parallel_loop3A_492 : i32
        %parallel_loop3A_494 = arith.index_cast %parallel_loop3A_493 : i32 to index
        %parallel_loop3A_495 = tpu.vector_load %arg8[%parallel_loop3A_494] {strides = array<i32>} : memref<65536xf32, #tpu.memory_space<vmem>>, vector<16xf32>,
        %parallel_loop3A_496 = arith.maximumf %parallel_loop3A_446, %parallel_loop3A_453 : vector<16xf32>
        %parallel_loop3A_497 = arith.maximumf %parallel_loop3A_460, %parallel_loop3A_467 : vector<16xf32>
        %parallel_loop3A_498 = arith.maximumf %parallel_loop3A_496, %parallel_loop3A_497 : vector<16xf32>
        %parallel_loop3A_499 = arith.maximumf %parallel_loop3A_474, %parallel_loop3A_481 : vector<16xf32>
        %parallel_loop3A_500 = arith.maximumf %parallel_loop3A_488, %parallel_loop3A_495 : vector<16xf32>
        %parallel_loop3A_501 = arith.maximumf %parallel_loop3A_499, %parallel_loop3A_500 : vector<16xf32>
        %parallel_loop3A_502 = arith.maximumf %parallel_loop3A_498, %parallel_loop3A_501 : vector<16xf32>
        %parallel_loop3A_503 = arith.addi %mul3A_318, %parallel_loop3A_376 : i32
        %parallel_loop3A_504 = arith.constant 256 : i32
        %parallel_loop3A_505 = arith.addi %parallel_loop3A_503, %parallel_loop3A_504 : i32
        %parallel_loop3A_506 = arith.constant 0 : i32
        %parallel_loop3A_507 = arith.addi %parallel_loop3A_505, %parallel_loop3A_506 : i32
        %parallel_loop3A_508 = arith.index_cast %parallel_loop3A_507 : i32 to index
        %parallel_loop3A_509 = tpu.vector_load %arg8[%parallel_loop3A_508] {strides = array<i32>} : memref<65536xf32, #tpu.memory_space<vmem>>, vector<16xf32>,
        %parallel_loop3A_510 = arith.addi %mul3A_318, %parallel_loop3A_376 : i32
        %parallel_loop3A_511 = arith.constant 256 : i32
        %parallel_loop3A_512 = arith.addi %parallel_loop3A_510, %parallel_loop3A_511 : i32
        %parallel_loop3A_513 = arith.constant 16 : i32
        %parallel_loop3A_514 = arith.addi %parallel_loop3A_512, %parallel_loop3A_513 : i32
        %parallel_loop3A_515 = arith.index_cast %parallel_loop3A_514 : i32 to index
        %parallel_loop3A_516 = tpu.vector_load %arg8[%parallel_loop3A_515] {strides = array<i32>} : memref<65536xf32, #tpu.memory_space<vmem>>, vector<16xf32>,
        %parallel_loop3A_517 = arith.addi %mul3A_318, %parallel_loop3A_376 : i32
        %parallel_loop3A_518 = arith.constant 256 : i32
        %parallel_loop3A_519 = arith.addi %parallel_loop3A_517, %parallel_loop3A_518 : i32
        %parallel_loop3A_520 = arith.constant 32 : i32
        %parallel_loop3A_521 = arith.addi %parallel_loop3A_519, %parallel_loop3A_520 : i32
        %parallel_loop3A_522 = arith.index_cast %parallel_loop3A_521 : i32 to index
        %parallel_loop3A_523 = tpu.vector_load %arg8[%parallel_loop3A_522] {strides = array<i32>} : memref<65536xf32, #tpu.memory_space<vmem>>, vector<16xf32>,
        %parallel_loop3A_524 = arith.addi %mul3A_318, %parallel_loop3A_376 : i32
        %parallel_loop3A_525 = arith.constant 256 : i32
        %parallel_loop3A_526 = arith.addi %parallel_loop3A_524, %parallel_loop3A_525 : i32
        %parallel_loop3A_527 = arith.constant 48 : i32
        %parallel_loop3A_528 = arith.addi %parallel_loop3A_526, %parallel_loop3A_527 : i32
        %parallel_loop3A_529 = arith.index_cast %parallel_loop3A_528 : i32 to index
        %parallel_loop3A_530 = tpu.vector_load %arg8[%parallel_loop3A_529] {strides = array<i32>} : memref<65536xf32, #tpu.memory_space<vmem>>, vector<16xf32>,
        %parallel_loop3A_531 = arith.addi %mul3A_318, %parallel_loop3A_376 : i32
        %parallel_loop3A_532 = arith.constant 256 : i32
        %parallel_loop3A_533 = arith.addi %parallel_loop3A_531, %parallel_loop3A_532 : i32
        %parallel_loop3A_534 = arith.constant 64 : i32
        %parallel_loop3A_535 = arith.addi %parallel_loop3A_533, %parallel_loop3A_534 : i32
        %parallel_loop3A_536 = arith.index_cast %parallel_loop3A_535 : i32 to index
        %parallel_loop3A_537 = tpu.vector_load %arg8[%parallel_loop3A_536] {strides = array<i32>} : memref<65536xf32, #tpu.memory_space<vmem>>, vector<16xf32>,
        %parallel_loop3A_538 = arith.addi %mul3A_318, %parallel_loop3A_376 : i32
        %parallel_loop3A_539 = arith.constant 256 : i32
        %parallel_loop3A_540 = arith.addi %parallel_loop3A_538, %parallel_loop3A_539 : i32
        %parallel_loop3A_541 = arith.constant 80 : i32
        %parallel_loop3A_542 = arith.addi %parallel_loop3A_540, %parallel_loop3A_541 : i32
        %parallel_loop3A_543 = arith.index_cast %parallel_loop3A_542 : i32 to index
        %parallel_loop3A_544 = tpu.vector_load %arg8[%parallel_loop3A_543] {strides = array<i32>} : memref<65536xf32, #tpu.memory_space<vmem>>, vector<16xf32>,
        %parallel_loop3A_545 = arith.addi %mul3A_318, %parallel_loop3A_376 : i32
        %parallel_loop3A_546 = arith.constant 256 : i32
        %parallel_loop3A_547 = arith.addi %parallel_loop3A_545, %parallel_loop3A_546 : i32
        %parallel_loop3A_548 = arith.constant 96 : i32
        %parallel_loop3A_549 = arith.addi %parallel_loop3A_547, %parallel_loop3A_548 : i32
        %parallel_loop3A_550 = arith.index_cast %parallel_loop3A_549 : i32 to index
        %parallel_loop3A_551 = tpu.vector_load %arg8[%parallel_loop3A_550] {strides = array<i32>} : memref<65536xf32, #tpu.memory_space<vmem>>, vector<16xf32>,
        %parallel_loop3A_552 = arith.addi %mul3A_318, %parallel_loop3A_376 : i32
        %parallel_loop3A_553 = arith.constant 256 : i32
        %parallel_loop3A_554 = arith.addi %parallel_loop3A_552, %parallel_loop3A_553 : i32
        %parallel_loop3A_555 = arith.constant 112 : i32
        %parallel_loop3A_556 = arith.addi %parallel_loop3A_554, %parallel_loop3A_555 : i32
        %parallel_loop3A_557 = arith.index_cast %parallel_loop3A_556 : i32 to index
        %parallel_loop3A_558 = tpu.vector_load %arg8[%parallel_loop3A_557] {strides = array<i32>} : memref<65536xf32, #tpu.memory_space<vmem>>, vector<16xf32>,
        %parallel_loop3A_559 = arith.maximumf %parallel_loop3A_509, %parallel_loop3A_516 : vector<16xf32>
        %parallel_loop3A_560 = arith.maximumf %parallel_loop3A_523, %parallel_loop3A_530 : vector<16xf32>
        %parallel_loop3A_561 = arith.maximumf %parallel_loop3A_559, %parallel_loop3A_560 : vector<16xf32>
        %parallel_loop3A_562 = arith.maximumf %parallel_loop3A_537, %parallel_loop3A_544 : vector<16xf32>
        %parallel_loop3A_563 = arith.maximumf %parallel_loop3A_551, %parallel_loop3A_558 : vector<16xf32>
        %parallel_loop3A_564 = arith.maximumf %parallel_loop3A_562, %parallel_loop3A_563 : vector<16xf32>
        %parallel_loop3A_565 = arith.maximumf %parallel_loop3A_561, %parallel_loop3A_564 : vector<16xf32>
        %parallel_loop3A_566 = arith.addi %mul3A_318, %parallel_loop3A_376 : i32
        %parallel_loop3A_567 = arith.constant 384 : i32
        %parallel_loop3A_568 = arith.addi %parallel_loop3A_566, %parallel_loop3A_567 : i32
        %parallel_loop3A_569 = arith.constant 0 : i32
        %parallel_loop3A_570 = arith.addi %parallel_loop3A_568, %parallel_loop3A_569 : i32
        %parallel_loop3A_571 = arith.index_cast %parallel_loop3A_570 : i32 to index
        %parallel_loop3A_572 = tpu.vector_load %arg8[%parallel_loop3A_571] {strides = array<i32>} : memref<65536xf32, #tpu.memory_space<vmem>>, vector<16xf32>,
        %parallel_loop3A_573 = arith.addi %mul3A_318, %parallel_loop3A_376 : i32
        %parallel_loop3A_574 = arith.constant 384 : i32
        %parallel_loop3A_575 = arith.addi %parallel_loop3A_573, %parallel_loop3A_574 : i32
        %parallel_loop3A_576 = arith.constant 16 : i32
        %parallel_loop3A_577 = arith.addi %parallel_loop3A_575, %parallel_loop3A_576 : i32
        %parallel_loop3A_578 = arith.index_cast %parallel_loop3A_577 : i32 to index
        %parallel_loop3A_579 = tpu.vector_load %arg8[%parallel_loop3A_578] {strides = array<i32>} : memref<65536xf32, #tpu.memory_space<vmem>>, vector<16xf32>,
        %parallel_loop3A_580 = arith.addi %mul3A_318, %parallel_loop3A_376 : i32
        %parallel_loop3A_581 = arith.constant 384 : i32
        %parallel_loop3A_582 = arith.addi %parallel_loop3A_580, %parallel_loop3A_581 : i32
        %parallel_loop3A_583 = arith.constant 32 : i32
        %parallel_loop3A_584 = arith.addi %parallel_loop3A_582, %parallel_loop3A_583 : i32
        %parallel_loop3A_585 = arith.index_cast %parallel_loop3A_584 : i32 to index
        %parallel_loop3A_586 = tpu.vector_load %arg8[%parallel_loop3A_585] {strides = array<i32>} : memref<65536xf32, #tpu.memory_space<vmem>>, vector<16xf32>,
        %parallel_loop3A_587 = arith.addi %mul3A_318, %parallel_loop3A_376 : i32
        %parallel_loop3A_588 = arith.constant 384 : i32
        %parallel_loop3A_589 = arith.addi %parallel_loop3A_587, %parallel_loop3A_588 : i32
        %parallel_loop3A_590 = arith.constant 48 : i32
        %parallel_loop3A_591 = arith.addi %parallel_loop3A_589, %parallel_loop3A_590 : i32
        %parallel_loop3A_592 = arith.index_cast %parallel_loop3A_591 : i32 to index
        %parallel_loop3A_593 = tpu.vector_load %arg8[%parallel_loop3A_592] {strides = array<i32>} : memref<65536xf32, #tpu.memory_space<vmem>>, vector<16xf32>,
        %parallel_loop3A_594 = arith.addi %mul3A_318, %parallel_loop3A_376 : i32
        %parallel_loop3A_595 = arith.constant 384 : i32
        %parallel_loop3A_596 = arith.addi %parallel_loop3A_594, %parallel_loop3A_595 : i32
        %parallel_loop3A_597 = arith.constant 64 : i32
        %parallel_loop3A_598 = arith.addi %parallel_loop3A_596, %parallel_loop3A_597 : i32
        %parallel_loop3A_599 = arith.index_cast %parallel_loop3A_598 : i32 to index
        %parallel_loop3A_600 = tpu.vector_load %arg8[%parallel_loop3A_599] {strides = array<i32>} : memref<65536xf32, #tpu.memory_space<vmem>>, vector<16xf32>,
        %parallel_loop3A_601 = arith.addi %mul3A_318, %parallel_loop3A_376 : i32
        %parallel_loop3A_602 = arith.constant 384 : i32
        %parallel_loop3A_603 = arith.addi %parallel_loop3A_601, %parallel_loop3A_602 : i32
        %parallel_loop3A_604 = arith.constant 80 : i32
        %parallel_loop3A_605 = arith.addi %parallel_loop3A_603, %parallel_loop3A_604 : i32
        %parallel_loop3A_606 = arith.index_cast %parallel_loop3A_605 : i32 to index
        %parallel_loop3A_607 = tpu.vector_load %arg8[%parallel_loop3A_606] {strides = array<i32>} : memref<65536xf32, #tpu.memory_space<vmem>>, vector<16xf32>,
        %parallel_loop3A_608 = arith.addi %mul3A_318, %parallel_loop3A_376 : i32
        %parallel_loop3A_609 = arith.constant 384 : i32
        %parallel_loop3A_610 = arith.addi %parallel_loop3A_608, %parallel_loop3A_609 : i32
        %parallel_loop3A_611 = arith.constant 96 : i32
        %parallel_loop3A_612 = arith.addi %parallel_loop3A_610, %parallel_loop3A_611 : i32
        %parallel_loop3A_613 = arith.index_cast %parallel_loop3A_612 : i32 to index
        %parallel_loop3A_614 = tpu.vector_load %arg8[%parallel_loop3A_613] {strides = array<i32>} : memref<65536xf32, #tpu.memory_space<vmem>>, vector<16xf32>,
        %parallel_loop3A_615 = arith.addi %mul3A_318, %parallel_loop3A_376 : i32
        %parallel_loop3A_616 = arith.constant 384 : i32
        %parallel_loop3A_617 = arith.addi %parallel_loop3A_615, %parallel_loop3A_616 : i32
        %parallel_loop3A_618 = arith.constant 112 : i32
        %parallel_loop3A_619 = arith.addi %parallel_loop3A_617, %parallel_loop3A_618 : i32
        %parallel_loop3A_620 = arith.index_cast %parallel_loop3A_619 : i32 to index
        %parallel_loop3A_621 = tpu.vector_load %arg8[%parallel_loop3A_620] {strides = array<i32>} : memref<65536xf32, #tpu.memory_space<vmem>>, vector<16xf32>,
        %parallel_loop3A_622 = arith.maximumf %parallel_loop3A_572, %parallel_loop3A_579 : vector<16xf32>
        %parallel_loop3A_623 = arith.maximumf %parallel_loop3A_586, %parallel_loop3A_593 : vector<16xf32>
        %parallel_loop3A_624 = arith.maximumf %parallel_loop3A_622, %parallel_loop3A_623 : vector<16xf32>
        %parallel_loop3A_625 = arith.maximumf %parallel_loop3A_600, %parallel_loop3A_607 : vector<16xf32>
        %parallel_loop3A_626 = arith.maximumf %parallel_loop3A_614, %parallel_loop3A_621 : vector<16xf32>
        %parallel_loop3A_627 = arith.maximumf %parallel_loop3A_625, %parallel_loop3A_626 : vector<16xf32>
        %parallel_loop3A_628 = arith.maximumf %parallel_loop3A_624, %parallel_loop3A_627 : vector<16xf32>
        %parallel_loop3A_629 = arith.maximumf %parallel_loop3A_439, %parallel_loop3A_502 : vector<16xf32>
        %parallel_loop3A_630 = arith.maximumf %parallel_loop3A_565, %parallel_loop3A_628 : vector<16xf32>
        %parallel_loop3A_631 = arith.maximumf %parallel_loop3A_629, %parallel_loop3A_630 : vector<16xf32>
        %parallel_loop3A_632 = arith.constant true
        %parallel_loop3A_633 = vector.broadcast %parallel_loop3A_632 : i1 to vector<16xi1>
        %parallel_loop3A_634 = tpu.scan <max>, %parallel_loop3A_631 masked %parallel_loop3A_633 : vector<16xf32>, vector<16xi1> -> vector<16xf32>
        %parallel_loop3A_635 = vector.extract %parallel_loop3A_634[15] : f32 from vector<16xf32>
        %parallel_loop3A_636 = vector.broadcast %parallel_loop3A_635 : f32 to vector<16xf32>
        %parallel_loop3A_637 = arith.constant 16 : i32
        %parallel_loop3A_638 = arith.remsi %parallel_loop3A_373, %parallel_loop3A_637 : i32
        %parallel_loop3A_639 = vector.broadcast %parallel_loop3A_638 : i32 to vector<16xi32>
        %parallel_loop3A_640 = arith.cmpi eq, %iota3A, %parallel_loop3A_639 : vector<16xi32>
        %parallel_loop3A_641 = arith.select %parallel_loop3A_640, %parallel_loop3A_636, %parallel_loop3A_374 : vector<16xi1>, vector<16xf32>
        scf.yield %parallel_loop3A_641 : vector<16xf32>
      } {sc.loop_unroll_factor = 2 : i64, sc.parallel_access}
      %swap3A_345 = arith.constant 16 : index
      %swap3A_346 = tpu.vector_load %arg9[%swap3A_345] {strides = array<i32>} : memref<64xf32, #tpu.memory_space<vmem>>, vector<16xf32>,
      tpu.vector_store %arg9[%swap3A_345], %parallel_loop3A_344 {strides = array<i32>} : memref<64xf32, #tpu.memory_space<vmem>>, vector<16xf32>,
      %parallel_loop3A_347 = arith.constant 32 : i32
      %parallel_loop3A_348 = arith.constant 48 : i32
      %parallel_loop3A_349 = arith.constant 1 : i32
      %parallel_loop3A_350 = scf.for %parallel_loop3A_373 = %parallel_loop3A_347 to %parallel_loop3A_348 step %parallel_loop3A_349 iter_args(%parallel_loop3A_374 = %broadcast_in_dim3A_3) -> (vector<16xf32>)  : i32 {
        %parallel_loop3A_375 = arith.constant 512 : i32
        %parallel_loop3A_376 = arith.muli %parallel_loop3A_373, %parallel_loop3A_375 : i32
        %parallel_loop3A_377 = arith.addi %mul3A_318, %parallel_loop3A_376 : i32
        %parallel_loop3A_378 = arith.constant 0 : i32
        %parallel_loop3A_379 = arith.addi %parallel_loop3A_377, %parallel_loop3A_378 : i32
        %parallel_loop3A_380 = arith.constant 0 : i32
        %parallel_loop3A_381 = arith.addi %parallel_loop3A_379, %parallel_loop3A_380 : i32
        %parallel_loop3A_382 = arith.index_cast %parallel_loop3A_381 : i32 to index
        %parallel_loop3A_383 = tpu.vector_load %arg8[%parallel_loop3A_382] {strides = array<i32>} : memref<65536xf32, #tpu.memory_space<vmem>>, vector<16xf32>,
        %parallel_loop3A_384 = arith.addi %mul3A_318, %parallel_loop3A_376 : i32
        %parallel_loop3A_385 = arith.constant 0 : i32
        %parallel_loop3A_386 = arith.addi %parallel_loop3A_384, %parallel_loop3A_385 : i32
        %parallel_loop3A_387 = arith.constant 16 : i32
        %parallel_loop3A_388 = arith.addi %parallel_loop3A_386, %parallel_loop3A_387 : i32
        %parallel_loop3A_389 = arith.index_cast %parallel_loop3A_388 : i32 to index
        %parallel_loop3A_390 = tpu.vector_load %arg8[%parallel_loop3A_389] {strides = array<i32>} : memref<65536xf32, #tpu.memory_space<vmem>>, vector<16xf32>,
        %parallel_loop3A_391 = arith.addi %mul3A_318, %parallel_loop3A_376 : i32
        %parallel_loop3A_392 = arith.constant 0 : i32
        %parallel_loop3A_393 = arith.addi %parallel_loop3A_391, %parallel_loop3A_392 : i32
        %parallel_loop3A_394 = arith.constant 32 : i32
        %parallel_loop3A_395 = arith.addi %parallel_loop3A_393, %parallel_loop3A_394 : i32
        %parallel_loop3A_396 = arith.index_cast %parallel_loop3A_395 : i32 to index
        %parallel_loop3A_397 = tpu.vector_load %arg8[%parallel_loop3A_396] {strides = array<i32>} : memref<65536xf32, #tpu.memory_space<vmem>>, vector<16xf32>,
        %parallel_loop3A_398 = arith.addi %mul3A_318, %parallel_loop3A_376 : i32
        %parallel_loop3A_399 = arith.constant 0 : i32
        %parallel_loop3A_400 = arith.addi %parallel_loop3A_398, %parallel_loop3A_399 : i32
        %parallel_loop3A_401 = arith.constant 48 : i32
        %parallel_loop3A_402 = arith.addi %parallel_loop3A_400, %parallel_loop3A_401 : i32
        %parallel_loop3A_403 = arith.index_cast %parallel_loop3A_402 : i32 to index
        %parallel_loop3A_404 = tpu.vector_load %arg8[%parallel_loop3A_403] {strides = array<i32>} : memref<65536xf32, #tpu.memory_space<vmem>>, vector<16xf32>,
        %parallel_loop3A_405 = arith.addi %mul3A_318, %parallel_loop3A_376 : i32
        %parallel_loop3A_406 = arith.constant 0 : i32
        %parallel_loop3A_407 = arith.addi %parallel_loop3A_405, %parallel_loop3A_406 : i32
        %parallel_loop3A_408 = arith.constant 64 : i32
        %parallel_loop3A_409 = arith.addi %parallel_loop3A_407, %parallel_loop3A_408 : i32
        %parallel_loop3A_410 = arith.index_cast %parallel_loop3A_409 : i32 to index
        %parallel_loop3A_411 = tpu.vector_load %arg8[%parallel_loop3A_410] {strides = array<i32>} : memref<65536xf32, #tpu.memory_space<vmem>>, vector<16xf32>,
        %parallel_loop3A_412 = arith.addi %mul3A_318, %parallel_loop3A_376 : i32
        %parallel_loop3A_413 = arith.constant 0 : i32
        %parallel_loop3A_414 = arith.addi %parallel_loop3A_412, %parallel_loop3A_413 : i32
        %parallel_loop3A_415 = arith.constant 80 : i32
        %parallel_loop3A_416 = arith.addi %parallel_loop3A_414, %parallel_loop3A_415 : i32
        %parallel_loop3A_417 = arith.index_cast %parallel_loop3A_416 : i32 to index
        %parallel_loop3A_418 = tpu.vector_load %arg8[%parallel_loop3A_417] {strides = array<i32>} : memref<65536xf32, #tpu.memory_space<vmem>>, vector<16xf32>,
        %parallel_loop3A_419 = arith.addi %mul3A_318, %parallel_loop3A_376 : i32
        %parallel_loop3A_420 = arith.constant 0 : i32
        %parallel_loop3A_421 = arith.addi %parallel_loop3A_419, %parallel_loop3A_420 : i32
        %parallel_loop3A_422 = arith.constant 96 : i32
        %parallel_loop3A_423 = arith.addi %parallel_loop3A_421, %parallel_loop3A_422 : i32
        %parallel_loop3A_424 = arith.index_cast %parallel_loop3A_423 : i32 to index
        %parallel_loop3A_425 = tpu.vector_load %arg8[%parallel_loop3A_424] {strides = array<i32>} : memref<65536xf32, #tpu.memory_space<vmem>>, vector<16xf32>,
        %parallel_loop3A_426 = arith.addi %mul3A_318, %parallel_loop3A_376 : i32
        %parallel_loop3A_427 = arith.constant 0 : i32
        %parallel_loop3A_428 = arith.addi %parallel_loop3A_426, %parallel_loop3A_427 : i32
        %parallel_loop3A_429 = arith.constant 112 : i32
        %parallel_loop3A_430 = arith.addi %parallel_loop3A_428, %parallel_loop3A_429 : i32
        %parallel_loop3A_431 = arith.index_cast %parallel_loop3A_430 : i32 to index
        %parallel_loop3A_432 = tpu.vector_load %arg8[%parallel_loop3A_431] {strides = array<i32>} : memref<65536xf32, #tpu.memory_space<vmem>>, vector<16xf32>,
        %parallel_loop3A_433 = arith.maximumf %parallel_loop3A_383, %parallel_loop3A_390 : vector<16xf32>
        %parallel_loop3A_434 = arith.maximumf %parallel_loop3A_397, %parallel_loop3A_404 : vector<16xf32>
        %parallel_loop3A_435 = arith.maximumf %parallel_loop3A_433, %parallel_loop3A_434 : vector<16xf32>
        %parallel_loop3A_436 = arith.maximumf %parallel_loop3A_411, %parallel_loop3A_418 : vector<16xf32>
        %parallel_loop3A_437 = arith.maximumf %parallel_loop3A_425, %parallel_loop3A_432 : vector<16xf32>
        %parallel_loop3A_438 = arith.maximumf %parallel_loop3A_436, %parallel_loop3A_437 : vector<16xf32>
        %parallel_loop3A_439 = arith.maximumf %parallel_loop3A_435, %parallel_loop3A_438 : vector<16xf32>
        %parallel_loop3A_440 = arith.addi %mul3A_318, %parallel_loop3A_376 : i32
        %parallel_loop3A_441 = arith.constant 128 : i32
        %parallel_loop3A_442 = arith.addi %parallel_loop3A_440, %parallel_loop3A_441 : i32
        %parallel_loop3A_443 = arith.constant 0 : i32
        %parallel_loop3A_444 = arith.addi %parallel_loop3A_442, %parallel_loop3A_443 : i32
        %parallel_loop3A_445 = arith.index_cast %parallel_loop3A_444 : i32 to index
        %parallel_loop3A_446 = tpu.vector_load %arg8[%parallel_loop3A_445] {strides = array<i32>} : memref<65536xf32, #tpu.memory_space<vmem>>, vector<16xf32>,
        %parallel_loop3A_447 = arith.addi %mul3A_318, %parallel_loop3A_376 : i32
        %parallel_loop3A_448 = arith.constant 128 : i32
        %parallel_loop3A_449 = arith.addi %parallel_loop3A_447, %parallel_loop3A_448 : i32
        %parallel_loop3A_450 = arith.constant 16 : i32
        %parallel_loop3A_451 = arith.addi %parallel_loop3A_449, %parallel_loop3A_450 : i32
        %parallel_loop3A_452 = arith.index_cast %parallel_loop3A_451 : i32 to index
        %parallel_loop3A_453 = tpu.vector_load %arg8[%parallel_loop3A_452] {strides = array<i32>} : memref<65536xf32, #tpu.memory_space<vmem>>, vector<16xf32>,
        %parallel_loop3A_454 = arith.addi %mul3A_318, %parallel_loop3A_376 : i32
        %parallel_loop3A_455 = arith.constant 128 : i32
        %parallel_loop3A_456 = arith.addi %parallel_loop3A_454, %parallel_loop3A_455 : i32
        %parallel_loop3A_457 = arith.constant 32 : i32
        %parallel_loop3A_458 = arith.addi %parallel_loop3A_456, %parallel_loop3A_457 : i32
        %parallel_loop3A_459 = arith.index_cast %parallel_loop3A_458 : i32 to index
        %parallel_loop3A_460 = tpu.vector_load %arg8[%parallel_loop3A_459] {strides = array<i32>} : memref<65536xf32, #tpu.memory_space<vmem>>, vector<16xf32>,
        %parallel_loop3A_461 = arith.addi %mul3A_318, %parallel_loop3A_376 : i32
        %parallel_loop3A_462 = arith.constant 128 : i32
        %parallel_loop3A_463 = arith.addi %parallel_loop3A_461, %parallel_loop3A_462 : i32
        %parallel_loop3A_464 = arith.constant 48 : i32
        %parallel_loop3A_465 = arith.addi %parallel_loop3A_463, %parallel_loop3A_464 : i32
        %parallel_loop3A_466 = arith.index_cast %parallel_loop3A_465 : i32 to index
        %parallel_loop3A_467 = tpu.vector_load %arg8[%parallel_loop3A_466] {strides = array<i32>} : memref<65536xf32, #tpu.memory_space<vmem>>, vector<16xf32>,
        %parallel_loop3A_468 = arith.addi %mul3A_318, %parallel_loop3A_376 : i32
        %parallel_loop3A_469 = arith.constant 128 : i32
        %parallel_loop3A_470 = arith.addi %parallel_loop3A_468, %parallel_loop3A_469 : i32
        %parallel_loop3A_471 = arith.constant 64 : i32
        %parallel_loop3A_472 = arith.addi %parallel_loop3A_470, %parallel_loop3A_471 : i32
        %parallel_loop3A_473 = arith.index_cast %parallel_loop3A_472 : i32 to index
        %parallel_loop3A_474 = tpu.vector_load %arg8[%parallel_loop3A_473] {strides = array<i32>} : memref<65536xf32, #tpu.memory_space<vmem>>, vector<16xf32>,
        %parallel_loop3A_475 = arith.addi %mul3A_318, %parallel_loop3A_376 : i32
        %parallel_loop3A_476 = arith.constant 128 : i32
        %parallel_loop3A_477 = arith.addi %parallel_loop3A_475, %parallel_loop3A_476 : i32
        %parallel_loop3A_478 = arith.constant 80 : i32
        %parallel_loop3A_479 = arith.addi %parallel_loop3A_477, %parallel_loop3A_478 : i32
        %parallel_loop3A_480 = arith.index_cast %parallel_loop3A_479 : i32 to index
        %parallel_loop3A_481 = tpu.vector_load %arg8[%parallel_loop3A_480] {strides = array<i32>} : memref<65536xf32, #tpu.memory_space<vmem>>, vector<16xf32>,
        %parallel_loop3A_482 = arith.addi %mul3A_318, %parallel_loop3A_376 : i32
        %parallel_loop3A_483 = arith.constant 128 : i32
        %parallel_loop3A_484 = arith.addi %parallel_loop3A_482, %parallel_loop3A_483 : i32
        %parallel_loop3A_485 = arith.constant 96 : i32
        %parallel_loop3A_486 = arith.addi %parallel_loop3A_484, %parallel_loop3A_485 : i32
        %parallel_loop3A_487 = arith.index_cast %parallel_loop3A_486 : i32 to index
        %parallel_loop3A_488 = tpu.vector_load %arg8[%parallel_loop3A_487] {strides = array<i32>} : memref<65536xf32, #tpu.memory_space<vmem>>, vector<16xf32>,
        %parallel_loop3A_489 = arith.addi %mul3A_318, %parallel_loop3A_376 : i32
        %parallel_loop3A_490 = arith.constant 128 : i32
        %parallel_loop3A_491 = arith.addi %parallel_loop3A_489, %parallel_loop3A_490 : i32
        %parallel_loop3A_492 = arith.constant 112 : i32
        %parallel_loop3A_493 = arith.addi %parallel_loop3A_491, %parallel_loop3A_492 : i32
        %parallel_loop3A_494 = arith.index_cast %parallel_loop3A_493 : i32 to index
        %parallel_loop3A_495 = tpu.vector_load %arg8[%parallel_loop3A_494] {strides = array<i32>} : memref<65536xf32, #tpu.memory_space<vmem>>, vector<16xf32>,
        %parallel_loop3A_496 = arith.maximumf %parallel_loop3A_446, %parallel_loop3A_453 : vector<16xf32>
        %parallel_loop3A_497 = arith.maximumf %parallel_loop3A_460, %parallel_loop3A_467 : vector<16xf32>
        %parallel_loop3A_498 = arith.maximumf %parallel_loop3A_496, %parallel_loop3A_497 : vector<16xf32>
        %parallel_loop3A_499 = arith.maximumf %parallel_loop3A_474, %parallel_loop3A_481 : vector<16xf32>
        %parallel_loop3A_500 = arith.maximumf %parallel_loop3A_488, %parallel_loop3A_495 : vector<16xf32>
        %parallel_loop3A_501 = arith.maximumf %parallel_loop3A_499, %parallel_loop3A_500 : vector<16xf32>
        %parallel_loop3A_502 = arith.maximumf %parallel_loop3A_498, %parallel_loop3A_501 : vector<16xf32>
        %parallel_loop3A_503 = arith.addi %mul3A_318, %parallel_loop3A_376 : i32
        %parallel_loop3A_504 = arith.constant 256 : i32
        %parallel_loop3A_505 = arith.addi %parallel_loop3A_503, %parallel_loop3A_504 : i32
        %parallel_loop3A_506 = arith.constant 0 : i32
        %parallel_loop3A_507 = arith.addi %parallel_loop3A_505, %parallel_loop3A_506 : i32
        %parallel_loop3A_508 = arith.index_cast %parallel_loop3A_507 : i32 to index
        %parallel_loop3A_509 = tpu.vector_load %arg8[%parallel_loop3A_508] {strides = array<i32>} : memref<65536xf32, #tpu.memory_space<vmem>>, vector<16xf32>,
        %parallel_loop3A_510 = arith.addi %mul3A_318, %parallel_loop3A_376 : i32
        %parallel_loop3A_511 = arith.constant 256 : i32
        %parallel_loop3A_512 = arith.addi %parallel_loop3A_510, %parallel_loop3A_511 : i32
        %parallel_loop3A_513 = arith.constant 16 : i32
        %parallel_loop3A_514 = arith.addi %parallel_loop3A_512, %parallel_loop3A_513 : i32
        %parallel_loop3A_515 = arith.index_cast %parallel_loop3A_514 : i32 to index
        %parallel_loop3A_516 = tpu.vector_load %arg8[%parallel_loop3A_515] {strides = array<i32>} : memref<65536xf32, #tpu.memory_space<vmem>>, vector<16xf32>,
        %parallel_loop3A_517 = arith.addi %mul3A_318, %parallel_loop3A_376 : i32
        %parallel_loop3A_518 = arith.constant 256 : i32
        %parallel_loop3A_519 = arith.addi %parallel_loop3A_517, %parallel_loop3A_518 : i32
        %parallel_loop3A_520 = arith.constant 32 : i32
        %parallel_loop3A_521 = arith.addi %parallel_loop3A_519, %parallel_loop3A_520 : i32
        %parallel_loop3A_522 = arith.index_cast %parallel_loop3A_521 : i32 to index
        %parallel_loop3A_523 = tpu.vector_load %arg8[%parallel_loop3A_522] {strides = array<i32>} : memref<65536xf32, #tpu.memory_space<vmem>>, vector<16xf32>,
        %parallel_loop3A_524 = arith.addi %mul3A_318, %parallel_loop3A_376 : i32
        %parallel_loop3A_525 = arith.constant 256 : i32
        %parallel_loop3A_526 = arith.addi %parallel_loop3A_524, %parallel_loop3A_525 : i32
        %parallel_loop3A_527 = arith.constant 48 : i32
        %parallel_loop3A_528 = arith.addi %parallel_loop3A_526, %parallel_loop3A_527 : i32
        %parallel_loop3A_529 = arith.index_cast %parallel_loop3A_528 : i32 to index
        %parallel_loop3A_530 = tpu.vector_load %arg8[%parallel_loop3A_529] {strides = array<i32>} : memref<65536xf32, #tpu.memory_space<vmem>>, vector<16xf32>,
        %parallel_loop3A_531 = arith.addi %mul3A_318, %parallel_loop3A_376 : i32
        %parallel_loop3A_532 = arith.constant 256 : i32
        %parallel_loop3A_533 = arith.addi %parallel_loop3A_531, %parallel_loop3A_532 : i32
        %parallel_loop3A_534 = arith.constant 64 : i32
        %parallel_loop3A_535 = arith.addi %parallel_loop3A_533, %parallel_loop3A_534 : i32
        %parallel_loop3A_536 = arith.index_cast %parallel_loop3A_535 : i32 to index
        %parallel_loop3A_537 = tpu.vector_load %arg8[%parallel_loop3A_536] {strides = array<i32>} : memref<65536xf32, #tpu.memory_space<vmem>>, vector<16xf32>,
        %parallel_loop3A_538 = arith.addi %mul3A_318, %parallel_loop3A_376 : i32
        %parallel_loop3A_539 = arith.constant 256 : i32
        %parallel_loop3A_540 = arith.addi %parallel_loop3A_538, %parallel_loop3A_539 : i32
        %parallel_loop3A_541 = arith.constant 80 : i32
        %parallel_loop3A_542 = arith.addi %parallel_loop3A_540, %parallel_loop3A_541 : i32
        %parallel_loop3A_543 = arith.index_cast %parallel_loop3A_542 : i32 to index
        %parallel_loop3A_544 = tpu.vector_load %arg8[%parallel_loop3A_543] {strides = array<i32>} : memref<65536xf32, #tpu.memory_space<vmem>>, vector<16xf32>,
        %parallel_loop3A_545 = arith.addi %mul3A_318, %parallel_loop3A_376 : i32
        %parallel_loop3A_546 = arith.constant 256 : i32
        %parallel_loop3A_547 = arith.addi %parallel_loop3A_545, %parallel_loop3A_546 : i32
        %parallel_loop3A_548 = arith.constant 96 : i32
        %parallel_loop3A_549 = arith.addi %parallel_loop3A_547, %parallel_loop3A_548 : i32
        %parallel_loop3A_550 = arith.index_cast %parallel_loop3A_549 : i32 to index
        %parallel_loop3A_551 = tpu.vector_load %arg8[%parallel_loop3A_550] {strides = array<i32>} : memref<65536xf32, #tpu.memory_space<vmem>>, vector<16xf32>,
        %parallel_loop3A_552 = arith.addi %mul3A_318, %parallel_loop3A_376 : i32
        %parallel_loop3A_553 = arith.constant 256 : i32
        %parallel_loop3A_554 = arith.addi %parallel_loop3A_552, %parallel_loop3A_553 : i32
        %parallel_loop3A_555 = arith.constant 112 : i32
        %parallel_loop3A_556 = arith.addi %parallel_loop3A_554, %parallel_loop3A_555 : i32
        %parallel_loop3A_557 = arith.index_cast %parallel_loop3A_556 : i32 to index
        %parallel_loop3A_558 = tpu.vector_load %arg8[%parallel_loop3A_557] {strides = array<i32>} : memref<65536xf32, #tpu.memory_space<vmem>>, vector<16xf32>,
        %parallel_loop3A_559 = arith.maximumf %parallel_loop3A_509, %parallel_loop3A_516 : vector<16xf32>
        %parallel_loop3A_560 = arith.maximumf %parallel_loop3A_523, %parallel_loop3A_530 : vector<16xf32>
        %parallel_loop3A_561 = arith.maximumf %parallel_loop3A_559, %parallel_loop3A_560 : vector<16xf32>
        %parallel_loop3A_562 = arith.maximumf %parallel_loop3A_537, %parallel_loop3A_544 : vector<16xf32>
        %parallel_loop3A_563 = arith.maximumf %parallel_loop3A_551, %parallel_loop3A_558 : vector<16xf32>
        %parallel_loop3A_564 = arith.maximumf %parallel_loop3A_562, %parallel_loop3A_563 : vector<16xf32>
        %parallel_loop3A_565 = arith.maximumf %parallel_loop3A_561, %parallel_loop3A_564 : vector<16xf32>
        %parallel_loop3A_566 = arith.addi %mul3A_318, %parallel_loop3A_376 : i32
        %parallel_loop3A_567 = arith.constant 384 : i32
        %parallel_loop3A_568 = arith.addi %parallel_loop3A_566, %parallel_loop3A_567 : i32
        %parallel_loop3A_569 = arith.constant 0 : i32
        %parallel_loop3A_570 = arith.addi %parallel_loop3A_568, %parallel_loop3A_569 : i32
        %parallel_loop3A_571 = arith.index_cast %parallel_loop3A_570 : i32 to index
        %parallel_loop3A_572 = tpu.vector_load %arg8[%parallel_loop3A_571] {strides = array<i32>} : memref<65536xf32, #tpu.memory_space<vmem>>, vector<16xf32>,
        %parallel_loop3A_573 = arith.addi %mul3A_318, %parallel_loop3A_376 : i32
        %parallel_loop3A_574 = arith.constant 384 : i32
        %parallel_loop3A_575 = arith.addi %parallel_loop3A_573, %parallel_loop3A_574 : i32
        %parallel_loop3A_576 = arith.constant 16 : i32
        %parallel_loop3A_577 = arith.addi %parallel_loop3A_575, %parallel_loop3A_576 : i32
        %parallel_loop3A_578 = arith.index_cast %parallel_loop3A_577 : i32 to index
        %parallel_loop3A_579 = tpu.vector_load %arg8[%parallel_loop3A_578] {strides = array<i32>} : memref<65536xf32, #tpu.memory_space<vmem>>, vector<16xf32>,
        %parallel_loop3A_580 = arith.addi %mul3A_318, %parallel_loop3A_376 : i32
        %parallel_loop3A_581 = arith.constant 384 : i32
        %parallel_loop3A_582 = arith.addi %parallel_loop3A_580, %parallel_loop3A_581 : i32
        %parallel_loop3A_583 = arith.constant 32 : i32
        %parallel_loop3A_584 = arith.addi %parallel_loop3A_582, %parallel_loop3A_583 : i32
        %parallel_loop3A_585 = arith.index_cast %parallel_loop3A_584 : i32 to index
        %parallel_loop3A_586 = tpu.vector_load %arg8[%parallel_loop3A_585] {strides = array<i32>} : memref<65536xf32, #tpu.memory_space<vmem>>, vector<16xf32>,
        %parallel_loop3A_587 = arith.addi %mul3A_318, %parallel_loop3A_376 : i32
        %parallel_loop3A_588 = arith.constant 384 : i32
        %parallel_loop3A_589 = arith.addi %parallel_loop3A_587, %parallel_loop3A_588 : i32
        %parallel_loop3A_590 = arith.constant 48 : i32
        %parallel_loop3A_591 = arith.addi %parallel_loop3A_589, %parallel_loop3A_590 : i32
        %parallel_loop3A_592 = arith.index_cast %parallel_loop3A_591 : i32 to index
        %parallel_loop3A_593 = tpu.vector_load %arg8[%parallel_loop3A_592] {strides = array<i32>} : memref<65536xf32, #tpu.memory_space<vmem>>, vector<16xf32>,
        %parallel_loop3A_594 = arith.addi %mul3A_318, %parallel_loop3A_376 : i32
        %parallel_loop3A_595 = arith.constant 384 : i32
        %parallel_loop3A_596 = arith.addi %parallel_loop3A_594, %parallel_loop3A_595 : i32
        %parallel_loop3A_597 = arith.constant 64 : i32
        %parallel_loop3A_598 = arith.addi %parallel_loop3A_596, %parallel_loop3A_597 : i32
        %parallel_loop3A_599 = arith.index_cast %parallel_loop3A_598 : i32 to index
        %parallel_loop3A_600 = tpu.vector_load %arg8[%parallel_loop3A_599] {strides = array<i32>} : memref<65536xf32, #tpu.memory_space<vmem>>, vector<16xf32>,
        %parallel_loop3A_601 = arith.addi %mul3A_318, %parallel_loop3A_376 : i32
        %parallel_loop3A_602 = arith.constant 384 : i32
        %parallel_loop3A_603 = arith.addi %parallel_loop3A_601, %parallel_loop3A_602 : i32
        %parallel_loop3A_604 = arith.constant 80 : i32
        %parallel_loop3A_605 = arith.addi %parallel_loop3A_603, %parallel_loop3A_604 : i32
        %parallel_loop3A_606 = arith.index_cast %parallel_loop3A_605 : i32 to index
        %parallel_loop3A_607 = tpu.vector_load %arg8[%parallel_loop3A_606] {strides = array<i32>} : memref<65536xf32, #tpu.memory_space<vmem>>, vector<16xf32>,
        %parallel_loop3A_608 = arith.addi %mul3A_318, %parallel_loop3A_376 : i32
        %parallel_loop3A_609 = arith.constant 384 : i32
        %parallel_loop3A_610 = arith.addi %parallel_loop3A_608, %parallel_loop3A_609 : i32
        %parallel_loop3A_611 = arith.constant 96 : i32
        %parallel_loop3A_612 = arith.addi %parallel_loop3A_610, %parallel_loop3A_611 : i32
        %parallel_loop3A_613 = arith.index_cast %parallel_loop3A_612 : i32 to index
        %parallel_loop3A_614 = tpu.vector_load %arg8[%parallel_loop3A_613] {strides = array<i32>} : memref<65536xf32, #tpu.memory_space<vmem>>, vector<16xf32>,
        %parallel_loop3A_615 = arith.addi %mul3A_318, %parallel_loop3A_376 : i32
        %parallel_loop3A_616 = arith.constant 384 : i32
        %parallel_loop3A_617 = arith.addi %parallel_loop3A_615, %parallel_loop3A_616 : i32
        %parallel_loop3A_618 = arith.constant 112 : i32
        %parallel_loop3A_619 = arith.addi %parallel_loop3A_617, %parallel_loop3A_618 : i32
        %parallel_loop3A_620 = arith.index_cast %parallel_loop3A_619 : i32 to index
        %parallel_loop3A_621 = tpu.vector_load %arg8[%parallel_loop3A_620] {strides = array<i32>} : memref<65536xf32, #tpu.memory_space<vmem>>, vector<16xf32>,
        %parallel_loop3A_622 = arith.maximumf %parallel_loop3A_572, %parallel_loop3A_579 : vector<16xf32>
        %parallel_loop3A_623 = arith.maximumf %parallel_loop3A_586, %parallel_loop3A_593 : vector<16xf32>
        %parallel_loop3A_624 = arith.maximumf %parallel_loop3A_622, %parallel_loop3A_623 : vector<16xf32>
        %parallel_loop3A_625 = arith.maximumf %parallel_loop3A_600, %parallel_loop3A_607 : vector<16xf32>
        %parallel_loop3A_626 = arith.maximumf %parallel_loop3A_614, %parallel_loop3A_621 : vector<16xf32>
        %parallel_loop3A_627 = arith.maximumf %parallel_loop3A_625, %parallel_loop3A_626 : vector<16xf32>
        %parallel_loop3A_628 = arith.maximumf %parallel_loop3A_624, %parallel_loop3A_627 : vector<16xf32>
        %parallel_loop3A_629 = arith.maximumf %parallel_loop3A_439, %parallel_loop3A_502 : vector<16xf32>
        %parallel_loop3A_630 = arith.maximumf %parallel_loop3A_565, %parallel_loop3A_628 : vector<16xf32>
        %parallel_loop3A_631 = arith.maximumf %parallel_loop3A_629, %parallel_loop3A_630 : vector<16xf32>
        %parallel_loop3A_632 = arith.constant true
        %parallel_loop3A_633 = vector.broadcast %parallel_loop3A_632 : i1 to vector<16xi1>
        %parallel_loop3A_634 = tpu.scan <max>, %parallel_loop3A_631 masked %parallel_loop3A_633 : vector<16xf32>, vector<16xi1> -> vector<16xf32>
        %parallel_loop3A_635 = vector.extract %parallel_loop3A_634[15] : f32 from vector<16xf32>
        %parallel_loop3A_636 = vector.broadcast %parallel_loop3A_635 : f32 to vector<16xf32>
        %parallel_loop3A_637 = arith.constant 16 : i32
        %parallel_loop3A_638 = arith.remsi %parallel_loop3A_373, %parallel_loop3A_637 : i32
        %parallel_loop3A_639 = vector.broadcast %parallel_loop3A_638 : i32 to vector<16xi32>
        %parallel_loop3A_640 = arith.cmpi eq, %iota3A, %parallel_loop3A_639 : vector<16xi32>
        %parallel_loop3A_641 = arith.select %parallel_loop3A_640, %parallel_loop3A_636, %parallel_loop3A_374 : vector<16xi1>, vector<16xf32>
        scf.yield %parallel_loop3A_641 : vector<16xf32>
      } {sc.loop_unroll_factor = 2 : i64, sc.parallel_access}
      %swap3A_351 = arith.constant 32 : index
      %swap3A_352 = tpu.vector_load %arg9[%swap3A_351] {strides = array<i32>} : memref<64xf32, #tpu.memory_space<vmem>>, vector<16xf32>,
      tpu.vector_store %arg9[%swap3A_351], %parallel_loop3A_350 {strides = array<i32>} : memref<64xf32, #tpu.memory_space<vmem>>, vector<16xf32>,
      %parallel_loop3A_353 = arith.constant 48 : i32
      %parallel_loop3A_354 = arith.constant 64 : i32
      %parallel_loop3A_355 = arith.constant 1 : i32
      %parallel_loop3A_356 = scf.for %parallel_loop3A_373 = %parallel_loop3A_353 to %parallel_loop3A_354 step %parallel_loop3A_355 iter_args(%parallel_loop3A_374 = %broadcast_in_dim3A_3) -> (vector<16xf32>)  : i32 {
        %parallel_loop3A_375 = arith.constant 512 : i32
        %parallel_loop3A_376 = arith.muli %parallel_loop3A_373, %parallel_loop3A_375 : i32
        %parallel_loop3A_377 = arith.addi %mul3A_318, %parallel_loop3A_376 : i32
        %parallel_loop3A_378 = arith.constant 0 : i32
        %parallel_loop3A_379 = arith.addi %parallel_loop3A_377, %parallel_loop3A_378 : i32
        %parallel_loop3A_380 = arith.constant 0 : i32
        %parallel_loop3A_381 = arith.addi %parallel_loop3A_379, %parallel_loop3A_380 : i32
        %parallel_loop3A_382 = arith.index_cast %parallel_loop3A_381 : i32 to index
        %parallel_loop3A_383 = tpu.vector_load %arg8[%parallel_loop3A_382] {strides = array<i32>} : memref<65536xf32, #tpu.memory_space<vmem>>, vector<16xf32>,
        %parallel_loop3A_384 = arith.addi %mul3A_318, %parallel_loop3A_376 : i32
        %parallel_loop3A_385 = arith.constant 0 : i32
        %parallel_loop3A_386 = arith.addi %parallel_loop3A_384, %parallel_loop3A_385 : i32
        %parallel_loop3A_387 = arith.constant 16 : i32
        %parallel_loop3A_388 = arith.addi %parallel_loop3A_386, %parallel_loop3A_387 : i32
        %parallel_loop3A_389 = arith.index_cast %parallel_loop3A_388 : i32 to index
        %parallel_loop3A_390 = tpu.vector_load %arg8[%parallel_loop3A_389] {strides = array<i32>} : memref<65536xf32, #tpu.memory_space<vmem>>, vector<16xf32>,
        %parallel_loop3A_391 = arith.addi %mul3A_318, %parallel_loop3A_376 : i32
        %parallel_loop3A_392 = arith.constant 0 : i32
        %parallel_loop3A_393 = arith.addi %parallel_loop3A_391, %parallel_loop3A_392 : i32
        %parallel_loop3A_394 = arith.constant 32 : i32
        %parallel_loop3A_395 = arith.addi %parallel_loop3A_393, %parallel_loop3A_394 : i32
        %parallel_loop3A_396 = arith.index_cast %parallel_loop3A_395 : i32 to index
        %parallel_loop3A_397 = tpu.vector_load %arg8[%parallel_loop3A_396] {strides = array<i32>} : memref<65536xf32, #tpu.memory_space<vmem>>, vector<16xf32>,
        %parallel_loop3A_398 = arith.addi %mul3A_318, %parallel_loop3A_376 : i32
        %parallel_loop3A_399 = arith.constant 0 : i32
        %parallel_loop3A_400 = arith.addi %parallel_loop3A_398, %parallel_loop3A_399 : i32
        %parallel_loop3A_401 = arith.constant 48 : i32
        %parallel_loop3A_402 = arith.addi %parallel_loop3A_400, %parallel_loop3A_401 : i32
        %parallel_loop3A_403 = arith.index_cast %parallel_loop3A_402 : i32 to index
        %parallel_loop3A_404 = tpu.vector_load %arg8[%parallel_loop3A_403] {strides = array<i32>} : memref<65536xf32, #tpu.memory_space<vmem>>, vector<16xf32>,
        %parallel_loop3A_405 = arith.addi %mul3A_318, %parallel_loop3A_376 : i32
        %parallel_loop3A_406 = arith.constant 0 : i32
        %parallel_loop3A_407 = arith.addi %parallel_loop3A_405, %parallel_loop3A_406 : i32
        %parallel_loop3A_408 = arith.constant 64 : i32
        %parallel_loop3A_409 = arith.addi %parallel_loop3A_407, %parallel_loop3A_408 : i32
        %parallel_loop3A_410 = arith.index_cast %parallel_loop3A_409 : i32 to index
        %parallel_loop3A_411 = tpu.vector_load %arg8[%parallel_loop3A_410] {strides = array<i32>} : memref<65536xf32, #tpu.memory_space<vmem>>, vector<16xf32>,
        %parallel_loop3A_412 = arith.addi %mul3A_318, %parallel_loop3A_376 : i32
        %parallel_loop3A_413 = arith.constant 0 : i32
        %parallel_loop3A_414 = arith.addi %parallel_loop3A_412, %parallel_loop3A_413 : i32
        %parallel_loop3A_415 = arith.constant 80 : i32
        %parallel_loop3A_416 = arith.addi %parallel_loop3A_414, %parallel_loop3A_415 : i32
        %parallel_loop3A_417 = arith.index_cast %parallel_loop3A_416 : i32 to index
        %parallel_loop3A_418 = tpu.vector_load %arg8[%parallel_loop3A_417] {strides = array<i32>} : memref<65536xf32, #tpu.memory_space<vmem>>, vector<16xf32>,
        %parallel_loop3A_419 = arith.addi %mul3A_318, %parallel_loop3A_376 : i32
        %parallel_loop3A_420 = arith.constant 0 : i32
        %parallel_loop3A_421 = arith.addi %parallel_loop3A_419, %parallel_loop3A_420 : i32
        %parallel_loop3A_422 = arith.constant 96 : i32
        %parallel_loop3A_423 = arith.addi %parallel_loop3A_421, %parallel_loop3A_422 : i32
        %parallel_loop3A_424 = arith.index_cast %parallel_loop3A_423 : i32 to index
        %parallel_loop3A_425 = tpu.vector_load %arg8[%parallel_loop3A_424] {strides = array<i32>} : memref<65536xf32, #tpu.memory_space<vmem>>, vector<16xf32>,
        %parallel_loop3A_426 = arith.addi %mul3A_318, %parallel_loop3A_376 : i32
        %parallel_loop3A_427 = arith.constant 0 : i32
        %parallel_loop3A_428 = arith.addi %parallel_loop3A_426, %parallel_loop3A_427 : i32
        %parallel_loop3A_429 = arith.constant 112 : i32
        %parallel_loop3A_430 = arith.addi %parallel_loop3A_428, %parallel_loop3A_429 : i32
        %parallel_loop3A_431 = arith.index_cast %parallel_loop3A_430 : i32 to index
        %parallel_loop3A_432 = tpu.vector_load %arg8[%parallel_loop3A_431] {strides = array<i32>} : memref<65536xf32, #tpu.memory_space<vmem>>, vector<16xf32>,
        %parallel_loop3A_433 = arith.maximumf %parallel_loop3A_383, %parallel_loop3A_390 : vector<16xf32>
        %parallel_loop3A_434 = arith.maximumf %parallel_loop3A_397, %parallel_loop3A_404 : vector<16xf32>
        %parallel_loop3A_435 = arith.maximumf %parallel_loop3A_433, %parallel_loop3A_434 : vector<16xf32>
        %parallel_loop3A_436 = arith.maximumf %parallel_loop3A_411, %parallel_loop3A_418 : vector<16xf32>
        %parallel_loop3A_437 = arith.maximumf %parallel_loop3A_425, %parallel_loop3A_432 : vector<16xf32>
        %parallel_loop3A_438 = arith.maximumf %parallel_loop3A_436, %parallel_loop3A_437 : vector<16xf32>
        %parallel_loop3A_439 = arith.maximumf %parallel_loop3A_435, %parallel_loop3A_438 : vector<16xf32>
        %parallel_loop3A_440 = arith.addi %mul3A_318, %parallel_loop3A_376 : i32
        %parallel_loop3A_441 = arith.constant 128 : i32
        %parallel_loop3A_442 = arith.addi %parallel_loop3A_440, %parallel_loop3A_441 : i32
        %parallel_loop3A_443 = arith.constant 0 : i32
        %parallel_loop3A_444 = arith.addi %parallel_loop3A_442, %parallel_loop3A_443 : i32
        %parallel_loop3A_445 = arith.index_cast %parallel_loop3A_444 : i32 to index
        %parallel_loop3A_446 = tpu.vector_load %arg8[%parallel_loop3A_445] {strides = array<i32>} : memref<65536xf32, #tpu.memory_space<vmem>>, vector<16xf32>,
        %parallel_loop3A_447 = arith.addi %mul3A_318, %parallel_loop3A_376 : i32
        %parallel_loop3A_448 = arith.constant 128 : i32
        %parallel_loop3A_449 = arith.addi %parallel_loop3A_447, %parallel_loop3A_448 : i32
        %parallel_loop3A_450 = arith.constant 16 : i32
        %parallel_loop3A_451 = arith.addi %parallel_loop3A_449, %parallel_loop3A_450 : i32
        %parallel_loop3A_452 = arith.index_cast %parallel_loop3A_451 : i32 to index
        %parallel_loop3A_453 = tpu.vector_load %arg8[%parallel_loop3A_452] {strides = array<i32>} : memref<65536xf32, #tpu.memory_space<vmem>>, vector<16xf32>,
        %parallel_loop3A_454 = arith.addi %mul3A_318, %parallel_loop3A_376 : i32
        %parallel_loop3A_455 = arith.constant 128 : i32
        %parallel_loop3A_456 = arith.addi %parallel_loop3A_454, %parallel_loop3A_455 : i32
        %parallel_loop3A_457 = arith.constant 32 : i32
        %parallel_loop3A_458 = arith.addi %parallel_loop3A_456, %parallel_loop3A_457 : i32
        %parallel_loop3A_459 = arith.index_cast %parallel_loop3A_458 : i32 to index
        %parallel_loop3A_460 = tpu.vector_load %arg8[%parallel_loop3A_459] {strides = array<i32>} : memref<65536xf32, #tpu.memory_space<vmem>>, vector<16xf32>,
        %parallel_loop3A_461 = arith.addi %mul3A_318, %parallel_loop3A_376 : i32
        %parallel_loop3A_462 = arith.constant 128 : i32
        %parallel_loop3A_463 = arith.addi %parallel_loop3A_461, %parallel_loop3A_462 : i32
        %parallel_loop3A_464 = arith.constant 48 : i32
        %parallel_loop3A_465 = arith.addi %parallel_loop3A_463, %parallel_loop3A_464 : i32
        %parallel_loop3A_466 = arith.index_cast %parallel_loop3A_465 : i32 to index
        %parallel_loop3A_467 = tpu.vector_load %arg8[%parallel_loop3A_466] {strides = array<i32>} : memref<65536xf32, #tpu.memory_space<vmem>>, vector<16xf32>,
        %parallel_loop3A_468 = arith.addi %mul3A_318, %parallel_loop3A_376 : i32
        %parallel_loop3A_469 = arith.constant 128 : i32
        %parallel_loop3A_470 = arith.addi %parallel_loop3A_468, %parallel_loop3A_469 : i32
        %parallel_loop3A_471 = arith.constant 64 : i32
        %parallel_loop3A_472 = arith.addi %parallel_loop3A_470, %parallel_loop3A_471 : i32
        %parallel_loop3A_473 = arith.index_cast %parallel_loop3A_472 : i32 to index
        %parallel_loop3A_474 = tpu.vector_load %arg8[%parallel_loop3A_473] {strides = array<i32>} : memref<65536xf32, #tpu.memory_space<vmem>>, vector<16xf32>,
        %parallel_loop3A_475 = arith.addi %mul3A_318, %parallel_loop3A_376 : i32
        %parallel_loop3A_476 = arith.constant 128 : i32
        %parallel_loop3A_477 = arith.addi %parallel_loop3A_475, %parallel_loop3A_476 : i32
        %parallel_loop3A_478 = arith.constant 80 : i32
        %parallel_loop3A_479 = arith.addi %parallel_loop3A_477, %parallel_loop3A_478 : i32
        %parallel_loop3A_480 = arith.index_cast %parallel_loop3A_479 : i32 to index
        %parallel_loop3A_481 = tpu.vector_load %arg8[%parallel_loop3A_480] {strides = array<i32>} : memref<65536xf32, #tpu.memory_space<vmem>>, vector<16xf32>,
        %parallel_loop3A_482 = arith.addi %mul3A_318, %parallel_loop3A_376 : i32
        %parallel_loop3A_483 = arith.constant 128 : i32
        %parallel_loop3A_484 = arith.addi %parallel_loop3A_482, %parallel_loop3A_483 : i32
        %parallel_loop3A_485 = arith.constant 96 : i32
        %parallel_loop3A_486 = arith.addi %parallel_loop3A_484, %parallel_loop3A_485 : i32
        %parallel_loop3A_487 = arith.index_cast %parallel_loop3A_486 : i32 to index
        %parallel_loop3A_488 = tpu.vector_load %arg8[%parallel_loop3A_487] {strides = array<i32>} : memref<65536xf32, #tpu.memory_space<vmem>>, vector<16xf32>,
        %parallel_loop3A_489 = arith.addi %mul3A_318, %parallel_loop3A_376 : i32
        %parallel_loop3A_490 = arith.constant 128 : i32
        %parallel_loop3A_491 = arith.addi %parallel_loop3A_489, %parallel_loop3A_490 : i32
        %parallel_loop3A_492 = arith.constant 112 : i32
        %parallel_loop3A_493 = arith.addi %parallel_loop3A_491, %parallel_loop3A_492 : i32
        %parallel_loop3A_494 = arith.index_cast %parallel_loop3A_493 : i32 to index
        %parallel_loop3A_495 = tpu.vector_load %arg8[%parallel_loop3A_494] {strides = array<i32>} : memref<65536xf32, #tpu.memory_space<vmem>>, vector<16xf32>,
        %parallel_loop3A_496 = arith.maximumf %parallel_loop3A_446, %parallel_loop3A_453 : vector<16xf32>
        %parallel_loop3A_497 = arith.maximumf %parallel_loop3A_460, %parallel_loop3A_467 : vector<16xf32>
        %parallel_loop3A_498 = arith.maximumf %parallel_loop3A_496, %parallel_loop3A_497 : vector<16xf32>
        %parallel_loop3A_499 = arith.maximumf %parallel_loop3A_474, %parallel_loop3A_481 : vector<16xf32>
        %parallel_loop3A_500 = arith.maximumf %parallel_loop3A_488, %parallel_loop3A_495 : vector<16xf32>
        %parallel_loop3A_501 = arith.maximumf %parallel_loop3A_499, %parallel_loop3A_500 : vector<16xf32>
        %parallel_loop3A_502 = arith.maximumf %parallel_loop3A_498, %parallel_loop3A_501 : vector<16xf32>
        %parallel_loop3A_503 = arith.addi %mul3A_318, %parallel_loop3A_376 : i32
        %parallel_loop3A_504 = arith.constant 256 : i32
        %parallel_loop3A_505 = arith.addi %parallel_loop3A_503, %parallel_loop3A_504 : i32
        %parallel_loop3A_506 = arith.constant 0 : i32
        %parallel_loop3A_507 = arith.addi %parallel_loop3A_505, %parallel_loop3A_506 : i32
        %parallel_loop3A_508 = arith.index_cast %parallel_loop3A_507 : i32 to index
        %parallel_loop3A_509 = tpu.vector_load %arg8[%parallel_loop3A_508] {strides = array<i32>} : memref<65536xf32, #tpu.memory_space<vmem>>, vector<16xf32>,
        %parallel_loop3A_510 = arith.addi %mul3A_318, %parallel_loop3A_376 : i32
        %parallel_loop3A_511 = arith.constant 256 : i32
        %parallel_loop3A_512 = arith.addi %parallel_loop3A_510, %parallel_loop3A_511 : i32
        %parallel_loop3A_513 = arith.constant 16 : i32
        %parallel_loop3A_514 = arith.addi %parallel_loop3A_512, %parallel_loop3A_513 : i32
        %parallel_loop3A_515 = arith.index_cast %parallel_loop3A_514 : i32 to index
        %parallel_loop3A_516 = tpu.vector_load %arg8[%parallel_loop3A_515] {strides = array<i32>} : memref<65536xf32, #tpu.memory_space<vmem>>, vector<16xf32>,
        %parallel_loop3A_517 = arith.addi %mul3A_318, %parallel_loop3A_376 : i32
        %parallel_loop3A_518 = arith.constant 256 : i32
        %parallel_loop3A_519 = arith.addi %parallel_loop3A_517, %parallel_loop3A_518 : i32
        %parallel_loop3A_520 = arith.constant 32 : i32
        %parallel_loop3A_521 = arith.addi %parallel_loop3A_519, %parallel_loop3A_520 : i32
        %parallel_loop3A_522 = arith.index_cast %parallel_loop3A_521 : i32 to index
        %parallel_loop3A_523 = tpu.vector_load %arg8[%parallel_loop3A_522] {strides = array<i32>} : memref<65536xf32, #tpu.memory_space<vmem>>, vector<16xf32>,
        %parallel_loop3A_524 = arith.addi %mul3A_318, %parallel_loop3A_376 : i32
        %parallel_loop3A_525 = arith.constant 256 : i32
        %parallel_loop3A_526 = arith.addi %parallel_loop3A_524, %parallel_loop3A_525 : i32
        %parallel_loop3A_527 = arith.constant 48 : i32
        %parallel_loop3A_528 = arith.addi %parallel_loop3A_526, %parallel_loop3A_527 : i32
        %parallel_loop3A_529 = arith.index_cast %parallel_loop3A_528 : i32 to index
        %parallel_loop3A_530 = tpu.vector_load %arg8[%parallel_loop3A_529] {strides = array<i32>} : memref<65536xf32, #tpu.memory_space<vmem>>, vector<16xf32>,
        %parallel_loop3A_531 = arith.addi %mul3A_318, %parallel_loop3A_376 : i32
        %parallel_loop3A_532 = arith.constant 256 : i32
        %parallel_loop3A_533 = arith.addi %parallel_loop3A_531, %parallel_loop3A_532 : i32
        %parallel_loop3A_534 = arith.constant 64 : i32
        %parallel_loop3A_535 = arith.addi %parallel_loop3A_533, %parallel_loop3A_534 : i32
        %parallel_loop3A_536 = arith.index_cast %parallel_loop3A_535 : i32 to index
        %parallel_loop3A_537 = tpu.vector_load %arg8[%parallel_loop3A_536] {strides = array<i32>} : memref<65536xf32, #tpu.memory_space<vmem>>, vector<16xf32>,
        %parallel_loop3A_538 = arith.addi %mul3A_318, %parallel_loop3A_376 : i32
        %parallel_loop3A_539 = arith.constant 256 : i32
        %parallel_loop3A_540 = arith.addi %parallel_loop3A_538, %parallel_loop3A_539 : i32
        %parallel_loop3A_541 = arith.constant 80 : i32
        %parallel_loop3A_542 = arith.addi %parallel_loop3A_540, %parallel_loop3A_541 : i32
        %parallel_loop3A_543 = arith.index_cast %parallel_loop3A_542 : i32 to index
        %parallel_loop3A_544 = tpu.vector_load %arg8[%parallel_loop3A_543] {strides = array<i32>} : memref<65536xf32, #tpu.memory_space<vmem>>, vector<16xf32>,
        %parallel_loop3A_545 = arith.addi %mul3A_318, %parallel_loop3A_376 : i32
        %parallel_loop3A_546 = arith.constant 256 : i32
        %parallel_loop3A_547 = arith.addi %parallel_loop3A_545, %parallel_loop3A_546 : i32
        %parallel_loop3A_548 = arith.constant 96 : i32
        %parallel_loop3A_549 = arith.addi %parallel_loop3A_547, %parallel_loop3A_548 : i32
        %parallel_loop3A_550 = arith.index_cast %parallel_loop3A_549 : i32 to index
        %parallel_loop3A_551 = tpu.vector_load %arg8[%parallel_loop3A_550] {strides = array<i32>} : memref<65536xf32, #tpu.memory_space<vmem>>, vector<16xf32>,
        %parallel_loop3A_552 = arith.addi %mul3A_318, %parallel_loop3A_376 : i32
        %parallel_loop3A_553 = arith.constant 256 : i32
        %parallel_loop3A_554 = arith.addi %parallel_loop3A_552, %parallel_loop3A_553 : i32
        %parallel_loop3A_555 = arith.constant 112 : i32
        %parallel_loop3A_556 = arith.addi %parallel_loop3A_554, %parallel_loop3A_555 : i32
        %parallel_loop3A_557 = arith.index_cast %parallel_loop3A_556 : i32 to index
        %parallel_loop3A_558 = tpu.vector_load %arg8[%parallel_loop3A_557] {strides = array<i32>} : memref<65536xf32, #tpu.memory_space<vmem>>, vector<16xf32>,
        %parallel_loop3A_559 = arith.maximumf %parallel_loop3A_509, %parallel_loop3A_516 : vector<16xf32>
        %parallel_loop3A_560 = arith.maximumf %parallel_loop3A_523, %parallel_loop3A_530 : vector<16xf32>
        %parallel_loop3A_561 = arith.maximumf %parallel_loop3A_559, %parallel_loop3A_560 : vector<16xf32>
        %parallel_loop3A_562 = arith.maximumf %parallel_loop3A_537, %parallel_loop3A_544 : vector<16xf32>
        %parallel_loop3A_563 = arith.maximumf %parallel_loop3A_551, %parallel_loop3A_558 : vector<16xf32>
        %parallel_loop3A_564 = arith.maximumf %parallel_loop3A_562, %parallel_loop3A_563 : vector<16xf32>
        %parallel_loop3A_565 = arith.maximumf %parallel_loop3A_561, %parallel_loop3A_564 : vector<16xf32>
        %parallel_loop3A_566 = arith.addi %mul3A_318, %parallel_loop3A_376 : i32
        %parallel_loop3A_567 = arith.constant 384 : i32
        %parallel_loop3A_568 = arith.addi %parallel_loop3A_566, %parallel_loop3A_567 : i32
        %parallel_loop3A_569 = arith.constant 0 : i32
        %parallel_loop3A_570 = arith.addi %parallel_loop3A_568, %parallel_loop3A_569 : i32
        %parallel_loop3A_571 = arith.index_cast %parallel_loop3A_570 : i32 to index
        %parallel_loop3A_572 = tpu.vector_load %arg8[%parallel_loop3A_571] {strides = array<i32>} : memref<65536xf32, #tpu.memory_space<vmem>>, vector<16xf32>,
        %parallel_loop3A_573 = arith.addi %mul3A_318, %parallel_loop3A_376 : i32
        %parallel_loop3A_574 = arith.constant 384 : i32
        %parallel_loop3A_575 = arith.addi %parallel_loop3A_573, %parallel_loop3A_574 : i32
        %parallel_loop3A_576 = arith.constant 16 : i32
        %parallel_loop3A_577 = arith.addi %parallel_loop3A_575, %parallel_loop3A_576 : i32
        %parallel_loop3A_578 = arith.index_cast %parallel_loop3A_577 : i32 to index
        %parallel_loop3A_579 = tpu.vector_load %arg8[%parallel_loop3A_578] {strides = array<i32>} : memref<65536xf32, #tpu.memory_space<vmem>>, vector<16xf32>,
        %parallel_loop3A_580 = arith.addi %mul3A_318, %parallel_loop3A_376 : i32
        %parallel_loop3A_581 = arith.constant 384 : i32
        %parallel_loop3A_582 = arith.addi %parallel_loop3A_580, %parallel_loop3A_581 : i32
        %parallel_loop3A_583 = arith.constant 32 : i32
        %parallel_loop3A_584 = arith.addi %parallel_loop3A_582, %parallel_loop3A_583 : i32
        %parallel_loop3A_585 = arith.index_cast %parallel_loop3A_584 : i32 to index
        %parallel_loop3A_586 = tpu.vector_load %arg8[%parallel_loop3A_585] {strides = array<i32>} : memref<65536xf32, #tpu.memory_space<vmem>>, vector<16xf32>,
        %parallel_loop3A_587 = arith.addi %mul3A_318, %parallel_loop3A_376 : i32
        %parallel_loop3A_588 = arith.constant 384 : i32
        %parallel_loop3A_589 = arith.addi %parallel_loop3A_587, %parallel_loop3A_588 : i32
        %parallel_loop3A_590 = arith.constant 48 : i32
        %parallel_loop3A_591 = arith.addi %parallel_loop3A_589, %parallel_loop3A_590 : i32
        %parallel_loop3A_592 = arith.index_cast %parallel_loop3A_591 : i32 to index
        %parallel_loop3A_593 = tpu.vector_load %arg8[%parallel_loop3A_592] {strides = array<i32>} : memref<65536xf32, #tpu.memory_space<vmem>>, vector<16xf32>,
        %parallel_loop3A_594 = arith.addi %mul3A_318, %parallel_loop3A_376 : i32
        %parallel_loop3A_595 = arith.constant 384 : i32
        %parallel_loop3A_596 = arith.addi %parallel_loop3A_594, %parallel_loop3A_595 : i32
        %parallel_loop3A_597 = arith.constant 64 : i32
        %parallel_loop3A_598 = arith.addi %parallel_loop3A_596, %parallel_loop3A_597 : i32
        %parallel_loop3A_599 = arith.index_cast %parallel_loop3A_598 : i32 to index
        %parallel_loop3A_600 = tpu.vector_load %arg8[%parallel_loop3A_599] {strides = array<i32>} : memref<65536xf32, #tpu.memory_space<vmem>>, vector<16xf32>,
        %parallel_loop3A_601 = arith.addi %mul3A_318, %parallel_loop3A_376 : i32
        %parallel_loop3A_602 = arith.constant 384 : i32
        %parallel_loop3A_603 = arith.addi %parallel_loop3A_601, %parallel_loop3A_602 : i32
        %parallel_loop3A_604 = arith.constant 80 : i32
        %parallel_loop3A_605 = arith.addi %parallel_loop3A_603, %parallel_loop3A_604 : i32
        %parallel_loop3A_606 = arith.index_cast %parallel_loop3A_605 : i32 to index
        %parallel_loop3A_607 = tpu.vector_load %arg8[%parallel_loop3A_606] {strides = array<i32>} : memref<65536xf32, #tpu.memory_space<vmem>>, vector<16xf32>,
        %parallel_loop3A_608 = arith.addi %mul3A_318, %parallel_loop3A_376 : i32
        %parallel_loop3A_609 = arith.constant 384 : i32
        %parallel_loop3A_610 = arith.addi %parallel_loop3A_608, %parallel_loop3A_609 : i32
        %parallel_loop3A_611 = arith.constant 96 : i32
        %parallel_loop3A_612 = arith.addi %parallel_loop3A_610, %parallel_loop3A_611 : i32
        %parallel_loop3A_613 = arith.index_cast %parallel_loop3A_612 : i32 to index
        %parallel_loop3A_614 = tpu.vector_load %arg8[%parallel_loop3A_613] {strides = array<i32>} : memref<65536xf32, #tpu.memory_space<vmem>>, vector<16xf32>,
        %parallel_loop3A_615 = arith.addi %mul3A_318, %parallel_loop3A_376 : i32
        %parallel_loop3A_616 = arith.constant 384 : i32
        %parallel_loop3A_617 = arith.addi %parallel_loop3A_615, %parallel_loop3A_616 : i32
        %parallel_loop3A_618 = arith.constant 112 : i32
        %parallel_loop3A_619 = arith.addi %parallel_loop3A_617, %parallel_loop3A_618 : i32
        %parallel_loop3A_620 = arith.index_cast %parallel_loop3A_619 : i32 to index
        %parallel_loop3A_621 = tpu.vector_load %arg8[%parallel_loop3A_620] {strides = array<i32>} : memref<65536xf32, #tpu.memory_space<vmem>>, vector<16xf32>,
        %parallel_loop3A_622 = arith.maximumf %parallel_loop3A_572, %parallel_loop3A_579 : vector<16xf32>
        %parallel_loop3A_623 = arith.maximumf %parallel_loop3A_586, %parallel_loop3A_593 : vector<16xf32>
        %parallel_loop3A_624 = arith.maximumf %parallel_loop3A_622, %parallel_loop3A_623 : vector<16xf32>
        %parallel_loop3A_625 = arith.maximumf %parallel_loop3A_600, %parallel_loop3A_607 : vector<16xf32>
        %parallel_loop3A_626 = arith.maximumf %parallel_loop3A_614, %parallel_loop3A_621 : vector<16xf32>
        %parallel_loop3A_627 = arith.maximumf %parallel_loop3A_625, %parallel_loop3A_626 : vector<16xf32>
        %parallel_loop3A_628 = arith.maximumf %parallel_loop3A_624, %parallel_loop3A_627 : vector<16xf32>
        %parallel_loop3A_629 = arith.maximumf %parallel_loop3A_439, %parallel_loop3A_502 : vector<16xf32>
        %parallel_loop3A_630 = arith.maximumf %parallel_loop3A_565, %parallel_loop3A_628 : vector<16xf32>
        %parallel_loop3A_631 = arith.maximumf %parallel_loop3A_629, %parallel_loop3A_630 : vector<16xf32>
        %parallel_loop3A_632 = arith.constant true
        %parallel_loop3A_633 = vector.broadcast %parallel_loop3A_632 : i1 to vector<16xi1>
        %parallel_loop3A_634 = tpu.scan <max>, %parallel_loop3A_631 masked %parallel_loop3A_633 : vector<16xf32>, vector<16xi1> -> vector<16xf32>
        %parallel_loop3A_635 = vector.extract %parallel_loop3A_634[15] : f32 from vector<16xf32>
        %parallel_loop3A_636 = vector.broadcast %parallel_loop3A_635 : f32 to vector<16xf32>
        %parallel_loop3A_637 = arith.constant 16 : i32
        %parallel_loop3A_638 = arith.remsi %parallel_loop3A_373, %parallel_loop3A_637 : i32
        %parallel_loop3A_639 = vector.broadcast %parallel_loop3A_638 : i32 to vector<16xi32>
        %parallel_loop3A_640 = arith.cmpi eq, %iota3A, %parallel_loop3A_639 : vector<16xi32>
        %parallel_loop3A_641 = arith.select %parallel_loop3A_640, %parallel_loop3A_636, %parallel_loop3A_374 : vector<16xi1>, vector<16xf32>
        scf.yield %parallel_loop3A_641 : vector<16xf32>
      } {sc.loop_unroll_factor = 2 : i64, sc.parallel_access}
      %swap3A_357 = arith.constant 48 : index
      %swap3A_358 = tpu.vector_load %arg9[%swap3A_357] {strides = array<i32>} : memref<64xf32, #tpu.memory_space<vmem>>, vector<16xf32>,
      tpu.vector_store %arg9[%swap3A_357], %parallel_loop3A_356 {strides = array<i32>} : memref<64xf32, #tpu.memory_space<vmem>>, vector<16xf32>,
      %slice3A = vector.extract_strided_slice %scan3A_314 {offsets = [0], sizes = [1], strides = [1]} : vector<16xf32> to vector<1xf32>
      %squeeze3A = vector.extract %slice3A[0] : f32 from vector<1xf32>
      %broadcast_in_dim3A_359 = vector.broadcast %squeeze3A : f32 to vector<16xf32>
      %sub3A = arith.subf %broadcast_in_dim3A_359, %gather3A_333 : vector<16xf32>
      %abs3A = math.absf %sub3A : vector<16xf32>
      %mul3A_360 = arith.constant 9.99999997E-7 : f32
      %mul3A_361 = vector.broadcast %mul3A_360 : f32 to vector<16xf32>
      %mul3A_362 = arith.mulf %abs3A, %mul3A_361 : vector<16xf32>
      %add3A_363 = arith.constant 9.99999997E-7 : f32
      %add3A_364 = vector.broadcast %add3A_363 : f32 to vector<16xf32>
      %add3A_365 = arith.addf %mul3A_362, %add3A_364 : vector<16xf32>
      %sub3A_366 = arith.subf %sub3A, %add3A_365 : vector<16xf32>
      %scan3A_367 = arith.constant 0 : i32
      %scan3A_368 = arith.constant 4 : i32
      %scan3A_369 = arith.addi %scan3A_367, %scan3A_368 : i32
      %scan3A_370 = arith.constant 1 : i32
      %scan3A_371:3 = scf.for %scan3A_373 = %scan3A_367 to %scan3A_369 step %scan3A_370 iter_args(%scan3A_374 = %scan3A_314, %scan3A_375 = %scan3A_315, %scan3A_376 = %sub3A_366) -> (vector<16xf32>, vector<16xi32>, vector<16xf32>)  : i32 {
        %mul3A_377 = arith.constant 16 : i32
        %mul3A_378 = arith.muli %scan3A_373, %mul3A_377 : i32
        %get3A = arith.index_cast %mul3A_378 : i32 to index
        %get3A_379 = tpu.vector_load %arg9[%get3A] {strides = array<i32>} : memref<64xf32, #tpu.memory_space<vmem>>, vector<16xf32>,
        %while3A:4 = scf.while (%while3A_380 = %scan3A_374, %while3A_381 = %scan3A_375, %while3A_382 = %scan3A_376, %while3A_383 = %get3A_379) : (vector<16xf32>, vector<16xi32>, vector<16xf32>, vector<16xf32>) -> (vector<16xf32>, vector<16xi32>, vector<16xf32>, vector<16xf32>) {
          %gt3A = arith.cmpf ogt, %while3A_383, %while3A_382 : vector<16xf32>
          %reduce_or3A = arith.constant 1.000000e+00 : f32
          %reduce_or3A_384 = arith.constant 0.000000e+00 : f32
          %reduce_or3A_385 = vector.broadcast %reduce_or3A : f32 to vector<16xf32>
          %reduce_or3A_386 = vector.broadcast %reduce_or3A_384 : f32 to vector<16xf32>
          %reduce_or3A_387 = arith.select %gt3A, %reduce_or3A_385, %reduce_or3A_386 : vector<16xi1>, vector<16xf32>
          %reduce_or3A_388 = arith.constant true
          %reduce_or3A_389 = vector.broadcast %reduce_or3A_388 : i1 to vector<16xi1>
          %reduce_or3A_390 = tpu.scan <max>, %reduce_or3A_387 masked %reduce_or3A_389 : vector<16xf32>, vector<16xi1> -> vector<16xf32>
          %reduce_or3A_391 = vector.extract %reduce_or3A_390[15] : f32 from vector<16xf32>
          %reduce_or3A_392 = arith.constant 0.000000e+00 : f32
          %reduce_or3A_393 = arith.cmpf ogt, %reduce_or3A_391, %reduce_or3A_392 : f32
          scf.condition(%reduce_or3A_393) %while3A_380, %while3A_381, %while3A_382, %while3A_383 : vector<16xf32>, vector<16xi32>, vector<16xf32>, vector<16xf32>
        } do {
        ^bb0(%while3A_380: vector<16xf32>, %while3A_381: vector<16xi32>, %while3A_382: vector<16xf32>, %while3A_383: vector<16xf32>):
          %gt3A = arith.cmpf ogt, %while3A_383, %while3A_382 : vector<16xf32>
          %all_reduce_ffs3A = tpu.all_reduce %gt3A {dim = 0 : i64, kind = #tpu.reduction_kind<find_first_set>} : vector<16xi1> -> vector<16xi32>
          %mul3A_384 = arith.constant 16 : i32
          %mul3A_385 = arith.muli %scan3A_373, %mul3A_384 : i32
          %slice3A_386 = vector.extract_strided_slice %all_reduce_ffs3A {offsets = [0], sizes = [1], strides = [1]} : vector<16xi32> to vector<1xi32>
          %squeeze3A_387 = vector.extract %slice3A_386[0] : i32 from vector<1xi32>
          %add3A_388 = arith.addi %mul3A_385, %squeeze3A_387 : i32
          %eq3A = arith.cmpi eq, %iota3A, %all_reduce_ffs3A : vector<16xi32>
          %select_n3A = arith.select %eq3A, %broadcast_in_dim3A_3, %while3A_383 : vector<16xi1>, vector<16xf32>
          %mul3A_389 = arith.constant 512 : i32
          %mul3A_390 = arith.muli %add3A_388, %mul3A_389 : i32
          %add3A_391 = arith.constant 0 : i32
          %add3A_392 = arith.addi %mul3A_390, %add3A_391 : i32
          %add3A_393 = arith.addi %mul3A_318, %add3A_392 : i32
          %add3A_394 = arith.constant 0 : i32
          %add3A_395 = arith.addi %add3A_393, %add3A_394 : i32
          %get3A_396 = arith.index_cast %add3A_395 : i32 to index
          %get3A_397 = tpu.vector_load %arg8[%get3A_396] {strides = array<i32>} : memref<65536xf32, #tpu.memory_space<vmem>>, vector<16xf32>,
          %eq3A_398 = arith.constant 0 : i32
          %eq3A_399 = vector.broadcast %eq3A_398 : i32 to vector<16xi32>
          %eq3A_400 = arith.cmpi eq, %iota3A, %eq3A_399 : vector<16xi32>
          %gt3A_401 = arith.cmpf ogt, %get3A_397, %while3A_382 : vector<16xf32>
          %all_reduce_population_count3A = tpu.all_reduce %gt3A_401 {dim = 0 : i64, kind = #tpu.reduction_kind<sum>} : vector<16xi1> -> vector<16xi32>
          %select_n3A_402 = arith.select %eq3A_400, %all_reduce_population_count3A, %broadcast_in_dim3A_1 : vector<16xi1>, vector<16xi32>
          %add3A_403 = arith.addi %mul3A_318, %add3A_392 : i32
          %add3A_404 = arith.constant 16 : i32
          %add3A_405 = arith.addi %add3A_403, %add3A_404 : i32
          %get3A_406 = arith.index_cast %add3A_405 : i32 to index
          %get3A_407 = tpu.vector_load %arg8[%get3A_406] {strides = array<i32>} : memref<65536xf32, #tpu.memory_space<vmem>>, vector<16xf32>,
          %eq3A_408 = arith.constant 1 : i32
          %eq3A_409 = vector.broadcast %eq3A_408 : i32 to vector<16xi32>
          %eq3A_410 = arith.cmpi eq, %iota3A, %eq3A_409 : vector<16xi32>
          %gt3A_411 = arith.cmpf ogt, %get3A_407, %while3A_382 : vector<16xf32>
          %all_reduce_population_count3A_412 = tpu.all_reduce %gt3A_411 {dim = 0 : i64, kind = #tpu.reduction_kind<sum>} : vector<16xi1> -> vector<16xi32>
          %select_n3A_413 = arith.select %eq3A_410, %all_reduce_population_count3A_412, %select_n3A_402 : vector<16xi1>, vector<16xi32>
          %add3A_414 = arith.addi %mul3A_318, %add3A_392 : i32
          %add3A_415 = arith.constant 32 : i32
          %add3A_416 = arith.addi %add3A_414, %add3A_415 : i32
          %get3A_417 = arith.index_cast %add3A_416 : i32 to index
          %get3A_418 = tpu.vector_load %arg8[%get3A_417] {strides = array<i32>} : memref<65536xf32, #tpu.memory_space<vmem>>, vector<16xf32>,
          %eq3A_419 = arith.constant 2 : i32
          %eq3A_420 = vector.broadcast %eq3A_419 : i32 to vector<16xi32>
          %eq3A_421 = arith.cmpi eq, %iota3A, %eq3A_420 : vector<16xi32>
          %gt3A_422 = arith.cmpf ogt, %get3A_418, %while3A_382 : vector<16xf32>
          %all_reduce_population_count3A_423 = tpu.all_reduce %gt3A_422 {dim = 0 : i64, kind = #tpu.reduction_kind<sum>} : vector<16xi1> -> vector<16xi32>
          %select_n3A_424 = arith.select %eq3A_421, %all_reduce_population_count3A_423, %select_n3A_413 : vector<16xi1>, vector<16xi32>
          %add3A_425 = arith.addi %mul3A_318, %add3A_392 : i32
          %add3A_426 = arith.constant 48 : i32
          %add3A_427 = arith.addi %add3A_425, %add3A_426 : i32
          %get3A_428 = arith.index_cast %add3A_427 : i32 to index
          %get3A_429 = tpu.vector_load %arg8[%get3A_428] {strides = array<i32>} : memref<65536xf32, #tpu.memory_space<vmem>>, vector<16xf32>,
          %eq3A_430 = arith.constant 3 : i32
          %eq3A_431 = vector.broadcast %eq3A_430 : i32 to vector<16xi32>
          %eq3A_432 = arith.cmpi eq, %iota3A, %eq3A_431 : vector<16xi32>
          %gt3A_433 = arith.cmpf ogt, %get3A_429, %while3A_382 : vector<16xf32>
          %all_reduce_population_count3A_434 = tpu.all_reduce %gt3A_433 {dim = 0 : i64, kind = #tpu.reduction_kind<sum>} : vector<16xi1> -> vector<16xi32>
          %select_n3A_435 = arith.select %eq3A_432, %all_reduce_population_count3A_434, %select_n3A_424 : vector<16xi1>, vector<16xi32>
          %add3A_436 = arith.addi %mul3A_318, %add3A_392 : i32
          %add3A_437 = arith.constant 64 : i32
          %add3A_438 = arith.addi %add3A_436, %add3A_437 : i32
          %get3A_439 = arith.index_cast %add3A_438 : i32 to index
          %get3A_440 = tpu.vector_load %arg8[%get3A_439] {strides = array<i32>} : memref<65536xf32, #tpu.memory_space<vmem>>, vector<16xf32>,
          %eq3A_441 = arith.constant 4 : i32
          %eq3A_442 = vector.broadcast %eq3A_441 : i32 to vector<16xi32>
          %eq3A_443 = arith.cmpi eq, %iota3A, %eq3A_442 : vector<16xi32>
          %gt3A_444 = arith.cmpf ogt, %get3A_440, %while3A_382 : vector<16xf32>
          %all_reduce_population_count3A_445 = tpu.all_reduce %gt3A_444 {dim = 0 : i64, kind = #tpu.reduction_kind<sum>} : vector<16xi1> -> vector<16xi32>
          %select_n3A_446 = arith.select %eq3A_443, %all_reduce_population_count3A_445, %select_n3A_435 : vector<16xi1>, vector<16xi32>
          %add3A_447 = arith.addi %mul3A_318, %add3A_392 : i32
          %add3A_448 = arith.constant 80 : i32
          %add3A_449 = arith.addi %add3A_447, %add3A_448 : i32
          %get3A_450 = arith.index_cast %add3A_449 : i32 to index
          %get3A_451 = tpu.vector_load %arg8[%get3A_450] {strides = array<i32>} : memref<65536xf32, #tpu.memory_space<vmem>>, vector<16xf32>,
          %eq3A_452 = arith.constant 5 : i32
          %eq3A_453 = vector.broadcast %eq3A_452 : i32 to vector<16xi32>
          %eq3A_454 = arith.cmpi eq, %iota3A, %eq3A_453 : vector<16xi32>
          %gt3A_455 = arith.cmpf ogt, %get3A_451, %while3A_382 : vector<16xf32>
          %all_reduce_population_count3A_456 = tpu.all_reduce %gt3A_455 {dim = 0 : i64, kind = #tpu.reduction_kind<sum>} : vector<16xi1> -> vector<16xi32>
          %select_n3A_457 = arith.select %eq3A_454, %all_reduce_population_count3A_456, %select_n3A_446 : vector<16xi1>, vector<16xi32>
          %add3A_458 = arith.addi %mul3A_318, %add3A_392 : i32
          %add3A_459 = arith.constant 96 : i32
          %add3A_460 = arith.addi %add3A_458, %add3A_459 : i32
          %get3A_461 = arith.index_cast %add3A_460 : i32 to index
          %get3A_462 = tpu.vector_load %arg8[%get3A_461] {strides = array<i32>} : memref<65536xf32, #tpu.memory_space<vmem>>, vector<16xf32>,
          %eq3A_463 = arith.constant 6 : i32
          %eq3A_464 = vector.broadcast %eq3A_463 : i32 to vector<16xi32>
          %eq3A_465 = arith.cmpi eq, %iota3A, %eq3A_464 : vector<16xi32>
          %gt3A_466 = arith.cmpf ogt, %get3A_462, %while3A_382 : vector<16xf32>
          %all_reduce_population_count3A_467 = tpu.all_reduce %gt3A_466 {dim = 0 : i64, kind = #tpu.reduction_kind<sum>} : vector<16xi1> -> vector<16xi32>
          %select_n3A_468 = arith.select %eq3A_465, %all_reduce_population_count3A_467, %select_n3A_457 : vector<16xi1>, vector<16xi32>
          %add3A_469 = arith.addi %mul3A_318, %add3A_392 : i32
          %add3A_470 = arith.constant 112 : i32
          %add3A_471 = arith.addi %add3A_469, %add3A_470 : i32
          %get3A_472 = arith.index_cast %add3A_471 : i32 to index
          %get3A_473 = tpu.vector_load %arg8[%get3A_472] {strides = array<i32>} : memref<65536xf32, #tpu.memory_space<vmem>>, vector<16xf32>,
          %eq3A_474 = arith.constant 7 : i32
          %eq3A_475 = vector.broadcast %eq3A_474 : i32 to vector<16xi32>
          %eq3A_476 = arith.cmpi eq, %iota3A, %eq3A_475 : vector<16xi32>
          %gt3A_477 = arith.cmpf ogt, %get3A_473, %while3A_382 : vector<16xf32>
          %all_reduce_population_count3A_478 = tpu.all_reduce %gt3A_477 {dim = 0 : i64, kind = #tpu.reduction_kind<sum>} : vector<16xi1> -> vector<16xi32>
          %select_n3A_479 = arith.select %eq3A_476, %all_reduce_population_count3A_478, %select_n3A_468 : vector<16xi1>, vector<16xi32>
          %add3A_480 = arith.addi %mul3A_318, %add3A_392 : i32
          %add3A_481 = arith.constant 128 : i32
          %add3A_482 = arith.addi %add3A_480, %add3A_481 : i32
          %get3A_483 = arith.index_cast %add3A_482 : i32 to index
          %get3A_484 = tpu.vector_load %arg8[%get3A_483] {strides = array<i32>} : memref<65536xf32, #tpu.memory_space<vmem>>, vector<16xf32>,
          %eq3A_485 = arith.constant 8 : i32
          %eq3A_486 = vector.broadcast %eq3A_485 : i32 to vector<16xi32>
          %eq3A_487 = arith.cmpi eq, %iota3A, %eq3A_486 : vector<16xi32>
          %gt3A_488 = arith.cmpf ogt, %get3A_484, %while3A_382 : vector<16xf32>
          %all_reduce_population_count3A_489 = tpu.all_reduce %gt3A_488 {dim = 0 : i64, kind = #tpu.reduction_kind<sum>} : vector<16xi1> -> vector<16xi32>
          %select_n3A_490 = arith.select %eq3A_487, %all_reduce_population_count3A_489, %select_n3A_479 : vector<16xi1>, vector<16xi32>
          %add3A_491 = arith.addi %mul3A_318, %add3A_392 : i32
          %add3A_492 = arith.constant 144 : i32
          %add3A_493 = arith.addi %add3A_491, %add3A_492 : i32
          %get3A_494 = arith.index_cast %add3A_493 : i32 to index
          %get3A_495 = tpu.vector_load %arg8[%get3A_494] {strides = array<i32>} : memref<65536xf32, #tpu.memory_space<vmem>>, vector<16xf32>,
          %eq3A_496 = arith.constant 9 : i32
          %eq3A_497 = vector.broadcast %eq3A_496 : i32 to vector<16xi32>
          %eq3A_498 = arith.cmpi eq, %iota3A, %eq3A_497 : vector<16xi32>
          %gt3A_499 = arith.cmpf ogt, %get3A_495, %while3A_382 : vector<16xf32>
          %all_reduce_population_count3A_500 = tpu.all_reduce %gt3A_499 {dim = 0 : i64, kind = #tpu.reduction_kind<sum>} : vector<16xi1> -> vector<16xi32>
          %select_n3A_501 = arith.select %eq3A_498, %all_reduce_population_count3A_500, %select_n3A_490 : vector<16xi1>, vector<16xi32>
          %add3A_502 = arith.addi %mul3A_318, %add3A_392 : i32
          %add3A_503 = arith.constant 160 : i32
          %add3A_504 = arith.addi %add3A_502, %add3A_503 : i32
          %get3A_505 = arith.index_cast %add3A_504 : i32 to index
          %get3A_506 = tpu.vector_load %arg8[%get3A_505] {strides = array<i32>} : memref<65536xf32, #tpu.memory_space<vmem>>, vector<16xf32>,
          %eq3A_507 = arith.constant 10 : i32
          %eq3A_508 = vector.broadcast %eq3A_507 : i32 to vector<16xi32>
          %eq3A_509 = arith.cmpi eq, %iota3A, %eq3A_508 : vector<16xi32>
          %gt3A_510 = arith.cmpf ogt, %get3A_506, %while3A_382 : vector<16xf32>
          %all_reduce_population_count3A_511 = tpu.all_reduce %gt3A_510 {dim = 0 : i64, kind = #tpu.reduction_kind<sum>} : vector<16xi1> -> vector<16xi32>
          %select_n3A_512 = arith.select %eq3A_509, %all_reduce_population_count3A_511, %select_n3A_501 : vector<16xi1>, vector<16xi32>
          %add3A_513 = arith.addi %mul3A_318, %add3A_392 : i32
          %add3A_514 = arith.constant 176 : i32
          %add3A_515 = arith.addi %add3A_513, %add3A_514 : i32
          %get3A_516 = arith.index_cast %add3A_515 : i32 to index
          %get3A_517 = tpu.vector_load %arg8[%get3A_516] {strides = array<i32>} : memref<65536xf32, #tpu.memory_space<vmem>>, vector<16xf32>,
          %eq3A_518 = arith.constant 11 : i32
          %eq3A_519 = vector.broadcast %eq3A_518 : i32 to vector<16xi32>
          %eq3A_520 = arith.cmpi eq, %iota3A, %eq3A_519 : vector<16xi32>
          %gt3A_521 = arith.cmpf ogt, %get3A_517, %while3A_382 : vector<16xf32>
          %all_reduce_population_count3A_522 = tpu.all_reduce %gt3A_521 {dim = 0 : i64, kind = #tpu.reduction_kind<sum>} : vector<16xi1> -> vector<16xi32>
          %select_n3A_523 = arith.select %eq3A_520, %all_reduce_population_count3A_522, %select_n3A_512 : vector<16xi1>, vector<16xi32>
          %add3A_524 = arith.addi %mul3A_318, %add3A_392 : i32
          %add3A_525 = arith.constant 192 : i32
          %add3A_526 = arith.addi %add3A_524, %add3A_525 : i32
          %get3A_527 = arith.index_cast %add3A_526 : i32 to index
          %get3A_528 = tpu.vector_load %arg8[%get3A_527] {strides = array<i32>} : memref<65536xf32, #tpu.memory_space<vmem>>, vector<16xf32>,
          %eq3A_529 = arith.constant 12 : i32
          %eq3A_530 = vector.broadcast %eq3A_529 : i32 to vector<16xi32>
          %eq3A_531 = arith.cmpi eq, %iota3A, %eq3A_530 : vector<16xi32>
          %gt3A_532 = arith.cmpf ogt, %get3A_528, %while3A_382 : vector<16xf32>
          %all_reduce_population_count3A_533 = tpu.all_reduce %gt3A_532 {dim = 0 : i64, kind = #tpu.reduction_kind<sum>} : vector<16xi1> -> vector<16xi32>
          %select_n3A_534 = arith.select %eq3A_531, %all_reduce_population_count3A_533, %select_n3A_523 : vector<16xi1>, vector<16xi32>
          %add3A_535 = arith.addi %mul3A_318, %add3A_392 : i32
          %add3A_536 = arith.constant 208 : i32
          %add3A_537 = arith.addi %add3A_535, %add3A_536 : i32
          %get3A_538 = arith.index_cast %add3A_537 : i32 to index
          %get3A_539 = tpu.vector_load %arg8[%get3A_538] {strides = array<i32>} : memref<65536xf32, #tpu.memory_space<vmem>>, vector<16xf32>,
          %eq3A_540 = arith.constant 13 : i32
          %eq3A_541 = vector.broadcast %eq3A_540 : i32 to vector<16xi32>
          %eq3A_542 = arith.cmpi eq, %iota3A, %eq3A_541 : vector<16xi32>
          %gt3A_543 = arith.cmpf ogt, %get3A_539, %while3A_382 : vector<16xf32>
          %all_reduce_population_count3A_544 = tpu.all_reduce %gt3A_543 {dim = 0 : i64, kind = #tpu.reduction_kind<sum>} : vector<16xi1> -> vector<16xi32>
          %select_n3A_545 = arith.select %eq3A_542, %all_reduce_population_count3A_544, %select_n3A_534 : vector<16xi1>, vector<16xi32>
          %add3A_546 = arith.addi %mul3A_318, %add3A_392 : i32
          %add3A_547 = arith.constant 224 : i32
          %add3A_548 = arith.addi %add3A_546, %add3A_547 : i32
          %get3A_549 = arith.index_cast %add3A_548 : i32 to index
          %get3A_550 = tpu.vector_load %arg8[%get3A_549] {strides = array<i32>} : memref<65536xf32, #tpu.memory_space<vmem>>, vector<16xf32>,
          %eq3A_551 = arith.constant 14 : i32
          %eq3A_552 = vector.broadcast %eq3A_551 : i32 to vector<16xi32>
          %eq3A_553 = arith.cmpi eq, %iota3A, %eq3A_552 : vector<16xi32>
          %gt3A_554 = arith.cmpf ogt, %get3A_550, %while3A_382 : vector<16xf32>
          %all_reduce_population_count3A_555 = tpu.all_reduce %gt3A_554 {dim = 0 : i64, kind = #tpu.reduction_kind<sum>} : vector<16xi1> -> vector<16xi32>
          %select_n3A_556 = arith.select %eq3A_553, %all_reduce_population_count3A_555, %select_n3A_545 : vector<16xi1>, vector<16xi32>
          %add3A_557 = arith.addi %mul3A_318, %add3A_392 : i32
          %add3A_558 = arith.constant 240 : i32
          %add3A_559 = arith.addi %add3A_557, %add3A_558 : i32
          %get3A_560 = arith.index_cast %add3A_559 : i32 to index
          %get3A_561 = tpu.vector_load %arg8[%get3A_560] {strides = array<i32>} : memref<65536xf32, #tpu.memory_space<vmem>>, vector<16xf32>,
          %eq3A_562 = arith.constant 15 : i32
          %eq3A_563 = vector.broadcast %eq3A_562 : i32 to vector<16xi32>
          %eq3A_564 = arith.cmpi eq, %iota3A, %eq3A_563 : vector<16xi32>
          %gt3A_565 = arith.cmpf ogt, %get3A_561, %while3A_382 : vector<16xf32>
          %all_reduce_population_count3A_566 = tpu.all_reduce %gt3A_565 {dim = 0 : i64, kind = #tpu.reduction_kind<sum>} : vector<16xi1> -> vector<16xi32>
          %select_n3A_567 = arith.select %eq3A_564, %all_reduce_population_count3A_566, %select_n3A_556 : vector<16xi1>, vector<16xi32>
          %while3A_568:3 = scf.while (%while3A_760 = %while3A_380, %while3A_761 = %while3A_381, %while3A_762 = %select_n3A_567) : (vector<16xf32>, vector<16xi32>, vector<16xi32>) -> (vector<16xf32>, vector<16xi32>, vector<16xi32>) {
            %gt3A_763 = arith.constant 0 : i32
            %gt3A_764 = vector.broadcast %gt3A_763 : i32 to vector<16xi32>
            %gt3A_765 = arith.cmpi sgt, %while3A_762, %gt3A_764 : vector<16xi32>
            %reduce_or3A = arith.constant 1.000000e+00 : f32
            %reduce_or3A_766 = arith.constant 0.000000e+00 : f32
            %reduce_or3A_767 = vector.broadcast %reduce_or3A : f32 to vector<16xf32>
            %reduce_or3A_768 = vector.broadcast %reduce_or3A_766 : f32 to vector<16xf32>
            %reduce_or3A_769 = arith.select %gt3A_765, %reduce_or3A_767, %reduce_or3A_768 : vector<16xi1>, vector<16xf32>
            %reduce_or3A_770 = arith.constant true
            %reduce_or3A_771 = vector.broadcast %reduce_or3A_770 : i1 to vector<16xi1>
            %reduce_or3A_772 = tpu.scan <max>, %reduce_or3A_769 masked %reduce_or3A_771 : vector<16xf32>, vector<16xi1> -> vector<16xf32>
            %reduce_or3A_773 = vector.extract %reduce_or3A_772[15] : f32 from vector<16xf32>
            %reduce_or3A_774 = arith.constant 0.000000e+00 : f32
            %reduce_or3A_775 = arith.cmpf ogt, %reduce_or3A_773, %reduce_or3A_774 : f32
            scf.condition(%reduce_or3A_775) %while3A_760, %while3A_761, %while3A_762 : vector<16xf32>, vector<16xi32>, vector<16xi32>
          } do {
          ^bb0(%while3A_760: vector<16xf32>, %while3A_761: vector<16xi32>, %while3A_762: vector<16xi32>):
            %gt3A_763 = arith.constant 0 : i32
            %gt3A_764 = vector.broadcast %gt3A_763 : i32 to vector<16xi32>
            %gt3A_765 = arith.cmpi sgt, %while3A_762, %gt3A_764 : vector<16xi32>
            %all_reduce_ffs3A_766 = tpu.all_reduce %gt3A_765 {dim = 0 : i64, kind = #tpu.reduction_kind<find_first_set>} : vector<16xi1> -> vector<16xi32>
            %slice3A_767 = vector.extract_strided_slice %all_reduce_ffs3A_766 {offsets = [0], sizes = [1], strides = [1]} : vector<16xi32> to vector<1xi32>
            %squeeze3A_768 = vector.extract %slice3A_767[0] : i32 from vector<1xi32>
            %mul3A_769 = arith.constant 16 : i32
            %mul3A_770 = arith.muli %squeeze3A_768, %mul3A_769 : i32
            %add3A_771 = arith.addi %add3A_392, %mul3A_770 : i32
            %eq3A_772 = arith.cmpi eq, %iota3A, %all_reduce_ffs3A_766 : vector<16xi32>
            %jit3A = arith.constant 0 : i32
            %broadcast_in_dim3A_773 = vector.broadcast %jit3A : i32 to vector<16xi32>
            %select_n3A_774 = arith.select %eq3A_772, %broadcast_in_dim3A_773, %while3A_762 : vector<16xi1>, vector<16xi32>
            %add3A_775 = arith.addi %mul3A_318, %add3A_771 : i32
            %get3A_776 = arith.index_cast %add3A_775 : i32 to index
            %get3A_777 = tpu.vector_load %arg8[%get3A_776] {strides = array<i32>} : memref<65536xf32, #tpu.memory_space<vmem>>, vector<16xf32>,
            %add3A_778 = arith.addf %get3A_777, %gather3A_333 : vector<16xf32>
            %add3A_779 = arith.addi %mul3A_335, %add3A_771 : i32
            %add3A_780 = vector.broadcast %add3A_779 : i32 to vector<16xi32>
            %add3A_781 = arith.addi %add3A_780, %iota3A : vector<16xi32>
            %masked_sort3A = arith.constant dense<true> : vector<16xi1>
            %masked_sort3A_782, %masked_sort3A_783, %masked_sort3A_784 = tpu.sort %add3A_778, %add3A_781 masked %masked_sort3A {descending = true} : (vector<16xf32>, vector<16xi32>, vector<16xi1>) -> (vector<16xi1>, vector<16xf32>, vector<16xi32>)
            %ge3A = arith.cmpf oge, %while3A_760, %masked_sort3A_783 : vector<16xf32>
            %select_n3A_785 = arith.select %ge3A, %while3A_760, %masked_sort3A_783 : vector<16xi1>, vector<16xf32>
            %select_n3A_786 = arith.select %ge3A, %while3A_761, %masked_sort3A_784 : vector<16xi1>, vector<16xi32>
            %masked_sort3A_787 = arith.constant dense<true> : vector<16xi1>
            %masked_sort3A_788, %masked_sort3A_789, %masked_sort3A_790 = tpu.sort %select_n3A_785, %select_n3A_786 masked %masked_sort3A_787 : (vector<16xf32>, vector<16xi32>, vector<16xi1>) -> (vector<16xi1>, vector<16xf32>, vector<16xi32>)
            scf.yield %masked_sort3A_789, %masked_sort3A_790, %select_n3A_774 : vector<16xf32>, vector<16xi32>, vector<16xi32>
          }
          %add3A_569 = arith.constant 256 : i32
          %add3A_570 = arith.addi %mul3A_390, %add3A_569 : i32
          %add3A_571 = arith.addi %mul3A_318, %add3A_570 : i32
          %add3A_572 = arith.constant 0 : i32
          %add3A_573 = arith.addi %add3A_571, %add3A_572 : i32
          %get3A_574 = arith.index_cast %add3A_573 : i32 to index
          %get3A_575 = tpu.vector_load %arg8[%get3A_574] {strides = array<i32>} : memref<65536xf32, #tpu.memory_space<vmem>>, vector<16xf32>,
          %eq3A_576 = arith.constant 0 : i32
          %eq3A_577 = vector.broadcast %eq3A_576 : i32 to vector<16xi32>
          %eq3A_578 = arith.cmpi eq, %iota3A, %eq3A_577 : vector<16xi32>
          %gt3A_579 = arith.cmpf ogt, %get3A_575, %while3A_382 : vector<16xf32>
          %all_reduce_population_count3A_580 = tpu.all_reduce %gt3A_579 {dim = 0 : i64, kind = #tpu.reduction_kind<sum>} : vector<16xi1> -> vector<16xi32>
          %select_n3A_581 = arith.select %eq3A_578, %all_reduce_population_count3A_580, %broadcast_in_dim3A_1 : vector<16xi1>, vector<16xi32>
          %add3A_582 = arith.addi %mul3A_318, %add3A_570 : i32
          %add3A_583 = arith.constant 16 : i32
          %add3A_584 = arith.addi %add3A_582, %add3A_583 : i32
          %get3A_585 = arith.index_cast %add3A_584 : i32 to index
          %get3A_586 = tpu.vector_load %arg8[%get3A_585] {strides = array<i32>} : memref<65536xf32, #tpu.memory_space<vmem>>, vector<16xf32>,
          %eq3A_587 = arith.constant 1 : i32
          %eq3A_588 = vector.broadcast %eq3A_587 : i32 to vector<16xi32>
          %eq3A_589 = arith.cmpi eq, %iota3A, %eq3A_588 : vector<16xi32>
          %gt3A_590 = arith.cmpf ogt, %get3A_586, %while3A_382 : vector<16xf32>
          %all_reduce_population_count3A_591 = tpu.all_reduce %gt3A_590 {dim = 0 : i64, kind = #tpu.reduction_kind<sum>} : vector<16xi1> -> vector<16xi32>
          %select_n3A_592 = arith.select %eq3A_589, %all_reduce_population_count3A_591, %select_n3A_581 : vector<16xi1>, vector<16xi32>
          %add3A_593 = arith.addi %mul3A_318, %add3A_570 : i32
          %add3A_594 = arith.constant 32 : i32
          %add3A_595 = arith.addi %add3A_593, %add3A_594 : i32
          %get3A_596 = arith.index_cast %add3A_595 : i32 to index
          %get3A_597 = tpu.vector_load %arg8[%get3A_596] {strides = array<i32>} : memref<65536xf32, #tpu.memory_space<vmem>>, vector<16xf32>,
          %eq3A_598 = arith.constant 2 : i32
          %eq3A_599 = vector.broadcast %eq3A_598 : i32 to vector<16xi32>
          %eq3A_600 = arith.cmpi eq, %iota3A, %eq3A_599 : vector<16xi32>
          %gt3A_601 = arith.cmpf ogt, %get3A_597, %while3A_382 : vector<16xf32>
          %all_reduce_population_count3A_602 = tpu.all_reduce %gt3A_601 {dim = 0 : i64, kind = #tpu.reduction_kind<sum>} : vector<16xi1> -> vector<16xi32>
          %select_n3A_603 = arith.select %eq3A_600, %all_reduce_population_count3A_602, %select_n3A_592 : vector<16xi1>, vector<16xi32>
          %add3A_604 = arith.addi %mul3A_318, %add3A_570 : i32
          %add3A_605 = arith.constant 48 : i32
          %add3A_606 = arith.addi %add3A_604, %add3A_605 : i32
          %get3A_607 = arith.index_cast %add3A_606 : i32 to index
          %get3A_608 = tpu.vector_load %arg8[%get3A_607] {strides = array<i32>} : memref<65536xf32, #tpu.memory_space<vmem>>, vector<16xf32>,
          %eq3A_609 = arith.constant 3 : i32
          %eq3A_610 = vector.broadcast %eq3A_609 : i32 to vector<16xi32>
          %eq3A_611 = arith.cmpi eq, %iota3A, %eq3A_610 : vector<16xi32>
          %gt3A_612 = arith.cmpf ogt, %get3A_608, %while3A_382 : vector<16xf32>
          %all_reduce_population_count3A_613 = tpu.all_reduce %gt3A_612 {dim = 0 : i64, kind = #tpu.reduction_kind<sum>} : vector<16xi1> -> vector<16xi32>
          %select_n3A_614 = arith.select %eq3A_611, %all_reduce_population_count3A_613, %select_n3A_603 : vector<16xi1>, vector<16xi32>
          %add3A_615 = arith.addi %mul3A_318, %add3A_570 : i32
          %add3A_616 = arith.constant 64 : i32
          %add3A_617 = arith.addi %add3A_615, %add3A_616 : i32
          %get3A_618 = arith.index_cast %add3A_617 : i32 to index
          %get3A_619 = tpu.vector_load %arg8[%get3A_618] {strides = array<i32>} : memref<65536xf32, #tpu.memory_space<vmem>>, vector<16xf32>,
          %eq3A_620 = arith.constant 4 : i32
          %eq3A_621 = vector.broadcast %eq3A_620 : i32 to vector<16xi32>
          %eq3A_622 = arith.cmpi eq, %iota3A, %eq3A_621 : vector<16xi32>
          %gt3A_623 = arith.cmpf ogt, %get3A_619, %while3A_382 : vector<16xf32>
          %all_reduce_population_count3A_624 = tpu.all_reduce %gt3A_623 {dim = 0 : i64, kind = #tpu.reduction_kind<sum>} : vector<16xi1> -> vector<16xi32>
          %select_n3A_625 = arith.select %eq3A_622, %all_reduce_population_count3A_624, %select_n3A_614 : vector<16xi1>, vector<16xi32>
          %add3A_626 = arith.addi %mul3A_318, %add3A_570 : i32
          %add3A_627 = arith.constant 80 : i32
          %add3A_628 = arith.addi %add3A_626, %add3A_627 : i32
          %get3A_629 = arith.index_cast %add3A_628 : i32 to index
          %get3A_630 = tpu.vector_load %arg8[%get3A_629] {strides = array<i32>} : memref<65536xf32, #tpu.memory_space<vmem>>, vector<16xf32>,
          %eq3A_631 = arith.constant 5 : i32
          %eq3A_632 = vector.broadcast %eq3A_631 : i32 to vector<16xi32>
          %eq3A_633 = arith.cmpi eq, %iota3A, %eq3A_632 : vector<16xi32>
          %gt3A_634 = arith.cmpf ogt, %get3A_630, %while3A_382 : vector<16xf32>
          %all_reduce_population_count3A_635 = tpu.all_reduce %gt3A_634 {dim = 0 : i64, kind = #tpu.reduction_kind<sum>} : vector<16xi1> -> vector<16xi32>
          %select_n3A_636 = arith.select %eq3A_633, %all_reduce_population_count3A_635, %select_n3A_625 : vector<16xi1>, vector<16xi32>
          %add3A_637 = arith.addi %mul3A_318, %add3A_570 : i32
          %add3A_638 = arith.constant 96 : i32
          %add3A_639 = arith.addi %add3A_637, %add3A_638 : i32
          %get3A_640 = arith.index_cast %add3A_639 : i32 to index
          %get3A_641 = tpu.vector_load %arg8[%get3A_640] {strides = array<i32>} : memref<65536xf32, #tpu.memory_space<vmem>>, vector<16xf32>,
          %eq3A_642 = arith.constant 6 : i32
          %eq3A_643 = vector.broadcast %eq3A_642 : i32 to vector<16xi32>
          %eq3A_644 = arith.cmpi eq, %iota3A, %eq3A_643 : vector<16xi32>
          %gt3A_645 = arith.cmpf ogt, %get3A_641, %while3A_382 : vector<16xf32>
          %all_reduce_population_count3A_646 = tpu.all_reduce %gt3A_645 {dim = 0 : i64, kind = #tpu.reduction_kind<sum>} : vector<16xi1> -> vector<16xi32>
          %select_n3A_647 = arith.select %eq3A_644, %all_reduce_population_count3A_646, %select_n3A_636 : vector<16xi1>, vector<16xi32>
          %add3A_648 = arith.addi %mul3A_318, %add3A_570 : i32
          %add3A_649 = arith.constant 112 : i32
          %add3A_650 = arith.addi %add3A_648, %add3A_649 : i32
          %get3A_651 = arith.index_cast %add3A_650 : i32 to index
          %get3A_652 = tpu.vector_load %arg8[%get3A_651] {strides = array<i32>} : memref<65536xf32, #tpu.memory_space<vmem>>, vector<16xf32>,
          %eq3A_653 = arith.constant 7 : i32
          %eq3A_654 = vector.broadcast %eq3A_653 : i32 to vector<16xi32>
          %eq3A_655 = arith.cmpi eq, %iota3A, %eq3A_654 : vector<16xi32>
          %gt3A_656 = arith.cmpf ogt, %get3A_652, %while3A_382 : vector<16xf32>
          %all_reduce_population_count3A_657 = tpu.all_reduce %gt3A_656 {dim = 0 : i64, kind = #tpu.reduction_kind<sum>} : vector<16xi1> -> vector<16xi32>
          %select_n3A_658 = arith.select %eq3A_655, %all_reduce_population_count3A_657, %select_n3A_647 : vector<16xi1>, vector<16xi32>
          %add3A_659 = arith.addi %mul3A_318, %add3A_570 : i32
          %add3A_660 = arith.constant 128 : i32
          %add3A_661 = arith.addi %add3A_659, %add3A_660 : i32
          %get3A_662 = arith.index_cast %add3A_661 : i32 to index
          %get3A_663 = tpu.vector_load %arg8[%get3A_662] {strides = array<i32>} : memref<65536xf32, #tpu.memory_space<vmem>>, vector<16xf32>,
          %eq3A_664 = arith.constant 8 : i32
          %eq3A_665 = vector.broadcast %eq3A_664 : i32 to vector<16xi32>
          %eq3A_666 = arith.cmpi eq, %iota3A, %eq3A_665 : vector<16xi32>
          %gt3A_667 = arith.cmpf ogt, %get3A_663, %while3A_382 : vector<16xf32>
          %all_reduce_population_count3A_668 = tpu.all_reduce %gt3A_667 {dim = 0 : i64, kind = #tpu.reduction_kind<sum>} : vector<16xi1> -> vector<16xi32>
          %select_n3A_669 = arith.select %eq3A_666, %all_reduce_population_count3A_668, %select_n3A_658 : vector<16xi1>, vector<16xi32>
          %add3A_670 = arith.addi %mul3A_318, %add3A_570 : i32
          %add3A_671 = arith.constant 144 : i32
          %add3A_672 = arith.addi %add3A_670, %add3A_671 : i32
          %get3A_673 = arith.index_cast %add3A_672 : i32 to index
          %get3A_674 = tpu.vector_load %arg8[%get3A_673] {strides = array<i32>} : memref<65536xf32, #tpu.memory_space<vmem>>, vector<16xf32>,
          %eq3A_675 = arith.constant 9 : i32
          %eq3A_676 = vector.broadcast %eq3A_675 : i32 to vector<16xi32>
          %eq3A_677 = arith.cmpi eq, %iota3A, %eq3A_676 : vector<16xi32>
          %gt3A_678 = arith.cmpf ogt, %get3A_674, %while3A_382 : vector<16xf32>
          %all_reduce_population_count3A_679 = tpu.all_reduce %gt3A_678 {dim = 0 : i64, kind = #tpu.reduction_kind<sum>} : vector<16xi1> -> vector<16xi32>
          %select_n3A_680 = arith.select %eq3A_677, %all_reduce_population_count3A_679, %select_n3A_669 : vector<16xi1>, vector<16xi32>
          %add3A_681 = arith.addi %mul3A_318, %add3A_570 : i32
          %add3A_682 = arith.constant 160 : i32
          %add3A_683 = arith.addi %add3A_681, %add3A_682 : i32
          %get3A_684 = arith.index_cast %add3A_683 : i32 to index
          %get3A_685 = tpu.vector_load %arg8[%get3A_684] {strides = array<i32>} : memref<65536xf32, #tpu.memory_space<vmem>>, vector<16xf32>,
          %eq3A_686 = arith.constant 10 : i32
          %eq3A_687 = vector.broadcast %eq3A_686 : i32 to vector<16xi32>
          %eq3A_688 = arith.cmpi eq, %iota3A, %eq3A_687 : vector<16xi32>
          %gt3A_689 = arith.cmpf ogt, %get3A_685, %while3A_382 : vector<16xf32>
          %all_reduce_population_count3A_690 = tpu.all_reduce %gt3A_689 {dim = 0 : i64, kind = #tpu.reduction_kind<sum>} : vector<16xi1> -> vector<16xi32>
          %select_n3A_691 = arith.select %eq3A_688, %all_reduce_population_count3A_690, %select_n3A_680 : vector<16xi1>, vector<16xi32>
          %add3A_692 = arith.addi %mul3A_318, %add3A_570 : i32
          %add3A_693 = arith.constant 176 : i32
          %add3A_694 = arith.addi %add3A_692, %add3A_693 : i32
          %get3A_695 = arith.index_cast %add3A_694 : i32 to index
          %get3A_696 = tpu.vector_load %arg8[%get3A_695] {strides = array<i32>} : memref<65536xf32, #tpu.memory_space<vmem>>, vector<16xf32>,
          %eq3A_697 = arith.constant 11 : i32
          %eq3A_698 = vector.broadcast %eq3A_697 : i32 to vector<16xi32>
          %eq3A_699 = arith.cmpi eq, %iota3A, %eq3A_698 : vector<16xi32>
          %gt3A_700 = arith.cmpf ogt, %get3A_696, %while3A_382 : vector<16xf32>
          %all_reduce_population_count3A_701 = tpu.all_reduce %gt3A_700 {dim = 0 : i64, kind = #tpu.reduction_kind<sum>} : vector<16xi1> -> vector<16xi32>
          %select_n3A_702 = arith.select %eq3A_699, %all_reduce_population_count3A_701, %select_n3A_691 : vector<16xi1>, vector<16xi32>
          %add3A_703 = arith.addi %mul3A_318, %add3A_570 : i32
          %add3A_704 = arith.constant 192 : i32
          %add3A_705 = arith.addi %add3A_703, %add3A_704 : i32
          %get3A_706 = arith.index_cast %add3A_705 : i32 to index
          %get3A_707 = tpu.vector_load %arg8[%get3A_706] {strides = array<i32>} : memref<65536xf32, #tpu.memory_space<vmem>>, vector<16xf32>,
          %eq3A_708 = arith.constant 12 : i32
          %eq3A_709 = vector.broadcast %eq3A_708 : i32 to vector<16xi32>
          %eq3A_710 = arith.cmpi eq, %iota3A, %eq3A_709 : vector<16xi32>
          %gt3A_711 = arith.cmpf ogt, %get3A_707, %while3A_382 : vector<16xf32>
          %all_reduce_population_count3A_712 = tpu.all_reduce %gt3A_711 {dim = 0 : i64, kind = #tpu.reduction_kind<sum>} : vector<16xi1> -> vector<16xi32>
          %select_n3A_713 = arith.select %eq3A_710, %all_reduce_population_count3A_712, %select_n3A_702 : vector<16xi1>, vector<16xi32>
          %add3A_714 = arith.addi %mul3A_318, %add3A_570 : i32
          %add3A_715 = arith.constant 208 : i32
          %add3A_716 = arith.addi %add3A_714, %add3A_715 : i32
          %get3A_717 = arith.index_cast %add3A_716 : i32 to index
          %get3A_718 = tpu.vector_load %arg8[%get3A_717] {strides = array<i32>} : memref<65536xf32, #tpu.memory_space<vmem>>, vector<16xf32>,
          %eq3A_719 = arith.constant 13 : i32
          %eq3A_720 = vector.broadcast %eq3A_719 : i32 to vector<16xi32>
          %eq3A_721 = arith.cmpi eq, %iota3A, %eq3A_720 : vector<16xi32>
          %gt3A_722 = arith.cmpf ogt, %get3A_718, %while3A_382 : vector<16xf32>
          %all_reduce_population_count3A_723 = tpu.all_reduce %gt3A_722 {dim = 0 : i64, kind = #tpu.reduction_kind<sum>} : vector<16xi1> -> vector<16xi32>
          %select_n3A_724 = arith.select %eq3A_721, %all_reduce_population_count3A_723, %select_n3A_713 : vector<16xi1>, vector<16xi32>
          %add3A_725 = arith.addi %mul3A_318, %add3A_570 : i32
          %add3A_726 = arith.constant 224 : i32
          %add3A_727 = arith.addi %add3A_725, %add3A_726 : i32
          %get3A_728 = arith.index_cast %add3A_727 : i32 to index
          %get3A_729 = tpu.vector_load %arg8[%get3A_728] {strides = array<i32>} : memref<65536xf32, #tpu.memory_space<vmem>>, vector<16xf32>,
          %eq3A_730 = arith.constant 14 : i32
          %eq3A_731 = vector.broadcast %eq3A_730 : i32 to vector<16xi32>
          %eq3A_732 = arith.cmpi eq, %iota3A, %eq3A_731 : vector<16xi32>
          %gt3A_733 = arith.cmpf ogt, %get3A_729, %while3A_382 : vector<16xf32>
          %all_reduce_population_count3A_734 = tpu.all_reduce %gt3A_733 {dim = 0 : i64, kind = #tpu.reduction_kind<sum>} : vector<16xi1> -> vector<16xi32>
          %select_n3A_735 = arith.select %eq3A_732, %all_reduce_population_count3A_734, %select_n3A_724 : vector<16xi1>, vector<16xi32>
          %add3A_736 = arith.addi %mul3A_318, %add3A_570 : i32
          %add3A_737 = arith.constant 240 : i32
          %add3A_738 = arith.addi %add3A_736, %add3A_737 : i32
          %get3A_739 = arith.index_cast %add3A_738 : i32 to index
          %get3A_740 = tpu.vector_load %arg8[%get3A_739] {strides = array<i32>} : memref<65536xf32, #tpu.memory_space<vmem>>, vector<16xf32>,
          %eq3A_741 = arith.constant 15 : i32
          %eq3A_742 = vector.broadcast %eq3A_741 : i32 to vector<16xi32>
          %eq3A_743 = arith.cmpi eq, %iota3A, %eq3A_742 : vector<16xi32>
          %gt3A_744 = arith.cmpf ogt, %get3A_740, %while3A_382 : vector<16xf32>
          %all_reduce_population_count3A_745 = tpu.all_reduce %gt3A_744 {dim = 0 : i64, kind = #tpu.reduction_kind<sum>} : vector<16xi1> -> vector<16xi32>
          %select_n3A_746 = arith.select %eq3A_743, %all_reduce_population_count3A_745, %select_n3A_735 : vector<16xi1>, vector<16xi32>
          %while3A_747:3 = scf.while (%while3A_760 = %while3A_568#0, %while3A_761 = %while3A_568#1, %while3A_762 = %select_n3A_746) : (vector<16xf32>, vector<16xi32>, vector<16xi32>) -> (vector<16xf32>, vector<16xi32>, vector<16xi32>) {
            %gt3A_763 = arith.constant 0 : i32
            %gt3A_764 = vector.broadcast %gt3A_763 : i32 to vector<16xi32>
            %gt3A_765 = arith.cmpi sgt, %while3A_762, %gt3A_764 : vector<16xi32>
            %reduce_or3A = arith.constant 1.000000e+00 : f32
            %reduce_or3A_766 = arith.constant 0.000000e+00 : f32
            %reduce_or3A_767 = vector.broadcast %reduce_or3A : f32 to vector<16xf32>
            %reduce_or3A_768 = vector.broadcast %reduce_or3A_766 : f32 to vector<16xf32>
            %reduce_or3A_769 = arith.select %gt3A_765, %reduce_or3A_767, %reduce_or3A_768 : vector<16xi1>, vector<16xf32>
            %reduce_or3A_770 = arith.constant true
            %reduce_or3A_771 = vector.broadcast %reduce_or3A_770 : i1 to vector<16xi1>
            %reduce_or3A_772 = tpu.scan <max>, %reduce_or3A_769 masked %reduce_or3A_771 : vector<16xf32>, vector<16xi1> -> vector<16xf32>
            %reduce_or3A_773 = vector.extract %reduce_or3A_772[15] : f32 from vector<16xf32>
            %reduce_or3A_774 = arith.constant 0.000000e+00 : f32
            %reduce_or3A_775 = arith.cmpf ogt, %reduce_or3A_773, %reduce_or3A_774 : f32
            scf.condition(%reduce_or3A_775) %while3A_760, %while3A_761, %while3A_762 : vector<16xf32>, vector<16xi32>, vector<16xi32>
          } do {
          ^bb0(%while3A_760: vector<16xf32>, %while3A_761: vector<16xi32>, %while3A_762: vector<16xi32>):
            %gt3A_763 = arith.constant 0 : i32
            %gt3A_764 = vector.broadcast %gt3A_763 : i32 to vector<16xi32>
            %gt3A_765 = arith.cmpi sgt, %while3A_762, %gt3A_764 : vector<16xi32>
            %all_reduce_ffs3A_766 = tpu.all_reduce %gt3A_765 {dim = 0 : i64, kind = #tpu.reduction_kind<find_first_set>} : vector<16xi1> -> vector<16xi32>
            %slice3A_767 = vector.extract_strided_slice %all_reduce_ffs3A_766 {offsets = [0], sizes = [1], strides = [1]} : vector<16xi32> to vector<1xi32>
            %squeeze3A_768 = vector.extract %slice3A_767[0] : i32 from vector<1xi32>
            %mul3A_769 = arith.constant 16 : i32
            %mul3A_770 = arith.muli %squeeze3A_768, %mul3A_769 : i32
            %add3A_771 = arith.addi %add3A_570, %mul3A_770 : i32
            %eq3A_772 = arith.cmpi eq, %iota3A, %all_reduce_ffs3A_766 : vector<16xi32>
            %jit3A = arith.constant 0 : i32
            %broadcast_in_dim3A_773 = vector.broadcast %jit3A : i32 to vector<16xi32>
            %select_n3A_774 = arith.select %eq3A_772, %broadcast_in_dim3A_773, %while3A_762 : vector<16xi1>, vector<16xi32>
            %add3A_775 = arith.addi %mul3A_318, %add3A_771 : i32
            %get3A_776 = arith.index_cast %add3A_775 : i32 to index
            %get3A_777 = tpu.vector_load %arg8[%get3A_776] {strides = array<i32>} : memref<65536xf32, #tpu.memory_space<vmem>>, vector<16xf32>,
            %add3A_778 = arith.addf %get3A_777, %gather3A_333 : vector<16xf32>
            %add3A_779 = arith.addi %mul3A_335, %add3A_771 : i32
            %add3A_780 = vector.broadcast %add3A_779 : i32 to vector<16xi32>
            %add3A_781 = arith.addi %add3A_780, %iota3A : vector<16xi32>
            %masked_sort3A = arith.constant dense<true> : vector<16xi1>
            %masked_sort3A_782, %masked_sort3A_783, %masked_sort3A_784 = tpu.sort %add3A_778, %add3A_781 masked %masked_sort3A {descending = true} : (vector<16xf32>, vector<16xi32>, vector<16xi1>) -> (vector<16xi1>, vector<16xf32>, vector<16xi32>)
            %ge3A = arith.cmpf oge, %while3A_760, %masked_sort3A_783 : vector<16xf32>
            %select_n3A_785 = arith.select %ge3A, %while3A_760, %masked_sort3A_783 : vector<16xi1>, vector<16xf32>
            %select_n3A_786 = arith.select %ge3A, %while3A_761, %masked_sort3A_784 : vector<16xi1>, vector<16xi32>
            %masked_sort3A_787 = arith.constant dense<true> : vector<16xi1>
            %masked_sort3A_788, %masked_sort3A_789, %masked_sort3A_790 = tpu.sort %select_n3A_785, %select_n3A_786 masked %masked_sort3A_787 : (vector<16xf32>, vector<16xi32>, vector<16xi1>) -> (vector<16xi1>, vector<16xf32>, vector<16xi32>)
            scf.yield %masked_sort3A_789, %masked_sort3A_790, %select_n3A_774 : vector<16xf32>, vector<16xi32>, vector<16xi32>
          }
          %slice3A_748 = vector.extract_strided_slice %while3A_747#0 {offsets = [0], sizes = [1], strides = [1]} : vector<16xf32> to vector<1xf32>
          %squeeze3A_749 = vector.extract %slice3A_748[0] : f32 from vector<1xf32>
          %broadcast_in_dim3A_750 = vector.broadcast %squeeze3A_749 : f32 to vector<16xf32>
          %sub3A_751 = arith.subf %broadcast_in_dim3A_750, %gather3A_333 : vector<16xf32>
          %abs3A_752 = math.absf %sub3A_751 : vector<16xf32>
          %mul3A_753 = arith.constant 9.99999997E-7 : f32
          %mul3A_754 = vector.broadcast %mul3A_753 : f32 to vector<16xf32>
          %mul3A_755 = arith.mulf %abs3A_752, %mul3A_754 : vector<16xf32>
          %add3A_756 = arith.constant 9.99999997E-7 : f32
          %add3A_757 = vector.broadcast %add3A_756 : f32 to vector<16xf32>
          %add3A_758 = arith.addf %mul3A_755, %add3A_757 : vector<16xf32>
          %sub3A_759 = arith.subf %sub3A_751, %add3A_758 : vector<16xf32>
          scf.yield %while3A_747#0, %while3A_747#1, %sub3A_759, %select_n3A : vector<16xf32>, vector<16xi32>, vector<16xf32>, vector<16xf32>
        }
        scf.yield %while3A#0, %while3A#1, %while3A#2 : vector<16xf32>, vector<16xi32>, vector<16xf32>
      }
      %scan3A_372 = arith.constant 4 : i32
      scf.yield %scan3A_371#0, %scan3A_371#1 : vector<16xf32>, vector<16xi32>
    }
    %scan3A_180 = arith.constant 16 : i32
    %rev3A_181 = arith.constant 15 : i32
    %rev3A_182 = vector.broadcast %rev3A_181 : i32 to vector<16xi32>
    %rev3A_183 = tpu.iota {dimensions = array<i32: 0>} : vector<16xi32>
    %rev3A_184 = arith.subi %rev3A_182, %rev3A_183 : vector<16xi32>
    %rev3A_185 = tpu.dynamic_gather %scan3A_179#0[%rev3A_184] in [0] : vector<16xf32>, vector<16xi32> -> vector<16xf32>
    %rev3A_186 = arith.constant 15 : i32
    %rev3A_187 = vector.broadcast %rev3A_186 : i32 to vector<16xi32>
    %rev3A_188 = tpu.iota {dimensions = array<i32: 0>} : vector<16xi32>
    %rev3A_189 = arith.subi %rev3A_187, %rev3A_188 : vector<16xi32>
    %rev3A_190 = tpu.dynamic_gather %scan3A_179#1[%rev3A_189] in [0] : vector<16xi32>, vector<16xi32> -> vector<16xi32>
    %shift_right_logical3A_191 = arith.constant 15 : i32
    %shift_right_logical3A_192 = vector.broadcast %shift_right_logical3A_191 : i32 to vector<16xi32>
    %shift_right_logical3A_193 = arith.shrui %rev3A_190, %shift_right_logical3A_192 : vector<16xi32>
    %and3A_194 = arith.constant 32767 : i32
    %and3A_195 = vector.broadcast %and3A_194 : i32 to vector<16xi32>
    %and3A_196 = arith.andi %rev3A_190, %and3A_195 : vector<16xi32>
    %gather3A_197 = tpu.vector_load_idx %arg10[%shift_right_logical3A_193] : memref<16xf32, #tpu.memory_space<vmem>>[vector<16xi32>], vector<16xf32>,
    %swap3A_198 = arith.constant 0 : index
    %swap3A_199 = tpu.vector_load %arg12[%swap3A_198] {strides = array<i32>} : memref<16xf32, #tpu.memory_space<vmem>>, vector<16xf32>,
    tpu.vector_store %arg12[%swap3A_198], %rev3A_185 {strides = array<i32>} : memref<16xf32, #tpu.memory_space<vmem>>, vector<16xf32>,
    %add3A_200 = arith.addf %rev3A_185, %gather3A_197 : vector<16xf32>
    %swap3A_201 = arith.constant 0 : index
    %swap3A_202 = tpu.vector_load %arg13[%swap3A_201] {strides = array<i32>} : memref<16xf32, #tpu.memory_space<vmem>>, vector<16xf32>,
    tpu.vector_store %arg13[%swap3A_201], %add3A_200 {strides = array<i32>} : memref<16xf32, #tpu.memory_space<vmem>>, vector<16xf32>,
    %mul3A_203 = arith.constant 8 : i32
    %mul3A_204 = vector.broadcast %mul3A_203 : i32 to vector<16xi32>
    %mul3A_205 = arith.muli %shift_right_logical3A_193, %mul3A_204 : vector<16xi32>
    %add3A_206 = arith.constant 0 : i32
    %add3A_207 = vector.broadcast %add3A_206 : i32 to vector<16xi32>
    %add3A_208 = arith.addi %mul3A_205, %add3A_207 : vector<16xi32>
    %gather3A_209 = tpu.vector_load_idx %arg11[%add3A_208] : memref<128xi32, #tpu.memory_space<vmem>>[vector<16xi32>], vector<16xi32>,
    %mul3A_210 = arith.constant 9 : i32
    %mul3A_211 = vector.broadcast %mul3A_210 : i32 to vector<16xi32>
    %mul3A_212 = arith.muli %iota3A, %mul3A_211 : vector<16xi32>
    %add3A_213 = arith.constant 0 : i32
    %add3A_214 = vector.broadcast %add3A_213 : i32 to vector<16xi32>
    %add3A_215 = arith.addi %mul3A_212, %add3A_214 : vector<16xi32>
    tpu.vector_store_idx %arg14[%add3A_215], %gather3A_209 : memref<144xi32, #tpu.memory_space<vmem>>[vector<16xi32>], vector<16xi32>,
    %mul3A_216 = arith.constant 8 : i32
    %mul3A_217 = vector.broadcast %mul3A_216 : i32 to vector<16xi32>
    %mul3A_218 = arith.muli %shift_right_logical3A_193, %mul3A_217 : vector<16xi32>
    %add3A_219 = arith.constant 1 : i32
    %add3A_220 = vector.broadcast %add3A_219 : i32 to vector<16xi32>
    %add3A_221 = arith.addi %mul3A_218, %add3A_220 : vector<16xi32>
    %gather3A_222 = tpu.vector_load_idx %arg11[%add3A_221] : memref<128xi32, #tpu.memory_space<vmem>>[vector<16xi32>], vector<16xi32>,
    %mul3A_223 = arith.constant 9 : i32
    %mul3A_224 = vector.broadcast %mul3A_223 : i32 to vector<16xi32>
    %mul3A_225 = arith.muli %iota3A, %mul3A_224 : vector<16xi32>
    %add3A_226 = arith.constant 1 : i32
    %add3A_227 = vector.broadcast %add3A_226 : i32 to vector<16xi32>
    %add3A_228 = arith.addi %mul3A_225, %add3A_227 : vector<16xi32>
    tpu.vector_store_idx %arg14[%add3A_228], %gather3A_222 : memref<144xi32, #tpu.memory_space<vmem>>[vector<16xi32>], vector<16xi32>,
    %mul3A_229 = arith.constant 8 : i32
    %mul3A_230 = vector.broadcast %mul3A_229 : i32 to vector<16xi32>
    %mul3A_231 = arith.muli %shift_right_logical3A_193, %mul3A_230 : vector<16xi32>
    %add3A_232 = arith.constant 2 : i32
    %add3A_233 = vector.broadcast %add3A_232 : i32 to vector<16xi32>
    %add3A_234 = arith.addi %mul3A_231, %add3A_233 : vector<16xi32>
    %gather3A_235 = tpu.vector_load_idx %arg11[%add3A_234] : memref<128xi32, #tpu.memory_space<vmem>>[vector<16xi32>], vector<16xi32>,
    %mul3A_236 = arith.constant 9 : i32
    %mul3A_237 = vector.broadcast %mul3A_236 : i32 to vector<16xi32>
    %mul3A_238 = arith.muli %iota3A, %mul3A_237 : vector<16xi32>
    %add3A_239 = arith.constant 2 : i32
    %add3A_240 = vector.broadcast %add3A_239 : i32 to vector<16xi32>
    %add3A_241 = arith.addi %mul3A_238, %add3A_240 : vector<16xi32>
    tpu.vector_store_idx %arg14[%add3A_241], %gather3A_235 : memref<144xi32, #tpu.memory_space<vmem>>[vector<16xi32>], vector<16xi32>,
    %mul3A_242 = arith.constant 8 : i32
    %mul3A_243 = vector.broadcast %mul3A_242 : i32 to vector<16xi32>
    %mul3A_244 = arith.muli %shift_right_logical3A_193, %mul3A_243 : vector<16xi32>
    %add3A_245 = arith.constant 3 : i32
    %add3A_246 = vector.broadcast %add3A_245 : i32 to vector<16xi32>
    %add3A_247 = arith.addi %mul3A_244, %add3A_246 : vector<16xi32>
    %gather3A_248 = tpu.vector_load_idx %arg11[%add3A_247] : memref<128xi32, #tpu.memory_space<vmem>>[vector<16xi32>], vector<16xi32>,
    %mul3A_249 = arith.constant 9 : i32
    %mul3A_250 = vector.broadcast %mul3A_249 : i32 to vector<16xi32>
    %mul3A_251 = arith.muli %iota3A, %mul3A_250 : vector<16xi32>
    %add3A_252 = arith.constant 3 : i32
    %add3A_253 = vector.broadcast %add3A_252 : i32 to vector<16xi32>
    %add3A_254 = arith.addi %mul3A_251, %add3A_253 : vector<16xi32>
    tpu.vector_store_idx %arg14[%add3A_254], %gather3A_248 : memref<144xi32, #tpu.memory_space<vmem>>[vector<16xi32>], vector<16xi32>,
    %mul3A_255 = arith.constant 8 : i32
    %mul3A_256 = vector.broadcast %mul3A_255 : i32 to vector<16xi32>
    %mul3A_257 = arith.muli %shift_right_logical3A_193, %mul3A_256 : vector<16xi32>
    %add3A_258 = arith.constant 4 : i32
    %add3A_259 = vector.broadcast %add3A_258 : i32 to vector<16xi32>
    %add3A_260 = arith.addi %mul3A_257, %add3A_259 : vector<16xi32>
    %gather3A_261 = tpu.vector_load_idx %arg11[%add3A_260] : memref<128xi32, #tpu.memory_space<vmem>>[vector<16xi32>], vector<16xi32>,
    %mul3A_262 = arith.constant 9 : i32
    %mul3A_263 = vector.broadcast %mul3A_262 : i32 to vector<16xi32>
    %mul3A_264 = arith.muli %iota3A, %mul3A_263 : vector<16xi32>
    %add3A_265 = arith.constant 4 : i32
    %add3A_266 = vector.broadcast %add3A_265 : i32 to vector<16xi32>
    %add3A_267 = arith.addi %mul3A_264, %add3A_266 : vector<16xi32>
    tpu.vector_store_idx %arg14[%add3A_267], %gather3A_261 : memref<144xi32, #tpu.memory_space<vmem>>[vector<16xi32>], vector<16xi32>,
    %mul3A_268 = arith.constant 8 : i32
    %mul3A_269 = vector.broadcast %mul3A_268 : i32 to vector<16xi32>
    %mul3A_270 = arith.muli %shift_right_logical3A_193, %mul3A_269 : vector<16xi32>
    %add3A_271 = arith.constant 5 : i32
    %add3A_272 = vector.broadcast %add3A_271 : i32 to vector<16xi32>
    %add3A_273 = arith.addi %mul3A_270, %add3A_272 : vector<16xi32>
    %gather3A_274 = tpu.vector_load_idx %arg11[%add3A_273] : memref<128xi32, #tpu.memory_space<vmem>>[vector<16xi32>], vector<16xi32>,
    %mul3A_275 = arith.constant 9 : i32
    %mul3A_276 = vector.broadcast %mul3A_275 : i32 to vector<16xi32>
    %mul3A_277 = arith.muli %iota3A, %mul3A_276 : vector<16xi32>
    %add3A_278 = arith.constant 5 : i32
    %add3A_279 = vector.broadcast %add3A_278 : i32 to vector<16xi32>
    %add3A_280 = arith.addi %mul3A_277, %add3A_279 : vector<16xi32>
    tpu.vector_store_idx %arg14[%add3A_280], %gather3A_274 : memref<144xi32, #tpu.memory_space<vmem>>[vector<16xi32>], vector<16xi32>,
    %mul3A_281 = arith.constant 8 : i32
    %mul3A_282 = vector.broadcast %mul3A_281 : i32 to vector<16xi32>
    %mul3A_283 = arith.muli %shift_right_logical3A_193, %mul3A_282 : vector<16xi32>
    %add3A_284 = arith.constant 6 : i32
    %add3A_285 = vector.broadcast %add3A_284 : i32 to vector<16xi32>
    %add3A_286 = arith.addi %mul3A_283, %add3A_285 : vector<16xi32>
    %gather3A_287 = tpu.vector_load_idx %arg11[%add3A_286] : memref<128xi32, #tpu.memory_space<vmem>>[vector<16xi32>], vector<16xi32>,
    %mul3A_288 = arith.constant 9 : i32
    %mul3A_289 = vector.broadcast %mul3A_288 : i32 to vector<16xi32>
    %mul3A_290 = arith.muli %iota3A, %mul3A_289 : vector<16xi32>
    %add3A_291 = arith.constant 6 : i32
    %add3A_292 = vector.broadcast %add3A_291 : i32 to vector<16xi32>
    %add3A_293 = arith.addi %mul3A_290, %add3A_292 : vector<16xi32>
    tpu.vector_store_idx %arg14[%add3A_293], %gather3A_287 : memref<144xi32, #tpu.memory_space<vmem>>[vector<16xi32>], vector<16xi32>,
    %mul3A_294 = arith.constant 8 : i32
    %mul3A_295 = vector.broadcast %mul3A_294 : i32 to vector<16xi32>
    %mul3A_296 = arith.muli %shift_right_logical3A_193, %mul3A_295 : vector<16xi32>
    %add3A_297 = arith.constant 7 : i32
    %add3A_298 = vector.broadcast %add3A_297 : i32 to vector<16xi32>
    %add3A_299 = arith.addi %mul3A_296, %add3A_298 : vector<16xi32>
    %gather3A_300 = tpu.vector_load_idx %arg11[%add3A_299] : memref<128xi32, #tpu.memory_space<vmem>>[vector<16xi32>], vector<16xi32>,
    %mul3A_301 = arith.constant 9 : i32
    %mul3A_302 = vector.broadcast %mul3A_301 : i32 to vector<16xi32>
    %mul3A_303 = arith.muli %iota3A, %mul3A_302 : vector<16xi32>
    %add3A_304 = arith.constant 7 : i32
    %add3A_305 = vector.broadcast %add3A_304 : i32 to vector<16xi32>
    %add3A_306 = arith.addi %mul3A_303, %add3A_305 : vector<16xi32>
    tpu.vector_store_idx %arg14[%add3A_306], %gather3A_300 : memref<144xi32, #tpu.memory_space<vmem>>[vector<16xi32>], vector<16xi32>,
    %mul3A_307 = arith.constant 9 : i32
    %mul3A_308 = vector.broadcast %mul3A_307 : i32 to vector<16xi32>
    %mul3A_309 = arith.muli %iota3A, %mul3A_308 : vector<16xi32>
    %add3A_310 = arith.constant 8 : i32
    %add3A_311 = vector.broadcast %add3A_310 : i32 to vector<16xi32>
    %add3A_312 = arith.addi %mul3A_309, %add3A_311 : vector<16xi32>
    tpu.vector_store_idx %arg14[%add3A_312], %and3A_196 : memref<144xi32, #tpu.memory_space<vmem>>[vector<16xi32>], vector<16xi32>,
    "tpu.region"() ({
      %run_scoped3A = tpu.sem_alloc : memref<!tpu.dma_semaphore, #tpu.memory_space<semaphore_mem>>
      %dma_start3A_313 = arith.constant 0 : i32
      %dma_start3A_314 = tpu.memref_slice %arg5[%add3A_158, %dma_start3A_313] : memref<64x16xf32, #tpu.memory_space<hbm>> -> memref<1x16xf32, #tpu.memory_space<hbm>>
      %dma_start3A_315 = tpu.memref_squeeze %dma_start3A_314 : memref<1x16xf32, #tpu.memory_space<hbm>> -> memref<16xf32, #tpu.memory_space<hbm>>
      %dma_start3A_316 = arith.constant 0 : i32
      %dma_start3A_317 = tpu.memref_slice %arg5[%add3A_158, %dma_start3A_316] : memref<64x16xf32, #tpu.memory_space<hbm>> -> memref<1x16xf32, #tpu.memory_space<hbm>>
      %dma_start3A_318 = tpu.memref_squeeze %dma_start3A_317 : memref<1x16xf32, #tpu.memory_space<hbm>> -> memref<16xf32, #tpu.memory_space<hbm>>
      tpu.enqueue_dma source(%arg12 : memref<16xf32, #tpu.memory_space<vmem>>) target(%dma_start3A_318 : memref<16xf32, #tpu.memory_space<hbm>>) target_semaphore(%run_scoped3A : memref<!tpu.dma_semaphore, #tpu.memory_space<semaphore_mem>>)
      %dma_wait3A = arith.constant 0 : i32
      %dma_wait3A_319 = tpu.memref_slice %arg5[%add3A_158, %dma_wait3A] : memref<64x16xf32, #tpu.memory_space<hbm>> -> memref<1x16xf32, #tpu.memory_space<hbm>>
      %dma_wait3A_320 = tpu.memref_squeeze %dma_wait3A_319 : memref<1x16xf32, #tpu.memory_space<hbm>> -> memref<16xf32, #tpu.memory_space<hbm>>
      %dma_wait3A_321 = arith.constant 0 : i32
      %dma_wait3A_322 = tpu.memref_slice %arg5[%add3A_158, %dma_wait3A_321] : memref<64x16xf32, #tpu.memory_space<hbm>> -> memref<1x16xf32, #tpu.memory_space<hbm>>
      %dma_wait3A_323 = tpu.memref_squeeze %dma_wait3A_322 : memref<1x16xf32, #tpu.memory_space<hbm>> -> memref<16xf32, #tpu.memory_space<hbm>>
      tpu.wait_dma2 semaphore(%run_scoped3A : memref<!tpu.dma_semaphore, #tpu.memory_space<semaphore_mem>>) src(%arg12 : memref<16xf32, #tpu.memory_space<vmem>>) dst(%dma_wait3A_323 : memref<16xf32, #tpu.memory_space<hbm>>)
      tpu.yield
    }) : () -> ()
    "tpu.region"() ({
      %run_scoped3A = tpu.sem_alloc : memref<!tpu.dma_semaphore, #tpu.memory_space<semaphore_mem>>
      %dma_start3A_313 = arith.constant 0 : i32
      %dma_start3A_314 = tpu.memref_slice %arg7[%add3A_158, %dma_start3A_313] : memref<64x16xf32, #tpu.memory_space<hbm>> -> memref<1x16xf32, #tpu.memory_space<hbm>>
      %dma_start3A_315 = tpu.memref_squeeze %dma_start3A_314 : memref<1x16xf32, #tpu.memory_space<hbm>> -> memref<16xf32, #tpu.memory_space<hbm>>
      %dma_start3A_316 = arith.constant 0 : i32
      %dma_start3A_317 = tpu.memref_slice %arg7[%add3A_158, %dma_start3A_316] : memref<64x16xf32, #tpu.memory_space<hbm>> -> memref<1x16xf32, #tpu.memory_space<hbm>>
      %dma_start3A_318 = tpu.memref_squeeze %dma_start3A_317 : memref<1x16xf32, #tpu.memory_space<hbm>> -> memref<16xf32, #tpu.memory_space<hbm>>
      tpu.enqueue_dma source(%arg13 : memref<16xf32, #tpu.memory_space<vmem>>) target(%dma_start3A_318 : memref<16xf32, #tpu.memory_space<hbm>>) target_semaphore(%run_scoped3A : memref<!tpu.dma_semaphore, #tpu.memory_space<semaphore_mem>>)
      %dma_wait3A = arith.constant 0 : i32
      %dma_wait3A_319 = tpu.memref_slice %arg7[%add3A_158, %dma_wait3A] : memref<64x16xf32, #tpu.memory_space<hbm>> -> memref<1x16xf32, #tpu.memory_space<hbm>>
      %dma_wait3A_320 = tpu.memref_squeeze %dma_wait3A_319 : memref<1x16xf32, #tpu.memory_space<hbm>> -> memref<16xf32, #tpu.memory_space<hbm>>
      %dma_wait3A_321 = arith.constant 0 : i32
      %dma_wait3A_322 = tpu.memref_slice %arg7[%add3A_158, %dma_wait3A_321] : memref<64x16xf32, #tpu.memory_space<hbm>> -> memref<1x16xf32, #tpu.memory_space<hbm>>
      %dma_wait3A_323 = tpu.memref_squeeze %dma_wait3A_322 : memref<1x16xf32, #tpu.memory_space<hbm>> -> memref<16xf32, #tpu.memory_space<hbm>>
      tpu.wait_dma2 semaphore(%run_scoped3A : memref<!tpu.dma_semaphore, #tpu.memory_space<semaphore_mem>>) src(%arg13 : memref<16xf32, #tpu.memory_space<vmem>>) dst(%dma_wait3A_323 : memref<16xf32, #tpu.memory_space<hbm>>)
      tpu.yield
    }) : () -> ()
    "tpu.region"() ({
      %run_scoped3A = tpu.sem_alloc : memref<!tpu.dma_semaphore, #tpu.memory_space<semaphore_mem>>
      %dma_start3A_313 = arith.constant 0 : i32
      %dma_start3A_314 = tpu.memref_slice %arg6[%add3A_158, %dma_start3A_313] : memref<64x144xi32, #tpu.memory_space<hbm>> -> memref<1x144xi32, #tpu.memory_space<hbm>>
      %dma_start3A_315 = tpu.memref_squeeze %dma_start3A_314 : memref<1x144xi32, #tpu.memory_space<hbm>> -> memref<144xi32, #tpu.memory_space<hbm>>
      %dma_start3A_316 = arith.constant 0 : i32
      %dma_start3A_317 = tpu.memref_slice %arg6[%add3A_158, %dma_start3A_316] : memref<64x144xi32, #tpu.memory_space<hbm>> -> memref<1x144xi32, #tpu.memory_space<hbm>>
      %dma_start3A_318 = tpu.memref_squeeze %dma_start3A_317 : memref<1x144xi32, #tpu.memory_space<hbm>> -> memref<144xi32, #tpu.memory_space<hbm>>
      tpu.enqueue_dma source(%arg14 : memref<144xi32, #tpu.memory_space<vmem>>) target(%dma_start3A_318 : memref<144xi32, #tpu.memory_space<hbm>>) target_semaphore(%run_scoped3A : memref<!tpu.dma_semaphore, #tpu.memory_space<semaphore_mem>>)
      %dma_wait3A = arith.constant 0 : i32
      %dma_wait3A_319 = tpu.memref_slice %arg6[%add3A_158, %dma_wait3A] : memref<64x144xi32, #tpu.memory_space<hbm>> -> memref<1x144xi32, #tpu.memory_space<hbm>>
      %dma_wait3A_320 = tpu.memref_squeeze %dma_wait3A_319 : memref<1x144xi32, #tpu.memory_space<hbm>> -> memref<144xi32, #tpu.memory_space<hbm>>
      %dma_wait3A_321 = arith.constant 0 : i32
      %dma_wait3A_322 = tpu.memref_slice %arg6[%add3A_158, %dma_wait3A_321] : memref<64x144xi32, #tpu.memory_space<hbm>> -> memref<1x144xi32, #tpu.memory_space<hbm>>
      %dma_wait3A_323 = tpu.memref_squeeze %dma_wait3A_322 : memref<1x144xi32, #tpu.memory_space<hbm>> -> memref<144xi32, #tpu.memory_space<hbm>>
      tpu.wait_dma2 semaphore(%run_scoped3A : memref<!tpu.dma_semaphore, #tpu.memory_space<semaphore_mem>>) src(%arg14 : memref<144xi32, #tpu.memory_space<vmem>>) dst(%dma_wait3A_323 : memref<144xi32, #tpu.memory_space<hbm>>)
      tpu.yield
    }) : () -> ()
    return
  }
}

</mosaic_0001>

<sc_bundles>
// kernel: _run.3.cloned.1.call-start
scs
__scs_entry_jumppad:
0x0: {  	(pc) =	sbr.rel $0x88, $3  }
0x1: {  	(tag) =	ssettag $0x0;
	lr =	simm.s32 $0x1  }
0x2: {  	[smem:$0x3F9E] =	sst lr;
	_ =	strace $0xD0000000  }
0x3: {  	_ = 	snop  }
0x4: {  	_ = 	snop  }
0x5: {  	_ = 	snop  }
0x6: {  	_ = 	snop  }
0x7: {  	_ = 	snop  }
__scs_overlays_trampoline_lowered:
0x8: {  	[smem:$0x3FAD] =	sst s0  }
0x9: {  	[smem:$0x3FAE] =	sst s1  }
0xa: {  	[smem:$0x3FAF] =	sst s2  }
0xb: {  	[smem:$0x3FB0] =	sst s3  }
0xc: {  	[smem:$0x3FB1] =	sst s4  }
0xd: {  	[smem:$0x3FB2] =	sst s5  }
0xe: {  	[smem:$0x3FB3] =	sst s6  }
0xf: {  	[smem:$0x3FB4] =	sst s7  }
0x10: {  	[smem:$0x3FB5] =	sst s8  }
0x11: {  	[smem:$0x3FB6] =	sst s9;
	s0 =	simm.s32 @!p0 $0x0  }
0x12: {  	s1 =	sld [smem:$0x3F9C];
	s0 =	simm.s32 @p0 $0x1  }
0x13: {  	[smem:$0x3FB7] =	sst s0;
	s0 =	simm.s32 @!p1 $0x0  }
0x14: {  	s2 =	sld [smem:$0x3F9B];
	s0 =	simm.s32 @p1 $0x1  }
0x15: {  	[smem:$0x3FB8] =	sst s0;
	s0 =	simm.s32 @!p2 $0x0  }
0x16: {  	s3 =	sld [smem:$0x3FDB];
	s0 =	simm.s32 @p2 $0x1  }
0x17: {  	s4 =	simm.s32 $0x1BF5;
	[smem:$0x3FBA] =	sst s0  }
0x18: {  	s0 =	sld [smem:$0x3F9D];
	_ =	swait.ge [sflag:s4], $0x0  }
0x19: {  	s7 =	sld [smem:$0x3F9E]  }
0x1a: {  	s8 =	sadd.s32 $0xFFFFE003, lr  }
0x1b: {  	s9 =	sadd.s32 $0xFFFFFEF7, lr;
	s5 =	simm.s32 $0xFFFFFFFF;
	p2 =	slt.u32 s8, $0xFFFFF086  }
0x1c: {  	p1 =	slt.u32 s9, $0xF7A;
	s5 =	simm.s32 @!p2 $0x0  }
0x1d: {  	s5 =	simm.s32 @p1 $0x1;
	p0 =	seq.s32 s7, s2  }
0x1e: {  	s7 =	smul.u32 @!p0 $0xF7A, s2;
	p2 =	seq.s32 @!p0 s5, $0x0  }
0x1f: {  	s9 =	smul.u32 $0xF7A, s1;
	s8 =	simm.s32 @!p0 $0x1BF5;
	p2 =	por !p2, p0  }
0x20: {  	[sflag:s8] =	ssyncset.s32 @!p0 $0xFFFFF086;
	s6 =	sadd.s32 @!p0 s3, s7;
	s7 =	simm.s32 @!p0 $0x108  }
0x21: {  	s3 =	sadd.s32 s3, s9;
	s6 =	sadd.s32 @!p0 $0x88, s6;
	s7 =	simm.s32 @p2 $0x1082  }
0x22: {  	[simem:s7], [sflag:s8] =	dma.local @!p0 [hbm:s6], $0xF7A  }
0x23: {  	s9 =	sor.u32 $0xD0000000, s2;
	s6 =	simm.s32 $0x108;
	_ =	swait.ge @!p0 [sflag:s8], $0x0  }
0x24: {  	s3 =	sadd.s32 $0x88, s3;
	s6 =	simm.s32 @!p1 $0x1082;
	[sflag:s4] =	ssyncset.s32 $0xFFFFF086  }
0x25: {  	[simem:s6], [sflag:s4] =	dma.local [hbm:s3], $0xF7A  }
0x26: {  	[smem:$0x3F9E] =	sst s1;
	(tag) =	ssettag s2;
	_ =	strace s9  }
0x27: {  	s1 =	sld [smem:$0x3FAE]  }
0x28: {  	s2 =	sld [smem:$0x3FAF]  }
0x29: {  	s4 =	sld [smem:$0x3FB1]  }
0x2a: {  	p0 =	seq.s32 s5, $0x0;
	s5 =	sld [smem:$0x3FB2]  }
0x2b: {  	s6 =	sld [smem:$0x3FB3]  }
0x2c: {  	s7 =	sld [smem:$0x3FB4]  }
0x2d: {  	s3 =	simm.s32 $0x108;
	s8 =	sld [smem:$0x3FB5]  }
0x2e: {  	s3 =	simm.s32 @!p0 $0x1082;
	s9 =	sld [smem:$0x3FB6]  }
0x2f: {  	lr =	sadd.s32 s0, s3;
	s0 =	sld [smem:$0x3FAD]  }
0x30: {  	s3 =	sld [smem:$0x3FB0]  }
0x31: {  	[smem:$0x3FB9] =	sst s10  }
0x32: {  	s10 =	sld [smem:$0x3FB7];
	_ =	sdelay $0x3  }
0x33: {  	p0 =	seq.s32 s10, $0x1;
	s10 =	sld [smem:$0x3FB9];
	_ =	sdelay $0x3  }
0x34: {  	[smem:$0x3FB9] =	sst s10  }
0x35: {  	s10 =	sld [smem:$0x3FB8];
	_ =	sdelay $0x3  }
0x36: {  	p1 =	seq.s32 s10, $0x1;
	s10 =	sld [smem:$0x3FB9];
	_ =	sdelay $0x3  }
0x37: {  	[smem:$0x3FB9] =	sst s10  }
0x38: {  	s10 =	sld [smem:$0x3FBA]  }
0x39: {  	_ = 	snop;
	(pc) =	sbr.ind lr, $3  }
0x3a: {  	_ = 	snop  }
0x3b: {  	_ = 	snop  }
0x3c: {  	p2 =	seq.s32 s10, $0x1;
	s10 =	sld [smem:$0x3FB9]  }
0x3d: {  	_ =	shalt  }
0x3e: {  	_ =	shalt  }
0x3f: {  	_ =	shalt  }
0x40: {  	_ =	shalt  }
0x41: {  	_ =	shalt  }
0x42: {  	_ =	shalt  }
0x43: {  	_ =	shalt  }
0x44: {  	_ =	shalt  }
0x45: {  	_ =	shalt  }
0x46: {  	_ =	shalt  }
0x47: {  	_ =	shalt  }
0x48: {  	_ =	shalt  }
0x49: {  	_ =	shalt  }
0x4a: {  	_ =	shalt  }
0x4b: {  	_ =	shalt  }
0x4c: {  	_ =	shalt  }
0x4d: {  	_ =	shalt  }
0x4e: {  	_ =	shalt  }
0x4f: {  	_ =	shalt  }
0x50: {  	_ =	shalt  }
0x51: {  	_ =	shalt  }
0x52: {  	_ =	shalt  }
0x53: {  	_ =	shalt  }
0x54: {  	_ =	shalt  }
0x55: {  	_ =	shalt  }
0x56: {  	_ =	shalt  }
0x57: {  	_ =	shalt  }
0x58: {  	_ =	shalt  }
0x59: {  	_ =	shalt  }
0x5a: {  	_ =	shalt  }
0x5b: {  	_ =	shalt  }
0x5c: {  	_ =	shalt  }
0x5d: {  	_ =	shalt  }
0x5e: {  	_ =	shalt  }
0x5f: {  	_ =	shalt  }
0x60: {  	_ =	shalt  }
0x61: {  	_ =	shalt  }
0x62: {  	_ =	shalt  }
0x63: {  	_ =	shalt  }
0x64: {  	_ =	shalt  }
0x65: {  	_ =	shalt  }
0x66: {  	_ =	shalt  }
0x67: {  	_ =	shalt  }
0x68: {  	_ =	shalt  }
0x69: {  	_ =	shalt  }
0x6a: {  	_ =	shalt  }
0x6b: {  	_ =	shalt  }
0x6c: {  	_ =	shalt  }
0x6d: {  	_ =	shalt  }
0x6e: {  	_ =	shalt  }
0x6f: {  	_ =	shalt  }
0x70: {  	_ =	shalt  }
0x71: {  	_ =	shalt  }
0x72: {  	_ =	shalt  }
0x73: {  	_ =	shalt  }
0x74: {  	_ =	shalt  }
0x75: {  	_ =	shalt  }
0x76: {  	_ =	shalt  }
0x77: {  	_ =	shalt  }
0x78: {  	_ =	shalt  }
0x79: {  	_ =	shalt  }
0x7a: {  	_ =	shalt  }
0x7b: {  	_ =	shalt  }
0x7c: {  	_ =	shalt  }
0x7d: {  	_ =	shalt  }
0x7e: {  	_ =	shalt  }
0x7f: {  	_ =	shalt  }
0x80: {  	_ =	shalt  }
0x81: {  	_ =	shalt  }
0x82: {  	_ =	shalt  }
0x83: {  	_ =	shalt  }
0x84: {  	_ =	shalt  }
0x85: {  	_ =	shalt  }
0x86: {  	_ =	shalt  }
0x87: {  	_ =	shalt  }
.Lfunc_end0:
.L_simem_size_0:
called_computation_lowered:
.L_overlay_start_0:
0x88: {  	s2 =	sld [smem:$0x3FD9]  }
0x89: {  	s3 =	sld [smem:$0x3FFE];
	_ =	sdelay $0x1  }
0x8a: {  	s1 =	srdreg.scid  }
0x8b: {  	s0 =	sand.u32 $0x1, s1  }
0x8c: {  	s14 =	sshll.u32 s0, $0xA;
	s2 =	sadd.s32 s3, s2  }
0x8d: {  	s2 =	sadd.s32 s2, s14  }
0x8e: {  	[smem:$0x3FC5] =	sst s2  }
0x8f: {  	_ = 	snop  }
0x90: {  	s2 =	sld [smem:$0x3FD0];
	_ =	sdelay $0x2  }
0x91: {  	s4 =	simm.s32 $0xA;
	s5 =	simm.s32 $0x10;
	s15 =	sld [smem:$0x3FC9]  }
0x92: {  	[smem:s5], [sflag:s4] =	dma.local [hbm:s2], $0x1  }
0x93: {  	_ =	swait.eq [sflag:s4], $0x1  }
0x94: {  	[sflag:s4] =	ssyncset.done $0x0  }
0x95: {  	[sflag:s4] =	ssyncadd.s32 $0xFFFFFFFF  }
0x96: {  	s16 =	sld [smem:$0x11];
	(tm) =	ssettm $0x1  }
0x97: {  	s17 =	sld [smem:$0x3FFB];
	_ =	sdelay $0x3  }
0x98: {  	_ =	strace s17  }
0x99: {  	s4 =	sld [smem:$0x3FFC];
	_ =	sdelay $0x3  }
0x9a: {  	_ =	strace s4  }
0x9b: {  	s4 =	sld [smem:$0x3FFD];
	_ =	sdelay $0x3  }
0x9c: {  	_ =	strace s4  }
0x9d: {  	_ =	strace $0x8FFFFFFF  }
0x9e: {  	s18 =	sld [smem:$0x3FDB];
	_ =	sdelay $0x1  }
0x9f: {  	s19 =	simm.s32 $_scs_section_size  }
0xa0: {  	s6 =	simm.s32 $_size__tile_overlayer_lowered;
	s7 =	simm.s32 $_tile_overlayer_lowered  }
0xa1: {  	s22 =	simm.s32 $0x1BFF;
	s21 =	sshll.u32 s7, $0x1;
	s4 =	sadd.s32 s19, s18  }
0xa2: {  	s8 =	simm.s32 $0x0;
	s20 =	sshll.u32 s6, $0x1;
	s6 =	sadd.s32 s21, s4  }
0xa3: {  	[timem:s8], [sflag:s22] =	dma.local [hbm:s6], s20  }
0xa4: {  	_ =	swait.ge [sflag:s22], s20  }
0xa5: {  	s5 =	ssub.s32 $0x0, s20;
	[sflag:s22] =	ssyncset.done $0x0  }
0xa6: {  	[sflag:s22] =	ssyncadd.s32 s5;
	_ =	sdelay $0x1  }
0xa7: {  	s23 =	simm.s32 $0x1B8B  }
0xa8: {  	_ =	swait.ge [sflag:s23], $0x1  }
0xa9: {  	[sflag:s23] =	ssyncset.done $0x0  }
0xaa: {  	s25 =	simm.s32 $0x1B8E;
	s24 =	sld [smem:$0x3FFE];
	[sflag:s23] =	ssyncadd.s32 $0xFFFFFFFF  }
0xab: {  	s26 =	simm.s32 $execute0_lowered;
	[smem:$0x3FD2] =	sst s25  }
0xac: {  	s6 =	sshll.u32 s26, $0x1;
	_ =	strace $0x80000046;
	[dreg:$0x1] =	wrdreg $0xFFFFFFFF  }
0xad: {  	s28 =	simm.s32 $_size_execute0_lowered;
	s4 =	sadd.s32 s4, s6;
	[dreg:$0x0] =	wrdreg $0x0  }
0xae: {  	s6 =	sshll.u32 s28, $0x1;
	[dreg:$0x2] =	wrdreg s4  }
0xaf: {  	[dreg:$0x3] =	wrdreg s6  }
0xb0: {  	[dreg:$0x4] =	wrdreg $0xC0  }
0xb1: {  	_ =	task [dreg:s8], $0x5FFFF  }
0xb2: {  	[dreg:$0x1] =	wrdreg $0xFFFFFFFF  }
0xb3: {  	[dreg:$0x0] =	wrdreg $0x60  }
0xb4: {  	[dreg:$0x2] =	wrdreg s15  }
0xb5: {  	[dreg:$0x3] =	wrdreg s24  }
0xb6: {  	[dreg:$0x4] =	wrdreg s16  }
0xb7: {  	[dreg:$0x5] =	wrdreg $0x9  }
0xb8: {  	_ =	task.clear_ibuf [dreg:s8], $0x6FFFF;
	_ =	strace $0x90000046  }
0xb9: {  	s29 =	simm.s32 $0x9;
	_ =	strace $0x80000048  }
0xba: {  	_ =	swait.ge [sflag:s29], $0x1  }
0xbb: {  	[sflag:s29] =	ssyncadd.s32 $0xFFFFFFFF  }
0xbc: {  	_ =	strace $0x90000048  }
0xbd: {  	_ =	sfence  }
0xbe: {  	s30 =	sld [smem:$0x0];
	_ =	sdelay $0x2  }
0xbf: {  	s31 =	sshll.u32 s1, $0xD;
	s1 =	sshrl.u32 s1, $0x2  }
0xc0: {  	s3 =	sand.u32 $0x4000, s31;
	s1 =	sadd.s32 s1, s30  }
0xc1: {  	s0 =	sor.u32 s3, s0;
	s1 =	sshll.u32 s1, $0x11  }
0xc2: {  	s0 =	sor.u32 s1, s0  }
0xc3: {  	s0 =	sadd.s32 $0x8F2B, s0  }
0xc4: {  	[sflag:s0] =	ssyncadd.remote.s32 $0x1  }
0xc5: {  	_ =	sfence.sel $0xFFFF  }
0xc6: {  	[dreg:$0x0] =	wrdreg $0xFFFFFFFF;
	(pc) =	sbr.abs _section_cstart, $3  }
0xc7: {  	[dreg:$0x1] =	wrdreg $0xFFFFFFFF  }
0xc8: {  	_ =	task.clear_ibuf [dreg:s8], $0x2FFFF;
	_ =	strace $0x9FFFFFFF  }
0xc9: {  	(tm) =	ssettm $0x7FFFFFFF  }
tec
execute0_lowered:
.L_overlay_start_1:
0x0: {  	(tag) =	ssettag $0x1  }
0x1: {  	s0 =	rddreg [dreg:$0x0]  }
0x2: {  	s1 =	rddreg [dreg:$0x1]  }
0x3: {  	s14 =	rddreg [dreg:$0x2]  }
0x4: {  	s2 =	simm.s32 $0x0;
	s3 =	srdreg.scid;
	s6 =	stileid.u32  }
0x5: {  	s20 =	simm.s32 $0x400;
	s21 =	simm.s32 $0x10280;
	s24 =	simm.s32 $0x0  }
0x6: {  	[smem:$0x7FF] =	sst s2;
	s3 =	sand.u32 $0x1, s3;
	s4 =	sshll.u32 s6, $0x1  }
0x7: {  	s9 =	sadd.s32 $0x800, s1;
	s10 =	sadd.s32 $0xC00, s1;
	s12 =	sadd.s32 $0x1000, s1  }
0x8: {  	s6 =	sshrl.u32 s6, $0x1;
	s1 =	sadd.s32 $0x1400, s1;
	_ =	strace $0x80000047  }
0x9: {  	s5 =	sor.u32 s3, s4;
	s3 =	ssub.s32 $0x2, s3;
	s8 =	sshll.u32 s6, $0xA  }
0xa: {  	s17 =	sshll.u32 s6, $0xB;
	s4 =	sshll.u32 s5, $0x8;
	s28 =	sshrl.u32 s3, $0x1  }
0xb: {  	s13 =	sshllo.u32 s5, $0x1;
	s5 =	sshll.u32 s5, $0x11;
	s7 =	sand.u32 $0x300, s4  }
0xc: {  	s15 =	ssub.s32 s3, s28;
	s16 =	sshll.u32 s13, $0x7;
	s5 =	sadd.s32 s0, s5  }
0xd: {  	s29 =	sshll.u32 s13, $0x10;
	s11 =	sor.u32 s8, s7;
	s16 =	sand.u32 $0x380, s16  }
0xe: {  	s7 =	sor.u32 s17, s7;
	s15 =	smax.u32 s15, $0x1;
	s11 =	sshrl.u32 s11, $0x3  }
0xf: {  	v0 =	vlaneseq.u32;
	vm0 =	vmmov $0x1;
	v1 =	vimm.s32 $0x0;
	s8 =	sor.u32 s8, s16;
	s18 =	sshrl.u32 s7, $0x3;
	s30 =	sor.u32 s17, s16  }
0x10: {  	vm1 =	vmmov $0x3;
	vm2 =	vmmov $0x7;
	vm3 =	vmmov $0xf;
	s16 =	simm.s32 $0x10080;
	s17 =	simm.s32 $0x3;
	s3 =	sadd.s32 s9, s11  }
.Ltmp0:
0x11: {  	vm4 =	vmmov $0x1f;
	vm5 =	vmmov $0x3f;
	vm6 =	vmmov $0x7f;
	s4 =	sadd.s32 s10, s11;
	s6 =	sadd.s32 s12, s11;
	(pc) =	sbr.rel .LBB2_1-.Ltmp0, $4  }
0x12: {  	v1 =	vsel vm0, $0xFFFFFFFF, v1;
	v2 =	vmul.u32 $0xFFFFFFFF, v0;
	v0 =	vmul.u32 $0x9, v0;
	s19 =	sshrl.u32 s8, $0x3;
	s7 =	sadd.s32 s1, s11;
	s8 =	sadd.s32 s14, s18  }
0x13: {  	vm7 =	vmmov $0xff;
	vm8 =	vmmov $0x1ff;
	vm9 =	vmmov $0x3ff;
	[tilespmem:$0x1FFD0] =	vst v1;
	s11 =	sadd.s32 s0, s29;
	s31 =	sshrl.u32 s30, $0x3;
	s18 =	simm.s32 $0x10100  }
0x14: {  	vm10 =	vmmov $0x7ff;
	vm11 =	vmmov $0xfff;
	v63 =	vadd.s32 $0xF, v2;
	[tilespmem:$0x1FFF0] =	vst v0;
	s9 =	sadd.s32 s9, s19;
	s10 =	sadd.s32 s10, s19;
	s12 =	sadd.s32 s12, s19  }
0x15: {  	vm12 =	vmmov $0x1fff;
	vm13 =	vmmov $0x3fff;
	vm14 =	vmmov $0x7fff;
	[tilespmem:$0x1FFE0] =	vst v63;
	s13 =	sadd.s32 s1, s19;
	s14 =	sadd.s32 s14, s31;
	s19 =	simm.s32 $0x80  }
.LBB2_37:
0x16: {  	v3 =	vld [tilespmem:$0x1FFE0];
	_ =	sdelay $0x4  }
0x17: {  	v0 =	vperm.xlane v13, v3;
	_ =	sdelay $0x1  }
0x18: {  	v1 =	vshrl.u32 v0, $0xF;
	_ =	sdelay $0x4  }
0x19: {  	v1 =	vld.idx.msk [tilespmem:v1+s16+$0x0], $0xffff;
	_ =	sdelay $0x1  }
0x1a: {  	v2 =	vshrl.u32 v0, $0xC  }
0x1b: {  	v3 =	vperm.xlane v12, v3;
	v2 =	vand.u32 $0xFFFF8, v2;
	_ =	sdelay $0x1  }
0x1c: {  	v4 =	vld [tilespmem:$0x1FFF0];
	v1 =	vadd.f32 v1, v3  }
0x1d: {  	[tilespmem:$0x10180] =	vst v3  }
0x1e: {  	[tilespmem:$0x10200] =	vst v1  }
0x1f: {  	v1 =	vld.idx.msk [tilespmem:v2+s18+$0x0], $0xffff  }
0x20: {  	v50 =	vor.u32 $0x1, v2;
	_ =	sdelay $0x1  }
0x21: {  	v52 =	vld [tilespmem:$0x1FF10];
	_ =	sdelay $0x1  }
0x22: {  	[tilespmem:v4+s21+$0x0] =	vst.idx.msk $0xffff, v1  }
0x23: {  	v1 =	vld.idx.msk [tilespmem:v50+s18+$0x0], $0xffff  }
0x24: {  	v51 =	vor.u32 $0x2, v2;
	_ =	sdelay $0x1  }
0x25: {  	v54 =	vld [tilespmem:$0x1FF20];
	_ =	sdelay $0x1  }
0x26: {  	[tilespmem:v52+s21+$0x0] =	vst.idx.msk $0xffff, v1  }
0x27: {  	v1 =	vld.idx.msk [tilespmem:v51+s18+$0x0], $0xffff  }
0x28: {  	v53 =	vor.u32 $0x3, v2;
	_ =	sdelay $0x1  }
0x29: {  	v56 =	vld [tilespmem:$0x1FF30];
	_ =	sdelay $0x1  }
0x2a: {  	[tilespmem:v54+s21+$0x0] =	vst.idx.msk $0xffff, v1  }
0x2b: {  	v1 =	vld.idx.msk [tilespmem:v53+s18+$0x0], $0xffff  }
0x2c: {  	v55 =	vor.u32 $0x4, v2;
	_ =	sdelay $0x1  }
0x2d: {  	v58 =	vld [tilespmem:$0x1FF40];
	_ =	sdelay $0x1  }
0x2e: {  	[tilespmem:v56+s21+$0x0] =	vst.idx.msk $0xffff, v1  }
0x2f: {  	v1 =	vld.idx.msk [tilespmem:v55+s18+$0x0], $0xffff  }
0x30: {  	v57 =	vor.u32 $0x5, v2;
	_ =	sdelay $0x1  }
0x31: {  	v60 =	vld [tilespmem:$0x1FF50];
	_ =	sdelay $0x1  }
0x32: {  	[tilespmem:v58+s21+$0x0] =	vst.idx.msk $0xffff, v1  }
0x33: {  	v1 =	vld.idx.msk [tilespmem:v57+s18+$0x0], $0xffff  }
0x34: {  	v59 =	vor.u32 $0x6, v2;
	_ =	sdelay $0x1  }
0x35: {  	v61 =	vld [tilespmem:$0x1FF60];
	_ =	sdelay $0x1  }
0x36: {  	[tilespmem:v60+s21+$0x0] =	vst.idx.msk $0xffff, v1  }
0x37: {  	v1 =	vld.idx.msk [tilespmem:v59+s18+$0x0], $0xffff  }
0x38: {  	v2 =	vor.u32 $0x7, v2;
	_ =	sdelay $0x1  }
0x39: {  	v62 =	vld [tilespmem:$0x1FF70]  }
0x3a: {  	v63 =	vld [tilespmem:$0x1FF80]  }
0x3b: {  	[tilespmem:v61+s21+$0x0] =	vst.idx.msk $0xffff, v1  }
0x3c: {  	v1 =	vld.idx.msk [tilespmem:v2+s18+$0x0], $0xffff;
	_ =	sdelay $0x4  }
0x3d: {  	v0 =	vand.u32 $0x7FFF, v0;
	[tilespmem:v62+s21+$0x0] =	vst.idx.msk $0xffff, v1  }
0x3e: {  	s0 =	simm.s32 $0x10180;
	[tilespmem:v63+s21+$0x0] =	vst.idx.msk $0xffff, v0  }
0x3f: {  	[hbm4b:s12+s2] =	stream.linear.scatter [tilespmem:s0], [sflag:$0x3], $0x80, $0x38;
	[tilespmem:$0x10380] =	vst v63  }
0x40: {  	_ =	swait.ge [sflag:s17], $0x80  }
0x41: {  	[sflag:s17] =	ssyncset.done $0x0  }
0x42: {  	s31 =	simm.s32 $0x10200;
	[sflag:s17] =	ssyncadd.s32 $0xFFFFFF80  }
0x43: {  	[hbm4b:s13+s2] =	stream.linear.scatter [tilespmem:s31], [sflag:$0x3], $0x80, $0x38;
	[tilespmem:$0x10380] =	vst v63  }
0x44: {  	s24 =	sadd.s32 $0x1, s24;
	_ =	swait.ge [sflag:s17], $0x80  }
0x45: {  	p0 =	sne.s32 s24, s15;
	[sflag:s17] =	ssyncset.done $0x0  }
.Ltmp1:
0x46: {  	[sflag:s17] =	ssyncadd.s32 $0xFFFFFF80;
	(pc) =	sbr.rel @!p0 .LBB2_38-.Ltmp1, $4  }
0x47: {  	[hbm4b:s14+s19] =	stream.strided.scatter [tilespmem:s21], [sflag:$0x3], $0x100, s20, s19, $0x38;
	[tilespmem:$0x10380] =	vst v63  }
0x48: {  	_ =	swait.ge [sflag:s17], $0x100  }
0x49: {  	[sflag:s17] =	ssyncset.done $0x0  }
0x4a: {  	[sflag:s17] =	ssyncadd.s32 $0xFFFFFF00  }
.LBB2_1:
0x4b: {  	[tilespmem:s16], [sflag:$0x3] =	stream.linear.gather [hbm4b:s3+s2], $0x80, $0x38;
	[tilespmem:$0x10380] =	vst v63  }
0x4c: {  	_ =	swait.ge [sflag:s17], $0x80  }
0x4d: {  	[sflag:s17] =	ssyncset.done $0x0  }
0x4e: {  	[sflag:s17] =	ssyncadd.s32 $0xFFFFFF80  }
0x4f: {  	[tilespmem:s18], [sflag:$0x3] =	stream.linear.gather [hbm4b:s4+s2], $0x80, $0x38;
	[tilespmem:$0x10380] =	vst v63  }
.Ltmp2:
0x50: {  	_ = 	snop;
	(pc) =	sbr.rel .LBB2_3-.Ltmp2, $4  }
0x51: {  	_ =	swait.ge [sflag:s17], $0x80  }
0x52: {  	[sflag:s17] =	ssyncset.done $0x0  }
0x53: {  	p0 =	por $0x0, $0x0;
	s25 =	simm.s32 $0x0;
	[sflag:s17] =	ssyncadd.s32 $0xFFFFFF80  }
0x54: {  	v4 =	vimm.f32 $-Inf;
	v5 =	vimm.s32 $0x0;
	[tilespmem:s2], [sflag:$0x1] =	stream.strided.gather [hbm4b:s5+s19], $0x8000, s20, s19, $0x38;
	[tilespmem:$0x10380] =	vst v63  }
.LBB2_2:
0x55: {  	p1 =	seq.s32 s25, $0x10  }
.Ltmp3:
0x56: {  	_ = 	snop;
	(pc) =	sbr.rel @p1 .LBB2_19-.Ltmp3, $2  }
0x57: {  	_ =	sdelay $0x2  }
0x58: {  	p0 =	por !p0, !p0  }
.LBB2_3:
0x59: {  	s28 =	smov.u32 s25;
	s0 =	sand.u32 $0x1, s25  }
0x5a: {  	s1 =	simm.s32 $0x1;
	s25 =	sadd.s32 $0x1, s25;
	s26 =	sadd.s32 $0x1, s0  }
0x5b: {  	s1 =	simm.s32 @!p0 $0x0;
	p1 =	seq.s32 s28, $0xF;
	_ =	swait.ge [sflag:s26], $0x8000  }
0x5c: {  	s22 =	sshll.u32 s1, $0xF;
	s29 =	sshll.u32 @!p1 s25, $0x4;
	[sflag:s26] =	ssyncset.done $0x0  }
0x5d: {  	s30 =	sand.u32 @!p1 $0x1, s25;
	[sflag:s26] =	ssyncadd.s32 $0xFFFF8000;
	s26 =	sshll.u32 @!p1 s25, $0xC  }
0x5e: {  	s31 =	simm.s32 @!p1 $0x80;
	s29 =	sand.u32 @!p1 $0x70, s29;
	s26 =	sand.u32 @!p1 $0x18000, s26  }
0x5f: {  	s23 =	simm.s32 @!p1 $0x400;
	s1 =	sor.u32 $0x200, s22;
	s26 =	sor.u32 @!p1 s29, s26  }
0x60: {  	s29 =	sshll.u32 @!p1 s30, $0xF;
	s30 =	sadd.s32 @!p1 $0x1, s30;
	s26 =	sadd.s32 @!p1 s26, s5  }
0x61: {  	[tilespmem:s29], [sflag:s30] =	stream.strided.gather @!p1 [hbm4b:s26+s31], $0x8000, s23, s31, $0x38;
	[tilespmem:$0x10380] =	vst v63  }
0x62: {  	v37 =	vld [tilespmem:s1+$0x0]  }
0x63: {  	v7 =	vld [tilespmem:s1+$0x10]  }
0x64: {  	v0 =	vld [tilespmem:s1+$0x20]  }
0x65: {  	v39 =	vld [tilespmem:s1+$0x30]  }
0x66: {  	v38 =	vld [tilespmem:s1+$0x40]  }
0x67: {  	v11 =	vld [tilespmem:s1+$0x50]  }
0x68: {  	v9 =	vld [tilespmem:s1+$0x60]  }
0x69: {  	v6 =	vld [tilespmem:s1+$0x70]  }
0x6a: {  	v10 =	vld [tilespmem:s1+$0x80]  }
0x6b: {  	v15 =	vld [tilespmem:s1+$0x90]  }
0x6c: {  	v16 =	vld [tilespmem:s1+$0xA0]  }
0x6d: {  	v17 =	vld [tilespmem:s1+$0xB0]  }
0x6e: {  	v18 =	vld [tilespmem:s1+$0xC0]  }
0x6f: {  	v19 =	vld [tilespmem:s1+$0xD0]  }
0x70: {  	v14 =	vld [tilespmem:s1+$0xE0]  }
0x71: {  	v12 =	vld [tilespmem:s1+$0xF0]  }
0x72: {  	v13 =	vld [tilespmem:s1+$0x100]  }
0x73: {  	v2 =	vld [tilespmem:s1+$0x110]  }
0x74: {  	v3 =	vld [tilespmem:s1+$0x120]  }
0x75: {  	v25 =	vld [tilespmem:s1+$0x130]  }
0x76: {  	v26 =	vld [tilespmem:s1+$0x140]  }
0x77: {  	v27 =	vld [tilespmem:s1+$0x150]  }
0x78: {  	v28 =	vld [tilespmem:s1+$0x160]  }
0x79: {  	v29 =	vld [tilespmem:s1+$0x170]  }
0x7a: {  	v30 =	vld [tilespmem:s1+$0x180]  }
0x7b: {  	v31 =	vld [tilespmem:s1+$0x190]  }
0x7c: {  	v32 =	vld [tilespmem:s1+$0x1A0]  }
0x7d: {  	v33 =	vld [tilespmem:s1+$0x1B0]  }
0x7e: {  	v34 =	vld [tilespmem:s1+$0x1C0]  }
0x7f: {  	v35 =	vld [tilespmem:s1+$0x1D0]  }
0x80: {  	v36 =	vld [tilespmem:s1+$0x1E0]  }
0x81: {  	v21 =	vld [tilespmem:s1+$0x1F0]  }
0x82: {  	v24 =	vld [tilespmem:s1+$0xFFFFFE00]  }
0x83: {  	v20 =	vld [tilespmem:s1+$0xFFFFFE10]  }
0x84: {  	v23 =	vld [tilespmem:s1+$0xFFFFFE20]  }
0x85: {  	v22 =	vld [tilespmem:s1+$0xFFFFFE30]  }
0x86: {  	v42 =	vld [tilespmem:s1+$0xFFFFFE40]  }
0x87: {  	v43 =	vld [tilespmem:s1+$0xFFFFFE50]  }
0x88: {  	v44 =	vld [tilespmem:s1+$0xFFFFFE60]  }
0x89: {  	v45 =	vld [tilespmem:s1+$0xFFFFFE70]  }
0x8a: {  	v46 =	vld [tilespmem:s1+$0xFFFFFE80]  }
0x8b: {  	v47 =	vld [tilespmem:s1+$0xFFFFFE90]  }
0x8c: {  	v48 =	vld [tilespmem:s1+$0xFFFFFEA0]  }
0x8d: {  	v49 =	vld [tilespmem:s1+$0xFFFFFEB0]  }
0x8e: {  	v50 =	vld [tilespmem:s1+$0xFFFFFEC0]  }
0x8f: {  	v51 =	vld [tilespmem:s1+$0xFFFFFED0]  }
0x90: {  	v52 =	vld [tilespmem:s1+$0xFFFFFEE0]  }
0x91: {  	v53 =	vld [tilespmem:s1+$0xFFFFFEF0]  }
0x92: {  	v54 =	vld [tilespmem:s1+$0xFFFFFF00]  }
0x93: {  	v55 =	vld [tilespmem:s1+$0xFFFFFF10]  }
0x94: {  	v56 =	vld [tilespmem:s1+$0xFFFFFF20]  }
0x95: {  	v57 =	vld [tilespmem:s1+$0xFFFFFF30]  }
0x96: {  	v58 =	vld [tilespmem:s1+$0xFFFFFF40]  }
0x97: {  	v59 =	vld [tilespmem:s1+$0xFFFFFF50]  }
0x98: {  	v60 =	vld [tilespmem:s1+$0xFFFFFF60]  }
0x99: {  	v61 =	vld [tilespmem:s1+$0xFFFFFF70]  }
0x9a: {  	v62 =	vld [tilespmem:s1+$0xFFFFFF80]  }
0x9b: {  	v63 =	vld [tilespmem:s1+$0xFFFFFF90]  }
0x9c: {  	v40 =	vmov s28;
	v1 =	vld [tilespmem:s1+$0xFFFFFFF0];
	v41 =	vmax.f32 v37, v7;
	v37 =	vmax.f32 v0, v39  }
0x9d: {  	v0 =	vmax.f32 v38, v11;
	v38 =	vmax.f32 v9, v6;
	v13 =	vmax.f32 v13, v2;
	v2 =	vld [tilespmem:s1+$0xFFFFFFE0]  }
0x9e: {  	v8 =	vld [tilespmem:s1+$0xFFFFFFA0];
	v39 =	vmax.f32 v10, v15;
	v10 =	vmax.f32 v16, v17;
	v11 =	vmax.f32 v18, v19  }
0x9f: {  	v7 =	vld [tilespmem:s1+$0xFFFFFFB0];
	v12 =	vmax.f32 v14, v12;
	v14 =	vmax.f32 v3, v25;
	v15 =	vmax.f32 v26, v27  }
0xa0: {  	v6 =	vld [tilespmem:s1+$0xFFFFFFC0];
	v16 =	vmax.f32 v28, v29;
	v17 =	vmax.f32 v30, v31;
	v18 =	vmax.f32 v32, v33  }
0xa1: {  	v3 =	vld [tilespmem:s1+$0xFFFFFFD0];
	v19 =	vmax.f32 v34, v35;
	v21 =	vmax.f32 v36, v21;
	v20 =	vmax.f32 v24, v20  }
0xa2: {  	v22 =	vmax.f32 v23, v22;
	v23 =	vmax.f32 v42, v43;
	v36 =	vmax.f32 v2, v1;
	v1 =	vld.idx.msk [tilespmem:v40+s16+$0x0], $0xffff  }
0xa3: {  	v24 =	vmax.f32 v44, v45;
	v25 =	vmax.f32 v46, v47;
	v27 =	vmax.f32 v48, v49  }
0xa4: {  	v26 =	vmax.f32 v50, v51;
	v28 =	vmax.f32 v52, v53;
	v29 =	vmax.f32 v54, v55  }
0xa5: {  	s29 =	sor.u32 $0x63F0, s22;
	v30 =	vmax.f32 v56, v57;
	v31 =	vmax.f32 v58, v59;
	v33 =	vmax.f32 v60, v61  }
0xa6: {  	s30 =	sor.u32 $0x43F0, s22;
	s31 =	sor.u32 $0x23F0, s22;
	s26 =	sshll.u32 s0, $0xF;
	v32 =	vmax.f32 v62, v63;
	v37 =	vmax.f32 v41, v37;
	v38 =	vmax.f32 v0, v38  }
0xa7: {  	s0 =	simm.s32 $0x0;
	s22 =	simm.s32 $0x2;
	s1 =	sadd.s32 $0x400, s1;
	v34 =	vmax.f32 v8, v7;
	v35 =	vmax.f32 v6, v3;
	v40 =	vimm.f32 $-Inf;
	[tilespmem:$0x1FFC0] =	vst v1  }
.LBB2_4:
0xa8: {  	v8 =	vld [tilespmem:s1+$0x0];
	p1 =	slt.u32 s22, $0xE;
	v2 =	vmax.f32 v39, v10;
	v3 =	vmax.f32 v11, v12;
	v14 =	vmax.f32 v13, v14  }
0xa9: {  	v15 =	vmax.f32 v15, v16;
	v16 =	vmax.f32 v17, v18;
	v17 =	vmax.f32 v19, v21;
	v6 =	vld [tilespmem:s1+$0x10]  }
0xaa: {  	v18 =	vmax.f32 v20, v22;
	v19 =	vmax.f32 v23, v24;
	v20 =	vmax.f32 v25, v27;
	v39 =	vld [tilespmem:s1+$0x20]  }
0xab: {  	v21 =	vmax.f32 v26, v28;
	v22 =	vmax.f32 v29, v30;
	v23 =	vmax.f32 v31, v33;
	v11 =	vld [tilespmem:s1+$0x30]  }
0xac: {  	v24 =	vmax.f32 v32, v34;
	v25 =	vmax.f32 v35, v36;
	v26 =	vmax.f32 v37, v38;
	v12 =	vld [tilespmem:s1+$0x40]  }
0xad: {  	v18 =	vmax.f32 v18, v19;
	v2 =	vmax.f32 v2, v3;
	v3 =	vmax.f32 v14, v15;
	v13 =	vld [tilespmem:s1+$0x50]  }
0xae: {  	v15 =	vmax.f32 v20, v21;
	v19 =	vmax.f32 v22, v23;
	v20 =	vmax.f32 v24, v25;
	v14 =	vld [tilespmem:s1+$0x60]  }
0xaf: {  	v16 =	vmax.f32 v16, v17;
	v15 =	vmax.f32 v18, v15;
	v18 =	vmax.f32 v19, v20;
	v1 =	vld [tilespmem:s1+$0x70]  }
0xb0: {  	v2 =	vmax.f32 v26, v2;
	v3 =	vmax.f32 v3, v16;
	v15 =	vmax.f32 v15, v18;
	v17 =	vld [tilespmem:s1+$0x80]  }
0xb1: {  	v2 =	vmax.f32 v2, v3;
	v16 =	vld [tilespmem:s1+$0x90];
	(xrf0) =	vmax.scan.msk.f32 $0xffff, v15  }
0xb2: {  	v3 =	vld [tilespmem:s1+$0xA0];
	(xrf0) =	vmax.scan.msk.f32 $0xffff, v2  }
0xb3: {  	v10 =	vld [tilespmem:s1+$0xB0]  }
0xb4: {  	v15 =	vld [tilespmem:s1+$0xC0]  }
0xb5: {  	v18 =	vld [tilespmem:s1+$0xD0]  }
0xb6: {  	v19 =	vld [tilespmem:s1+$0xE0]  }
0xb7: {  	v9 =	vld [tilespmem:s1+$0xF0];
	v22, _, _ =	vpop (xrf0)  }
0xb8: {  	s23 =	sadd.s32 $0x1, s0;
	v24 =	vmov s0;
	s0 =	smov.u32 s22;
	v2 =	vlaneseq.u32;
	v0 =	vld [tilespmem:s1+$0x100];
	v22 =	vbroadcast v22, $0xF;
	v25, _, _ =	vpop (xrf0)  }
0xb9: {  	vm15 =	veq.s32 v24, v2;
	v26 =	vld [tilespmem:s1+$0x110];
	v24 =	vbroadcast v25, $0xF;
	v25 =	vmov s23  }
0xba: {  	v27 =	vld [tilespmem:s1+$0x120];
	v7 =	vsel vm15, v22, v40;
	vm15 =	veq.s32 v25, v2  }
0xbb: {  	v22 =	vld [tilespmem:s1+$0x130];
	v23 =	vsel vm15, v24, v7  }
0xbc: {  	v24 =	vld [tilespmem:s1+$0x140]  }
0xbd: {  	v25 =	vld [tilespmem:s1+$0x150]  }
0xbe: {  	v28 =	vld [tilespmem:s1+$0x160]  }
0xbf: {  	v29 =	vld [tilespmem:s1+$0x170]  }
0xc0: {  	v30 =	vld [tilespmem:s1+$0x180]  }
0xc1: {  	v31 =	vld [tilespmem:s1+$0x190]  }
0xc2: {  	v32 =	vld [tilespmem:s1+$0x1A0]  }
0xc3: {  	v33 =	vld [tilespmem:s1+$0x1B0]  }
0xc4: {  	v34 =	vld [tilespmem:s1+$0x1C0]  }
0xc5: {  	v35 =	vld [tilespmem:s1+$0x1D0]  }
0xc6: {  	v36 =	vld [tilespmem:s1+$0x1E0]  }
0xc7: {  	v21 =	vld [tilespmem:s1+$0x1F0]  }
0xc8: {  	v38 =	vld [tilespmem:s1+$0xFFFFFE00]  }
0xc9: {  	v20 =	vld [tilespmem:s1+$0xFFFFFE10]  }
0xca: {  	v40 =	vld [tilespmem:s1+$0xFFFFFE20]  }
0xcb: {  	v41 =	vld [tilespmem:s1+$0xFFFFFE30]  }
0xcc: {  	v42 =	vld [tilespmem:s1+$0xFFFFFE40]  }
0xcd: {  	v43 =	vld [tilespmem:s1+$0xFFFFFE50]  }
0xce: {  	v44 =	vld [tilespmem:s1+$0xFFFFFE60]  }
0xcf: {  	v45 =	vld [tilespmem:s1+$0xFFFFFE70]  }
0xd0: {  	v46 =	vld [tilespmem:s1+$0xFFFFFE80]  }
0xd1: {  	v47 =	vld [tilespmem:s1+$0xFFFFFE90]  }
0xd2: {  	v48 =	vld [tilespmem:s1+$0xFFFFFEA0]  }
0xd3: {  	v49 =	vld [tilespmem:s1+$0xFFFFFEB0]  }
0xd4: {  	v50 =	vld [tilespmem:s1+$0xFFFFFEC0]  }
0xd5: {  	v51 =	vld [tilespmem:s1+$0xFFFFFED0]  }
0xd6: {  	v52 =	vld [tilespmem:s1+$0xFFFFFEE0]  }
0xd7: {  	v53 =	vld [tilespmem:s1+$0xFFFFFEF0]  }
0xd8: {  	v54 =	vld [tilespmem:s1+$0xFFFFFF00]  }
0xd9: {  	v55 =	vld [tilespmem:s1+$0xFFFFFF10]  }
0xda: {  	v56 =	vld [tilespmem:s1+$0xFFFFFF20]  }
0xdb: {  	v57 =	vld [tilespmem:s1+$0xFFFFFF30]  }
0xdc: {  	v58 =	vld [tilespmem:s1+$0xFFFFFF40]  }
0xdd: {  	v59 =	vld [tilespmem:s1+$0xFFFFFF50]  }
0xde: {  	v60 =	vld [tilespmem:s1+$0xFFFFFF60]  }
0xdf: {  	v61 =	vld [tilespmem:s1+$0xFFFFFF70]  }
0xe0: {  	v62 =	vld [tilespmem:s1+$0xFFFFFF80]  }
0xe1: {  	v37 =	vmax.f32 v8, v6;
	v63 =	vld [tilespmem:s1+$0xFFFFFF90]  }
0xe2: {  	v6 =	vmax.f32 v39, v11;
	v8 =	vmax.f32 v12, v13;
	v7 =	vmax.f32 v14, v1;
	v2 =	vld [tilespmem:s1+$0xFFFFFFA0]  }
0xe3: {  	v39 =	vmax.f32 v17, v16;
	v10 =	vmax.f32 v3, v10;
	v11 =	vmax.f32 v15, v18;
	v1 =	vld [tilespmem:s1+$0xFFFFFFB0]  }
0xe4: {  	v12 =	vmax.f32 v19, v9;
	v13 =	vmax.f32 v0, v26;
	v14 =	vmax.f32 v27, v22;
	v3 =	vld [tilespmem:s1+$0xFFFFFFC0]  }
0xe5: {  	v15 =	vmax.f32 v24, v25;
	v16 =	vmax.f32 v28, v29;
	v17 =	vmax.f32 v30, v31;
	v0 =	vld [tilespmem:s1+$0xFFFFFFD0]  }
0xe6: {  	v18 =	vmax.f32 v32, v33;
	v19 =	vmax.f32 v34, v35;
	v21 =	vmax.f32 v36, v21;
	v9 =	vld [tilespmem:s1+$0xFFFFFFE0]  }
0xe7: {  	v20 =	vmax.f32 v38, v20;
	v22 =	vmax.f32 v40, v41;
	v40 =	vmovc v23;
	v23 =	vmax.f32 v42, v43;
	v36 =	vld [tilespmem:s1+$0xFFFFFFF0]  }
.Ltmp4:
0xe8: {  	v24 =	vmax.f32 v44, v45;
	v25 =	vmax.f32 v46, v47;
	v27 =	vmax.f32 v48, v49;
	(pc) =	sbr.rel @p1 .LBB2_4-.Ltmp4, $4  }
0xe9: {  	v26 =	vmax.f32 v50, v51;
	v28 =	vmax.f32 v52, v53;
	v29 =	vmax.f32 v54, v55  }
0xea: {  	v30 =	vmax.f32 v56, v57;
	v31 =	vmax.f32 v58, v59;
	v33 =	vmax.f32 v60, v61  }
0xeb: {  	v32 =	vmax.f32 v62, v63;
	v34 =	vmax.f32 v2, v1;
	v35 =	vmax.f32 v3, v0  }
0xec: {  	s22 =	sadd.s32 $0x2, s22;
	v37 =	vmax.f32 v37, v6;
	v38 =	vmax.f32 v8, v7;
	s1 =	sadd.s32 $0x400, s1;
	v36 =	vmax.f32 v9, v36  }
0xed: {  	v0 =	vmax.f32 v39, v10;
	v1 =	vmax.f32 v11, v12;
	v2 =	vmax.f32 v13, v14  }
0xee: {  	v3 =	vmax.f32 v15, v16;
	v6 =	vmax.f32 v17, v18;
	v7 =	vmax.f32 v19, v21  }
0xef: {  	v8 =	vmax.f32 v20, v22;
	v9 =	vmax.f32 v23, v24;
	v10 =	vmax.f32 v25, v27  }
0xf0: {  	v11 =	vmax.f32 v26, v28;
	v12 =	vmax.f32 v29, v30;
	v13 =	vmax.f32 v31, v33  }
0xf1: {  	v14 =	vmax.f32 v32, v34;
	v15 =	vmax.f32 v35, v36;
	v16 =	vmax.f32 v37, v38  }
0xf2: {  	v8 =	vmax.f32 v8, v9;
	v0 =	vmax.f32 v0, v1;
	v57 =	vmax.f32 v2, v3  }
0xf3: {  	v58 =	vmax.f32 v10, v11;
	v3 =	vmax.f32 v12, v13;
	v9 =	vmax.f32 v14, v15  }
0xf4: {  	v6 =	vmax.f32 v6, v7;
	v2 =	vmax.f32 v8, v58;
	v3 =	vmax.f32 v3, v9  }
0xf5: {  	v0 =	vmax.f32 v16, v0;
	v1 =	vmax.f32 v57, v6;
	v2 =	vmax.f32 v2, v3  }
0xf6: {  	v0 =	vmax.f32 v0, v1;
	(xrf0) =	vmax.scan.msk.f32 $0xffff, v2  }
0xf7: {  	(xrf0) =	vmax.scan.msk.f32 $0xffff, v0;
	_ =	sdelay $0x4  }
0xf8: {  	v59, _, _ =	vpop (xrf0)  }
0xf9: {  	v60 =	vmov s0;
	s23 =	sadd.s32 $0x1, s0;
	v3 =	vlaneseq.u32;
	v0 =	vbroadcast v59, $0xF;
	v61, _, _ =	vpop (xrf0)  }
0xfa: {  	v63 =	vmov s23;
	vm15 =	veq.s32 v60, v3;
	v62 =	vbroadcast v61, $0xF  }
0xfb: {  	v0 =	vsel vm15, v0, v40;
	vm15 =	veq.s32 v63, v3  }
0xfc: {  	v0 =	vsel vm15, v62, v0  }
0xfd: {  	[tilespmem:$0x10000] =	vst v0  }
0xfe: {  	v28 =	vld [tilespmem:s31+$0xFFFFFE10]  }
0xff: {  	v1 =	vld [tilespmem:s31+$0xFFFFFE20]  }
0x100: {  	v61 =	vld [tilespmem:s31+$0xFFFFFE30]  }
0x101: {  	v2 =	vld [tilespmem:s31+$0xFFFFFE40]  }
0x102: {  	v32 =	vld [tilespmem:s31+$0xFFFFFE50]  }
0x103: {  	v8 =	vld [tilespmem:s31+$0xFFFFFE60]  }
0x104: {  	v9 =	vld [tilespmem:s31+$0xFFFFFE70]  }
0x105: {  	v10 =	vld [tilespmem:s31+$0xFFFFFE80]  }
0x106: {  	v6 =	vld [tilespmem:s31+$0xFFFFFE90]  }
0x107: {  	v12 =	vld [tilespmem:s31+$0xFFFFFEA0]  }
0x108: {  	v62 =	vld [tilespmem:s31+$0xFFFFFEB0]  }
0x109: {  	v63 =	vld [tilespmem:s31+$0xFFFFFEC0]  }
0x10a: {  	v0 =	vld [tilespmem:s31+$0xFFFFFED0]  }
0x10b: {  	v3 =	vld [tilespmem:s31+$0xFFFFFEE0]  }
0x10c: {  	v34 =	vld [tilespmem:s31+$0xFFFFFEF0]  }
0x10d: {  	v18 =	vld [tilespmem:s31+$0xFFFFFF00]  }
0x10e: {  	v19 =	vld [tilespmem:s31+$0xFFFFFF10]  }
0x10f: {  	v20 =	vld [tilespmem:s31+$0xFFFFFF20]  }
0x110: {  	v21 =	vld [tilespmem:s31+$0xFFFFFF30]  }
0x111: {  	v22 =	vld [tilespmem:s31+$0xFFFFFF40]  }
0x112: {  	v23 =	vld [tilespmem:s31+$0xFFFFFF50]  }
0x113: {  	v24 =	vld [tilespmem:s31+$0xFFFFFF60]  }
0x114: {  	v25 =	vld [tilespmem:s31+$0xFFFFFF70]  }
0x115: {  	v26 =	vld [tilespmem:s31+$0xFFFFFF80]  }
0x116: {  	v27 =	vld [tilespmem:s31+$0xFFFFFF90]  }
0x117: {  	v11 =	vld [tilespmem:s31+$0xFFFFFFA0]  }
0x118: {  	v29 =	vld [tilespmem:s31+$0xFFFFFFB0]  }
0x119: {  	v30 =	vld [tilespmem:s31+$0xFFFFFFC0]  }
0x11a: {  	v16 =	vld [tilespmem:s31+$0xFFFFFFD0]  }
0x11b: {  	v13 =	vld [tilespmem:s31+$0xFFFFFFE0]  }
0x11c: {  	v15 =	vld [tilespmem:s31+$0xFFFFFFF0]  }
0x11d: {  	v14 =	vld [tilespmem:s31+$0x0]  }
0x11e: {  	v17 =	vld [tilespmem:s31+$0xFFFFFC10]  }
0x11f: {  	v36 =	vld [tilespmem:s31+$0xFFFFFC20]  }
0x120: {  	v37 =	vld [tilespmem:s31+$0xFFFFFC30]  }
0x121: {  	v38 =	vld [tilespmem:s31+$0xFFFFFC40]  }
0x122: {  	v39 =	vld [tilespmem:s31+$0xFFFFFC50]  }
0x123: {  	v40 =	vld [tilespmem:s31+$0xFFFFFC60]  }
0x124: {  	v41 =	vld [tilespmem:s31+$0xFFFFFC70]  }
0x125: {  	v42 =	vld [tilespmem:s31+$0xFFFFFC80]  }
0x126: {  	v43 =	vld [tilespmem:s31+$0xFFFFFC90]  }
0x127: {  	v44 =	vld [tilespmem:s31+$0xFFFFFCA0]  }
0x128: {  	v45 =	vld [tilespmem:s31+$0xFFFFFCB0]  }
0x129: {  	v46 =	vld [tilespmem:s31+$0xFFFFFCC0]  }
0x12a: {  	v47 =	vld [tilespmem:s31+$0xFFFFFCD0]  }
0x12b: {  	v48 =	vld [tilespmem:s31+$0xFFFFFCE0]  }
0x12c: {  	v49 =	vld [tilespmem:s31+$0xFFFFFCF0]  }
0x12d: {  	v50 =	vld [tilespmem:s31+$0xFFFFFD00]  }
0x12e: {  	v51 =	vld [tilespmem:s31+$0xFFFFFD10]  }
0x12f: {  	v52 =	vld [tilespmem:s31+$0xFFFFFD20]  }
0x130: {  	v53 =	vld [tilespmem:s31+$0xFFFFFD30]  }
0x131: {  	v54 =	vld [tilespmem:s31+$0xFFFFFD40]  }
0x132: {  	v55 =	vld [tilespmem:s31+$0xFFFFFD50]  }
0x133: {  	v56 =	vld [tilespmem:s31+$0xFFFFFD60]  }
0x134: {  	v57 =	vld [tilespmem:s31+$0xFFFFFD70]  }
0x135: {  	v7 =	vimm.f32 $-Inf;
	v58 =	vld [tilespmem:s31+$0xFFFFFD80]  }
0x136: {  	v59 =	vld [tilespmem:s31+$0xFFFFFD90];
	[tilespmem:$0x1FFB0] =	vst v7;
	v35 =	vmax.f32 v28, v1  }
0x137: {  	v60 =	vld [tilespmem:s31+$0xFFFFFDA0];
	v31 =	vmax.f32 v61, v2;
	v33 =	vmax.f32 v32, v8;
	v32 =	vmax.f32 v9, v10  }
0x138: {  	v28 =	vld [tilespmem:s31+$0xFFFFFDB0];
	v61 =	vmax.f32 v6, v12;
	v62 =	vmax.f32 v62, v63;
	v63 =	vmax.f32 v0, v3  }
0x139: {  	v8 =	vld [tilespmem:s31+$0xFFFFFDC0];
	v34 =	vmax.f32 v34, v18;
	v6 =	vmax.f32 v19, v20;
	v3 =	vmax.f32 v21, v22  }
0x13a: {  	v2 =	vld [tilespmem:s31+$0xFFFFFDD0];
	v9 =	vmax.f32 v23, v24;
	v10 =	vmax.f32 v25, v26;
	v11 =	vmax.f32 v27, v11  }
0x13b: {  	v1 =	vld [tilespmem:s31+$0xFFFFFDE0];
	v12 =	vmax.f32 v29, v30;
	v13 =	vmax.f32 v16, v13;
	v15 =	vmax.f32 v15, v14  }
0x13c: {  	v0 =	vld [tilespmem:s31+$0xFFFFFDF0];
	v14 =	vmax.f32 v17, v36;
	v16 =	vmax.f32 v37, v38;
	v17 =	vmax.f32 v39, v40  }
0x13d: {  	v30 =	vld [tilespmem:s31+$0xFFFFFE00];
	v18 =	vmax.f32 v41, v42;
	v19 =	vmax.f32 v43, v44;
	v21 =	vmax.f32 v45, v46  }
0x13e: {  	v20 =	vmax.f32 v47, v48;
	v22 =	vmax.f32 v49, v50;
	v23 =	vmax.f32 v51, v52  }
0x13f: {  	v24 =	vmax.f32 v53, v54;
	v25 =	vmax.f32 v55, v56;
	v27 =	vmax.f32 v57, v58  }
0x140: {  	v26 =	vmax.f32 v59, v60;
	v31 =	vmax.f32 v35, v31;
	v32 =	vmax.f32 v33, v32  }
0x141: {  	v33 =	vmax.f32 v61, v62;
	v34 =	vmax.f32 v63, v34;
	v35 =	vmax.f32 v6, v3  }
0x142: {  	s0 =	simm.s32 $0xE;
	s1 =	simm.s32 $0x10;
	s31 =	sadd.s32 $0x400, s31;
	v28 =	vmax.f32 v28, v8;
	v29 =	vmax.f32 v2, v1;
	v30 =	vmax.f32 v0, v30  }
.LBB2_6:
0x143: {  	v62 =	vld [tilespmem:s31+$0xFFFFFE10]  }
0x144: {  	v61 =	vld [tilespmem:s31+$0xFFFFFE20]  }
0x145: {  	v0 =	vmax.f32 v9, v10;
	v10 =	vld [tilespmem:s31+$0xFFFFFE30]  }
0x146: {  	v1 =	vmax.f32 v11, v12;
	v11 =	vld [tilespmem:s31+$0xFFFFFE40]  }
0x147: {  	v12 =	vld [tilespmem:s31+$0xFFFFFE50]  }
0x148: {  	v63 =	vld [tilespmem:s31+$0xFFFFFE60]  }
0x149: {  	v2 =	vmax.f32 v13, v15;
	v15 =	vmax.f32 v20, v22;
	v20 =	vmax.f32 v31, v32;
	v32 =	vld [tilespmem:s31+$0xFFFFFE70]  }
0x14a: {  	v9 =	vld [tilespmem:s31+$0xFFFFFED0]  }
0x14b: {  	v8 =	vld [tilespmem:s31+$0xFFFFFEF0]  }
0x14c: {  	v22 =	vld [tilespmem:s31+$0xFFFFFF10]  }
0x14d: {  	v3 =	vmax.f32 v14, v16;
	v16 =	vmax.f32 v23, v24;
	v23 =	vld [tilespmem:s31+$0xFFFFFF20]  }
0x14e: {  	v7 =	vld [tilespmem:$0x1FFB0]  }
0x14f: {  	v24 =	vld [tilespmem:s31+$0xFFFFFF60]  }
0x150: {  	v6 =	vmax.f32 v17, v18;
	v17 =	vmax.f32 v25, v27;
	v25 =	vld [tilespmem:s31+$0xFFFFFF70]  }
0x151: {  	v18 =	vmax.f32 v26, v28;
	v26 =	vld [tilespmem:s31+$0xFFFFFF80]  }
0x152: {  	v27 =	vld [tilespmem:s31+$0xFFFFFF90]  }
0x153: {  	v28 =	vld [tilespmem:s31+$0xFFFFFFA0]  }
0x154: {  	v14 =	vmax.f32 v19, v21;
	v19 =	vmax.f32 v29, v30;
	v29 =	vld [tilespmem:s31+$0xFFFFFFB0]  }
0x155: {  	v30 =	vld [tilespmem:s31+$0xFFFFFFC0]  }
0x156: {  	v36 =	vld [tilespmem:s31+$0xFFFFFC20]  }
0x157: {  	v37 =	vld [tilespmem:s31+$0xFFFFFC30]  }
0x158: {  	v38 =	vld [tilespmem:s31+$0xFFFFFC40]  }
0x159: {  	v39 =	vld [tilespmem:s31+$0xFFFFFC50]  }
0x15a: {  	v40 =	vld [tilespmem:s31+$0xFFFFFC60]  }
0x15b: {  	v41 =	vld [tilespmem:s31+$0xFFFFFC70]  }
0x15c: {  	v42 =	vld [tilespmem:s31+$0xFFFFFC80]  }
0x15d: {  	v43 =	vld [tilespmem:s31+$0xFFFFFC90]  }
0x15e: {  	v44 =	vld [tilespmem:s31+$0xFFFFFCA0]  }
0x15f: {  	v45 =	vld [tilespmem:s31+$0xFFFFFCB0]  }
0x160: {  	v46 =	vld [tilespmem:s31+$0xFFFFFCC0]  }
0x161: {  	v47 =	vld [tilespmem:s31+$0xFFFFFCD0]  }
0x162: {  	v48 =	vld [tilespmem:s31+$0xFFFFFCE0]  }
0x163: {  	v49 =	vld [tilespmem:s31+$0xFFFFFCF0]  }
0x164: {  	v50 =	vld [tilespmem:s31+$0xFFFFFD00]  }
0x165: {  	v51 =	vld [tilespmem:s31+$0xFFFFFD10]  }
0x166: {  	v52 =	vld [tilespmem:s31+$0xFFFFFD20]  }
0x167: {  	v53 =	vld [tilespmem:s31+$0xFFFFFD30]  }
0x168: {  	v54 =	vld [tilespmem:s31+$0xFFFFFD40]  }
0x169: {  	v55 =	vld [tilespmem:s31+$0xFFFFFD50]  }
0x16a: {  	v56 =	vld [tilespmem:s31+$0xFFFFFD60]  }
0x16b: {  	v57 =	vld [tilespmem:s31+$0xFFFFFD70]  }
0x16c: {  	v58 =	vld [tilespmem:s31+$0xFFFFFD80]  }
0x16d: {  	v59 =	vld [tilespmem:s31+$0xFFFFFD90]  }
0x16e: {  	v60 =	vld [tilespmem:s31+$0xFFFFFDA0]  }
0x16f: {  	v1 =	vmax.f32 v1, v2;
	v2 =	vld [tilespmem:s31+$0xFFFFFE80]  }
0x170: {  	v3 =	vmax.f32 v3, v6;
	v6 =	vmax.f32 v33, v34;
	v34 =	vld [tilespmem:s31+$0xFFFFFEE0]  }
0x171: {  	v16 =	vmax.f32 v16, v17;
	v17 =	vmax.f32 v18, v19;
	v19 =	vld [tilespmem:s31+$0xFFFFFF00]  }
0x172: {  	v0 =	vmax.f32 v35, v0;
	v15 =	vmax.f32 v14, v15;
	v14 =	vld [tilespmem:s31+$0xFFFFFC10]  }
0x173: {  	v0 =	vmax.f32 v0, v1;
	v1 =	vld [tilespmem:s31+$0xFFFFFE90]  }
0x174: {  	v3 =	vmax.f32 v3, v15;
	v15 =	vmax.f32 v16, v17;
	v17 =	vld [tilespmem:s31+$0xFFFFFFD0]  }
0x175: {  	v6 =	vmax.f32 v20, v6;
	v16 =	vld [tilespmem:s31+$0x0];
	v3 =	vmax.f32 v3, v15  }
0x176: {  	v0 =	vmax.f32 v6, v0;
	v6 =	vld [tilespmem:s31+$0xFFFFFEC0];
	(xrf0) =	vmax.scan.msk.f32 $0xffff, v3  }
0x177: {  	v3 =	vld [tilespmem:s31+$0xFFFFFEA0]  }
0x178: {  	s22 =	sadd.s32 $0xFFFFFFF2, s0;
	(xrf0) =	vmax.scan.msk.f32 $0xffff, v0;
	v0 =	vld [tilespmem:s31+$0xFFFFFEB0]  }
0x179: {  	v13 =	vlaneseq.u32;
	v20 =	vmov s22;
	v15 =	vld [tilespmem:s31+$0xFFFFFFF0]  }
0x17a: {  	vm15 =	veq.s32 v20, v13;
	v31 =	vmax.f32 v62, v61;
	v61 =	vld [tilespmem:s31+$0xFFFFFDB0]  }
0x17b: {  	v62 =	vmax.f32 v10, v11;
	v63 =	vmax.f32 v12, v63;
	v12 =	vmax.f32 v29, v30;
	v30 =	vld [tilespmem:s31+$0xFFFFFE00]  }
0x17c: {  	v10 =	vmax.f32 v25, v26;
	v11 =	vmax.f32 v27, v28;
	v35 =	vmax.f32 v1, v3;
	v1 =	vld [tilespmem:s31+$0xFFFFFDE0];
	v18, _, _ =	vpop (xrf0)  }
0x17d: {  	v25 =	vmax.f32 v55, v56;
	v33 =	vmax.f32 v0, v6;
	v6 =	vld [tilespmem:s31+$0xFFFFFDD0];
	v18 =	vbroadcast v18, $0xF  }
0x17e: {  	s23 =	sadd.s32 $0xFFFFFFF3, s0;
	v27 =	vmax.f32 v57, v58;
	v26 =	vmax.f32 v59, v60;
	v32 =	vmax.f32 v32, v2;
	v0 =	vld [tilespmem:s31+$0xFFFFFDF0];
	v21, _, _ =	vpop (xrf0)  }
0x17f: {  	v20 =	vbroadcast v21, $0xF;
	v21 =	vmov s23;
	v7 =	vsel vm15, v18, v7;
	v18 =	vld [tilespmem:s31+$0xFFFFFF30]  }
0x180: {  	v34 =	vmax.f32 v9, v34;
	v8 =	vmax.f32 v8, v19;
	vm15 =	veq.s32 v21, v13;
	v21 =	vld [tilespmem:s31+$0xFFFFFF50]  }
0x181: {  	v14 =	vmax.f32 v14, v36;
	v19 =	vmax.f32 v43, v44;
	v31 =	vmax.f32 v31, v62;
	v13 =	vld [tilespmem:s31+$0xFFFFFFE0]  }
0x182: {  	s0 =	smov.u32 s1;
	s1 =	sadd.s32 $0x2, s1;
	v32 =	vmax.f32 v63, v32;
	v34 =	vmax.f32 v34, v8;
	v7 =	vsel vm15, v20, v7;
	v20 =	vld [tilespmem:s31+$0xFFFFFF40]  }
0x183: {  	p1 =	slt.u32 s1, $0x1E;
	v15 =	vmax.f32 v15, v16;
	v16 =	vmax.f32 v37, v38;
	v3 =	vmax.f32 v22, v23;
	[tilespmem:$0x1FFB0] =	vst v7;
	v7 =	vld [tilespmem:s31+$0xFFFFFDC0]  }
.Ltmp5:
0x184: {  	v22 =	vmax.f32 v49, v50;
	v23 =	vmax.f32 v51, v52;
	v33 =	vmax.f32 v35, v33;
	(pc) =	sbr.rel @p1 .LBB2_6-.Ltmp5, $4  }
0x185: {  	v29 =	vmax.f32 v6, v1;
	v30 =	vmax.f32 v0, v30;
	v9 =	vmax.f32 v21, v24  }
0x186: {  	v13 =	vmax.f32 v17, v13;
	v17 =	vmax.f32 v39, v40;
	v21 =	vmax.f32 v45, v46  }
0x187: {  	v24 =	vmax.f32 v53, v54;
	v2 =	vmax.f32 v18, v20;
	v18 =	vmax.f32 v41, v42  }
0x188: {  	s31 =	sadd.s32 $0x400, s31;
	v20 =	vmax.f32 v47, v48;
	v28 =	vmax.f32 v61, v7;
	v35 =	vmax.f32 v3, v2  }
0x189: {  	v0 =	vmax.f32 v9, v10;
	v1 =	vmax.f32 v11, v12;
	v2 =	vmax.f32 v13, v15  }
0x18a: {  	v3 =	vmax.f32 v14, v16;
	v6 =	vmax.f32 v17, v18;
	v7 =	vmax.f32 v19, v21  }
0x18b: {  	v8 =	vmax.f32 v20, v22;
	v9 =	vmax.f32 v23, v24;
	v10 =	vmax.f32 v25, v27  }
0x18c: {  	v11 =	vmax.f32 v26, v28;
	v12 =	vmax.f32 v29, v30;
	v13 =	vmax.f32 v31, v32  }
0x18d: {  	v3 =	vmax.f32 v3, v6;
	v6 =	vmax.f32 v33, v34;
	v0 =	vmax.f32 v35, v0  }
0x18e: {  	v7 =	vmax.f32 v7, v8;
	v8 =	vmax.f32 v9, v10;
	v9 =	vmax.f32 v11, v12  }
0x18f: {  	v1 =	vmax.f32 v1, v2;
	v3 =	vmax.f32 v3, v7;
	v7 =	vmax.f32 v8, v9  }
0x190: {  	v0 =	vmax.f32 v0, v1;
	v58 =	vmax.f32 v3, v7;
	v3 =	vmax.f32 v13, v6  }
0x191: {  	v0 =	vmax.f32 v3, v0;
	(xrf0) =	vmax.scan.msk.f32 $0xffff, v58  }
0x192: {  	(xrf0) =	vmax.scan.msk.f32 $0xffff, v0;
	_ =	sdelay $0x2  }
0x193: {  	v6 =	vld [tilespmem:$0x1FFB0];
	_ =	sdelay $0x1  }
0x194: {  	s1 =	sadd.s32 $0xFFFFFFF2, s0;
	v59, _, _ =	vpop (xrf0)  }
0x195: {  	s31 =	sadd.s32 $0xFFFFFFF3, s0;
	v60 =	vmov s1;
	v3 =	vlaneseq.u32;
	v0 =	vbroadcast v59, $0xF;
	v61, _, _ =	vpop (xrf0)  }
0x196: {  	v63 =	vmov s31;
	vm15 =	veq.s32 v60, v3;
	v62 =	vbroadcast v61, $0xF  }
0x197: {  	v0 =	vsel vm15, v0, v6;
	vm15 =	veq.s32 v63, v3  }
0x198: {  	v0 =	vsel vm15, v62, v0  }
0x199: {  	[tilespmem:$0x10010] =	vst v0  }
0x19a: {  	v28 =	vld [tilespmem:s30+$0xFFFFFE10]  }
0x19b: {  	v1 =	vld [tilespmem:s30+$0xFFFFFE20]  }
0x19c: {  	v61 =	vld [tilespmem:s30+$0xFFFFFE30]  }
0x19d: {  	v2 =	vld [tilespmem:s30+$0xFFFFFE40]  }
0x19e: {  	v32 =	vld [tilespmem:s30+$0xFFFFFE50]  }
0x19f: {  	v8 =	vld [tilespmem:s30+$0xFFFFFE60]  }
0x1a0: {  	v9 =	vld [tilespmem:s30+$0xFFFFFE70]  }
0x1a1: {  	v10 =	vld [tilespmem:s30+$0xFFFFFE80]  }
0x1a2: {  	v6 =	vld [tilespmem:s30+$0xFFFFFE90]  }
0x1a3: {  	v12 =	vld [tilespmem:s30+$0xFFFFFEA0]  }
0x1a4: {  	v62 =	vld [tilespmem:s30+$0xFFFFFEB0]  }
0x1a5: {  	v63 =	vld [tilespmem:s30+$0xFFFFFEC0]  }
0x1a6: {  	v0 =	vld [tilespmem:s30+$0xFFFFFED0]  }
0x1a7: {  	v3 =	vld [tilespmem:s30+$0xFFFFFEE0]  }
0x1a8: {  	v34 =	vld [tilespmem:s30+$0xFFFFFEF0]  }
0x1a9: {  	v18 =	vld [tilespmem:s30+$0xFFFFFF00]  }
0x1aa: {  	v19 =	vld [tilespmem:s30+$0xFFFFFF10]  }
0x1ab: {  	v20 =	vld [tilespmem:s30+$0xFFFFFF20]  }
0x1ac: {  	v21 =	vld [tilespmem:s30+$0xFFFFFF30]  }
0x1ad: {  	v22 =	vld [tilespmem:s30+$0xFFFFFF40]  }
0x1ae: {  	v23 =	vld [tilespmem:s30+$0xFFFFFF50]  }
0x1af: {  	v24 =	vld [tilespmem:s30+$0xFFFFFF60]  }
0x1b0: {  	v25 =	vld [tilespmem:s30+$0xFFFFFF70]  }
0x1b1: {  	v26 =	vld [tilespmem:s30+$0xFFFFFF80]  }
0x1b2: {  	v27 =	vld [tilespmem:s30+$0xFFFFFF90]  }
0x1b3: {  	v11 =	vld [tilespmem:s30+$0xFFFFFFA0]  }
0x1b4: {  	v29 =	vld [tilespmem:s30+$0xFFFFFFB0]  }
0x1b5: {  	v30 =	vld [tilespmem:s30+$0xFFFFFFC0]  }
0x1b6: {  	v16 =	vld [tilespmem:s30+$0xFFFFFFD0]  }
0x1b7: {  	v13 =	vld [tilespmem:s30+$0xFFFFFFE0]  }
0x1b8: {  	v15 =	vld [tilespmem:s30+$0xFFFFFFF0]  }
0x1b9: {  	v14 =	vld [tilespmem:s30+$0x0]  }
0x1ba: {  	v17 =	vld [tilespmem:s30+$0xFFFFFC10]  }
0x1bb: {  	v36 =	vld [tilespmem:s30+$0xFFFFFC20]  }
0x1bc: {  	v37 =	vld [tilespmem:s30+$0xFFFFFC30]  }
0x1bd: {  	v38 =	vld [tilespmem:s30+$0xFFFFFC40]  }
0x1be: {  	v39 =	vld [tilespmem:s30+$0xFFFFFC50]  }
0x1bf: {  	v40 =	vld [tilespmem:s30+$0xFFFFFC60]  }
0x1c0: {  	v41 =	vld [tilespmem:s30+$0xFFFFFC70]  }
0x1c1: {  	v42 =	vld [tilespmem:s30+$0xFFFFFC80]  }
0x1c2: {  	v43 =	vld [tilespmem:s30+$0xFFFFFC90]  }
0x1c3: {  	v44 =	vld [tilespmem:s30+$0xFFFFFCA0]  }
0x1c4: {  	v45 =	vld [tilespmem:s30+$0xFFFFFCB0]  }
0x1c5: {  	v46 =	vld [tilespmem:s30+$0xFFFFFCC0]  }
0x1c6: {  	v47 =	vld [tilespmem:s30+$0xFFFFFCD0]  }
0x1c7: {  	v48 =	vld [tilespmem:s30+$0xFFFFFCE0]  }
0x1c8: {  	v49 =	vld [tilespmem:s30+$0xFFFFFCF0]  }
0x1c9: {  	v50 =	vld [tilespmem:s30+$0xFFFFFD00]  }
0x1ca: {  	v51 =	vld [tilespmem:s30+$0xFFFFFD10]  }
0x1cb: {  	v52 =	vld [tilespmem:s30+$0xFFFFFD20]  }
0x1cc: {  	v53 =	vld [tilespmem:s30+$0xFFFFFD30]  }
0x1cd: {  	v54 =	vld [tilespmem:s30+$0xFFFFFD40]  }
0x1ce: {  	v55 =	vld [tilespmem:s30+$0xFFFFFD50]  }
0x1cf: {  	v56 =	vld [tilespmem:s30+$0xFFFFFD60]  }
0x1d0: {  	v57 =	vld [tilespmem:s30+$0xFFFFFD70]  }
0x1d1: {  	v7 =	vimm.f32 $-Inf;
	v58 =	vld [tilespmem:s30+$0xFFFFFD80]  }
0x1d2: {  	v59 =	vld [tilespmem:s30+$0xFFFFFD90];
	[tilespmem:$0x1FFA0] =	vst v7;
	v35 =	vmax.f32 v28, v1  }
0x1d3: {  	v60 =	vld [tilespmem:s30+$0xFFFFFDA0];
	v31 =	vmax.f32 v61, v2;
	v33 =	vmax.f32 v32, v8;
	v32 =	vmax.f32 v9, v10  }
0x1d4: {  	v28 =	vld [tilespmem:s30+$0xFFFFFDB0];
	v61 =	vmax.f32 v6, v12;
	v62 =	vmax.f32 v62, v63;
	v63 =	vmax.f32 v0, v3  }
0x1d5: {  	v8 =	vld [tilespmem:s30+$0xFFFFFDC0];
	v34 =	vmax.f32 v34, v18;
	v6 =	vmax.f32 v19, v20;
	v3 =	vmax.f32 v21, v22  }
0x1d6: {  	v2 =	vld [tilespmem:s30+$0xFFFFFDD0];
	v9 =	vmax.f32 v23, v24;
	v10 =	vmax.f32 v25, v26;
	v11 =	vmax.f32 v27, v11  }
0x1d7: {  	v1 =	vld [tilespmem:s30+$0xFFFFFDE0];
	v12 =	vmax.f32 v29, v30;
	v13 =	vmax.f32 v16, v13;
	v15 =	vmax.f32 v15, v14  }
0x1d8: {  	v0 =	vld [tilespmem:s30+$0xFFFFFDF0];
	v14 =	vmax.f32 v17, v36;
	v16 =	vmax.f32 v37, v38;
	v17 =	vmax.f32 v39, v40  }
0x1d9: {  	v30 =	vld [tilespmem:s30+$0xFFFFFE00];
	v18 =	vmax.f32 v41, v42;
	v19 =	vmax.f32 v43, v44;
	v21 =	vmax.f32 v45, v46  }
0x1da: {  	v20 =	vmax.f32 v47, v48;
	v22 =	vmax.f32 v49, v50;
	v23 =	vmax.f32 v51, v52  }
0x1db: {  	v24 =	vmax.f32 v53, v54;
	v25 =	vmax.f32 v55, v56;
	v27 =	vmax.f32 v57, v58  }
0x1dc: {  	v26 =	vmax.f32 v59, v60;
	v31 =	vmax.f32 v35, v31;
	v32 =	vmax.f32 v33, v32  }
0x1dd: {  	v33 =	vmax.f32 v61, v62;
	v34 =	vmax.f32 v63, v34;
	v35 =	vmax.f32 v6, v3  }
0x1de: {  	s0 =	simm.s32 $0x1E;
	s1 =	simm.s32 $0x20;
	s30 =	sadd.s32 $0x400, s30;
	v28 =	vmax.f32 v28, v8;
	v29 =	vmax.f32 v2, v1;
	v30 =	vmax.f32 v0, v30  }
.LBB2_8:
0x1df: {  	v62 =	vld [tilespmem:s30+$0xFFFFFE10]  }
0x1e0: {  	v61 =	vld [tilespmem:s30+$0xFFFFFE20]  }
0x1e1: {  	v0 =	vmax.f32 v9, v10;
	v10 =	vld [tilespmem:s30+$0xFFFFFE30]  }
0x1e2: {  	v1 =	vmax.f32 v11, v12;
	v11 =	vld [tilespmem:s30+$0xFFFFFE40]  }
0x1e3: {  	v12 =	vld [tilespmem:s30+$0xFFFFFE50]  }
0x1e4: {  	v63 =	vld [tilespmem:s30+$0xFFFFFE60]  }
0x1e5: {  	v2 =	vmax.f32 v13, v15;
	v15 =	vmax.f32 v20, v22;
	v20 =	vmax.f32 v31, v32;
	v32 =	vld [tilespmem:s30+$0xFFFFFE70]  }
0x1e6: {  	v9 =	vld [tilespmem:s30+$0xFFFFFED0]  }
0x1e7: {  	v8 =	vld [tilespmem:s30+$0xFFFFFEF0]  }
0x1e8: {  	v22 =	vld [tilespmem:s30+$0xFFFFFF10]  }
0x1e9: {  	v3 =	vmax.f32 v14, v16;
	v16 =	vmax.f32 v23, v24;
	v23 =	vld [tilespmem:s30+$0xFFFFFF20]  }
0x1ea: {  	v7 =	vld [tilespmem:$0x1FFA0]  }
0x1eb: {  	v24 =	vld [tilespmem:s30+$0xFFFFFF60]  }
0x1ec: {  	v6 =	vmax.f32 v17, v18;
	v17 =	vmax.f32 v25, v27;
	v25 =	vld [tilespmem:s30+$0xFFFFFF70]  }
0x1ed: {  	v18 =	vmax.f32 v26, v28;
	v26 =	vld [tilespmem:s30+$0xFFFFFF80]  }
0x1ee: {  	v27 =	vld [tilespmem:s30+$0xFFFFFF90]  }
0x1ef: {  	v28 =	vld [tilespmem:s30+$0xFFFFFFA0]  }
0x1f0: {  	v14 =	vmax.f32 v19, v21;
	v19 =	vmax.f32 v29, v30;
	v29 =	vld [tilespmem:s30+$0xFFFFFFB0]  }
0x1f1: {  	v30 =	vld [tilespmem:s30+$0xFFFFFFC0]  }
0x1f2: {  	v36 =	vld [tilespmem:s30+$0xFFFFFC20]  }
0x1f3: {  	v37 =	vld [tilespmem:s30+$0xFFFFFC30]  }
0x1f4: {  	v38 =	vld [tilespmem:s30+$0xFFFFFC40]  }
0x1f5: {  	v39 =	vld [tilespmem:s30+$0xFFFFFC50]  }
0x1f6: {  	v40 =	vld [tilespmem:s30+$0xFFFFFC60]  }
0x1f7: {  	v41 =	vld [tilespmem:s30+$0xFFFFFC70]  }
0x1f8: {  	v42 =	vld [tilespmem:s30+$0xFFFFFC80]  }
0x1f9: {  	v43 =	vld [tilespmem:s30+$0xFFFFFC90]  }
0x1fa: {  	v44 =	vld [tilespmem:s30+$0xFFFFFCA0]  }
0x1fb: {  	v45 =	vld [tilespmem:s30+$0xFFFFFCB0]  }
0x1fc: {  	v46 =	vld [tilespmem:s30+$0xFFFFFCC0]  }
0x1fd: {  	v47 =	vld [tilespmem:s30+$0xFFFFFCD0]  }
0x1fe: {  	v48 =	vld [tilespmem:s30+$0xFFFFFCE0]  }
0x1ff: {  	v49 =	vld [tilespmem:s30+$0xFFFFFCF0]  }
0x200: {  	v50 =	vld [tilespmem:s30+$0xFFFFFD00]  }
0x201: {  	v51 =	vld [tilespmem:s30+$0xFFFFFD10]  }
0x202: {  	v52 =	vld [tilespmem:s30+$0xFFFFFD20]  }
0x203: {  	v53 =	vld [tilespmem:s30+$0xFFFFFD30]  }
0x204: {  	v54 =	vld [tilespmem:s30+$0xFFFFFD40]  }
0x205: {  	v55 =	vld [tilespmem:s30+$0xFFFFFD50]  }
0x206: {  	v56 =	vld [tilespmem:s30+$0xFFFFFD60]  }
0x207: {  	v57 =	vld [tilespmem:s30+$0xFFFFFD70]  }
0x208: {  	v58 =	vld [tilespmem:s30+$0xFFFFFD80]  }
0x209: {  	v59 =	vld [tilespmem:s30+$0xFFFFFD90]  }
0x20a: {  	v60 =	vld [tilespmem:s30+$0xFFFFFDA0]  }
0x20b: {  	v1 =	vmax.f32 v1, v2;
	v2 =	vld [tilespmem:s30+$0xFFFFFE80]  }
0x20c: {  	v3 =	vmax.f32 v3, v6;
	v6 =	vmax.f32 v33, v34;
	v34 =	vld [tilespmem:s30+$0xFFFFFEE0]  }
0x20d: {  	v16 =	vmax.f32 v16, v17;
	v17 =	vmax.f32 v18, v19;
	v19 =	vld [tilespmem:s30+$0xFFFFFF00]  }
0x20e: {  	v0 =	vmax.f32 v35, v0;
	v15 =	vmax.f32 v14, v15;
	v14 =	vld [tilespmem:s30+$0xFFFFFC10]  }
0x20f: {  	v0 =	vmax.f32 v0, v1;
	v1 =	vld [tilespmem:s30+$0xFFFFFE90]  }
0x210: {  	v3 =	vmax.f32 v3, v15;
	v15 =	vmax.f32 v16, v17;
	v17 =	vld [tilespmem:s30+$0xFFFFFFD0]  }
0x211: {  	v6 =	vmax.f32 v20, v6;
	v16 =	vld [tilespmem:s30+$0x0];
	v3 =	vmax.f32 v3, v15  }
0x212: {  	v0 =	vmax.f32 v6, v0;
	v6 =	vld [tilespmem:s30+$0xFFFFFEC0];
	(xrf0) =	vmax.scan.msk.f32 $0xffff, v3  }
0x213: {  	v3 =	vld [tilespmem:s30+$0xFFFFFEA0]  }
0x214: {  	s22 =	sadd.s32 $0xFFFFFFE2, s0;
	(xrf0) =	vmax.scan.msk.f32 $0xffff, v0;
	v0 =	vld [tilespmem:s30+$0xFFFFFEB0]  }
0x215: {  	v13 =	vlaneseq.u32;
	v20 =	vmov s22;
	v15 =	vld [tilespmem:s30+$0xFFFFFFF0]  }
0x216: {  	vm15 =	veq.s32 v20, v13;
	v31 =	vmax.f32 v62, v61;
	v61 =	vld [tilespmem:s30+$0xFFFFFDB0]  }
0x217: {  	v62 =	vmax.f32 v10, v11;
	v63 =	vmax.f32 v12, v63;
	v12 =	vmax.f32 v29, v30;
	v30 =	vld [tilespmem:s30+$0xFFFFFE00]  }
0x218: {  	v10 =	vmax.f32 v25, v26;
	v11 =	vmax.f32 v27, v28;
	v35 =	vmax.f32 v1, v3;
	v1 =	vld [tilespmem:s30+$0xFFFFFDE0];
	v18, _, _ =	vpop (xrf0)  }
0x219: {  	v25 =	vmax.f32 v55, v56;
	v33 =	vmax.f32 v0, v6;
	v6 =	vld [tilespmem:s30+$0xFFFFFDD0];
	v18 =	vbroadcast v18, $0xF  }
0x21a: {  	s31 =	sadd.s32 $0xFFFFFFE3, s0;
	v27 =	vmax.f32 v57, v58;
	v26 =	vmax.f32 v59, v60;
	v32 =	vmax.f32 v32, v2;
	v0 =	vld [tilespmem:s30+$0xFFFFFDF0];
	v21, _, _ =	vpop (xrf0)  }
0x21b: {  	v20 =	vbroadcast v21, $0xF;
	v21 =	vmov s31;
	v7 =	vsel vm15, v18, v7;
	v18 =	vld [tilespmem:s30+$0xFFFFFF30]  }
0x21c: {  	v34 =	vmax.f32 v9, v34;
	v8 =	vmax.f32 v8, v19;
	vm15 =	veq.s32 v21, v13;
	v21 =	vld [tilespmem:s30+$0xFFFFFF50]  }
0x21d: {  	v14 =	vmax.f32 v14, v36;
	v19 =	vmax.f32 v43, v44;
	v31 =	vmax.f32 v31, v62;
	v13 =	vld [tilespmem:s30+$0xFFFFFFE0]  }
0x21e: {  	s0 =	smov.u32 s1;
	s1 =	sadd.s32 $0x2, s1;
	v32 =	vmax.f32 v63, v32;
	v34 =	vmax.f32 v34, v8;
	v7 =	vsel vm15, v20, v7;
	v20 =	vld [tilespmem:s30+$0xFFFFFF40]  }
0x21f: {  	p1 =	slt.u32 s1, $0x2E;
	v15 =	vmax.f32 v15, v16;
	v16 =	vmax.f32 v37, v38;
	v3 =	vmax.f32 v22, v23;
	[tilespmem:$0x1FFA0] =	vst v7;
	v7 =	vld [tilespmem:s30+$0xFFFFFDC0]  }
.Ltmp6:
0x220: {  	v22 =	vmax.f32 v49, v50;
	v23 =	vmax.f32 v51, v52;
	v33 =	vmax.f32 v35, v33;
	(pc) =	sbr.rel @p1 .LBB2_8-.Ltmp6, $4  }
0x221: {  	v29 =	vmax.f32 v6, v1;
	v30 =	vmax.f32 v0, v30;
	v9 =	vmax.f32 v21, v24  }
0x222: {  	v13 =	vmax.f32 v17, v13;
	v17 =	vmax.f32 v39, v40;
	v21 =	vmax.f32 v45, v46  }
0x223: {  	v24 =	vmax.f32 v53, v54;
	v2 =	vmax.f32 v18, v20;
	v18 =	vmax.f32 v41, v42  }
0x224: {  	s30 =	sadd.s32 $0x400, s30;
	v20 =	vmax.f32 v47, v48;
	v28 =	vmax.f32 v61, v7;
	v35 =	vmax.f32 v3, v2  }
0x225: {  	v0 =	vmax.f32 v9, v10;
	v1 =	vmax.f32 v11, v12;
	v2 =	vmax.f32 v13, v15  }
0x226: {  	v3 =	vmax.f32 v14, v16;
	v6 =	vmax.f32 v17, v18;
	v7 =	vmax.f32 v19, v21  }
0x227: {  	v8 =	vmax.f32 v20, v22;
	v9 =	vmax.f32 v23, v24;
	v10 =	vmax.f32 v25, v27  }
0x228: {  	v11 =	vmax.f32 v26, v28;
	v12 =	vmax.f32 v29, v30;
	v13 =	vmax.f32 v31, v32  }
0x229: {  	v3 =	vmax.f32 v3, v6;
	v6 =	vmax.f32 v33, v34;
	v0 =	vmax.f32 v35, v0  }
0x22a: {  	v7 =	vmax.f32 v7, v8;
	v8 =	vmax.f32 v9, v10;
	v9 =	vmax.f32 v11, v12  }
0x22b: {  	v1 =	vmax.f32 v1, v2;
	v3 =	vmax.f32 v3, v7;
	v7 =	vmax.f32 v8, v9  }
0x22c: {  	v0 =	vmax.f32 v0, v1;
	v58 =	vmax.f32 v3, v7;
	v3 =	vmax.f32 v13, v6  }
0x22d: {  	v0 =	vmax.f32 v3, v0;
	(xrf0) =	vmax.scan.msk.f32 $0xffff, v58  }
0x22e: {  	(xrf0) =	vmax.scan.msk.f32 $0xffff, v0;
	_ =	sdelay $0x2  }
0x22f: {  	v6 =	vld [tilespmem:$0x1FFA0];
	_ =	sdelay $0x1  }
0x230: {  	s1 =	sadd.s32 $0xFFFFFFE2, s0;
	v59, _, _ =	vpop (xrf0)  }
0x231: {  	s31 =	sadd.s32 $0xFFFFFFE3, s0;
	v60 =	vmov s1;
	v3 =	vlaneseq.u32;
	v0 =	vbroadcast v59, $0xF;
	v61, _, _ =	vpop (xrf0)  }
0x232: {  	v63 =	vmov s31;
	vm15 =	veq.s32 v60, v3;
	v62 =	vbroadcast v61, $0xF  }
0x233: {  	v0 =	vsel vm15, v0, v6;
	vm15 =	veq.s32 v63, v3  }
0x234: {  	v0 =	vsel vm15, v62, v0  }
0x235: {  	[tilespmem:$0x10020] =	vst v0  }
0x236: {  	v28 =	vld [tilespmem:s29+$0xFFFFFE10]  }
0x237: {  	v1 =	vld [tilespmem:s29+$0xFFFFFE20]  }
0x238: {  	v61 =	vld [tilespmem:s29+$0xFFFFFE30]  }
0x239: {  	v2 =	vld [tilespmem:s29+$0xFFFFFE40]  }
0x23a: {  	v32 =	vld [tilespmem:s29+$0xFFFFFE50]  }
0x23b: {  	v8 =	vld [tilespmem:s29+$0xFFFFFE60]  }
0x23c: {  	v9 =	vld [tilespmem:s29+$0xFFFFFE70]  }
0x23d: {  	v10 =	vld [tilespmem:s29+$0xFFFFFE80]  }
0x23e: {  	v6 =	vld [tilespmem:s29+$0xFFFFFE90]  }
0x23f: {  	v12 =	vld [tilespmem:s29+$0xFFFFFEA0]  }
0x240: {  	v62 =	vld [tilespmem:s29+$0xFFFFFEB0]  }
0x241: {  	v63 =	vld [tilespmem:s29+$0xFFFFFEC0]  }
0x242: {  	v0 =	vld [tilespmem:s29+$0xFFFFFED0]  }
0x243: {  	v3 =	vld [tilespmem:s29+$0xFFFFFEE0]  }
0x244: {  	v34 =	vld [tilespmem:s29+$0xFFFFFEF0]  }
0x245: {  	v18 =	vld [tilespmem:s29+$0xFFFFFF00]  }
0x246: {  	v19 =	vld [tilespmem:s29+$0xFFFFFF10]  }
0x247: {  	v20 =	vld [tilespmem:s29+$0xFFFFFF20]  }
0x248: {  	v21 =	vld [tilespmem:s29+$0xFFFFFF30]  }
0x249: {  	v22 =	vld [tilespmem:s29+$0xFFFFFF40]  }
0x24a: {  	v23 =	vld [tilespmem:s29+$0xFFFFFF50]  }
0x24b: {  	v24 =	vld [tilespmem:s29+$0xFFFFFF60]  }
0x24c: {  	v25 =	vld [tilespmem:s29+$0xFFFFFF70]  }
0x24d: {  	v26 =	vld [tilespmem:s29+$0xFFFFFF80]  }
0x24e: {  	v27 =	vld [tilespmem:s29+$0xFFFFFF90]  }
0x24f: {  	v11 =	vld [tilespmem:s29+$0xFFFFFFA0]  }
0x250: {  	v29 =	vld [tilespmem:s29+$0xFFFFFFB0]  }
0x251: {  	v30 =	vld [tilespmem:s29+$0xFFFFFFC0]  }
0x252: {  	v16 =	vld [tilespmem:s29+$0xFFFFFFD0]  }
0x253: {  	v13 =	vld [tilespmem:s29+$0xFFFFFFE0]  }
0x254: {  	v15 =	vld [tilespmem:s29+$0xFFFFFFF0]  }
0x255: {  	v14 =	vld [tilespmem:s29+$0x0]  }
0x256: {  	v17 =	vld [tilespmem:s29+$0xFFFFFC10]  }
0x257: {  	v36 =	vld [tilespmem:s29+$0xFFFFFC20]  }
0x258: {  	v37 =	vld [tilespmem:s29+$0xFFFFFC30]  }
0x259: {  	v38 =	vld [tilespmem:s29+$0xFFFFFC40]  }
0x25a: {  	v39 =	vld [tilespmem:s29+$0xFFFFFC50]  }
0x25b: {  	v40 =	vld [tilespmem:s29+$0xFFFFFC60]  }
0x25c: {  	v41 =	vld [tilespmem:s29+$0xFFFFFC70]  }
0x25d: {  	v42 =	vld [tilespmem:s29+$0xFFFFFC80]  }
0x25e: {  	v43 =	vld [tilespmem:s29+$0xFFFFFC90]  }
0x25f: {  	v44 =	vld [tilespmem:s29+$0xFFFFFCA0]  }
0x260: {  	v45 =	vld [tilespmem:s29+$0xFFFFFCB0]  }
0x261: {  	v46 =	vld [tilespmem:s29+$0xFFFFFCC0]  }
0x262: {  	v47 =	vld [tilespmem:s29+$0xFFFFFCD0]  }
0x263: {  	v48 =	vld [tilespmem:s29+$0xFFFFFCE0]  }
0x264: {  	v49 =	vld [tilespmem:s29+$0xFFFFFCF0]  }
0x265: {  	v50 =	vld [tilespmem:s29+$0xFFFFFD00]  }
0x266: {  	v51 =	vld [tilespmem:s29+$0xFFFFFD10]  }
0x267: {  	v52 =	vld [tilespmem:s29+$0xFFFFFD20]  }
0x268: {  	v53 =	vld [tilespmem:s29+$0xFFFFFD30]  }
0x269: {  	v54 =	vld [tilespmem:s29+$0xFFFFFD40]  }
0x26a: {  	v55 =	vld [tilespmem:s29+$0xFFFFFD50]  }
0x26b: {  	v56 =	vld [tilespmem:s29+$0xFFFFFD60]  }
0x26c: {  	v57 =	vld [tilespmem:s29+$0xFFFFFD70]  }
0x26d: {  	v7 =	vimm.f32 $-Inf;
	v58 =	vld [tilespmem:s29+$0xFFFFFD80]  }
0x26e: {  	v59 =	vld [tilespmem:s29+$0xFFFFFD90];
	[tilespmem:$0x1FF90] =	vst v7;
	v35 =	vmax.f32 v28, v1  }
0x26f: {  	v60 =	vld [tilespmem:s29+$0xFFFFFDA0];
	v31 =	vmax.f32 v61, v2;
	v33 =	vmax.f32 v32, v8;
	v32 =	vmax.f32 v9, v10  }
0x270: {  	v28 =	vld [tilespmem:s29+$0xFFFFFDB0];
	v61 =	vmax.f32 v6, v12;
	v62 =	vmax.f32 v62, v63;
	v63 =	vmax.f32 v0, v3  }
0x271: {  	v8 =	vld [tilespmem:s29+$0xFFFFFDC0];
	v34 =	vmax.f32 v34, v18;
	v6 =	vmax.f32 v19, v20;
	v3 =	vmax.f32 v21, v22  }
0x272: {  	v2 =	vld [tilespmem:s29+$0xFFFFFDD0];
	v9 =	vmax.f32 v23, v24;
	v10 =	vmax.f32 v25, v26;
	v11 =	vmax.f32 v27, v11  }
0x273: {  	v1 =	vld [tilespmem:s29+$0xFFFFFDE0];
	v12 =	vmax.f32 v29, v30;
	v13 =	vmax.f32 v16, v13;
	v15 =	vmax.f32 v15, v14  }
0x274: {  	v0 =	vld [tilespmem:s29+$0xFFFFFDF0];
	v14 =	vmax.f32 v17, v36;
	v16 =	vmax.f32 v37, v38;
	v17 =	vmax.f32 v39, v40  }
0x275: {  	v30 =	vld [tilespmem:s29+$0xFFFFFE00];
	v18 =	vmax.f32 v41, v42;
	v19 =	vmax.f32 v43, v44;
	v21 =	vmax.f32 v45, v46  }
0x276: {  	v20 =	vmax.f32 v47, v48;
	v22 =	vmax.f32 v49, v50;
	v23 =	vmax.f32 v51, v52  }
0x277: {  	v24 =	vmax.f32 v53, v54;
	v25 =	vmax.f32 v55, v56;
	v27 =	vmax.f32 v57, v58  }
0x278: {  	v26 =	vmax.f32 v59, v60;
	v31 =	vmax.f32 v35, v31;
	v32 =	vmax.f32 v33, v32  }
0x279: {  	v33 =	vmax.f32 v61, v62;
	v34 =	vmax.f32 v63, v34;
	v35 =	vmax.f32 v6, v3  }
0x27a: {  	s30 =	simm.s32 $0x2E;
	s0 =	simm.s32 $0x30;
	s1 =	sadd.s32 $0x400, s29;
	v28 =	vmax.f32 v28, v8;
	v29 =	vmax.f32 v2, v1;
	v30 =	vmax.f32 v0, v30  }
.LBB2_10:
0x27b: {  	v62 =	vld [tilespmem:s1+$0xFFFFFE10]  }
0x27c: {  	v61 =	vld [tilespmem:s1+$0xFFFFFE20]  }
0x27d: {  	v0 =	vmax.f32 v9, v10;
	v10 =	vld [tilespmem:s1+$0xFFFFFE30]  }
0x27e: {  	v1 =	vmax.f32 v11, v12;
	v11 =	vld [tilespmem:s1+$0xFFFFFE40]  }
0x27f: {  	v12 =	vld [tilespmem:s1+$0xFFFFFE50]  }
0x280: {  	v63 =	vld [tilespmem:s1+$0xFFFFFE60]  }
0x281: {  	v2 =	vmax.f32 v13, v15;
	v15 =	vmax.f32 v20, v22;
	v20 =	vmax.f32 v31, v32;
	v32 =	vld [tilespmem:s1+$0xFFFFFE70]  }
0x282: {  	v9 =	vld [tilespmem:s1+$0xFFFFFED0]  }
0x283: {  	v8 =	vld [tilespmem:s1+$0xFFFFFEF0]  }
0x284: {  	v22 =	vld [tilespmem:s1+$0xFFFFFF10]  }
0x285: {  	v3 =	vmax.f32 v14, v16;
	v16 =	vmax.f32 v23, v24;
	v23 =	vld [tilespmem:s1+$0xFFFFFF20]  }
0x286: {  	v7 =	vld [tilespmem:$0x1FF90]  }
0x287: {  	v24 =	vld [tilespmem:s1+$0xFFFFFF60]  }
0x288: {  	v6 =	vmax.f32 v17, v18;
	v17 =	vmax.f32 v25, v27;
	v25 =	vld [tilespmem:s1+$0xFFFFFF70]  }
0x289: {  	v18 =	vmax.f32 v26, v28;
	v26 =	vld [tilespmem:s1+$0xFFFFFF80]  }
0x28a: {  	v27 =	vld [tilespmem:s1+$0xFFFFFF90]  }
0x28b: {  	v28 =	vld [tilespmem:s1+$0xFFFFFFA0]  }
0x28c: {  	v14 =	vmax.f32 v19, v21;
	v19 =	vmax.f32 v29, v30;
	v29 =	vld [tilespmem:s1+$0xFFFFFFB0]  }
0x28d: {  	v30 =	vld [tilespmem:s1+$0xFFFFFFC0]  }
0x28e: {  	v36 =	vld [tilespmem:s1+$0xFFFFFC20]  }
0x28f: {  	v37 =	vld [tilespmem:s1+$0xFFFFFC30]  }
0x290: {  	v38 =	vld [tilespmem:s1+$0xFFFFFC40]  }
0x291: {  	v39 =	vld [tilespmem:s1+$0xFFFFFC50]  }
0x292: {  	v40 =	vld [tilespmem:s1+$0xFFFFFC60]  }
0x293: {  	v41 =	vld [tilespmem:s1+$0xFFFFFC70]  }
0x294: {  	v42 =	vld [tilespmem:s1+$0xFFFFFC80]  }
0x295: {  	v43 =	vld [tilespmem:s1+$0xFFFFFC90]  }
0x296: {  	v44 =	vld [tilespmem:s1+$0xFFFFFCA0]  }
0x297: {  	v45 =	vld [tilespmem:s1+$0xFFFFFCB0]  }
0x298: {  	v46 =	vld [tilespmem:s1+$0xFFFFFCC0]  }
0x299: {  	v47 =	vld [tilespmem:s1+$0xFFFFFCD0]  }
0x29a: {  	v48 =	vld [tilespmem:s1+$0xFFFFFCE0]  }
0x29b: {  	v49 =	vld [tilespmem:s1+$0xFFFFFCF0]  }
0x29c: {  	v50 =	vld [tilespmem:s1+$0xFFFFFD00]  }
0x29d: {  	v51 =	vld [tilespmem:s1+$0xFFFFFD10]  }
0x29e: {  	v52 =	vld [tilespmem:s1+$0xFFFFFD20]  }
0x29f: {  	v53 =	vld [tilespmem:s1+$0xFFFFFD30]  }
0x2a0: {  	v54 =	vld [tilespmem:s1+$0xFFFFFD40]  }
0x2a1: {  	v55 =	vld [tilespmem:s1+$0xFFFFFD50]  }
0x2a2: {  	v56 =	vld [tilespmem:s1+$0xFFFFFD60]  }
0x2a3: {  	v57 =	vld [tilespmem:s1+$0xFFFFFD70]  }
0x2a4: {  	v58 =	vld [tilespmem:s1+$0xFFFFFD80]  }
0x2a5: {  	v59 =	vld [tilespmem:s1+$0xFFFFFD90]  }
0x2a6: {  	v60 =	vld [tilespmem:s1+$0xFFFFFDA0]  }
0x2a7: {  	v1 =	vmax.f32 v1, v2;
	v2 =	vld [tilespmem:s1+$0xFFFFFE80]  }
0x2a8: {  	v3 =	vmax.f32 v3, v6;
	v6 =	vmax.f32 v33, v34;
	v34 =	vld [tilespmem:s1+$0xFFFFFEE0]  }
0x2a9: {  	v16 =	vmax.f32 v16, v17;
	v17 =	vmax.f32 v18, v19;
	v19 =	vld [tilespmem:s1+$0xFFFFFF00]  }
0x2aa: {  	v0 =	vmax.f32 v35, v0;
	v15 =	vmax.f32 v14, v15;
	v14 =	vld [tilespmem:s1+$0xFFFFFC10]  }
0x2ab: {  	v0 =	vmax.f32 v0, v1;
	v1 =	vld [tilespmem:s1+$0xFFFFFE90]  }
0x2ac: {  	v3 =	vmax.f32 v3, v15;
	v15 =	vmax.f32 v16, v17;
	v17 =	vld [tilespmem:s1+$0xFFFFFFD0]  }
0x2ad: {  	v6 =	vmax.f32 v20, v6;
	v16 =	vld [tilespmem:s1+$0x0];
	v3 =	vmax.f32 v3, v15  }
0x2ae: {  	v0 =	vmax.f32 v6, v0;
	v6 =	vld [tilespmem:s1+$0xFFFFFEC0];
	(xrf0) =	vmax.scan.msk.f32 $0xffff, v3  }
0x2af: {  	v3 =	vld [tilespmem:s1+$0xFFFFFEA0]  }
0x2b0: {  	s22 =	sadd.s32 $0xFFFFFFD2, s30;
	(xrf0) =	vmax.scan.msk.f32 $0xffff, v0;
	v0 =	vld [tilespmem:s1+$0xFFFFFEB0]  }
0x2b1: {  	v13 =	vlaneseq.u32;
	v20 =	vmov s22;
	v15 =	vld [tilespmem:s1+$0xFFFFFFF0]  }
0x2b2: {  	vm15 =	veq.s32 v20, v13;
	v31 =	vmax.f32 v62, v61;
	v61 =	vld [tilespmem:s1+$0xFFFFFDB0]  }
0x2b3: {  	v62 =	vmax.f32 v10, v11;
	v63 =	vmax.f32 v12, v63;
	v12 =	vmax.f32 v29, v30;
	v30 =	vld [tilespmem:s1+$0xFFFFFE00]  }
0x2b4: {  	v10 =	vmax.f32 v25, v26;
	v11 =	vmax.f32 v27, v28;
	v35 =	vmax.f32 v1, v3;
	v1 =	vld [tilespmem:s1+$0xFFFFFDE0];
	v18, _, _ =	vpop (xrf0)  }
0x2b5: {  	v25 =	vmax.f32 v55, v56;
	v33 =	vmax.f32 v0, v6;
	v6 =	vld [tilespmem:s1+$0xFFFFFDD0];
	v18 =	vbroadcast v18, $0xF  }
0x2b6: {  	s31 =	sadd.s32 $0xFFFFFFD3, s30;
	v27 =	vmax.f32 v57, v58;
	v26 =	vmax.f32 v59, v60;
	v32 =	vmax.f32 v32, v2;
	v0 =	vld [tilespmem:s1+$0xFFFFFDF0];
	v21, _, _ =	vpop (xrf0)  }
0x2b7: {  	v20 =	vbroadcast v21, $0xF;
	v21 =	vmov s31;
	v7 =	vsel vm15, v18, v7;
	v18 =	vld [tilespmem:s1+$0xFFFFFF30]  }
0x2b8: {  	v34 =	vmax.f32 v9, v34;
	v8 =	vmax.f32 v8, v19;
	vm15 =	veq.s32 v21, v13;
	v21 =	vld [tilespmem:s1+$0xFFFFFF50]  }
0x2b9: {  	v14 =	vmax.f32 v14, v36;
	v19 =	vmax.f32 v43, v44;
	v31 =	vmax.f32 v31, v62;
	v13 =	vld [tilespmem:s1+$0xFFFFFFE0]  }
0x2ba: {  	s30 =	smov.u32 s0;
	s0 =	sadd.s32 $0x2, s0;
	v32 =	vmax.f32 v63, v32;
	v34 =	vmax.f32 v34, v8;
	v7 =	vsel vm15, v20, v7;
	v20 =	vld [tilespmem:s1+$0xFFFFFF40]  }
0x2bb: {  	p1 =	slt.u32 s0, $0x3E;
	v15 =	vmax.f32 v15, v16;
	v16 =	vmax.f32 v37, v38;
	v3 =	vmax.f32 v22, v23;
	[tilespmem:$0x1FF90] =	vst v7;
	v7 =	vld [tilespmem:s1+$0xFFFFFDC0]  }
.Ltmp7:
0x2bc: {  	v22 =	vmax.f32 v49, v50;
	v23 =	vmax.f32 v51, v52;
	v33 =	vmax.f32 v35, v33;
	(pc) =	sbr.rel @p1 .LBB2_10-.Ltmp7, $4  }
0x2bd: {  	v29 =	vmax.f32 v6, v1;
	v30 =	vmax.f32 v0, v30;
	v9 =	vmax.f32 v21, v24  }
0x2be: {  	v13 =	vmax.f32 v17, v13;
	v17 =	vmax.f32 v39, v40;
	v21 =	vmax.f32 v45, v46  }
0x2bf: {  	v24 =	vmax.f32 v53, v54;
	v2 =	vmax.f32 v18, v20;
	v18 =	vmax.f32 v41, v42  }
0x2c0: {  	s1 =	sadd.s32 $0x400, s1;
	v20 =	vmax.f32 v47, v48;
	v28 =	vmax.f32 v61, v7;
	v35 =	vmax.f32 v3, v2  }
0x2c1: {  	v0 =	vmax.f32 v9, v10;
	v1 =	vmax.f32 v11, v12;
	v2 =	vmax.f32 v13, v15  }
0x2c2: {  	v3 =	vmax.f32 v14, v16;
	v6 =	vmax.f32 v17, v18;
	v7 =	vmax.f32 v19, v21  }
0x2c3: {  	v8 =	vmax.f32 v20, v22;
	v9 =	vmax.f32 v23, v24;
	v10 =	vmax.f32 v25, v27  }
0x2c4: {  	v11 =	vmax.f32 v26, v28;
	v12 =	vmax.f32 v29, v30;
	v13 =	vmax.f32 v31, v32  }
0x2c5: {  	v3 =	vmax.f32 v3, v6;
	v6 =	vmax.f32 v33, v34;
	v0 =	vmax.f32 v35, v0  }
0x2c6: {  	v7 =	vmax.f32 v7, v8;
	v8 =	vmax.f32 v9, v10;
	v9 =	vmax.f32 v11, v12  }
0x2c7: {  	v1 =	vmax.f32 v1, v2;
	v3 =	vmax.f32 v3, v7;
	v7 =	vmax.f32 v8, v9  }
0x2c8: {  	v16 =	vld [tilespmem:$0x1FFC0];
	v0 =	vmax.f32 v0, v1;
	v60 =	vmax.f32 v3, v7;
	v3 =	vmax.f32 v13, v6  }
0x2c9: {  	v0 =	vmax.f32 v3, v0;
	(xrf0) =	vmax.scan.msk.f32 $0xffff, v60  }
0x2ca: {  	(xrf0) =	vmax.scan.msk.f32 $0xffff, v0  }
0x2cb: {  	v61 =	vbroadcast v4, $0x0;
	_ =	sdelay $0x1  }
0x2cc: {  	v8 =	vld [tilespmem:$0x1FF90];
	v0 =	vsub.f32 v61, v16;
	_ =	sdelay $0x1  }
0x2cd: {  	s0 =	sadd.s32 $0xFFFFFFD2, s30;
	v7 =	vlaneseq.u32;
	v63 =	vand.u32 $0x7FFFFFFF, v0;
	v62, _, _ =	vpop (xrf0)  }
.Ltmp8:
0x2ce: {  	s31 =	sadd.s32 $0xFFFFFFD3, s30;
	v3 =	vmov s0;
	v2 =	vmul.f32 $9.999999970e-07, v63;
	v1 =	vbroadcast v62, $0xF;
	v6, _, _ =	vpop (xrf0);
	(pc) =	sbr.rel .LBB2_12-.Ltmp8, $4  }
0x2cf: {  	vm15 =	veq.s32 v3, v7;
	v3 =	vbroadcast v6, $0xF;
	v6 =	vmov s31  }
0x2d0: {  	v2 =	vadd.f32 $9.999999970e-07, v2;
	v1 =	vsel vm15, v1, v8;
	vm15 =	veq.s32 v6, v7  }
0x2d1: {  	v14 =	vlaneseq.u32;
	v1 =	vsel vm15, v3, v1  }
0x2d2: {  	s28 =	sshll.u32 s28, $0xF;
	v15 =	vimm.f32 $0.0e+00;
	s0 =	simm.s32 $0x0;
	v10 =	vsub.f32 v0, v2;
	v7 =	vmov s26;
	[tilespmem:$0x10030] =	vst v1  }
.LBB2_18:
0x2d3: {  	s0 =	sadd.s32 $0x1, s0  }
0x2d4: {  	p1 =	seq.s32 s0, $0x4  }
.Ltmp9:
0x2d5: {  	_ = 	snop;
	(pc) =	sbr.rel @p1 .LBB2_2-.Ltmp9, $1  }
0x2d6: {  	_ =	sdelay $0x3  }
.LBB2_12:
0x2d7: {  	s29 =	sshll.u32 s0, $0x4  }
0x2d8: {  	v8 =	vld [tilespmem:s29+$0x10000];
	_ =	sdelay $0x4  }
0x2d9: {  	vm15 =	vgt.f32 v8, v10  }
0x2da: {  	v0 =	vsel vm15, $0x3F800000, v15  }
0x2db: {  	(xrf0) =	vmax.scan.msk.f32 $0xffff, v0;
	_ =	sdelay $0x5  }
0x2dc: {  	v0, _, _ =	vpop (xrf0)  }
0x2dd: {  	(v2sf) =	vpush v0, $0xF;
	_ =	sdelay $0xe  }
0x2de: {  	s1 =	spop (v2sf)  }
0x2df: {  	p1 =	sgt.f32 s1, $0.0e+00  }
.Ltmp10:
0x2e0: {  	_ = 	snop;
	(pc) =	sbr.rel @!p1 .LBB2_18-.Ltmp10, $4  }
.Ltmp11:
0x2e1: {  	_ = 	snop;
	(pc) =	sbr.rel @p1 .LBB2_13-.Ltmp11, $4  }
0x2e2: {  	_ = 	snop  }
0x2e3: {  	_ = 	snop  }
0x2e4: {  	_ = 	snop  }
0x2e5: {  	_ = 	snop  }
.LBB2_17:
0x2e6: {  	v0 =	vbroadcast v4, $0x0;
	_ =	sdelay $0x1  }
0x2e7: {  	v0 =	vsub.f32 v0, v16;
	_ =	sdelay $0x1  }
0x2e8: {  	v1 =	vand.u32 $0x7FFFFFFF, v0  }
0x2e9: {  	v1 =	vmul.f32 $9.999999970e-07, v1;
	_ =	sdelay $0x1  }
0x2ea: {  	v1 =	vadd.f32 $9.999999970e-07, v1;
	_ =	sdelay $0x1  }
0x2eb: {  	vm0 =	veq.s32 v9, v14;
	v10 =	vsub.f32 v0, v1  }
0x2ec: {  	v8 =	vsel vm0, $0xFF800000, v8  }
0x2ed: {  	vm15 =	vgt.f32 v8, v10  }
0x2ee: {  	v63 =	vsel vm15, $0x3F800000, v15  }
0x2ef: {  	(xrf0) =	vmax.scan.msk.f32 $0xffff, v63;
	_ =	sdelay $0x5  }
0x2f0: {  	v0, _, _ =	vpop (xrf0)  }
0x2f1: {  	(v2sf) =	vpush v0, $0xF;
	_ =	sdelay $0xe  }
0x2f2: {  	s1 =	spop (v2sf)  }
0x2f3: {  	p1 =	sgt.f32 s1, $0.0e+00  }
.Ltmp12:
0x2f4: {  	_ = 	snop;
	(pc) =	sbr.rel @!p1 .LBB2_18-.Ltmp12, $1  }
0x2f5: {  	_ =	sdelay $0x3  }
.LBB2_13:
0x2f6: {  	v9 =	vmctz.xlane vm15;
	_ =	sdelay $0x1  }
0x2f7: {  	(v2sf) =	vpush v9, $0x0;
	_ =	sdelay $0xe  }
0x2f8: {  	s1 =	spop (v2sf)  }
0x2f9: {  	s1 =	sadd.s32 s29, s1  }
0x2fa: {  	v17 =	vld [tilespmem:$0x1FFD0];
	s1 =	sshll.u32 s1, $0x9  }
0x2fb: {  	v0 =	vld.idx.msk [tilespmem:v7+s1+$0x0 ss:$0x1], $0xffff  }
0x2fc: {  	v1 =	vld.idx.msk [tilespmem:v7+s1+$0x10 ss:$0x1], $0xffff  }
0x2fd: {  	v2 =	vld.idx.msk [tilespmem:v7+s1+$0x20 ss:$0x1], $0xffff  }
0x2fe: {  	v3 =	vld.idx.msk [tilespmem:v7+s1+$0x30 ss:$0x1], $0xffff  }
0x2ff: {  	v6 =	vld.idx.msk [tilespmem:v7+s1+$0x40 ss:$0x1], $0xffff  }
0x300: {  	v11 =	vld.idx.msk [tilespmem:v7+s1+$0x50 ss:$0x1], $0xffff  }
0x301: {  	v53 =	vld.idx.msk [tilespmem:v7+s1+$0x60 ss:$0x1], $0xffff;
	vm15 =	vgt.f32 v0, v10;
	vm0 =	vgt.f32 v1, v10  }
0x302: {  	v55 =	vld.idx.msk [tilespmem:v7+s1+$0x70 ss:$0x1], $0xffff;
	v54 =	vmpcnt.ones.xlane vm15;
	v12 =	vmpcnt.ones.xlane vm0;
	vm0 =	vgt.f32 v2, v10  }
0x303: {  	vm15 =	vnez.u8 v17;
	v13 =	vmpcnt.ones.xlane vm0;
	vm0 =	vgt.f32 v3, v10;
	v3 =	vld.idx.msk [tilespmem:v7+s1+$0x80 ss:$0x1], $0xffff  }
0x304: {  	v1 =	vsel vm15, v54, v12;
	v12 =	vmpcnt.ones.xlane vm0;
	vm0 =	vgt.f32 v6, v10;
	v6 =	vld.idx.msk [tilespmem:v7+s1+$0x90 ss:$0x1], $0xffff  }
0x305: {  	v1 =	vsel vm1, v1, v13;
	v13 =	vmpcnt.ones.xlane vm0;
	vm0 =	vgt.f32 v11, v10;
	v11 =	vld.idx.msk [tilespmem:v7+s1+$0xA0 ss:$0x1], $0xffff  }
0x306: {  	v56 =	vld.idx.msk [tilespmem:v7+s1+$0xB0 ss:$0x1], $0xffff;
	v1 =	vsel vm2, v1, v12;
	v12 =	vmpcnt.ones.xlane vm0;
	vm0 =	vgt.f32 v53, v10  }
0x307: {  	v57 =	vld.idx.msk [tilespmem:v7+s1+$0xC0 ss:$0x1], $0xffff;
	v1 =	vsel vm3, v1, v13;
	v13 =	vmpcnt.ones.xlane vm0;
	vm0 =	vgt.f32 v55, v10  }
0x308: {  	v1 =	vsel vm4, v1, v12;
	v12 =	vmpcnt.ones.xlane vm0;
	vm0 =	vgt.f32 v3, v10;
	v3 =	vld.idx.msk [tilespmem:v7+s1+$0xD0 ss:$0x1], $0xffff  }
0x309: {  	v1 =	vsel vm5, v1, v13;
	v13 =	vmpcnt.ones.xlane vm0;
	vm0 =	vgt.f32 v6, v10;
	v6 =	vld.idx.msk [tilespmem:v7+s1+$0xE0 ss:$0x1], $0xffff  }
0x30a: {  	v1 =	vsel vm6, v1, v12;
	v12 =	vmpcnt.ones.xlane vm0;
	vm0 =	vgt.f32 v11, v10;
	v11 =	vld.idx.msk [tilespmem:v7+s1+$0xF0 ss:$0x1], $0xffff  }
0x30b: {  	v1 =	vsel vm7, v1, v13;
	v13 =	vmpcnt.ones.xlane vm0;
	vm0 =	vgt.f32 v56, v10  }
0x30c: {  	v58 =	vsel vm8, v1, v12;
	v59 =	vmpcnt.ones.xlane vm0;
	vm0 =	vgt.f32 v57, v10  }
0x30d: {  	v0 =	vsel vm9, v58, v13;
	v2 =	vmpcnt.ones.xlane vm0;
	vm0 =	vgt.f32 v3, v10  }
0x30e: {  	v0 =	vsel vm10, v0, v59;
	v60 =	vmpcnt.ones.xlane vm0;
	vm0 =	vgt.f32 v6, v10  }
0x30f: {  	v0 =	vsel vm11, v0, v2;
	v61 =	vmpcnt.ones.xlane vm0;
	vm0 =	vgt.f32 v11, v10  }
0x310: {  	v0 =	vsel vm12, v0, v60;
	v62 =	vmpcnt.ones.xlane vm0  }
0x311: {  	v0 =	vsel vm13, v0, v61  }
0x312: {  	v11 =	vsel vm14, v0, v62  }
0x313: {  	vm15 =	vgt.s32 v11, $0x0  }
0x314: {  	v63 =	vsel vm15, $0x3F800000, v15  }
0x315: {  	(xrf0) =	vmax.scan.msk.f32 $0xffff, v63;
	_ =	sdelay $0x5  }
0x316: {  	v0, _, _ =	vpop (xrf0)  }
0x317: {  	(v2sf) =	vpush v0, $0xF;
	_ =	sdelay $0xe  }
0x318: {  	s22 =	spop (v2sf)  }
0x319: {  	p1 =	sgt.f32 s22, $0.0e+00  }
.Ltmp13:
0x31a: {  	_ = 	snop;
	(pc) =	sbr.rel @!p1 .LBB2_15-.Ltmp13, $1  }
0x31b: {  	_ =	sdelay $0x3  }
.LBB2_14:
0x31c: {  	v0 =	vmctz.xlane vm15;
	_ =	sdelay $0x1  }
0x31d: {  	(v2sf) =	vpush v0, $0x0;
	_ =	sdelay $0xe  }
0x31e: {  	s22 =	spop (v2sf)  }
0x31f: {  	s22 =	sshll.u32 s22, $0x4  }
0x320: {  	s23 =	sadd.s32 s1, s22  }
0x321: {  	s30 =	sadd.s32 s26, s23  }
0x322: {  	s22 =	sand.u32 $0x70, s22;
	s30 =	sand.u32 $0xFFFFFF80, s30  }
0x323: {  	s22 =	sor.u32 s22, s30  }
0x324: {  	v1 =	vld [tilespmem:s22+$0x0];
	_ =	sdelay $0x4  }
0x325: {  	s30 =	sadd.s32 s28, s23;
	v1 =	vadd.f32 v1, v16  }
0x326: {  	vm0 =	veq.s32 v0, v14;
	v2 =	vor.u32 s30, v14  }
0x327: {  	v11 =	vsel vm0, $0x0, v11;
	(xrf1) =	vsort.dscd.msk.f32 $0xffff, v1, v2  }
0x328: {  	vm15 =	vgt.s32 v11, $0x0  }
0x329: {  	v62 =	vsel vm15, $0x3F800000, v15  }
0x32a: {  	(xrf0) =	vmax.scan.msk.f32 $0xffff, v62;
	_ =	sdelay $0x5  }
0x32b: {  	v0, _, _ =	vpop (xrf0)  }
0x32c: {  	(v2sf) =	vpush v0, $0xF;
	_ =	sdelay $0x3  }
0x32d: {  	v63, v1, _ =	vpop (xrf1)  }
0x32e: {  	vm0 =	vge.f32 v4, v63  }
0x32f: {  	v0 =	vsel vm0, v4, v63;
	v1 =	vsel vm0, v5, v1  }
0x330: {  	(xrf1) =	vsort.ascd.msk.f32 $0xffff, v0, v1;
	_ =	sdelay $0x7  }
0x331: {  	s31 =	spop (v2sf)  }
0x332: {  	p1 =	sgt.f32 s31, $0.0e+00  }
.Ltmp14:
0x333: {  	_ = 	snop;
	(pc) =	sbr.rel @p1 .LBB2_14-.Ltmp14, $2  }
0x334: {  	_ =	sdelay $0x2  }
0x335: {  	v4, v5, _ =	vpop (xrf1)  }
.LBB2_15:
0x336: {  	_ =	sdelay $0x2  }
0x337: {  	s1 =	sor.u32 $0x100, s1;
	v17 =	vld [tilespmem:$0x1FFD0]  }
0x338: {  	v0 =	vld.idx.msk [tilespmem:v7+s1+$0x0 ss:$0x1], $0xffff  }
0x339: {  	v1 =	vld.idx.msk [tilespmem:v7+s1+$0x10 ss:$0x1], $0xffff  }
0x33a: {  	v2 =	vld.idx.msk [tilespmem:v7+s1+$0x20 ss:$0x1], $0xffff  }
0x33b: {  	v3 =	vld.idx.msk [tilespmem:v7+s1+$0x30 ss:$0x1], $0xffff  }
0x33c: {  	v6 =	vld.idx.msk [tilespmem:v7+s1+$0x40 ss:$0x1], $0xffff  }
0x33d: {  	v11 =	vld.idx.msk [tilespmem:v7+s1+$0x50 ss:$0x1], $0xffff  }
0x33e: {  	v54 =	vld.idx.msk [tilespmem:v7+s1+$0x60 ss:$0x1], $0xffff;
	vm0 =	vgt.f32 v0, v10;
	vm15 =	vgt.f32 v1, v10  }
0x33f: {  	v56 =	vld.idx.msk [tilespmem:v7+s1+$0x70 ss:$0x1], $0xffff;
	v55 =	vmpcnt.ones.xlane vm0;
	v12 =	vmpcnt.ones.xlane vm15;
	vm0 =	vgt.f32 v2, v10  }
0x340: {  	vm15 =	vnez.u8 v17;
	v13 =	vmpcnt.ones.xlane vm0;
	vm0 =	vgt.f32 v3, v10;
	v3 =	vld.idx.msk [tilespmem:v7+s1+$0x80 ss:$0x1], $0xffff  }
0x341: {  	v1 =	vsel vm15, v55, v12;
	v12 =	vmpcnt.ones.xlane vm0;
	vm0 =	vgt.f32 v6, v10;
	v6 =	vld.idx.msk [tilespmem:v7+s1+$0x90 ss:$0x1], $0xffff  }
0x342: {  	v1 =	vsel vm1, v1, v13;
	v13 =	vmpcnt.ones.xlane vm0;
	vm0 =	vgt.f32 v11, v10;
	v11 =	vld.idx.msk [tilespmem:v7+s1+$0xA0 ss:$0x1], $0xffff  }
0x343: {  	v57 =	vld.idx.msk [tilespmem:v7+s1+$0xB0 ss:$0x1], $0xffff;
	v1 =	vsel vm2, v1, v12;
	v12 =	vmpcnt.ones.xlane vm0;
	vm0 =	vgt.f32 v54, v10  }
0x344: {  	v58 =	vld.idx.msk [tilespmem:v7+s1+$0xC0 ss:$0x1], $0xffff;
	v1 =	vsel vm3, v1, v13;
	v13 =	vmpcnt.ones.xlane vm0;
	vm0 =	vgt.f32 v56, v10  }
0x345: {  	v1 =	vsel vm4, v1, v12;
	v12 =	vmpcnt.ones.xlane vm0;
	vm0 =	vgt.f32 v3, v10;
	v3 =	vld.idx.msk [tilespmem:v7+s1+$0xD0 ss:$0x1], $0xffff  }
0x346: {  	v1 =	vsel vm5, v1, v13;
	v13 =	vmpcnt.ones.xlane vm0;
	vm0 =	vgt.f32 v6, v10;
	v6 =	vld.idx.msk [tilespmem:v7+s1+$0xE0 ss:$0x1], $0xffff  }
0x347: {  	v1 =	vsel vm6, v1, v12;
	v12 =	vmpcnt.ones.xlane vm0;
	vm0 =	vgt.f32 v11, v10;
	v11 =	vld.idx.msk [tilespmem:v7+s1+$0xF0 ss:$0x1], $0xffff  }
0x348: {  	v1 =	vsel vm7, v1, v13;
	v13 =	vmpcnt.ones.xlane vm0;
	vm0 =	vgt.f32 v57, v10  }
0x349: {  	v59 =	vsel vm8, v1, v12;
	v60 =	vmpcnt.ones.xlane vm0;
	vm0 =	vgt.f32 v58, v10  }
0x34a: {  	v0 =	vsel vm9, v59, v13;
	v2 =	vmpcnt.ones.xlane vm0;
	vm0 =	vgt.f32 v3, v10  }
0x34b: {  	v0 =	vsel vm10, v0, v60;
	v61 =	vmpcnt.ones.xlane vm0;
	vm0 =	vgt.f32 v6, v10  }
0x34c: {  	v3 =	vmpcnt.ones.xlane vm0;
	vm0 =	vgt.f32 v11, v10;
	v0 =	vsel vm11, v0, v2  }
0x34d: {  	v0 =	vsel vm12, v0, v61;
	v62 =	vmpcnt.ones.xlane vm0  }
0x34e: {  	v0 =	vsel vm13, v0, v3  }
0x34f: {  	v10 =	vsel vm14, v0, v62  }
0x350: {  	vm15 =	vgt.s32 v10, $0x0  }
0x351: {  	v63 =	vsel vm15, $0x3F800000, v15  }
0x352: {  	(xrf0) =	vmax.scan.msk.f32 $0xffff, v63;
	_ =	sdelay $0x5  }
0x353: {  	v0, _, _ =	vpop (xrf0)  }
0x354: {  	(v2sf) =	vpush v0, $0xF;
	_ =	sdelay $0xe  }
0x355: {  	s22 =	spop (v2sf)  }
0x356: {  	p1 =	sgt.f32 s22, $0.0e+00  }
.Ltmp15:
0x357: {  	_ = 	snop;
	(pc) =	sbr.rel @!p1 .LBB2_17-.Ltmp15, $1  }
0x358: {  	_ =	sdelay $0x3  }
.LBB2_16:
0x359: {  	v0 =	vmctz.xlane vm15;
	_ =	sdelay $0x1  }
0x35a: {  	(v2sf) =	vpush v0, $0x0;
	_ =	sdelay $0xe  }
0x35b: {  	s22 =	spop (v2sf)  }
0x35c: {  	s22 =	sshll.u32 s22, $0x4  }
0x35d: {  	s23 =	sadd.s32 s1, s22  }
0x35e: {  	s30 =	sadd.s32 s26, s23  }
0x35f: {  	s22 =	sand.u32 $0x70, s22;
	s30 =	sand.u32 $0xFFFFFF80, s30  }
0x360: {  	s22 =	sor.u32 s22, s30  }
0x361: {  	v1 =	vld [tilespmem:s22+$0x0];
	_ =	sdelay $0x4  }
0x362: {  	s30 =	sadd.s32 s28, s23;
	v1 =	vadd.f32 v1, v16  }
0x363: {  	vm0 =	veq.s32 v0, v14;
	v2 =	vor.u32 s30, v14  }
0x364: {  	v10 =	vsel vm0, $0x0, v10;
	(xrf1) =	vsort.dscd.msk.f32 $0xffff, v1, v2  }
0x365: {  	vm15 =	vgt.s32 v10, $0x0  }
0x366: {  	v62 =	vsel vm15, $0x3F800000, v15  }
0x367: {  	(xrf0) =	vmax.scan.msk.f32 $0xffff, v62;
	_ =	sdelay $0x5  }
0x368: {  	v0, _, _ =	vpop (xrf0)  }
0x369: {  	(v2sf) =	vpush v0, $0xF;
	_ =	sdelay $0x3  }
0x36a: {  	v63, v1, _ =	vpop (xrf1)  }
0x36b: {  	vm0 =	vge.f32 v4, v63  }
0x36c: {  	v0 =	vsel vm0, v4, v63;
	v1 =	vsel vm0, v5, v1  }
0x36d: {  	(xrf1) =	vsort.ascd.msk.f32 $0xffff, v0, v1;
	_ =	sdelay $0x7  }
0x36e: {  	s31 =	spop (v2sf)  }
0x36f: {  	p1 =	sgt.f32 s31, $0.0e+00  }
.Ltmp16:
0x370: {  	_ = 	snop;
	(pc) =	sbr.rel @p1 .LBB2_16-.Ltmp16, $2  }
0x371: {  	_ =	sdelay $0x2  }
0x372: {  	v4, v5, _ =	vpop (xrf1)  }
.Ltmp17:
0x373: {  	_ = 	snop;
	(pc) =	sbr.rel .LBB2_17-.Ltmp17, $1  }
0x374: {  	_ =	sdelay $0x3  }
.LBB2_19:
0x375: {  	v3 =	vld [tilespmem:$0x1FFE0];
	_ =	sdelay $0x4  }
0x376: {  	v0 =	vperm.xlane v5, v3;
	_ =	sdelay $0x1  }
0x377: {  	v1 =	vshrl.u32 v0, $0xF;
	_ =	sdelay $0x4  }
0x378: {  	v1 =	vld.idx.msk [tilespmem:v1+s16+$0x0], $0xffff;
	_ =	sdelay $0x1  }
0x379: {  	v2 =	vshrl.u32 v0, $0xC  }
0x37a: {  	v3 =	vperm.xlane v4, v3;
	v2 =	vand.u32 $0xFFFF8, v2;
	_ =	sdelay $0x1  }
0x37b: {  	v50 =	vld [tilespmem:$0x1FFF0];
	v1 =	vadd.f32 v1, v3  }
0x37c: {  	[tilespmem:$0x10180] =	vst v3  }
0x37d: {  	[tilespmem:$0x10200] =	vst v1  }
0x37e: {  	v1 =	vld.idx.msk [tilespmem:v2+s18+$0x0], $0xffff  }
0x37f: {  	v49 =	vor.u32 $0x1, v2;
	_ =	sdelay $0x3  }
0x380: {  	[tilespmem:v50+s21+$0x0] =	vst.idx.msk $0xffff, v1  }
0x381: {  	v51 =	vadd.s32 $0x1, v50;
	v1 =	vld.idx.msk [tilespmem:v49+s18+$0x0], $0xffff  }
0x382: {  	v52 =	vor.u32 $0x2, v2;
	_ =	sdelay $0x3  }
0x383: {  	[tilespmem:v51+s21+$0x0] =	vst.idx.msk $0xffff, v1  }
0x384: {  	v53 =	vadd.s32 $0x2, v50;
	v1 =	vld.idx.msk [tilespmem:v52+s18+$0x0], $0xffff  }
0x385: {  	v54 =	vor.u32 $0x3, v2;
	_ =	sdelay $0x3  }
0x386: {  	[tilespmem:v53+s21+$0x0] =	vst.idx.msk $0xffff, v1  }
0x387: {  	v55 =	vadd.s32 $0x3, v50;
	v1 =	vld.idx.msk [tilespmem:v54+s18+$0x0], $0xffff  }
0x388: {  	v56 =	vor.u32 $0x4, v2;
	_ =	sdelay $0x3  }
0x389: {  	[tilespmem:v55+s21+$0x0] =	vst.idx.msk $0xffff, v1  }
0x38a: {  	v57 =	vadd.s32 $0x4, v50;
	v1 =	vld.idx.msk [tilespmem:v56+s18+$0x0], $0xffff  }
0x38b: {  	v58 =	vor.u32 $0x5, v2;
	_ =	sdelay $0x3  }
0x38c: {  	[tilespmem:v57+s21+$0x0] =	vst.idx.msk $0xffff, v1  }
0x38d: {  	v59 =	vadd.s32 $0x5, v50;
	v1 =	vld.idx.msk [tilespmem:v58+s18+$0x0], $0xffff  }
0x38e: {  	v60 =	vor.u32 $0x6, v2;
	_ =	sdelay $0x3  }
0x38f: {  	[tilespmem:v59+s21+$0x0] =	vst.idx.msk $0xffff, v1  }
0x390: {  	v61 =	vadd.s32 $0x6, v50;
	v1 =	vld.idx.msk [tilespmem:v60+s18+$0x0], $0xffff  }
0x391: {  	v2 =	vor.u32 $0x7, v2  }
0x392: {  	[tilespmem:$0x1FF10] =	vst v51  }
0x393: {  	[tilespmem:$0x1FF20] =	vst v53  }
0x394: {  	[tilespmem:$0x1FF30] =	vst v55  }
0x395: {  	[tilespmem:v61+s21+$0x0] =	vst.idx.msk $0xffff, v1  }
0x396: {  	v62 =	vadd.s32 $0x7, v50;
	[tilespmem:$0x1FF40] =	vst v57;
	v1 =	vld.idx.msk [tilespmem:v2+s18+$0x0], $0xffff  }
0x397: {  	v63 =	vadd.s32 $0x8, v50;
	[tilespmem:$0x1FF50] =	vst v59  }
0x398: {  	[tilespmem:$0x1FF60] =	vst v61  }
0x399: {  	[tilespmem:$0x1FF70] =	vst v62  }
0x39a: {  	[tilespmem:$0x1FF80] =	vst v63  }
0x39b: {  	v0 =	vand.u32 $0x7FFF, v0;
	[tilespmem:v62+s21+$0x0] =	vst.idx.msk $0xffff, v1  }
0x39c: {  	s25 =	simm.s32 $0x0;
	s0 =	simm.s32 $0x10180;
	[tilespmem:v63+s21+$0x0] =	vst.idx.msk $0xffff, v0  }
0x39d: {  	[hbm4b:s6+s25] =	stream.linear.scatter [tilespmem:s0], [sflag:$0x3], $0x80, $0x38;
	[tilespmem:$0x10380] =	vst v63  }
0x39e: {  	_ =	swait.ge [sflag:s17], $0x80  }
0x39f: {  	[sflag:s17] =	ssyncset.done $0x0  }
0x3a0: {  	s31 =	simm.s32 $0x10200;
	[sflag:s17] =	ssyncadd.s32 $0xFFFFFF80  }
0x3a1: {  	[hbm4b:s7+s25] =	stream.linear.scatter [tilespmem:s31], [sflag:$0x3], $0x80, $0x38;
	[tilespmem:$0x10380] =	vst v63  }
0x3a2: {  	_ =	swait.ge [sflag:s17], $0x80  }
0x3a3: {  	[sflag:s17] =	ssyncset.done $0x0  }
0x3a4: {  	[sflag:s17] =	ssyncadd.s32 $0xFFFFFF80  }
0x3a5: {  	[hbm4b:s8+s19] =	stream.strided.scatter [tilespmem:s21], [sflag:$0x3], $0x100, s20, s19, $0x38;
	[tilespmem:$0x10380] =	vst v63  }
0x3a6: {  	_ =	swait.ge [sflag:s17], $0x100  }
0x3a7: {  	[sflag:s17] =	ssyncset.done $0x0  }
0x3a8: {  	[sflag:s17] =	ssyncadd.s32 $0xFFFFFF00  }
0x3a9: {  	[tilespmem:s16], [sflag:$0x3] =	stream.linear.gather [hbm4b:s9+s25], $0x80, $0x38;
	[tilespmem:$0x10380] =	vst v63  }
0x3aa: {  	_ =	swait.ge [sflag:s17], $0x80  }
0x3ab: {  	[sflag:s17] =	ssyncset.done $0x0  }
0x3ac: {  	[sflag:s17] =	ssyncadd.s32 $0xFFFFFF80  }
0x3ad: {  	[tilespmem:s18], [sflag:$0x3] =	stream.linear.gather [hbm4b:s10+s25], $0x80, $0x38;
	[tilespmem:$0x10380] =	vst v63  }
.Ltmp18:
0x3ae: {  	_ = 	snop;
	(pc) =	sbr.rel .LBB2_21-.Ltmp18, $4  }
0x3af: {  	_ =	swait.ge [sflag:s17], $0x80  }
0x3b0: {  	[sflag:s17] =	ssyncset.done $0x0  }
0x3b1: {  	p0 =	por $0x0, $0x0;
	[sflag:s17] =	ssyncadd.s32 $0xFFFFFF80  }
0x3b2: {  	v12 =	vimm.f32 $-Inf;
	v13 =	vimm.s32 $0x0;
	[tilespmem:s25], [sflag:$0x1] =	stream.strided.gather [hbm4b:s11+s19], $0x8000, s20, s19, $0x38;
	[tilespmem:$0x10380] =	vst v63  }
.LBB2_20:
0x3b3: {  	p1 =	seq.s32 s25, $0x10  }
.Ltmp19:
0x3b4: {  	_ = 	snop;
	(pc) =	sbr.rel @p1 .LBB2_37-.Ltmp19, $2  }
0x3b5: {  	_ =	sdelay $0x2  }
0x3b6: {  	p0 =	por !p0, !p0  }
.LBB2_21:
0x3b7: {  	s28 =	smov.u32 s25;
	s1 =	sand.u32 $0x1, s25  }
0x3b8: {  	s0 =	simm.s32 $0x1;
	s25 =	sadd.s32 $0x1, s25;
	s23 =	sadd.s32 $0x1, s1  }
0x3b9: {  	s0 =	simm.s32 @!p0 $0x0;
	p1 =	seq.s32 s28, $0xF;
	_ =	swait.ge [sflag:s23], $0x8000  }
0x3ba: {  	s22 =	sshll.u32 s0, $0xF;
	s26 =	sshll.u32 @!p1 s25, $0x4;
	[sflag:s23] =	ssyncset.done $0x0  }
0x3bb: {  	s29 =	sand.u32 @!p1 $0x1, s25;
	[sflag:s23] =	ssyncadd.s32 $0xFFFF8000;
	s23 =	sshll.u32 @!p1 s25, $0xC  }
0x3bc: {  	s31 =	simm.s32 @!p1 $0x400;
	s0 =	sor.u32 $0x200, s22;
	s23 =	sand.u32 @!p1 $0x18000, s23  }
0x3bd: {  	s26 =	sand.u32 @!p1 $0x70, s26;
	s30 =	sshll.u32 @!p1 s29, $0xF;
	s23 =	sadd.s32 @!p1 s23, s11  }
0x3be: {  	s29 =	sadd.s32 @!p1 $0x1, s29;
	s23 =	sadd.s32 @!p1 s26, s23;
	s26 =	simm.s32 @!p1 $0x80  }
0x3bf: {  	[tilespmem:s30], [sflag:s29] =	stream.strided.gather @!p1 [hbm4b:s23+s26], $0x8000, s31, s26, $0x38;
	[tilespmem:$0x10380] =	vst v63  }
0x3c0: {  	v0 =	vld [tilespmem:s0+$0x0]  }
0x3c1: {  	v1 =	vld [tilespmem:s0+$0x10]  }
0x3c2: {  	v2 =	vld [tilespmem:s0+$0x20]  }
0x3c3: {  	v3 =	vld [tilespmem:s0+$0x30]  }
0x3c4: {  	v14 =	vld [tilespmem:s0+$0x40]  }
0x3c5: {  	v15 =	vld [tilespmem:s0+$0x50]  }
0x3c6: {  	v16 =	vld [tilespmem:s0+$0x60]  }
0x3c7: {  	v17 =	vld [tilespmem:s0+$0x70]  }
0x3c8: {  	v18 =	vld [tilespmem:s0+$0x80]  }
0x3c9: {  	v19 =	vld [tilespmem:s0+$0x90]  }
0x3ca: {  	v20 =	vld [tilespmem:s0+$0xA0]  }
0x3cb: {  	v21 =	vld [tilespmem:s0+$0xB0]  }
0x3cc: {  	v22 =	vld [tilespmem:s0+$0xC0]  }
0x3cd: {  	v23 =	vld [tilespmem:s0+$0xD0]  }
0x3ce: {  	v24 =	vld [tilespmem:s0+$0xE0]  }
0x3cf: {  	v25 =	vld [tilespmem:s0+$0xF0]  }
0x3d0: {  	v26 =	vld [tilespmem:s0+$0x100]  }
0x3d1: {  	v27 =	vld [tilespmem:s0+$0x110]  }
0x3d2: {  	v28 =	vld [tilespmem:s0+$0x120]  }
0x3d3: {  	v29 =	vld [tilespmem:s0+$0x130]  }
0x3d4: {  	v30 =	vld [tilespmem:s0+$0x140]  }
0x3d5: {  	v31 =	vld [tilespmem:s0+$0x150]  }
0x3d6: {  	v32 =	vld [tilespmem:s0+$0x160]  }
0x3d7: {  	v33 =	vld [tilespmem:s0+$0x170]  }
0x3d8: {  	v34 =	vld [tilespmem:s0+$0x180]  }
0x3d9: {  	v35 =	vld [tilespmem:s0+$0x190]  }
0x3da: {  	v36 =	vld [tilespmem:s0+$0x1A0]  }
0x3db: {  	v37 =	vld [tilespmem:s0+$0x1B0]  }
0x3dc: {  	v38 =	vld [tilespmem:s0+$0x1C0]  }
0x3dd: {  	v39 =	vld [tilespmem:s0+$0x1D0]  }
0x3de: {  	v40 =	vld [tilespmem:s0+$0x1E0]  }
0x3df: {  	v41 =	vld [tilespmem:s0+$0x1F0]  }
0x3e0: {  	v42 =	vld [tilespmem:s0+$0xFFFFFE00]  }
0x3e1: {  	v43 =	vld [tilespmem:s0+$0xFFFFFE10]  }
0x3e2: {  	v44 =	vld [tilespmem:s0+$0xFFFFFE20]  }
0x3e3: {  	v45 =	vld [tilespmem:s0+$0xFFFFFE30]  }
0x3e4: {  	v46 =	vld [tilespmem:s0+$0xFFFFFE40]  }
0x3e5: {  	v47 =	vld [tilespmem:s0+$0xFFFFFE50]  }
0x3e6: {  	v48 =	vld [tilespmem:s0+$0xFFFFFE60]  }
0x3e7: {  	v49 =	vld [tilespmem:s0+$0xFFFFFE70]  }
0x3e8: {  	v50 =	vld [tilespmem:s0+$0xFFFFFE80]  }
0x3e9: {  	v51 =	vld [tilespmem:s0+$0xFFFFFE90]  }
0x3ea: {  	v52 =	vld [tilespmem:s0+$0xFFFFFEA0]  }
0x3eb: {  	v53 =	vld [tilespmem:s0+$0xFFFFFEB0]  }
0x3ec: {  	v54 =	vld [tilespmem:s0+$0xFFFFFEC0]  }
0x3ed: {  	v55 =	vld [tilespmem:s0+$0xFFFFFED0]  }
0x3ee: {  	v56 =	vld [tilespmem:s0+$0xFFFFFEE0]  }
0x3ef: {  	v57 =	vld [tilespmem:s0+$0xFFFFFEF0]  }
0x3f0: {  	v58 =	vld [tilespmem:s0+$0xFFFFFF00]  }
0x3f1: {  	v59 =	vld [tilespmem:s0+$0xFFFFFF10]  }
0x3f2: {  	v60 =	vld [tilespmem:s0+$0xFFFFFF20]  }
0x3f3: {  	v61 =	vld [tilespmem:s0+$0xFFFFFF30]  }
0x3f4: {  	v62 =	vld [tilespmem:s0+$0xFFFFFF40]  }
0x3f5: {  	v63 =	vld [tilespmem:s0+$0xFFFFFF50]  }
0x3f6: {  	v4 =	vld [tilespmem:s0+$0xFFFFFF60]  }
0x3f7: {  	v5 =	vld [tilespmem:s0+$0xFFFFFF70]  }
0x3f8: {  	v6 =	vld [tilespmem:s0+$0xFFFFFF80]  }
0x3f9: {  	v7 =	vld [tilespmem:s0+$0xFFFFFF90]  }
0x3fa: {  	v8 =	vmov s28;
	v9 =	vld [tilespmem:s0+$0xFFFFFFD0];
	v0 =	vmax.f32 v0, v1;
	v2 =	vmax.f32 v2, v3  }
0x3fb: {  	v10 =	vld [tilespmem:s0+$0xFFFFFFE0];
	v3 =	vmax.f32 v14, v15;
	v15 =	vmax.f32 v16, v17;
	v17 =	vmax.f32 v18, v19  }
0x3fc: {  	v11 =	vld [tilespmem:s0+$0xFFFFFFF0];
	v18 =	vmax.f32 v20, v21;
	v19 =	vmax.f32 v22, v23;
	v20 =	vmax.f32 v24, v25  }
0x3fd: {  	v1 =	vld [tilespmem:s0+$0xFFFFFFA0];
	v21 =	vmax.f32 v26, v27;
	v22 =	vmax.f32 v28, v29;
	v23 =	vmax.f32 v30, v31  }
0x3fe: {  	v14 =	vld [tilespmem:s0+$0xFFFFFFB0];
	v24 =	vmax.f32 v32, v33;
	v25 =	vmax.f32 v34, v35;
	v26 =	vmax.f32 v36, v37  }
0x3ff: {  	v16 =	vld [tilespmem:s0+$0xFFFFFFC0];
	v27 =	vmax.f32 v38, v39;
	v29 =	vmax.f32 v40, v41;
	v28 =	vmax.f32 v42, v43  }
0x400: {  	v30 =	vmax.f32 v44, v45;
	v31 =	vmax.f32 v46, v47;
	v39 =	vmax.f32 v62, v63;
	v63 =	vld.idx.msk [tilespmem:v8+s16+$0x0], $0xffff  }
0x401: {  	v32 =	vmax.f32 v48, v49;
	v33 =	vmax.f32 v50, v51;
	v35 =	vmax.f32 v52, v53  }
0x402: {  	v34 =	vmax.f32 v54, v55;
	v36 =	vmax.f32 v56, v57;
	v37 =	vmax.f32 v58, v59  }
0x403: {  	s29 =	sor.u32 $0x63F0, s22;
	v38 =	vmax.f32 v60, v61;
	v41 =	vmax.f32 v4, v5;
	v40 =	vmax.f32 v6, v7  }
0x404: {  	s30 =	sor.u32 $0x43F0, s22;
	s31 =	sor.u32 $0x23F0, s22;
	s26 =	sshll.u32 s1, $0xF;
	v44 =	vmax.f32 v10, v11;
	v45 =	vmax.f32 v0, v2;
	v46 =	vmax.f32 v3, v15  }
0x405: {  	s1 =	sadd.s32 $0x400, s0;
	s22 =	simm.s32 $0x2;
	s0 =	simm.s32 $0x0;
	v15 =	vimm.f32 $-Inf;
	v42 =	vmax.f32 v1, v14;
	v43 =	vmax.f32 v16, v9;
	[tilespmem:$0x1FF00] =	vst v63  }
.LBB2_22:
0x406: {  	v16 =	vld [tilespmem:s1+$0x0];
	p1 =	slt.u32 s22, $0xE;
	v0 =	vmax.f32 v17, v18;
	v1 =	vmax.f32 v19, v20;
	v2 =	vmax.f32 v21, v22  }
0x407: {  	v3 =	vmax.f32 v23, v24;
	v4 =	vmax.f32 v25, v26;
	v5 =	vmax.f32 v27, v29;
	v17 =	vld [tilespmem:s1+$0x10]  }
0x408: {  	v6 =	vmax.f32 v28, v30;
	v7 =	vmax.f32 v31, v32;
	v8 =	vmax.f32 v33, v35;
	v14 =	vld [tilespmem:s1+$0x20]  }
0x409: {  	v9 =	vmax.f32 v34, v36;
	v10 =	vmax.f32 v37, v38;
	v11 =	vmax.f32 v39, v41;
	v19 =	vld [tilespmem:s1+$0x30]  }
0x40a: {  	v23 =	vmax.f32 v40, v42;
	v24 =	vmax.f32 v43, v44;
	v25 =	vmax.f32 v45, v46;
	v20 =	vld [tilespmem:s1+$0x40]  }
0x40b: {  	v6 =	vmax.f32 v6, v7;
	v0 =	vmax.f32 v0, v1;
	v1 =	vmax.f32 v2, v3;
	v21 =	vld [tilespmem:s1+$0x50]  }
0x40c: {  	v2 =	vmax.f32 v8, v9;
	v3 =	vmax.f32 v10, v11;
	v7 =	vmax.f32 v23, v24;
	v22 =	vld [tilespmem:s1+$0x60]  }
0x40d: {  	v4 =	vmax.f32 v4, v5;
	v2 =	vmax.f32 v6, v2;
	v3 =	vmax.f32 v3, v7;
	v8 =	vld [tilespmem:s1+$0x70]  }
0x40e: {  	v0 =	vmax.f32 v25, v0;
	v1 =	vmax.f32 v1, v4;
	v2 =	vmax.f32 v2, v3;
	v5 =	vld [tilespmem:s1+$0x80]  }
0x40f: {  	v0 =	vmax.f32 v0, v1;
	v3 =	vld [tilespmem:s1+$0x90];
	(xrf0) =	vmax.scan.msk.f32 $0xffff, v2  }
0x410: {  	v1 =	vld [tilespmem:s1+$0xA0];
	(xrf0) =	vmax.scan.msk.f32 $0xffff, v0  }
0x411: {  	v18 =	vld [tilespmem:s1+$0xB0]  }
0x412: {  	v2 =	vld [tilespmem:s1+$0xC0]  }
0x413: {  	v4 =	vld [tilespmem:s1+$0xD0]  }
0x414: {  	v6 =	vld [tilespmem:s1+$0xE0]  }
0x415: {  	v7 =	vld [tilespmem:s1+$0xF0];
	v9, _, _ =	vpop (xrf0)  }
0x416: {  	s23 =	sadd.s32 $0x1, s0;
	v11 =	vmov s0;
	s0 =	smov.u32 s22;
	v0 =	vlaneseq.u32;
	v10 =	vld [tilespmem:s1+$0x100];
	v9 =	vbroadcast v9, $0xF;
	v23, _, _ =	vpop (xrf0)  }
0x417: {  	vm0 =	veq.s32 v11, v0;
	v24 =	vld [tilespmem:s1+$0x110];
	v11 =	vbroadcast v23, $0xF;
	v23 =	vmov s23  }
0x418: {  	v25 =	vld [tilespmem:s1+$0x120];
	v9 =	vsel vm0, v9, v15;
	vm0 =	veq.s32 v23, v0  }
0x419: {  	v23 =	vld [tilespmem:s1+$0x130];
	v15 =	vsel vm0, v11, v9  }
0x41a: {  	v9 =	vld [tilespmem:s1+$0x140]  }
0x41b: {  	v11 =	vld [tilespmem:s1+$0x150]  }
0x41c: {  	v26 =	vld [tilespmem:s1+$0x160]  }
0x41d: {  	v27 =	vld [tilespmem:s1+$0x170]  }
0x41e: {  	v28 =	vld [tilespmem:s1+$0x180]  }
0x41f: {  	v29 =	vld [tilespmem:s1+$0x190]  }
0x420: {  	v30 =	vld [tilespmem:s1+$0x1A0]  }
0x421: {  	v31 =	vld [tilespmem:s1+$0x1B0]  }
0x422: {  	v32 =	vld [tilespmem:s1+$0x1C0]  }
0x423: {  	v33 =	vld [tilespmem:s1+$0x1D0]  }
0x424: {  	v34 =	vld [tilespmem:s1+$0x1E0]  }
0x425: {  	v35 =	vld [tilespmem:s1+$0x1F0]  }
0x426: {  	v36 =	vld [tilespmem:s1+$0xFFFFFE00]  }
0x427: {  	v37 =	vld [tilespmem:s1+$0xFFFFFE10]  }
0x428: {  	v38 =	vld [tilespmem:s1+$0xFFFFFE20]  }
0x429: {  	v39 =	vld [tilespmem:s1+$0xFFFFFE30]  }
0x42a: {  	v40 =	vld [tilespmem:s1+$0xFFFFFE40]  }
0x42b: {  	v41 =	vld [tilespmem:s1+$0xFFFFFE50]  }
0x42c: {  	v42 =	vld [tilespmem:s1+$0xFFFFFE60]  }
0x42d: {  	v43 =	vld [tilespmem:s1+$0xFFFFFE70]  }
0x42e: {  	v44 =	vld [tilespmem:s1+$0xFFFFFE80]  }
0x42f: {  	v45 =	vld [tilespmem:s1+$0xFFFFFE90]  }
0x430: {  	v46 =	vld [tilespmem:s1+$0xFFFFFEA0]  }
0x431: {  	v47 =	vld [tilespmem:s1+$0xFFFFFEB0]  }
0x432: {  	v48 =	vld [tilespmem:s1+$0xFFFFFEC0]  }
0x433: {  	v49 =	vld [tilespmem:s1+$0xFFFFFED0]  }
0x434: {  	v50 =	vld [tilespmem:s1+$0xFFFFFEE0]  }
0x435: {  	v51 =	vld [tilespmem:s1+$0xFFFFFEF0]  }
0x436: {  	v52 =	vld [tilespmem:s1+$0xFFFFFF00]  }
0x437: {  	v53 =	vld [tilespmem:s1+$0xFFFFFF10]  }
0x438: {  	v54 =	vld [tilespmem:s1+$0xFFFFFF20]  }
0x439: {  	v55 =	vld [tilespmem:s1+$0xFFFFFF30]  }
0x43a: {  	v56 =	vld [tilespmem:s1+$0xFFFFFF40]  }
0x43b: {  	v57 =	vld [tilespmem:s1+$0xFFFFFF50]  }
0x43c: {  	v58 =	vld [tilespmem:s1+$0xFFFFFF60]  }
0x43d: {  	v59 =	vld [tilespmem:s1+$0xFFFFFF70]  }
0x43e: {  	v60 =	vld [tilespmem:s1+$0xFFFFFF80]  }
0x43f: {  	v16 =	vmax.f32 v16, v17;
	v61 =	vld [tilespmem:s1+$0xFFFFFF90]  }
0x440: {  	v63 =	vmax.f32 v14, v19;
	v14 =	vmax.f32 v20, v21;
	v8 =	vmax.f32 v22, v8;
	v62 =	vld [tilespmem:s1+$0xFFFFFFA0]  }
0x441: {  	v17 =	vmax.f32 v5, v3;
	v18 =	vmax.f32 v1, v18;
	v19 =	vmax.f32 v2, v4;
	v0 =	vld [tilespmem:s1+$0xFFFFFFB0]  }
0x442: {  	v20 =	vmax.f32 v6, v7;
	v21 =	vmax.f32 v10, v24;
	v22 =	vmax.f32 v25, v23;
	v1 =	vld [tilespmem:s1+$0xFFFFFFC0]  }
0x443: {  	v23 =	vmax.f32 v9, v11;
	v24 =	vmax.f32 v26, v27;
	v25 =	vmax.f32 v28, v29;
	v2 =	vld [tilespmem:s1+$0xFFFFFFD0]  }
0x444: {  	v26 =	vmax.f32 v30, v31;
	v27 =	vmax.f32 v32, v33;
	v29 =	vmax.f32 v34, v35;
	v3 =	vld [tilespmem:s1+$0xFFFFFFE0]  }
0x445: {  	v28 =	vmax.f32 v36, v37;
	v30 =	vmax.f32 v38, v39;
	v31 =	vmax.f32 v40, v41;
	v4 =	vld [tilespmem:s1+$0xFFFFFFF0]  }
.Ltmp20:
0x446: {  	v32 =	vmax.f32 v42, v43;
	v33 =	vmax.f32 v44, v45;
	v35 =	vmax.f32 v46, v47;
	(pc) =	sbr.rel @p1 .LBB2_22-.Ltmp20, $4  }
0x447: {  	v34 =	vmax.f32 v48, v49;
	v36 =	vmax.f32 v50, v51;
	v37 =	vmax.f32 v52, v53  }
0x448: {  	v38 =	vmax.f32 v54, v55;
	v39 =	vmax.f32 v56, v57;
	v41 =	vmax.f32 v58, v59  }
0x449: {  	v40 =	vmax.f32 v60, v61;
	v42 =	vmax.f32 v62, v0;
	v43 =	vmax.f32 v1, v2  }
0x44a: {  	s22 =	sadd.s32 $0x2, s22;
	v45 =	vmax.f32 v16, v63;
	v46 =	vmax.f32 v14, v8;
	s1 =	sadd.s32 $0x400, s1;
	v44 =	vmax.f32 v3, v4  }
0x44b: {  	v0 =	vmax.f32 v17, v18;
	v1 =	vmax.f32 v19, v20;
	v2 =	vmax.f32 v21, v22  }
0x44c: {  	v3 =	vmax.f32 v23, v24;
	v4 =	vmax.f32 v25, v26;
	v5 =	vmax.f32 v27, v29  }
0x44d: {  	v6 =	vmax.f32 v28, v30;
	v7 =	vmax.f32 v31, v32;
	v8 =	vmax.f32 v33, v35  }
0x44e: {  	v9 =	vmax.f32 v34, v36;
	v10 =	vmax.f32 v37, v38;
	v11 =	vmax.f32 v39, v41  }
0x44f: {  	v14 =	vmax.f32 v40, v42;
	v16 =	vmax.f32 v43, v44;
	v17 =	vmax.f32 v45, v46  }
0x450: {  	v6 =	vmax.f32 v6, v7;
	v0 =	vmax.f32 v0, v1;
	v53 =	vmax.f32 v2, v3  }
0x451: {  	v54 =	vmax.f32 v8, v9;
	v55 =	vmax.f32 v10, v11;
	v56 =	vmax.f32 v14, v16  }
0x452: {  	v4 =	vmax.f32 v4, v5;
	v2 =	vmax.f32 v6, v54;
	v3 =	vmax.f32 v55, v56  }
0x453: {  	v0 =	vmax.f32 v17, v0;
	v1 =	vmax.f32 v53, v4;
	v2 =	vmax.f32 v2, v3  }
0x454: {  	v0 =	vmax.f32 v0, v1;
	(xrf0) =	vmax.scan.msk.f32 $0xffff, v2  }
0x455: {  	(xrf0) =	vmax.scan.msk.f32 $0xffff, v0;
	_ =	sdelay $0x4  }
0x456: {  	v57, _, _ =	vpop (xrf0)  }
0x457: {  	v58 =	vmov s0;
	s23 =	sadd.s32 $0x1, s0;
	v60 =	vlaneseq.u32;
	v0 =	vbroadcast v57, $0xF;
	v59, _, _ =	vpop (xrf0)  }
0x458: {  	vm0 =	veq.s32 v58, v60;
	v62 =	vmov s23;
	v61 =	vbroadcast v59, $0xF  }
0x459: {  	v0 =	vsel vm0, v0, v15;
	vm0 =	veq.s32 v62, v60  }
0x45a: {  	v0 =	vsel vm0, v61, v0  }
0x45b: {  	[tilespmem:$0x10000] =	vst v0  }
0x45c: {  	v0 =	vld [tilespmem:s31+$0xFFFFFE10]  }
0x45d: {  	v1 =	vld [tilespmem:s31+$0xFFFFFE20]  }
0x45e: {  	v2 =	vld [tilespmem:s31+$0xFFFFFE30]  }
0x45f: {  	v3 =	vld [tilespmem:s31+$0xFFFFFE40]  }
0x460: {  	v4 =	vld [tilespmem:s31+$0xFFFFFE50]  }
0x461: {  	v5 =	vld [tilespmem:s31+$0xFFFFFE60]  }
0x462: {  	v6 =	vld [tilespmem:s31+$0xFFFFFE70]  }
0x463: {  	v7 =	vld [tilespmem:s31+$0xFFFFFE80]  }
0x464: {  	v8 =	vld [tilespmem:s31+$0xFFFFFE90]  }
0x465: {  	v9 =	vld [tilespmem:s31+$0xFFFFFEA0]  }
0x466: {  	v10 =	vld [tilespmem:s31+$0xFFFFFEB0]  }
0x467: {  	v11 =	vld [tilespmem:s31+$0xFFFFFEC0]  }
0x468: {  	v14 =	vld [tilespmem:s31+$0xFFFFFED0]  }
0x469: {  	v16 =	vld [tilespmem:s31+$0xFFFFFEE0]  }
0x46a: {  	v17 =	vld [tilespmem:s31+$0xFFFFFEF0]  }
0x46b: {  	v18 =	vld [tilespmem:s31+$0xFFFFFF00]  }
0x46c: {  	v19 =	vld [tilespmem:s31+$0xFFFFFF10]  }
0x46d: {  	v20 =	vld [tilespmem:s31+$0xFFFFFF20]  }
0x46e: {  	v21 =	vld [tilespmem:s31+$0xFFFFFF30]  }
0x46f: {  	v22 =	vld [tilespmem:s31+$0xFFFFFF40]  }
0x470: {  	v23 =	vld [tilespmem:s31+$0xFFFFFF50]  }
0x471: {  	v24 =	vld [tilespmem:s31+$0xFFFFFF60]  }
0x472: {  	v25 =	vld [tilespmem:s31+$0xFFFFFF70]  }
0x473: {  	v26 =	vld [tilespmem:s31+$0xFFFFFF80]  }
0x474: {  	v27 =	vld [tilespmem:s31+$0xFFFFFF90]  }
0x475: {  	v28 =	vld [tilespmem:s31+$0xFFFFFFA0]  }
0x476: {  	v29 =	vld [tilespmem:s31+$0xFFFFFFB0]  }
0x477: {  	v30 =	vld [tilespmem:s31+$0xFFFFFFC0]  }
0x478: {  	v31 =	vld [tilespmem:s31+$0xFFFFFFD0]  }
0x479: {  	v32 =	vld [tilespmem:s31+$0xFFFFFFE0]  }
0x47a: {  	v33 =	vld [tilespmem:s31+$0xFFFFFFF0]  }
0x47b: {  	v34 =	vld [tilespmem:s31+$0x0]  }
0x47c: {  	v35 =	vld [tilespmem:s31+$0xFFFFFC10]  }
0x47d: {  	v36 =	vld [tilespmem:s31+$0xFFFFFC20]  }
0x47e: {  	v37 =	vld [tilespmem:s31+$0xFFFFFC30]  }
0x47f: {  	v38 =	vld [tilespmem:s31+$0xFFFFFC40]  }
0x480: {  	v39 =	vld [tilespmem:s31+$0xFFFFFC50]  }
0x481: {  	v40 =	vld [tilespmem:s31+$0xFFFFFC60]  }
0x482: {  	v41 =	vld [tilespmem:s31+$0xFFFFFC70]  }
0x483: {  	v42 =	vld [tilespmem:s31+$0xFFFFFC80]  }
0x484: {  	v43 =	vld [tilespmem:s31+$0xFFFFFC90]  }
0x485: {  	v44 =	vld [tilespmem:s31+$0xFFFFFCA0]  }
0x486: {  	v45 =	vld [tilespmem:s31+$0xFFFFFCB0]  }
0x487: {  	v46 =	vld [tilespmem:s31+$0xFFFFFCC0]  }
0x488: {  	v47 =	vld [tilespmem:s31+$0xFFFFFCD0]  }
0x489: {  	v48 =	vld [tilespmem:s31+$0xFFFFFCE0]  }
0x48a: {  	v49 =	vld [tilespmem:s31+$0xFFFFFCF0]  }
0x48b: {  	v50 =	vld [tilespmem:s31+$0xFFFFFD00]  }
0x48c: {  	v51 =	vld [tilespmem:s31+$0xFFFFFD10]  }
0x48d: {  	v52 =	vld [tilespmem:s31+$0xFFFFFD20]  }
0x48e: {  	v53 =	vld [tilespmem:s31+$0xFFFFFD30]  }
0x48f: {  	v54 =	vld [tilespmem:s31+$0xFFFFFD40]  }
0x490: {  	v55 =	vld [tilespmem:s31+$0xFFFFFD50]  }
0x491: {  	v56 =	vld [tilespmem:s31+$0xFFFFFD60]  }
0x492: {  	v57 =	vld [tilespmem:s31+$0xFFFFFD70]  }
0x493: {  	v58 =	vld [tilespmem:s31+$0xFFFFFD80]  }
0x494: {  	v15 =	vimm.f32 $-Inf;
	v62 =	vlaneseq.u32;
	v59 =	vld [tilespmem:s31+$0xFFFFFD90];
	v0 =	vmax.f32 v0, v1  }
0x495: {  	v60 =	vld [tilespmem:s31+$0xFFFFFDA0];
	v2 =	vmax.f32 v2, v3;
	v3 =	vmax.f32 v4, v5;
	v4 =	vmax.f32 v6, v7  }
0x496: {  	v61 =	vld [tilespmem:s31+$0xFFFFFDF0];
	v6 =	vmax.f32 v8, v9;
	v7 =	vmax.f32 v10, v11;
	v8 =	vmax.f32 v14, v16  }
0x497: {  	v63 =	vld [tilespmem:s31+$0xFFFFFE00];
	v10 =	vmax.f32 v17, v18;
	v11 =	vmax.f32 v19, v20;
	v14 =	vmax.f32 v21, v22  }
0x498: {  	v1 =	vld [tilespmem:s31+$0xFFFFFDB0];
	v17 =	vmax.f32 v23, v24;
	v18 =	vmax.f32 v25, v26;
	v19 =	vmax.f32 v27, v28  }
0x499: {  	v5 =	vld [tilespmem:s31+$0xFFFFFDC0];
	v20 =	vmax.f32 v29, v30;
	v21 =	vmax.f32 v31, v32;
	v23 =	vmax.f32 v33, v34  }
0x49a: {  	v9 =	vld [tilespmem:s31+$0xFFFFFDD0];
	v22 =	vmax.f32 v35, v36;
	v24 =	vmax.f32 v37, v38;
	v25 =	vmax.f32 v39, v40  }
0x49b: {  	v16 =	vld [tilespmem:s31+$0xFFFFFDE0];
	v26 =	vmax.f32 v41, v42;
	v27 =	vmax.f32 v43, v44;
	v29 =	vmax.f32 v45, v46  }
0x49c: {  	v28 =	vmax.f32 v47, v48;
	v30 =	vmax.f32 v49, v50;
	v31 =	vmax.f32 v51, v52  }
0x49d: {  	v32 =	vmax.f32 v53, v54;
	v33 =	vmax.f32 v55, v56;
	v35 =	vmax.f32 v57, v58  }
0x49e: {  	v34 =	vmax.f32 v59, v60;
	v38 =	vmax.f32 v61, v63;
	v39 =	vmax.f32 v0, v2  }
0x49f: {  	v40 =	vmax.f32 v3, v4;
	v41 =	vmax.f32 v6, v7;
	v42 =	vmax.f32 v8, v10  }
0x4a0: {  	s0 =	simm.s32 $0xE;
	s1 =	simm.s32 $0x10;
	s22 =	sadd.s32 $0x400, s31;
	v43 =	vmax.f32 v11, v14;
	v36 =	vmax.f32 v1, v5;
	v37 =	vmax.f32 v9, v16  }
.LBB2_24:
0x4a1: {  	v16 =	vld [tilespmem:s22+$0xFFFFFE10]  }
0x4a2: {  	v0 =	vmax.f32 v17, v18;
	v17 =	vld [tilespmem:s22+$0xFFFFFE20]  }
0x4a3: {  	v18 =	vld [tilespmem:s22+$0xFFFFFE30]  }
0x4a4: {  	v1 =	vmax.f32 v19, v20;
	v19 =	vld [tilespmem:s22+$0xFFFFFE40]  }
0x4a5: {  	v20 =	vld [tilespmem:s22+$0xFFFFFE50]  }
0x4a6: {  	v2 =	vmax.f32 v21, v23;
	v21 =	vld [tilespmem:s22+$0xFFFFFE60]  }
0x4a7: {  	v3 =	vmax.f32 v22, v24;
	v22 =	vld [tilespmem:s22+$0xFFFFFE70]  }
0x4a8: {  	v14 =	vld [tilespmem:s22+$0xFFFFFF10]  }
0x4a9: {  	v23 =	vld [tilespmem:s22+$0xFFFFFF20]  }
0x4aa: {  	v24 =	vld [tilespmem:s22+$0xFFFFFF60]  }
0x4ab: {  	v4 =	vmax.f32 v25, v26;
	v25 =	vld [tilespmem:s22+$0xFFFFFF70]  }
0x4ac: {  	v26 =	vld [tilespmem:s22+$0xFFFFFF80]  }
0x4ad: {  	v5 =	vmax.f32 v27, v29;
	v27 =	vld [tilespmem:s22+$0xFFFFFF90]  }
0x4ae: {  	v6 =	vmax.f32 v28, v30;
	v28 =	vld [tilespmem:s22+$0xFFFFFFA0]  }
0x4af: {  	v29 =	vld [tilespmem:s22+$0xFFFFFFB0]  }
0x4b0: {  	v30 =	vld [tilespmem:s22+$0xFFFFFFC0]  }
0x4b1: {  	v7 =	vmax.f32 v31, v32;
	v31 =	vld [tilespmem:s22+$0xFFFFFFD0]  }
0x4b2: {  	v11 =	vmax.f32 v39, v40;
	v40 =	vld [tilespmem:s22+$0xFFFFFC60]  }
0x4b3: {  	v63 =	vmax.f32 v41, v42;
	v41 =	vld [tilespmem:s22+$0xFFFFFC70]  }
0x4b4: {  	v42 =	vld [tilespmem:s22+$0xFFFFFC80]  }
0x4b5: {  	v44 =	vld [tilespmem:s22+$0xFFFFFCA0]  }
0x4b6: {  	v45 =	vld [tilespmem:s22+$0xFFFFFCB0]  }
0x4b7: {  	v46 =	vld [tilespmem:s22+$0xFFFFFCC0]  }
0x4b8: {  	v47 =	vld [tilespmem:s22+$0xFFFFFCD0]  }
0x4b9: {  	v48 =	vld [tilespmem:s22+$0xFFFFFCE0]  }
0x4ba: {  	v49 =	vld [tilespmem:s22+$0xFFFFFCF0]  }
0x4bb: {  	v50 =	vld [tilespmem:s22+$0xFFFFFD00]  }
0x4bc: {  	v51 =	vld [tilespmem:s22+$0xFFFFFD10]  }
0x4bd: {  	v52 =	vld [tilespmem:s22+$0xFFFFFD20]  }
0x4be: {  	v53 =	vld [tilespmem:s22+$0xFFFFFD30]  }
0x4bf: {  	v54 =	vld [tilespmem:s22+$0xFFFFFD40]  }
0x4c0: {  	v55 =	vld [tilespmem:s22+$0xFFFFFD50]  }
0x4c1: {  	v56 =	vld [tilespmem:s22+$0xFFFFFD60]  }
0x4c2: {  	v57 =	vld [tilespmem:s22+$0xFFFFFD70]  }
0x4c3: {  	v58 =	vld [tilespmem:s22+$0xFFFFFD80]  }
0x4c4: {  	v59 =	vld [tilespmem:s22+$0xFFFFFD90]  }
0x4c5: {  	v60 =	vld [tilespmem:s22+$0xFFFFFDA0]  }
0x4c6: {  	v61 =	vld [tilespmem:s22+$0xFFFFFDB0]  }
0x4c7: {  	v1 =	vmax.f32 v1, v2;
	v2 =	vld [tilespmem:s22+$0xFFFFFE80]  }
0x4c8: {  	v8 =	vmax.f32 v33, v35;
	v5 =	vmax.f32 v5, v6;
	v6 =	vld [tilespmem:s22+$0xFFFFFEE0]  }
0x4c9: {  	v9 =	vmax.f32 v34, v36;
	v10 =	vmax.f32 v37, v38;
	v32 =	vmax.f32 v7, v8;
	v7 =	vld [tilespmem:s22+$0xFFFFFEF0]  }
0x4ca: {  	v33 =	vmax.f32 v9, v10;
	v9 =	vld [tilespmem:s22+$0xFFFFFF00]  }
0x4cb: {  	v3 =	vmax.f32 v3, v4;
	v4 =	vmax.f32 v11, v63;
	v11 =	vld [tilespmem:s22+$0xFFFFFF30]  }
0x4cc: {  	v10 =	vld [tilespmem:s22+$0xFFFFFF50]  }
0x4cd: {  	v0 =	vmax.f32 v43, v0;
	v43 =	vld [tilespmem:s22+$0xFFFFFC90]  }
0x4ce: {  	v3 =	vmax.f32 v3, v5;
	v34 =	vmax.f32 v32, v33;
	v0 =	vmax.f32 v0, v1;
	v1 =	vld [tilespmem:s22+$0xFFFFFE90]  }
0x4cf: {  	v5 =	vld [tilespmem:s22+$0xFFFFFED0];
	v3 =	vmax.f32 v3, v34  }
0x4d0: {  	v32 =	vld [tilespmem:s22+$0xFFFFFFE0];
	v0 =	vmax.f32 v4, v0;
	(xrf0) =	vmax.scan.msk.f32 $0xffff, v3  }
0x4d1: {  	v3 =	vld [tilespmem:s22+$0xFFFFFEA0];
	(xrf0) =	vmax.scan.msk.f32 $0xffff, v0  }
0x4d2: {  	v4 =	vld [tilespmem:s22+$0xFFFFFEC0]  }
0x4d3: {  	s23 =	sadd.s32 $0xFFFFFFF2, s0;
	v0 =	vld [tilespmem:s22+$0xFFFFFEB0]  }
0x4d4: {  	v36 =	vmov s23;
	v33 =	vld [tilespmem:s22+$0xFFFFFFF0]  }
0x4d5: {  	vm0 =	veq.s32 v36, v62;
	v36 =	vld [tilespmem:s22+$0xFFFFFC20]  }
0x4d6: {  	v34 =	vld [tilespmem:s22+$0x0];
	v1 =	vmax.f32 v1, v3;
	v35, _, _ =	vpop (xrf0)  }
0x4d7: {  	s31 =	sadd.s32 $0xFFFFFFF3, s0;
	v3 =	vmax.f32 v5, v6;
	v5 =	vmax.f32 v7, v9;
	v9 =	vld [tilespmem:s22+$0xFFFFFDF0];
	v8 =	vbroadcast v35, $0xF;
	v37, _, _ =	vpop (xrf0)  }
0x4d8: {  	v39 =	vmov s31;
	v0 =	vmax.f32 v0, v4;
	v4 =	vld [tilespmem:s22+$0xFFFFFDD0];
	v38 =	vbroadcast v37, $0xF  }
0x4d9: {  	v35 =	vld [tilespmem:s22+$0xFFFFFC10];
	v8 =	vsel vm0, v8, v15;
	vm0 =	veq.s32 v39, v62  }
0x4da: {  	v16 =	vmax.f32 v16, v17;
	v39 =	vld [tilespmem:s22+$0xFFFFFC50];
	v8 =	vsel vm0, v38, v8  }
0x4db: {  	v63 =	vmax.f32 v20, v21;
	v20 =	vmax.f32 v29, v30;
	v29 =	vmax.f32 v45, v46;
	[tilespmem:$0x1FEF0] =	vst v8;
	v8 =	vld [tilespmem:s22+$0xFFFFFF40]  }
0x4dc: {  	v30 =	vmax.f32 v49, v50;
	v2 =	vmax.f32 v22, v2;
	v17 =	vmax.f32 v10, v24;
	v37 =	vld [tilespmem:s22+$0xFFFFFC30]  }
0x4dd: {  	v21 =	vmax.f32 v31, v32;
	v31 =	vmax.f32 v51, v52;
	v32 =	vmax.f32 v53, v54;
	v15 =	vld [tilespmem:s22+$0xFFFFFDC0]  }
0x4de: {  	v6 =	vmax.f32 v14, v23;
	v23 =	vmax.f32 v33, v34;
	v33 =	vmax.f32 v55, v56;
	v38 =	vld [tilespmem:s22+$0xFFFFFC40]  }
0x4df: {  	s0 =	smov.u32 s1;
	s1 =	sadd.s32 $0x2, s1;
	v62 =	vmax.f32 v18, v19;
	v18 =	vmax.f32 v25, v26;
	v25 =	vmax.f32 v39, v40;
	v40 =	vld [tilespmem:s22+$0xFFFFFE00]  }
0x4e0: {  	p1 =	slt.u32 s1, $0x1E;
	v34 =	vmax.f32 v59, v60;
	v19 =	vmax.f32 v27, v28;
	v7 =	vmax.f32 v11, v8;
	v8 =	vld [tilespmem:s22+$0xFFFFFDE0]  }
.Ltmp21:
0x4e1: {  	v26 =	vmax.f32 v41, v42;
	v27 =	vmax.f32 v43, v44;
	v28 =	vmax.f32 v47, v48;
	(pc) =	sbr.rel @p1 .LBB2_24-.Ltmp21, $4  }
0x4e2: {  	v41 =	vmax.f32 v1, v0;
	v42 =	vmax.f32 v3, v5;
	v22 =	vmax.f32 v35, v36  }
0x4e3: {  	v35 =	vmax.f32 v57, v58;
	v36 =	vmax.f32 v61, v15;
	v39 =	vmax.f32 v16, v62  }
0x4e4: {  	v62 =	vlaneseq.u32;
	v24 =	vmax.f32 v37, v38;
	v43 =	vmax.f32 v6, v7  }
0x4e5: {  	v15 =	vld [tilespmem:$0x1FEF0];
	s22 =	sadd.s32 $0x400, s22;
	v38 =	vmax.f32 v9, v40;
	v40 =	vmax.f32 v63, v2;
	v37 =	vmax.f32 v4, v8  }
0x4e6: {  	v0 =	vmax.f32 v17, v18;
	v1 =	vmax.f32 v19, v20;
	v2 =	vmax.f32 v21, v23  }
0x4e7: {  	v3 =	vmax.f32 v22, v24;
	v4 =	vmax.f32 v25, v26;
	v5 =	vmax.f32 v27, v29  }
0x4e8: {  	v6 =	vmax.f32 v28, v30;
	v7 =	vmax.f32 v31, v32;
	v8 =	vmax.f32 v33, v35  }
0x4e9: {  	v9 =	vmax.f32 v34, v36;
	v10 =	vmax.f32 v37, v38;
	v11 =	vmax.f32 v39, v40  }
0x4ea: {  	v51 =	vmax.f32 v41, v42;
	v3 =	vmax.f32 v3, v4;
	v0 =	vmax.f32 v43, v0  }
0x4eb: {  	v5 =	vmax.f32 v5, v6;
	v52 =	vmax.f32 v7, v8;
	v53 =	vmax.f32 v9, v10  }
0x4ec: {  	v1 =	vmax.f32 v1, v2;
	v3 =	vmax.f32 v3, v5;
	v54 =	vmax.f32 v52, v53  }
0x4ed: {  	v56 =	vmax.f32 v11, v51;
	v0 =	vmax.f32 v0, v1;
	v55 =	vmax.f32 v3, v54  }
0x4ee: {  	v0 =	vmax.f32 v56, v0;
	(xrf0) =	vmax.scan.msk.f32 $0xffff, v55  }
0x4ef: {  	(xrf0) =	vmax.scan.msk.f32 $0xffff, v0;
	_ =	sdelay $0x4  }
0x4f0: {  	s1 =	sadd.s32 $0xFFFFFFF2, s0;
	v57, _, _ =	vpop (xrf0)  }
0x4f1: {  	s31 =	sadd.s32 $0xFFFFFFF3, s0;
	v58 =	vmov s1;
	v0 =	vbroadcast v57, $0xF;
	v59, _, _ =	vpop (xrf0)  }
0x4f2: {  	v61 =	vmov s31;
	vm0 =	veq.s32 v58, v62;
	v60 =	vbroadcast v59, $0xF  }
0x4f3: {  	v0 =	vsel vm0, v0, v15;
	vm0 =	veq.s32 v61, v62  }
0x4f4: {  	v0 =	vsel vm0, v60, v0  }
0x4f5: {  	[tilespmem:$0x10010] =	vst v0  }
0x4f6: {  	v0 =	vld [tilespmem:s30+$0xFFFFFE10]  }
0x4f7: {  	v1 =	vld [tilespmem:s30+$0xFFFFFE20]  }
0x4f8: {  	v2 =	vld [tilespmem:s30+$0xFFFFFE30]  }
0x4f9: {  	v3 =	vld [tilespmem:s30+$0xFFFFFE40]  }
0x4fa: {  	v4 =	vld [tilespmem:s30+$0xFFFFFE50]  }
0x4fb: {  	v5 =	vld [tilespmem:s30+$0xFFFFFE60]  }
0x4fc: {  	v6 =	vld [tilespmem:s30+$0xFFFFFE70]  }
0x4fd: {  	v7 =	vld [tilespmem:s30+$0xFFFFFE80]  }
0x4fe: {  	v8 =	vld [tilespmem:s30+$0xFFFFFE90]  }
0x4ff: {  	v9 =	vld [tilespmem:s30+$0xFFFFFEA0]  }
0x500: {  	v10 =	vld [tilespmem:s30+$0xFFFFFEB0]  }
0x501: {  	v11 =	vld [tilespmem:s30+$0xFFFFFEC0]  }
0x502: {  	v14 =	vld [tilespmem:s30+$0xFFFFFED0]  }
0x503: {  	v16 =	vld [tilespmem:s30+$0xFFFFFEE0]  }
0x504: {  	v17 =	vld [tilespmem:s30+$0xFFFFFEF0]  }
0x505: {  	v18 =	vld [tilespmem:s30+$0xFFFFFF00]  }
0x506: {  	v19 =	vld [tilespmem:s30+$0xFFFFFF10]  }
0x507: {  	v20 =	vld [tilespmem:s30+$0xFFFFFF20]  }
0x508: {  	v21 =	vld [tilespmem:s30+$0xFFFFFF30]  }
0x509: {  	v22 =	vld [tilespmem:s30+$0xFFFFFF40]  }
0x50a: {  	v23 =	vld [tilespmem:s30+$0xFFFFFF50]  }
0x50b: {  	v24 =	vld [tilespmem:s30+$0xFFFFFF60]  }
0x50c: {  	v25 =	vld [tilespmem:s30+$0xFFFFFF70]  }
0x50d: {  	v26 =	vld [tilespmem:s30+$0xFFFFFF80]  }
0x50e: {  	v27 =	vld [tilespmem:s30+$0xFFFFFF90]  }
0x50f: {  	v28 =	vld [tilespmem:s30+$0xFFFFFFA0]  }
0x510: {  	v29 =	vld [tilespmem:s30+$0xFFFFFFB0]  }
0x511: {  	v30 =	vld [tilespmem:s30+$0xFFFFFFC0]  }
0x512: {  	v31 =	vld [tilespmem:s30+$0xFFFFFFD0]  }
0x513: {  	v32 =	vld [tilespmem:s30+$0xFFFFFFE0]  }
0x514: {  	v33 =	vld [tilespmem:s30+$0xFFFFFFF0]  }
0x515: {  	v34 =	vld [tilespmem:s30+$0x0]  }
0x516: {  	v35 =	vld [tilespmem:s30+$0xFFFFFC10]  }
0x517: {  	v36 =	vld [tilespmem:s30+$0xFFFFFC20]  }
0x518: {  	v37 =	vld [tilespmem:s30+$0xFFFFFC30]  }
0x519: {  	v38 =	vld [tilespmem:s30+$0xFFFFFC40]  }
0x51a: {  	v39 =	vld [tilespmem:s30+$0xFFFFFC50]  }
0x51b: {  	v40 =	vld [tilespmem:s30+$0xFFFFFC60]  }
0x51c: {  	v41 =	vld [tilespmem:s30+$0xFFFFFC70]  }
0x51d: {  	v42 =	vld [tilespmem:s30+$0xFFFFFC80]  }
0x51e: {  	v43 =	vld [tilespmem:s30+$0xFFFFFC90]  }
0x51f: {  	v44 =	vld [tilespmem:s30+$0xFFFFFCA0]  }
0x520: {  	v45 =	vld [tilespmem:s30+$0xFFFFFCB0]  }
0x521: {  	v46 =	vld [tilespmem:s30+$0xFFFFFCC0]  }
0x522: {  	v47 =	vld [tilespmem:s30+$0xFFFFFCD0]  }
0x523: {  	v48 =	vld [tilespmem:s30+$0xFFFFFCE0]  }
0x524: {  	v49 =	vld [tilespmem:s30+$0xFFFFFCF0]  }
0x525: {  	v50 =	vld [tilespmem:s30+$0xFFFFFD00]  }
0x526: {  	v51 =	vld [tilespmem:s30+$0xFFFFFD10]  }
0x527: {  	v52 =	vld [tilespmem:s30+$0xFFFFFD20]  }
0x528: {  	v53 =	vld [tilespmem:s30+$0xFFFFFD30]  }
0x529: {  	v54 =	vld [tilespmem:s30+$0xFFFFFD40]  }
0x52a: {  	v55 =	vld [tilespmem:s30+$0xFFFFFD50]  }
0x52b: {  	v56 =	vld [tilespmem:s30+$0xFFFFFD60]  }
0x52c: {  	v57 =	vld [tilespmem:s30+$0xFFFFFD70]  }
0x52d: {  	v58 =	vld [tilespmem:s30+$0xFFFFFD80]  }
0x52e: {  	v15 =	vimm.f32 $-Inf;
	v59 =	vld [tilespmem:s30+$0xFFFFFD90];
	v0 =	vmax.f32 v0, v1  }
0x52f: {  	v60 =	vld [tilespmem:s30+$0xFFFFFDA0];
	v2 =	vmax.f32 v2, v3;
	v3 =	vmax.f32 v4, v5;
	v4 =	vmax.f32 v6, v7  }
0x530: {  	v61 =	vld [tilespmem:s30+$0xFFFFFDF0];
	v6 =	vmax.f32 v8, v9;
	v7 =	vmax.f32 v10, v11;
	v8 =	vmax.f32 v14, v16  }
0x531: {  	v63 =	vld [tilespmem:s30+$0xFFFFFE00];
	v10 =	vmax.f32 v17, v18;
	v11 =	vmax.f32 v19, v20;
	v14 =	vmax.f32 v21, v22  }
0x532: {  	v1 =	vld [tilespmem:s30+$0xFFFFFDB0];
	v17 =	vmax.f32 v23, v24;
	v18 =	vmax.f32 v25, v26;
	v19 =	vmax.f32 v27, v28  }
0x533: {  	v5 =	vld [tilespmem:s30+$0xFFFFFDC0];
	v20 =	vmax.f32 v29, v30;
	v21 =	vmax.f32 v31, v32;
	v23 =	vmax.f32 v33, v34  }
0x534: {  	v9 =	vld [tilespmem:s30+$0xFFFFFDD0];
	v22 =	vmax.f32 v35, v36;
	v24 =	vmax.f32 v37, v38;
	v25 =	vmax.f32 v39, v40  }
0x535: {  	v16 =	vld [tilespmem:s30+$0xFFFFFDE0];
	v26 =	vmax.f32 v41, v42;
	v27 =	vmax.f32 v43, v44;
	v29 =	vmax.f32 v45, v46  }
0x536: {  	v28 =	vmax.f32 v47, v48;
	v30 =	vmax.f32 v49, v50;
	v31 =	vmax.f32 v51, v52  }
0x537: {  	v32 =	vmax.f32 v53, v54;
	v33 =	vmax.f32 v55, v56;
	v35 =	vmax.f32 v57, v58  }
0x538: {  	v34 =	vmax.f32 v59, v60;
	v38 =	vmax.f32 v61, v63;
	v39 =	vmax.f32 v0, v2  }
0x539: {  	v40 =	vmax.f32 v3, v4;
	v41 =	vmax.f32 v6, v7;
	v42 =	vmax.f32 v8, v10  }
0x53a: {  	s0 =	simm.s32 $0x1E;
	s22 =	sadd.s32 $0x400, s30;
	s1 =	simm.s32 $0x20;
	v43 =	vmax.f32 v11, v14;
	v36 =	vmax.f32 v1, v5;
	v37 =	vmax.f32 v9, v16  }
.LBB2_26:
0x53b: {  	v16 =	vld [tilespmem:s22+$0xFFFFFE10]  }
0x53c: {  	v0 =	vmax.f32 v17, v18;
	v17 =	vld [tilespmem:s22+$0xFFFFFE20]  }
0x53d: {  	v18 =	vld [tilespmem:s22+$0xFFFFFE30]  }
0x53e: {  	v1 =	vmax.f32 v19, v20;
	v19 =	vld [tilespmem:s22+$0xFFFFFE40]  }
0x53f: {  	v20 =	vld [tilespmem:s22+$0xFFFFFE50]  }
0x540: {  	v2 =	vmax.f32 v21, v23;
	v21 =	vld [tilespmem:s22+$0xFFFFFE60]  }
0x541: {  	v3 =	vmax.f32 v22, v24;
	v22 =	vld [tilespmem:s22+$0xFFFFFE70]  }
0x542: {  	v14 =	vld [tilespmem:s22+$0xFFFFFF10]  }
0x543: {  	v23 =	vld [tilespmem:s22+$0xFFFFFF20]  }
0x544: {  	v24 =	vld [tilespmem:s22+$0xFFFFFF60]  }
0x545: {  	v4 =	vmax.f32 v25, v26;
	v25 =	vld [tilespmem:s22+$0xFFFFFF70]  }
0x546: {  	v26 =	vld [tilespmem:s22+$0xFFFFFF80]  }
0x547: {  	v5 =	vmax.f32 v27, v29;
	v27 =	vld [tilespmem:s22+$0xFFFFFF90]  }
0x548: {  	v6 =	vmax.f32 v28, v30;
	v28 =	vld [tilespmem:s22+$0xFFFFFFA0]  }
0x549: {  	v29 =	vld [tilespmem:s22+$0xFFFFFFB0]  }
0x54a: {  	v30 =	vld [tilespmem:s22+$0xFFFFFFC0]  }
0x54b: {  	v7 =	vmax.f32 v31, v32;
	v31 =	vld [tilespmem:s22+$0xFFFFFFD0]  }
0x54c: {  	v11 =	vmax.f32 v39, v40;
	v40 =	vld [tilespmem:s22+$0xFFFFFC60]  }
0x54d: {  	v63 =	vmax.f32 v41, v42;
	v41 =	vld [tilespmem:s22+$0xFFFFFC70]  }
0x54e: {  	v42 =	vld [tilespmem:s22+$0xFFFFFC80]  }
0x54f: {  	v44 =	vld [tilespmem:s22+$0xFFFFFCA0]  }
0x550: {  	v45 =	vld [tilespmem:s22+$0xFFFFFCB0]  }
0x551: {  	v46 =	vld [tilespmem:s22+$0xFFFFFCC0]  }
0x552: {  	v47 =	vld [tilespmem:s22+$0xFFFFFCD0]  }
0x553: {  	v48 =	vld [tilespmem:s22+$0xFFFFFCE0]  }
0x554: {  	v49 =	vld [tilespmem:s22+$0xFFFFFCF0]  }
0x555: {  	v50 =	vld [tilespmem:s22+$0xFFFFFD00]  }
0x556: {  	v51 =	vld [tilespmem:s22+$0xFFFFFD10]  }
0x557: {  	v52 =	vld [tilespmem:s22+$0xFFFFFD20]  }
0x558: {  	v53 =	vld [tilespmem:s22+$0xFFFFFD30]  }
0x559: {  	v54 =	vld [tilespmem:s22+$0xFFFFFD40]  }
0x55a: {  	v55 =	vld [tilespmem:s22+$0xFFFFFD50]  }
0x55b: {  	v56 =	vld [tilespmem:s22+$0xFFFFFD60]  }
0x55c: {  	v57 =	vld [tilespmem:s22+$0xFFFFFD70]  }
0x55d: {  	v58 =	vld [tilespmem:s22+$0xFFFFFD80]  }
0x55e: {  	v59 =	vld [tilespmem:s22+$0xFFFFFD90]  }
0x55f: {  	v60 =	vld [tilespmem:s22+$0xFFFFFDA0]  }
0x560: {  	v61 =	vld [tilespmem:s22+$0xFFFFFDB0]  }
0x561: {  	v1 =	vmax.f32 v1, v2;
	v2 =	vld [tilespmem:s22+$0xFFFFFE80]  }
0x562: {  	v8 =	vmax.f32 v33, v35;
	v5 =	vmax.f32 v5, v6;
	v6 =	vld [tilespmem:s22+$0xFFFFFEE0]  }
0x563: {  	v9 =	vmax.f32 v34, v36;
	v10 =	vmax.f32 v37, v38;
	v32 =	vmax.f32 v7, v8;
	v7 =	vld [tilespmem:s22+$0xFFFFFEF0]  }
0x564: {  	v33 =	vmax.f32 v9, v10;
	v9 =	vld [tilespmem:s22+$0xFFFFFF00]  }
0x565: {  	v3 =	vmax.f32 v3, v4;
	v4 =	vmax.f32 v11, v63;
	v11 =	vld [tilespmem:s22+$0xFFFFFF30]  }
0x566: {  	v10 =	vld [tilespmem:s22+$0xFFFFFF50]  }
0x567: {  	v0 =	vmax.f32 v43, v0;
	v43 =	vld [tilespmem:s22+$0xFFFFFC90]  }
0x568: {  	v3 =	vmax.f32 v3, v5;
	v34 =	vmax.f32 v32, v33;
	v0 =	vmax.f32 v0, v1;
	v1 =	vld [tilespmem:s22+$0xFFFFFE90]  }
0x569: {  	v5 =	vld [tilespmem:s22+$0xFFFFFED0];
	v3 =	vmax.f32 v3, v34  }
0x56a: {  	v32 =	vld [tilespmem:s22+$0xFFFFFFE0];
	v0 =	vmax.f32 v4, v0;
	(xrf0) =	vmax.scan.msk.f32 $0xffff, v3  }
0x56b: {  	v3 =	vld [tilespmem:s22+$0xFFFFFEA0];
	(xrf0) =	vmax.scan.msk.f32 $0xffff, v0  }
0x56c: {  	v4 =	vld [tilespmem:s22+$0xFFFFFEC0]  }
0x56d: {  	s23 =	sadd.s32 $0xFFFFFFE2, s0;
	v0 =	vld [tilespmem:s22+$0xFFFFFEB0]  }
0x56e: {  	v36 =	vmov s23;
	v33 =	vld [tilespmem:s22+$0xFFFFFFF0]  }
0x56f: {  	vm0 =	veq.s32 v36, v62;
	v36 =	vld [tilespmem:s22+$0xFFFFFC20]  }
0x570: {  	v34 =	vld [tilespmem:s22+$0x0];
	v1 =	vmax.f32 v1, v3;
	v35, _, _ =	vpop (xrf0)  }
0x571: {  	s31 =	sadd.s32 $0xFFFFFFE3, s0;
	v3 =	vmax.f32 v5, v6;
	v5 =	vmax.f32 v7, v9;
	v9 =	vld [tilespmem:s22+$0xFFFFFDF0];
	v8 =	vbroadcast v35, $0xF;
	v37, _, _ =	vpop (xrf0)  }
0x572: {  	v39 =	vmov s31;
	v0 =	vmax.f32 v0, v4;
	v4 =	vld [tilespmem:s22+$0xFFFFFDD0];
	v38 =	vbroadcast v37, $0xF  }
0x573: {  	v35 =	vld [tilespmem:s22+$0xFFFFFC10];
	v8 =	vsel vm0, v8, v15;
	vm0 =	veq.s32 v39, v62  }
0x574: {  	v16 =	vmax.f32 v16, v17;
	v39 =	vld [tilespmem:s22+$0xFFFFFC50];
	v8 =	vsel vm0, v38, v8  }
0x575: {  	v63 =	vmax.f32 v20, v21;
	v20 =	vmax.f32 v29, v30;
	v29 =	vmax.f32 v45, v46;
	[tilespmem:$0x1FEE0] =	vst v8;
	v8 =	vld [tilespmem:s22+$0xFFFFFF40]  }
0x576: {  	v30 =	vmax.f32 v49, v50;
	v2 =	vmax.f32 v22, v2;
	v17 =	vmax.f32 v10, v24;
	v37 =	vld [tilespmem:s22+$0xFFFFFC30]  }
0x577: {  	v21 =	vmax.f32 v31, v32;
	v31 =	vmax.f32 v51, v52;
	v32 =	vmax.f32 v53, v54;
	v15 =	vld [tilespmem:s22+$0xFFFFFDC0]  }
0x578: {  	v6 =	vmax.f32 v14, v23;
	v23 =	vmax.f32 v33, v34;
	v33 =	vmax.f32 v55, v56;
	v38 =	vld [tilespmem:s22+$0xFFFFFC40]  }
0x579: {  	s0 =	smov.u32 s1;
	s1 =	sadd.s32 $0x2, s1;
	v62 =	vmax.f32 v18, v19;
	v18 =	vmax.f32 v25, v26;
	v25 =	vmax.f32 v39, v40;
	v40 =	vld [tilespmem:s22+$0xFFFFFE00]  }
0x57a: {  	p1 =	slt.u32 s1, $0x2E;
	v34 =	vmax.f32 v59, v60;
	v19 =	vmax.f32 v27, v28;
	v7 =	vmax.f32 v11, v8;
	v8 =	vld [tilespmem:s22+$0xFFFFFDE0]  }
.Ltmp22:
0x57b: {  	v26 =	vmax.f32 v41, v42;
	v27 =	vmax.f32 v43, v44;
	v28 =	vmax.f32 v47, v48;
	(pc) =	sbr.rel @p1 .LBB2_26-.Ltmp22, $4  }
0x57c: {  	v41 =	vmax.f32 v1, v0;
	v42 =	vmax.f32 v3, v5;
	v22 =	vmax.f32 v35, v36  }
0x57d: {  	v35 =	vmax.f32 v57, v58;
	v36 =	vmax.f32 v61, v15;
	v39 =	vmax.f32 v16, v62  }
0x57e: {  	v62 =	vlaneseq.u32;
	v24 =	vmax.f32 v37, v38;
	v43 =	vmax.f32 v6, v7  }
0x57f: {  	v15 =	vld [tilespmem:$0x1FEE0];
	s22 =	sadd.s32 $0x400, s22;
	v38 =	vmax.f32 v9, v40;
	v40 =	vmax.f32 v63, v2;
	v37 =	vmax.f32 v4, v8  }
0x580: {  	v0 =	vmax.f32 v17, v18;
	v1 =	vmax.f32 v19, v20;
	v2 =	vmax.f32 v21, v23  }
0x581: {  	v3 =	vmax.f32 v22, v24;
	v4 =	vmax.f32 v25, v26;
	v5 =	vmax.f32 v27, v29  }
0x582: {  	v6 =	vmax.f32 v28, v30;
	v7 =	vmax.f32 v31, v32;
	v8 =	vmax.f32 v33, v35  }
0x583: {  	v9 =	vmax.f32 v34, v36;
	v10 =	vmax.f32 v37, v38;
	v11 =	vmax.f32 v39, v40  }
0x584: {  	v51 =	vmax.f32 v41, v42;
	v3 =	vmax.f32 v3, v4;
	v0 =	vmax.f32 v43, v0  }
0x585: {  	v5 =	vmax.f32 v5, v6;
	v52 =	vmax.f32 v7, v8;
	v53 =	vmax.f32 v9, v10  }
0x586: {  	v1 =	vmax.f32 v1, v2;
	v3 =	vmax.f32 v3, v5;
	v54 =	vmax.f32 v52, v53  }
0x587: {  	v56 =	vmax.f32 v11, v51;
	v0 =	vmax.f32 v0, v1;
	v55 =	vmax.f32 v3, v54  }
0x588: {  	v0 =	vmax.f32 v56, v0;
	(xrf0) =	vmax.scan.msk.f32 $0xffff, v55  }
0x589: {  	(xrf0) =	vmax.scan.msk.f32 $0xffff, v0;
	_ =	sdelay $0x4  }
0x58a: {  	s1 =	sadd.s32 $0xFFFFFFE2, s0;
	v57, _, _ =	vpop (xrf0)  }
0x58b: {  	s31 =	sadd.s32 $0xFFFFFFE3, s0;
	v58 =	vmov s1;
	v0 =	vbroadcast v57, $0xF;
	v59, _, _ =	vpop (xrf0)  }
0x58c: {  	v61 =	vmov s31;
	vm0 =	veq.s32 v58, v62;
	v60 =	vbroadcast v59, $0xF  }
0x58d: {  	v0 =	vsel vm0, v0, v15;
	vm0 =	veq.s32 v61, v62  }
0x58e: {  	v0 =	vsel vm0, v60, v0  }
0x58f: {  	[tilespmem:$0x10020] =	vst v0  }
0x590: {  	v0 =	vld [tilespmem:s29+$0xFFFFFE10]  }
0x591: {  	v1 =	vld [tilespmem:s29+$0xFFFFFE20]  }
0x592: {  	v2 =	vld [tilespmem:s29+$0xFFFFFE30]  }
0x593: {  	v3 =	vld [tilespmem:s29+$0xFFFFFE40]  }
0x594: {  	v4 =	vld [tilespmem:s29+$0xFFFFFE50]  }
0x595: {  	v5 =	vld [tilespmem:s29+$0xFFFFFE60]  }
0x596: {  	v6 =	vld [tilespmem:s29+$0xFFFFFE70]  }
0x597: {  	v7 =	vld [tilespmem:s29+$0xFFFFFE80]  }
0x598: {  	v8 =	vld [tilespmem:s29+$0xFFFFFE90]  }
0x599: {  	v9 =	vld [tilespmem:s29+$0xFFFFFEA0]  }
0x59a: {  	v10 =	vld [tilespmem:s29+$0xFFFFFEB0]  }
0x59b: {  	v11 =	vld [tilespmem:s29+$0xFFFFFEC0]  }
0x59c: {  	v14 =	vld [tilespmem:s29+$0xFFFFFED0]  }
0x59d: {  	v16 =	vld [tilespmem:s29+$0xFFFFFEE0]  }
0x59e: {  	v17 =	vld [tilespmem:s29+$0xFFFFFEF0]  }
0x59f: {  	v18 =	vld [tilespmem:s29+$0xFFFFFF00]  }
0x5a0: {  	v19 =	vld [tilespmem:s29+$0xFFFFFF10]  }
0x5a1: {  	v20 =	vld [tilespmem:s29+$0xFFFFFF20]  }
0x5a2: {  	v21 =	vld [tilespmem:s29+$0xFFFFFF30]  }
0x5a3: {  	v22 =	vld [tilespmem:s29+$0xFFFFFF40]  }
0x5a4: {  	v23 =	vld [tilespmem:s29+$0xFFFFFF50]  }
0x5a5: {  	v24 =	vld [tilespmem:s29+$0xFFFFFF60]  }
0x5a6: {  	v25 =	vld [tilespmem:s29+$0xFFFFFF70]  }
0x5a7: {  	v26 =	vld [tilespmem:s29+$0xFFFFFF80]  }
0x5a8: {  	v27 =	vld [tilespmem:s29+$0xFFFFFF90]  }
0x5a9: {  	v28 =	vld [tilespmem:s29+$0xFFFFFFA0]  }
0x5aa: {  	v29 =	vld [tilespmem:s29+$0xFFFFFFB0]  }
0x5ab: {  	v30 =	vld [tilespmem:s29+$0xFFFFFFC0]  }
0x5ac: {  	v31 =	vld [tilespmem:s29+$0xFFFFFFD0]  }
0x5ad: {  	v32 =	vld [tilespmem:s29+$0xFFFFFFE0]  }
0x5ae: {  	v33 =	vld [tilespmem:s29+$0xFFFFFFF0]  }
0x5af: {  	v34 =	vld [tilespmem:s29+$0x0]  }
0x5b0: {  	v35 =	vld [tilespmem:s29+$0xFFFFFC10]  }
0x5b1: {  	v36 =	vld [tilespmem:s29+$0xFFFFFC20]  }
0x5b2: {  	v37 =	vld [tilespmem:s29+$0xFFFFFC30]  }
0x5b3: {  	v38 =	vld [tilespmem:s29+$0xFFFFFC40]  }
0x5b4: {  	v39 =	vld [tilespmem:s29+$0xFFFFFC50]  }
0x5b5: {  	v40 =	vld [tilespmem:s29+$0xFFFFFC60]  }
0x5b6: {  	v41 =	vld [tilespmem:s29+$0xFFFFFC70]  }
0x5b7: {  	v42 =	vld [tilespmem:s29+$0xFFFFFC80]  }
0x5b8: {  	v43 =	vld [tilespmem:s29+$0xFFFFFC90]  }
0x5b9: {  	v44 =	vld [tilespmem:s29+$0xFFFFFCA0]  }
0x5ba: {  	v45 =	vld [tilespmem:s29+$0xFFFFFCB0]  }
0x5bb: {  	v46 =	vld [tilespmem:s29+$0xFFFFFCC0]  }
0x5bc: {  	v47 =	vld [tilespmem:s29+$0xFFFFFCD0]  }
0x5bd: {  	v48 =	vld [tilespmem:s29+$0xFFFFFCE0]  }
0x5be: {  	v49 =	vld [tilespmem:s29+$0xFFFFFCF0]  }
0x5bf: {  	v50 =	vld [tilespmem:s29+$0xFFFFFD00]  }
0x5c0: {  	v51 =	vld [tilespmem:s29+$0xFFFFFD10]  }
0x5c1: {  	v52 =	vld [tilespmem:s29+$0xFFFFFD20]  }
0x5c2: {  	v53 =	vld [tilespmem:s29+$0xFFFFFD30]  }
0x5c3: {  	v54 =	vld [tilespmem:s29+$0xFFFFFD40]  }
0x5c4: {  	v55 =	vld [tilespmem:s29+$0xFFFFFD50]  }
0x5c5: {  	v56 =	vld [tilespmem:s29+$0xFFFFFD60]  }
0x5c6: {  	v57 =	vld [tilespmem:s29+$0xFFFFFD70]  }
0x5c7: {  	v58 =	vld [tilespmem:s29+$0xFFFFFD80]  }
0x5c8: {  	v15 =	vimm.f32 $-Inf;
	v59 =	vld [tilespmem:s29+$0xFFFFFD90];
	v0 =	vmax.f32 v0, v1  }
0x5c9: {  	v60 =	vld [tilespmem:s29+$0xFFFFFDA0];
	v2 =	vmax.f32 v2, v3;
	v3 =	vmax.f32 v4, v5;
	v4 =	vmax.f32 v6, v7  }
0x5ca: {  	v61 =	vld [tilespmem:s29+$0xFFFFFDF0];
	v6 =	vmax.f32 v8, v9;
	v7 =	vmax.f32 v10, v11;
	v8 =	vmax.f32 v14, v16  }
0x5cb: {  	v63 =	vld [tilespmem:s29+$0xFFFFFE00];
	v10 =	vmax.f32 v17, v18;
	v11 =	vmax.f32 v19, v20;
	v14 =	vmax.f32 v21, v22  }
0x5cc: {  	v1 =	vld [tilespmem:s29+$0xFFFFFDB0];
	v17 =	vmax.f32 v23, v24;
	v18 =	vmax.f32 v25, v26;
	v19 =	vmax.f32 v27, v28  }
0x5cd: {  	v5 =	vld [tilespmem:s29+$0xFFFFFDC0];
	v20 =	vmax.f32 v29, v30;
	v21 =	vmax.f32 v31, v32;
	v23 =	vmax.f32 v33, v34  }
0x5ce: {  	v9 =	vld [tilespmem:s29+$0xFFFFFDD0];
	v22 =	vmax.f32 v35, v36;
	v24 =	vmax.f32 v37, v38;
	v25 =	vmax.f32 v39, v40  }
0x5cf: {  	v16 =	vld [tilespmem:s29+$0xFFFFFDE0];
	v26 =	vmax.f32 v41, v42;
	v27 =	vmax.f32 v43, v44;
	v29 =	vmax.f32 v45, v46  }
0x5d0: {  	v28 =	vmax.f32 v47, v48;
	v30 =	vmax.f32 v49, v50;
	v31 =	vmax.f32 v51, v52  }
0x5d1: {  	v32 =	vmax.f32 v53, v54;
	v33 =	vmax.f32 v55, v56;
	v35 =	vmax.f32 v57, v58  }
0x5d2: {  	v34 =	vmax.f32 v59, v60;
	v38 =	vmax.f32 v61, v63;
	v39 =	vmax.f32 v0, v2  }
0x5d3: {  	v40 =	vmax.f32 v3, v4;
	v41 =	vmax.f32 v6, v7;
	v42 =	vmax.f32 v8, v10  }
0x5d4: {  	s30 =	simm.s32 $0x2E;
	s0 =	simm.s32 $0x30;
	s1 =	sadd.s32 $0x400, s29;
	v43 =	vmax.f32 v11, v14;
	v36 =	vmax.f32 v1, v5;
	v37 =	vmax.f32 v9, v16  }
.LBB2_28:
0x5d5: {  	v16 =	vld [tilespmem:s1+$0xFFFFFE10]  }
0x5d6: {  	v0 =	vmax.f32 v17, v18;
	v17 =	vld [tilespmem:s1+$0xFFFFFE20]  }
0x5d7: {  	v18 =	vld [tilespmem:s1+$0xFFFFFE30]  }
0x5d8: {  	v1 =	vmax.f32 v19, v20;
	v19 =	vld [tilespmem:s1+$0xFFFFFE40]  }
0x5d9: {  	v20 =	vld [tilespmem:s1+$0xFFFFFE50]  }
0x5da: {  	v2 =	vmax.f32 v21, v23;
	v21 =	vld [tilespmem:s1+$0xFFFFFE60]  }
0x5db: {  	v3 =	vmax.f32 v22, v24;
	v22 =	vld [tilespmem:s1+$0xFFFFFE70]  }
0x5dc: {  	v14 =	vld [tilespmem:s1+$0xFFFFFF10]  }
0x5dd: {  	v23 =	vld [tilespmem:s1+$0xFFFFFF20]  }
0x5de: {  	v24 =	vld [tilespmem:s1+$0xFFFFFF60]  }
0x5df: {  	v4 =	vmax.f32 v25, v26;
	v25 =	vld [tilespmem:s1+$0xFFFFFF70]  }
0x5e0: {  	v26 =	vld [tilespmem:s1+$0xFFFFFF80]  }
0x5e1: {  	v5 =	vmax.f32 v27, v29;
	v27 =	vld [tilespmem:s1+$0xFFFFFF90]  }
0x5e2: {  	v6 =	vmax.f32 v28, v30;
	v28 =	vld [tilespmem:s1+$0xFFFFFFA0]  }
0x5e3: {  	v29 =	vld [tilespmem:s1+$0xFFFFFFB0]  }
0x5e4: {  	v30 =	vld [tilespmem:s1+$0xFFFFFFC0]  }
0x5e5: {  	v7 =	vmax.f32 v31, v32;
	v31 =	vld [tilespmem:s1+$0xFFFFFFD0]  }
0x5e6: {  	v11 =	vmax.f32 v39, v40;
	v40 =	vld [tilespmem:s1+$0xFFFFFC60]  }
0x5e7: {  	v63 =	vmax.f32 v41, v42;
	v41 =	vld [tilespmem:s1+$0xFFFFFC70]  }
0x5e8: {  	v42 =	vld [tilespmem:s1+$0xFFFFFC80]  }
0x5e9: {  	v44 =	vld [tilespmem:s1+$0xFFFFFCA0]  }
0x5ea: {  	v45 =	vld [tilespmem:s1+$0xFFFFFCB0]  }
0x5eb: {  	v46 =	vld [tilespmem:s1+$0xFFFFFCC0]  }
0x5ec: {  	v47 =	vld [tilespmem:s1+$0xFFFFFCD0]  }
0x5ed: {  	v48 =	vld [tilespmem:s1+$0xFFFFFCE0]  }
0x5ee: {  	v49 =	vld [tilespmem:s1+$0xFFFFFCF0]  }
0x5ef: {  	v50 =	vld [tilespmem:s1+$0xFFFFFD00]  }
0x5f0: {  	v51 =	vld [tilespmem:s1+$0xFFFFFD10]  }
0x5f1: {  	v52 =	vld [tilespmem:s1+$0xFFFFFD20]  }
0x5f2: {  	v53 =	vld [tilespmem:s1+$0xFFFFFD30]  }
0x5f3: {  	v54 =	vld [tilespmem:s1+$0xFFFFFD40]  }
0x5f4: {  	v55 =	vld [tilespmem:s1+$0xFFFFFD50]  }
0x5f5: {  	v56 =	vld [tilespmem:s1+$0xFFFFFD60]  }
0x5f6: {  	v57 =	vld [tilespmem:s1+$0xFFFFFD70]  }
0x5f7: {  	v58 =	vld [tilespmem:s1+$0xFFFFFD80]  }
0x5f8: {  	v59 =	vld [tilespmem:s1+$0xFFFFFD90]  }
0x5f9: {  	v60 =	vld [tilespmem:s1+$0xFFFFFDA0]  }
0x5fa: {  	v61 =	vld [tilespmem:s1+$0xFFFFFDB0]  }
0x5fb: {  	v1 =	vmax.f32 v1, v2;
	v2 =	vld [tilespmem:s1+$0xFFFFFE80]  }
0x5fc: {  	v8 =	vmax.f32 v33, v35;
	v5 =	vmax.f32 v5, v6;
	v6 =	vld [tilespmem:s1+$0xFFFFFEE0]  }
0x5fd: {  	v9 =	vmax.f32 v34, v36;
	v10 =	vmax.f32 v37, v38;
	v32 =	vmax.f32 v7, v8;
	v7 =	vld [tilespmem:s1+$0xFFFFFEF0]  }
0x5fe: {  	v33 =	vmax.f32 v9, v10;
	v9 =	vld [tilespmem:s1+$0xFFFFFF00]  }
0x5ff: {  	v3 =	vmax.f32 v3, v4;
	v4 =	vmax.f32 v11, v63;
	v11 =	vld [tilespmem:s1+$0xFFFFFF30]  }
0x600: {  	v10 =	vld [tilespmem:s1+$0xFFFFFF50]  }
0x601: {  	v0 =	vmax.f32 v43, v0;
	v43 =	vld [tilespmem:s1+$0xFFFFFC90]  }
0x602: {  	v3 =	vmax.f32 v3, v5;
	v34 =	vmax.f32 v32, v33;
	v0 =	vmax.f32 v0, v1;
	v1 =	vld [tilespmem:s1+$0xFFFFFE90]  }
0x603: {  	v5 =	vld [tilespmem:s1+$0xFFFFFED0];
	v3 =	vmax.f32 v3, v34  }
0x604: {  	v32 =	vld [tilespmem:s1+$0xFFFFFFE0];
	v0 =	vmax.f32 v4, v0;
	(xrf0) =	vmax.scan.msk.f32 $0xffff, v3  }
0x605: {  	v3 =	vld [tilespmem:s1+$0xFFFFFEA0];
	(xrf0) =	vmax.scan.msk.f32 $0xffff, v0  }
0x606: {  	v4 =	vld [tilespmem:s1+$0xFFFFFEC0]  }
0x607: {  	s22 =	sadd.s32 $0xFFFFFFD2, s30;
	v0 =	vld [tilespmem:s1+$0xFFFFFEB0]  }
0x608: {  	v36 =	vmov s22;
	v33 =	vld [tilespmem:s1+$0xFFFFFFF0]  }
0x609: {  	vm0 =	veq.s32 v36, v62;
	v36 =	vld [tilespmem:s1+$0xFFFFFC20]  }
0x60a: {  	v34 =	vld [tilespmem:s1+$0x0];
	v1 =	vmax.f32 v1, v3;
	v35, _, _ =	vpop (xrf0)  }
0x60b: {  	s31 =	sadd.s32 $0xFFFFFFD3, s30;
	v3 =	vmax.f32 v5, v6;
	v5 =	vmax.f32 v7, v9;
	v9 =	vld [tilespmem:s1+$0xFFFFFDF0];
	v8 =	vbroadcast v35, $0xF;
	v37, _, _ =	vpop (xrf0)  }
0x60c: {  	v39 =	vmov s31;
	v0 =	vmax.f32 v0, v4;
	v4 =	vld [tilespmem:s1+$0xFFFFFDD0];
	v38 =	vbroadcast v37, $0xF  }
0x60d: {  	v35 =	vld [tilespmem:s1+$0xFFFFFC10];
	v8 =	vsel vm0, v8, v15;
	vm0 =	veq.s32 v39, v62  }
0x60e: {  	v16 =	vmax.f32 v16, v17;
	v39 =	vld [tilespmem:s1+$0xFFFFFC50];
	v8 =	vsel vm0, v38, v8  }
0x60f: {  	v63 =	vmax.f32 v20, v21;
	v20 =	vmax.f32 v29, v30;
	v29 =	vmax.f32 v45, v46;
	[tilespmem:$0x1FED0] =	vst v8;
	v8 =	vld [tilespmem:s1+$0xFFFFFF40]  }
0x610: {  	v30 =	vmax.f32 v49, v50;
	v2 =	vmax.f32 v22, v2;
	v17 =	vmax.f32 v10, v24;
	v37 =	vld [tilespmem:s1+$0xFFFFFC30]  }
0x611: {  	v21 =	vmax.f32 v31, v32;
	v31 =	vmax.f32 v51, v52;
	v32 =	vmax.f32 v53, v54;
	v15 =	vld [tilespmem:s1+$0xFFFFFDC0]  }
0x612: {  	v6 =	vmax.f32 v14, v23;
	v23 =	vmax.f32 v33, v34;
	v33 =	vmax.f32 v55, v56;
	v38 =	vld [tilespmem:s1+$0xFFFFFC40]  }
0x613: {  	s30 =	smov.u32 s0;
	s0 =	sadd.s32 $0x2, s0;
	v62 =	vmax.f32 v18, v19;
	v18 =	vmax.f32 v25, v26;
	v25 =	vmax.f32 v39, v40;
	v40 =	vld [tilespmem:s1+$0xFFFFFE00]  }
0x614: {  	p1 =	slt.u32 s0, $0x3E;
	v34 =	vmax.f32 v59, v60;
	v19 =	vmax.f32 v27, v28;
	v7 =	vmax.f32 v11, v8;
	v8 =	vld [tilespmem:s1+$0xFFFFFDE0]  }
.Ltmp23:
0x615: {  	v26 =	vmax.f32 v41, v42;
	v27 =	vmax.f32 v43, v44;
	v28 =	vmax.f32 v47, v48;
	(pc) =	sbr.rel @p1 .LBB2_28-.Ltmp23, $4  }
0x616: {  	v41 =	vmax.f32 v1, v0;
	v42 =	vmax.f32 v3, v5;
	v22 =	vmax.f32 v35, v36  }
0x617: {  	v35 =	vmax.f32 v57, v58;
	v36 =	vmax.f32 v61, v15;
	v39 =	vmax.f32 v16, v62  }
0x618: {  	v62 =	vlaneseq.u32;
	v24 =	vmax.f32 v37, v38;
	v43 =	vmax.f32 v6, v7  }
0x619: {  	v15 =	vld [tilespmem:$0x1FED0];
	s1 =	sadd.s32 $0x400, s1;
	v38 =	vmax.f32 v9, v40;
	v40 =	vmax.f32 v63, v2;
	v37 =	vmax.f32 v4, v8  }
0x61a: {  	v0 =	vmax.f32 v17, v18;
	v1 =	vmax.f32 v19, v20;
	v2 =	vmax.f32 v21, v23  }
0x61b: {  	v3 =	vmax.f32 v22, v24;
	v4 =	vmax.f32 v25, v26;
	v5 =	vmax.f32 v27, v29  }
0x61c: {  	v6 =	vmax.f32 v28, v30;
	v7 =	vmax.f32 v31, v32;
	v8 =	vmax.f32 v33, v35  }
0x61d: {  	v9 =	vmax.f32 v34, v36;
	v10 =	vmax.f32 v37, v38;
	v11 =	vmax.f32 v39, v40  }
0x61e: {  	v52 =	vmax.f32 v41, v42;
	v3 =	vmax.f32 v3, v4;
	v0 =	vmax.f32 v43, v0  }
0x61f: {  	v5 =	vmax.f32 v5, v6;
	v6 =	vmax.f32 v7, v8;
	v7 =	vmax.f32 v9, v10  }
0x620: {  	v1 =	vmax.f32 v1, v2;
	v3 =	vmax.f32 v3, v5;
	v53 =	vmax.f32 v6, v7  }
0x621: {  	v55 =	vmax.f32 v11, v52;
	v9 =	vld [tilespmem:$0x1FF00];
	v0 =	vmax.f32 v0, v1;
	v54 =	vmax.f32 v3, v53  }
0x622: {  	v0 =	vmax.f32 v55, v0;
	(xrf0) =	vmax.scan.msk.f32 $0xffff, v54  }
0x623: {  	(xrf0) =	vmax.scan.msk.f32 $0xffff, v0  }
0x624: {  	v56 =	vbroadcast v12, $0x0;
	_ =	sdelay $0x1  }
0x625: {  	v0 =	vsub.f32 v56, v9;
	_ =	sdelay $0x1  }
0x626: {  	s0 =	sadd.s32 $0xFFFFFFD2, s30;
	v58 =	vand.u32 $0x7FFFFFFF, v0;
	v57, _, _ =	vpop (xrf0)  }
.Ltmp24:
0x627: {  	s31 =	sadd.s32 $0xFFFFFFD3, s30;
	v59 =	vmov s0;
	v2 =	vmul.f32 $9.999999970e-07, v58;
	v1 =	vbroadcast v57, $0xF;
	v60, _, _ =	vpop (xrf0);
	(pc) =	sbr.rel .LBB2_30-.Ltmp24, $4  }
0x628: {  	v63 =	vmov s31;
	vm0 =	veq.s32 v59, v62;
	v61 =	vbroadcast v60, $0xF  }
0x629: {  	v2 =	vadd.f32 $9.999999970e-07, v2;
	v1 =	vsel vm0, v1, v15;
	vm0 =	veq.s32 v63, v62  }
0x62a: {  	v1 =	vsel vm0, v61, v1  }
0x62b: {  	s28 =	sshll.u32 s28, $0xF;
	s0 =	simm.s32 $0x0;
	v8 =	vimm.f32 $0.0e+00;
	v18 =	vsub.f32 v0, v2;
	v15 =	vmov s26;
	[tilespmem:$0x10030] =	vst v1  }
.LBB2_36:
0x62c: {  	s0 =	sadd.s32 $0x1, s0  }
0x62d: {  	p1 =	seq.s32 s0, $0x4  }
.Ltmp25:
0x62e: {  	_ = 	snop;
	(pc) =	sbr.rel @p1 .LBB2_20-.Ltmp25, $1  }
0x62f: {  	_ =	sdelay $0x3  }
.LBB2_30:
0x630: {  	s29 =	sshll.u32 s0, $0x4  }
0x631: {  	v16 =	vld [tilespmem:s29+$0x10000];
	_ =	sdelay $0x4  }
0x632: {  	vm15 =	vgt.f32 v16, v18  }
0x633: {  	v0 =	vsel vm15, $0x3F800000, v8  }
0x634: {  	(xrf0) =	vmax.scan.msk.f32 $0xffff, v0;
	_ =	sdelay $0x5  }
0x635: {  	v0, _, _ =	vpop (xrf0)  }
0x636: {  	(v2sf) =	vpush v0, $0xF;
	_ =	sdelay $0xe  }
0x637: {  	s1 =	spop (v2sf)  }
0x638: {  	p1 =	sgt.f32 s1, $0.0e+00  }
.Ltmp26:
0x639: {  	_ = 	snop;
	(pc) =	sbr.rel @!p1 .LBB2_36-.Ltmp26, $4  }
.Ltmp27:
0x63a: {  	_ = 	snop;
	(pc) =	sbr.rel @p1 .LBB2_31-.Ltmp27, $4  }
0x63b: {  	_ = 	snop  }
0x63c: {  	_ = 	snop  }
0x63d: {  	_ = 	snop  }
0x63e: {  	_ = 	snop  }
.LBB2_35:
0x63f: {  	v0 =	vbroadcast v12, $0x0;
	_ =	sdelay $0x1  }
0x640: {  	v0 =	vsub.f32 v0, v9;
	_ =	sdelay $0x1  }
0x641: {  	v1 =	vand.u32 $0x7FFFFFFF, v0  }
0x642: {  	v1 =	vmul.f32 $9.999999970e-07, v1;
	_ =	sdelay $0x1  }
0x643: {  	v1 =	vadd.f32 $9.999999970e-07, v1;
	_ =	sdelay $0x1  }
0x644: {  	vm0 =	veq.s32 v17, v62;
	v18 =	vsub.f32 v0, v1  }
0x645: {  	v16 =	vsel vm0, $0xFF800000, v16  }
0x646: {  	vm15 =	vgt.f32 v16, v18  }
0x647: {  	v63 =	vsel vm15, $0x3F800000, v8  }
0x648: {  	(xrf0) =	vmax.scan.msk.f32 $0xffff, v63;
	_ =	sdelay $0x5  }
0x649: {  	v0, _, _ =	vpop (xrf0)  }
0x64a: {  	(v2sf) =	vpush v0, $0xF;
	_ =	sdelay $0xe  }
0x64b: {  	s1 =	spop (v2sf)  }
0x64c: {  	p1 =	sgt.f32 s1, $0.0e+00  }
.Ltmp28:
0x64d: {  	_ = 	snop;
	(pc) =	sbr.rel @!p1 .LBB2_36-.Ltmp28, $1  }
0x64e: {  	_ =	sdelay $0x3  }
.LBB2_31:
0x64f: {  	v17 =	vmctz.xlane vm15;
	_ =	sdelay $0x1  }
0x650: {  	(v2sf) =	vpush v17, $0x0;
	_ =	sdelay $0xe  }
0x651: {  	s1 =	spop (v2sf)  }
0x652: {  	s1 =	sadd.s32 s29, s1  }
0x653: {  	v10 =	vld [tilespmem:$0x1FFD0];
	s1 =	sshll.u32 s1, $0x9  }
0x654: {  	v0 =	vld.idx.msk [tilespmem:v15+s1+$0x0 ss:$0x1], $0xffff  }
0x655: {  	v1 =	vld.idx.msk [tilespmem:v15+s1+$0x10 ss:$0x1], $0xffff  }
0x656: {  	v2 =	vld.idx.msk [tilespmem:v15+s1+$0x20 ss:$0x1], $0xffff  }
0x657: {  	v3 =	vld.idx.msk [tilespmem:v15+s1+$0x30 ss:$0x1], $0xffff  }
0x658: {  	v4 =	vld.idx.msk [tilespmem:v15+s1+$0x40 ss:$0x1], $0xffff  }
0x659: {  	v5 =	vld.idx.msk [tilespmem:v15+s1+$0x50 ss:$0x1], $0xffff  }
0x65a: {  	v46 =	vld.idx.msk [tilespmem:v15+s1+$0x60 ss:$0x1], $0xffff;
	vm0 =	vgt.f32 v0, v18;
	vm15 =	vgt.f32 v1, v18  }
0x65b: {  	v48 =	vld.idx.msk [tilespmem:v15+s1+$0x70 ss:$0x1], $0xffff;
	v47 =	vmpcnt.ones.xlane vm0;
	v6 =	vmpcnt.ones.xlane vm15;
	vm0 =	vgt.f32 v2, v18  }
0x65c: {  	v49 =	vld.idx.msk [tilespmem:v15+s1+$0x80 ss:$0x1], $0xffff;
	vm15 =	vnez.u8 v10;
	v7 =	vmpcnt.ones.xlane vm0;
	vm0 =	vgt.f32 v3, v18  }
0x65d: {  	v50 =	vld.idx.msk [tilespmem:v15+s1+$0x90 ss:$0x1], $0xffff;
	v1 =	vsel vm15, v47, v6;
	v6 =	vmpcnt.ones.xlane vm0;
	vm0 =	vgt.f32 v4, v18  }
0x65e: {  	v51 =	vld.idx.msk [tilespmem:v15+s1+$0xA0 ss:$0x1], $0xffff;
	v1 =	vsel vm1, v1, v7;
	v7 =	vmpcnt.ones.xlane vm0;
	vm0 =	vgt.f32 v5, v18  }
0x65f: {  	v52 =	vld.idx.msk [tilespmem:v15+s1+$0xB0 ss:$0x1], $0xffff;
	v1 =	vsel vm2, v1, v6;
	v6 =	vmpcnt.ones.xlane vm0;
	vm0 =	vgt.f32 v46, v18  }
0x660: {  	v53 =	vld.idx.msk [tilespmem:v15+s1+$0xC0 ss:$0x1], $0xffff;
	v1 =	vsel vm3, v1, v7;
	v7 =	vmpcnt.ones.xlane vm0;
	vm0 =	vgt.f32 v48, v18  }
0x661: {  	v54 =	vld.idx.msk [tilespmem:v15+s1+$0xD0 ss:$0x1], $0xffff;
	v1 =	vsel vm4, v1, v6;
	v6 =	vmpcnt.ones.xlane vm0;
	vm0 =	vgt.f32 v49, v18  }
0x662: {  	v55 =	vld.idx.msk [tilespmem:v15+s1+$0xE0 ss:$0x1], $0xffff;
	v1 =	vsel vm5, v1, v7;
	v7 =	vmpcnt.ones.xlane vm0;
	vm0 =	vgt.f32 v50, v18  }
0x663: {  	v56 =	vld.idx.msk [tilespmem:v15+s1+$0xF0 ss:$0x1], $0xffff;
	v1 =	vsel vm6, v1, v6;
	v6 =	vmpcnt.ones.xlane vm0;
	vm0 =	vgt.f32 v51, v18  }
0x664: {  	v1 =	vsel vm7, v1, v7;
	v7 =	vmpcnt.ones.xlane vm0;
	vm0 =	vgt.f32 v52, v18  }
0x665: {  	v57 =	vsel vm8, v1, v6;
	v58 =	vmpcnt.ones.xlane vm0;
	vm0 =	vgt.f32 v53, v18  }
0x666: {  	v0 =	vsel vm9, v57, v7;
	v2 =	vmpcnt.ones.xlane vm0;
	vm0 =	vgt.f32 v54, v18  }
0x667: {  	v0 =	vsel vm10, v0, v58;
	v59 =	vmpcnt.ones.xlane vm0;
	vm0 =	vgt.f32 v55, v18  }
0x668: {  	v0 =	vsel vm11, v0, v2;
	v60 =	vmpcnt.ones.xlane vm0;
	vm0 =	vgt.f32 v56, v18  }
0x669: {  	v0 =	vsel vm12, v0, v59;
	v61 =	vmpcnt.ones.xlane vm0  }
0x66a: {  	v0 =	vsel vm13, v0, v60  }
0x66b: {  	v19 =	vsel vm14, v0, v61  }
0x66c: {  	vm15 =	vgt.s32 v19, $0x0  }
0x66d: {  	v63 =	vsel vm15, $0x3F800000, v8  }
0x66e: {  	(xrf0) =	vmax.scan.msk.f32 $0xffff, v63;
	_ =	sdelay $0x5  }
0x66f: {  	v0, _, _ =	vpop (xrf0)  }
0x670: {  	(v2sf) =	vpush v0, $0xF;
	_ =	sdelay $0xe  }
0x671: {  	s22 =	spop (v2sf)  }
0x672: {  	p1 =	sgt.f32 s22, $0.0e+00  }
.Ltmp29:
0x673: {  	_ = 	snop;
	(pc) =	sbr.rel @!p1 .LBB2_33-.Ltmp29, $1  }
0x674: {  	_ =	sdelay $0x3  }
.LBB2_32:
0x675: {  	v0 =	vmctz.xlane vm15;
	_ =	sdelay $0x1  }
0x676: {  	(v2sf) =	vpush v0, $0x0;
	_ =	sdelay $0xe  }
0x677: {  	s22 =	spop (v2sf)  }
0x678: {  	s22 =	sshll.u32 s22, $0x4  }
0x679: {  	s23 =	sadd.s32 s1, s22  }
0x67a: {  	s30 =	sadd.s32 s26, s23  }
0x67b: {  	s22 =	sand.u32 $0x70, s22;
	s30 =	sand.u32 $0xFFFFFF80, s30  }
0x67c: {  	s22 =	sor.u32 s22, s30  }
0x67d: {  	v1 =	vld [tilespmem:s22+$0x0];
	_ =	sdelay $0x4  }
0x67e: {  	s30 =	sadd.s32 s28, s23;
	v1 =	vadd.f32 v1, v9  }
0x67f: {  	vm0 =	veq.s32 v0, v62;
	v2 =	vor.u32 s30, v62  }
0x680: {  	v19 =	vsel vm0, $0x0, v19;
	(xrf1) =	vsort.dscd.msk.f32 $0xffff, v1, v2  }
0x681: {  	vm15 =	vgt.s32 v19, $0x0  }
0x682: {  	v61 =	vsel vm15, $0x3F800000, v8  }
0x683: {  	(xrf0) =	vmax.scan.msk.f32 $0xffff, v61;
	_ =	sdelay $0x5  }
0x684: {  	v0, _, _ =	vpop (xrf0)  }
0x685: {  	(v2sf) =	vpush v0, $0xF;
	_ =	sdelay $0x3  }
0x686: {  	v63, v1, _ =	vpop (xrf1)  }
0x687: {  	vm0 =	vge.f32 v12, v63  }
0x688: {  	v0 =	vsel vm0, v12, v63;
	v1 =	vsel vm0, v13, v1  }
0x689: {  	(xrf1) =	vsort.ascd.msk.f32 $0xffff, v0, v1;
	_ =	sdelay $0x7  }
0x68a: {  	s31 =	spop (v2sf)  }
0x68b: {  	p1 =	sgt.f32 s31, $0.0e+00  }
.Ltmp30:
0x68c: {  	_ = 	snop;
	(pc) =	sbr.rel @p1 .LBB2_32-.Ltmp30, $2  }
0x68d: {  	_ =	sdelay $0x2  }
0x68e: {  	v12, v13, _ =	vpop (xrf1)  }
.LBB2_33:
0x68f: {  	_ =	sdelay $0x2  }
0x690: {  	s1 =	sor.u32 $0x100, s1;
	v10 =	vld [tilespmem:$0x1FFD0]  }
0x691: {  	v0 =	vld.idx.msk [tilespmem:v15+s1+$0x0 ss:$0x1], $0xffff  }
0x692: {  	v1 =	vld.idx.msk [tilespmem:v15+s1+$0x10 ss:$0x1], $0xffff  }
0x693: {  	v2 =	vld.idx.msk [tilespmem:v15+s1+$0x20 ss:$0x1], $0xffff  }
0x694: {  	v3 =	vld.idx.msk [tilespmem:v15+s1+$0x30 ss:$0x1], $0xffff  }
0x695: {  	v4 =	vld.idx.msk [tilespmem:v15+s1+$0x40 ss:$0x1], $0xffff  }
0x696: {  	v5 =	vld.idx.msk [tilespmem:v15+s1+$0x50 ss:$0x1], $0xffff  }
0x697: {  	v46 =	vld.idx.msk [tilespmem:v15+s1+$0x60 ss:$0x1], $0xffff;
	vm0 =	vgt.f32 v0, v18;
	vm15 =	vgt.f32 v1, v18  }
0x698: {  	v48 =	vld.idx.msk [tilespmem:v15+s1+$0x70 ss:$0x1], $0xffff;
	v47 =	vmpcnt.ones.xlane vm0;
	v6 =	vmpcnt.ones.xlane vm15;
	vm0 =	vgt.f32 v2, v18  }
0x699: {  	v49 =	vld.idx.msk [tilespmem:v15+s1+$0x80 ss:$0x1], $0xffff;
	vm15 =	vnez.u8 v10;
	v7 =	vmpcnt.ones.xlane vm0;
	vm0 =	vgt.f32 v3, v18  }
0x69a: {  	v50 =	vld.idx.msk [tilespmem:v15+s1+$0x90 ss:$0x1], $0xffff;
	v1 =	vsel vm15, v47, v6;
	v6 =	vmpcnt.ones.xlane vm0;
	vm0 =	vgt.f32 v4, v18  }
0x69b: {  	v51 =	vld.idx.msk [tilespmem:v15+s1+$0xA0 ss:$0x1], $0xffff;
	v1 =	vsel vm1, v1, v7;
	v7 =	vmpcnt.ones.xlane vm0;
	vm0 =	vgt.f32 v5, v18  }
0x69c: {  	v52 =	vld.idx.msk [tilespmem:v15+s1+$0xB0 ss:$0x1], $0xffff;
	v1 =	vsel vm2, v1, v6;
	v6 =	vmpcnt.ones.xlane vm0;
	vm0 =	vgt.f32 v46, v18  }
0x69d: {  	v53 =	vld.idx.msk [tilespmem:v15+s1+$0xC0 ss:$0x1], $0xffff;
	v1 =	vsel vm3, v1, v7;
	v7 =	vmpcnt.ones.xlane vm0;
	vm0 =	vgt.f32 v48, v18  }
0x69e: {  	v54 =	vld.idx.msk [tilespmem:v15+s1+$0xD0 ss:$0x1], $0xffff;
	v1 =	vsel vm4, v1, v6;
	v6 =	vmpcnt.ones.xlane vm0;
	vm0 =	vgt.f32 v49, v18  }
0x69f: {  	v55 =	vld.idx.msk [tilespmem:v15+s1+$0xE0 ss:$0x1], $0xffff;
	v1 =	vsel vm5, v1, v7;
	v7 =	vmpcnt.ones.xlane vm0;
	vm0 =	vgt.f32 v50, v18  }
0x6a0: {  	v56 =	vld.idx.msk [tilespmem:v15+s1+$0xF0 ss:$0x1], $0xffff;
	v1 =	vsel vm6, v1, v6;
	v6 =	vmpcnt.ones.xlane vm0;
	vm0 =	vgt.f32 v51, v18  }
0x6a1: {  	v1 =	vsel vm7, v1, v7;
	v7 =	vmpcnt.ones.xlane vm0;
	vm0 =	vgt.f32 v52, v18  }
0x6a2: {  	v57 =	vsel vm8, v1, v6;
	v58 =	vmpcnt.ones.xlane vm0;
	vm0 =	vgt.f32 v53, v18  }
0x6a3: {  	v0 =	vsel vm9, v57, v7;
	v2 =	vmpcnt.ones.xlane vm0;
	vm0 =	vgt.f32 v54, v18  }
0x6a4: {  	v0 =	vsel vm10, v0, v58;
	v59 =	vmpcnt.ones.xlane vm0;
	vm0 =	vgt.f32 v55, v18  }
0x6a5: {  	v60 =	vmpcnt.ones.xlane vm0;
	vm0 =	vgt.f32 v56, v18;
	v0 =	vsel vm11, v0, v2  }
0x6a6: {  	v0 =	vsel vm12, v0, v59;
	v61 =	vmpcnt.ones.xlane vm0  }
0x6a7: {  	v0 =	vsel vm13, v0, v60  }
0x6a8: {  	v18 =	vsel vm14, v0, v61  }
0x6a9: {  	vm15 =	vgt.s32 v18, $0x0  }
0x6aa: {  	v63 =	vsel vm15, $0x3F800000, v8  }
0x6ab: {  	(xrf0) =	vmax.scan.msk.f32 $0xffff, v63;
	_ =	sdelay $0x5  }
0x6ac: {  	v0, _, _ =	vpop (xrf0)  }
0x6ad: {  	(v2sf) =	vpush v0, $0xF;
	_ =	sdelay $0xe  }
0x6ae: {  	s22 =	spop (v2sf)  }
0x6af: {  	p1 =	sgt.f32 s22, $0.0e+00  }
.Ltmp31:
0x6b0: {  	_ = 	snop;
	(pc) =	sbr.rel @!p1 .LBB2_35-.Ltmp31, $1  }
0x6b1: {  	_ =	sdelay $0x3  }
.LBB2_34:
0x6b2: {  	v0 =	vmctz.xlane vm15;
	_ =	sdelay $0x1  }
0x6b3: {  	(v2sf) =	vpush v0, $0x0;
	_ =	sdelay $0xe  }
0x6b4: {  	s22 =	spop (v2sf)  }
0x6b5: {  	s22 =	sshll.u32 s22, $0x4  }
0x6b6: {  	s23 =	sadd.s32 s1, s22  }
0x6b7: {  	s30 =	sadd.s32 s26, s23  }
0x6b8: {  	s22 =	sand.u32 $0x70, s22;
	s30 =	sand.u32 $0xFFFFFF80, s30  }
0x6b9: {  	s22 =	sor.u32 s22, s30  }
0x6ba: {  	v1 =	vld [tilespmem:s22+$0x0];
	_ =	sdelay $0x4  }
0x6bb: {  	s30 =	sadd.s32 s28, s23;
	v1 =	vadd.f32 v1, v9  }
0x6bc: {  	vm0 =	veq.s32 v0, v62;
	v2 =	vor.u32 s30, v62  }
0x6bd: {  	v18 =	vsel vm0, $0x0, v18;
	(xrf1) =	vsort.dscd.msk.f32 $0xffff, v1, v2  }
0x6be: {  	vm15 =	vgt.s32 v18, $0x0  }
0x6bf: {  	v61 =	vsel vm15, $0x3F800000, v8  }
0x6c0: {  	(xrf0) =	vmax.scan.msk.f32 $0xffff, v61;
	_ =	sdelay $0x5  }
0x6c1: {  	v0, _, _ =	vpop (xrf0)  }
0x6c2: {  	(v2sf) =	vpush v0, $0xF;
	_ =	sdelay $0x3  }
0x6c3: {  	v63, v1, _ =	vpop (xrf1)  }
0x6c4: {  	vm0 =	vge.f32 v12, v63  }
0x6c5: {  	v0 =	vsel vm0, v12, v63;
	v1 =	vsel vm0, v13, v1  }
0x6c6: {  	(xrf1) =	vsort.ascd.msk.f32 $0xffff, v0, v1;
	_ =	sdelay $0x7  }
0x6c7: {  	s31 =	spop (v2sf)  }
0x6c8: {  	p1 =	sgt.f32 s31, $0.0e+00  }
.Ltmp32:
0x6c9: {  	_ = 	snop;
	(pc) =	sbr.rel @p1 .LBB2_34-.Ltmp32, $2  }
0x6ca: {  	_ =	sdelay $0x2  }
0x6cb: {  	v12, v13, _ =	vpop (xrf1)  }
.Ltmp33:
0x6cc: {  	_ = 	snop;
	(pc) =	sbr.rel .LBB2_35-.Ltmp33, $1  }
0x6cd: {  	_ =	sdelay $0x3  }
.LBB2_38:
0x6ce: {  	_ =	sfence.sel $0x180000  }
0x6cf: {  	[bflag:$0x0] =	sbarrier.arrive $0xFFFF  }
0x6d0: {  	_ =	strace $0x90000047  }
0x6d1: {  	s0 =	stileid.u32;
	[bflag:$0x2] =	sbarrier.arrive $0xFFFF  }
0x6d2: {  	p0 =	sne.s32 s0, $0x0;
	s0 =	rddreg [dreg:$0x3]  }
0x6d3: {  	s0 =	sadd.s32 @!p0 $0x100000, s0  }
0x6d4: {  	[sflag:s0] =	ssyncadd.tile.s32 @!p0 $0x1;
	_ =	shalt  }
.Lfunc_end2:
_tile_overlayer_lowered:
.L_overlay_start_2:
0x6d5: {  	(tag) =	ssettag $0x2  }
0x6d6: {  	s0 =	rddreg [dreg:$0x0];
	s2 =	stileid.u32  }
0x6d7: {  	s1 =	rddreg [dreg:$0x1];
	p0 =	sne.s32 s2, $0x0  }
0x6d8: {  	s3 =	rddreg [dreg:$0x2];
	[bflag:$0x3] =	sbarrier.arrive $0xFFFF;
	s2 =	simm.s32 @!p0 $0x1C03  }
0x6d9: {  	[timem:s3], [sflag:s2] =	dma.local @!p0 [hbm:s0], s1  }
0x6da: {  	s0 =	simm.s32 @!p0 $0x3  }
0x6db: {  	_ =	swait.ge @!p0 [sflag:s0], s1  }
0x6dc: {  	s1 =	ssub.s32 @!p0 $0x0, s1;
	[sflag:s0] =	ssyncset.done @!p0 $0x0  }
0x6dd: {  	[sflag:s0] =	ssyncadd.s32 @!p0 s1  }
0x6de: {  	[bflag:$0x3] =	sbarrier.arrive $0xFFFF  }
0x6df: {  	_ =	shalt  }

</sc_bundles>
